<compile_context>
chip_gen: v7x
topology: tpu7x:2x2x1
jax: 0.10.2.dev20260603
libtpu: 0.0.44.dev20260713+nightly
codegen_flags: <defaults>
</compile_context>

<pallas_src>
import functools

import jax
import jax.numpy as jnp
from jax import lax
from jax.experimental import pallas as pl
from jax.experimental.pallas import tpu as pltpu
from jax.experimental.pallas import tpu_sc as plsc

B, N, G, K = 8, 8192, 256, 32
L = 16
NV = N // L
ROWS_PER_TILE = (B * G) // 32
GCHUNK = G // (32 // B)


def _fps_body(xt_ref, cent_ref):
    x = xt_ref[0]
    y = xt_ref[1]
    z = xt_ref[2]
    col = jax.lax.broadcasted_iota(jnp.int32, (B, N), 1)
    col_g = jax.lax.broadcasted_iota(jnp.int32, (B, G), 1)

    def step(i, carry):
        dist_acc, far, cxa, cya, cza = carry
        m = col == far
        cx = jnp.sum(jnp.where(m, x, 0.0), axis=1, keepdims=True)
        cy = jnp.sum(jnp.where(m, y, 0.0), axis=1, keepdims=True)
        cz = jnp.sum(jnp.where(m, z, 0.0), axis=1, keepdims=True)
        sel = col_g == i
        cxa = jnp.where(sel, cx, cxa)
        cya = jnp.where(sel, cy, cya)
        cza = jnp.where(sel, cz, cza)
        dx = x - cx
        dy = y - cy
        dz = z - cz
        d = dx * dx + dy * dy + dz * dz
        dist_acc = jnp.minimum(dist_acc, d)
        mx = jnp.max(dist_acc, axis=1, keepdims=True)
        far = jnp.min(jnp.where(dist_acc == mx, col, N), axis=1, keepdims=True)
        return dist_acc, far, cxa, cya, cza

    far0 = jnp.zeros((B, 1), jnp.int32)
    dist0 = jnp.full((B, N), 1e10, jnp.float32)
    zg = jnp.zeros((B, G), jnp.float32)
    _, _, cxa, cya, cza = jax.lax.fori_loop(0, G, step, (dist0, far0, zg, zg, zg))
    cent_ref[0] = cxa
    cent_ref[1] = cya
    cent_ref[2] = cza


def _fps(xt, interpret=False):
    return pl.pallas_call(
        _fps_body,
        out_shape=jax.ShapeDtypeStruct((3, B, G), jnp.float32),
        interpret=interpret,
    )(xt)


_INF = float("inf")
_BIGIDX = 1 << 30


def _kmerge(ka, va, kb, vb):
    take_a = (ka < kb) | ((ka == kb) & (va < vb))
    kmin = jnp.where(take_a, ka, kb)
    vmin = jnp.where(take_a, va, vb)
    kmax = jnp.where(take_a, kb, ka)
    vmax = jnp.where(take_a, vb, va)
    return kmin, vmin, kmax, vmax


def _sort16(k, v):
    return plsc.sort_key_val(k, v)


def _merge_sorted16(ka, va, kb, vb):
    kbr = lax.rev(kb, (0,))
    vbr = lax.rev(vb, (0,))
    kmin, vmin, kmax, vmax = _kmerge(ka, va, kbr, vbr)
    klo, vlo = _sort16(kmin, vmin)
    khi, vhi = _sort16(kmax, vmax)
    return klo, vlo, khi, vhi


def _bf16r(x):
    u = plsc.bitcast(x, jnp.uint32)
    r = (u + 0x7FFF + ((u >> 16) & 1)) & jnp.uint32(0xFFFF0000)
    return plsc.bitcast(r, jnp.float32)


def _treemax(v):
    m = v
    for sh in (8, 4, 2, 1):
        perm = lax.iota(jnp.int32, L) ^ sh
        g = lax.gather(m, perm[:, None],
                       lax.GatherDimensionNumbers((), (0,), (0,)), (1,),
                       mode=lax.GatherScatterMode.PROMISE_IN_BOUNDS)
        m = jnp.maximum(m, g)
    return m


def _knn_body(xt_hbm, cent_hbm, out_hbm, px, py, pz, pxb, pyb, pzb, pp,
              cxr, cyr, czr, cda, cia, cdb, cib, obuf, sem):
    nc = 2
    wid = lax.axis_index("s") * nc + lax.axis_index("c")
    b = wid // 4
    g0 = (wid % 4) * GCHUNK

    pltpu.sync_copy(xt_hbm.at[0, b], px)
    pltpu.sync_copy(xt_hbm.at[1, b], py)
    pltpu.sync_copy(xt_hbm.at[2, b], pz)
    pltpu.sync_copy(cent_hbm.at[0, b, pl.ds(g0, GCHUNK)], cxr)
    pltpu.sync_copy(cent_hbm.at[1, b, pl.ds(g0, GCHUNK)], cyr)
    pltpu.sync_copy(cent_hbm.at[2, b, pl.ds(g0, GCHUNK)], czr)

    def pp_step(j, _):
        s = pl.ds(j * L, L)
        x = px[s]
        y = py[s]
        z = pz[s]
        pp[s] = (x * x + y * y) + z * z
        pxb[s] = _bf16r(x)
        pyb[s] = _bf16r(y)
        pzb[s] = _bf16r(z)
        return 0

    lax.fori_loop(0, NV, pp_step, 0, unroll=8)

    lane = lax.iota(jnp.int32, L)
    inf16 = jnp.full((L,), _INF)

    def crow(r):
        vblk = pl.ds((r // L) * L, L)
        bidx = jnp.full((L,), r % L, jnp.int32)

        def bc(ref):
            return lax.gather(
                ref[vblk], bidx[:, None],
                lax.GatherDimensionNumbers((), (0,), (0,)), (1,),
                mode=lax.GatherScatterMode.PROMISE_IN_BOUNDS)

        cxv = bc(cxr)
        cyv = bc(cyr)
        czv = bc(czr)
        ccv = (cxv * cxv + cyv * cyv) + czv * czv
        return cxv, cyv, czv, ccv, _bf16r(cxv), _bf16r(cyv), _bf16r(czv)

    UN = 8

    def finish(cxv, cyv, czv, ccv, cxq, cyq, czq, m2, moff, cd_, ci_, rout):
        tf = _treemax(m2)

        def rc_step(kb, off2):
            base = kb * L
            idx = ci_[pl.ds(base, L)]
            valid = (lane + base) < moff
            idxs = jnp.where(valid, idx, 0)
            gx = plsc.load_gather(pxb, (idxs,))
            gy = plsc.load_gather(pyb, (idxs,))
            gz = plsc.load_gather(pzb, (idxs,))
            gq = plsc.load_gather(pp, (idxs,))
            dot = cxq * gx + cyq * gy + czq * gz
            d = (ccv + gq) - (dot + dot)
            msk = (d <= tf) & valid
            plsc.store_compressed(cd_.at[pl.ds(off2, L)], d, mask=msk)
            plsc.store_compressed(ci_.at[pl.ds(off2, L)], idx, mask=msk)
            return off2 + plsc.all_reduce_population_count(msk)[0]

        nva = (moff + (L - 1)) // L
        m = lax.fori_loop(0, nva, rc_step, jnp.int32(0))
        nv = (m + (L - 1)) // L

        klo, vlo = _sort16(cd_[pl.ds(0, L)], ci_[pl.ds(0, L)])
        k1, v1 = _sort16(cd_[pl.ds(L, L)], ci_[pl.ds(L, L)])
        klo, vlo, khi, vhi = _merge_sorted16(klo, vlo, k1, v1)

        def p3_step(kblk, carry):
            klo, vlo, khi, vhi = carry
            base = kblk * L
            kc = cd_[pl.ds(base, L)]
            vc = ci_[pl.ds(base, L)]
            valid = (lane + base) < m
            kc = jnp.where(valid, kc, _INF)
            vc = jnp.where(valid, vc, _BIGIDX)
            kc, vc = _sort16(kc, vc)
            kcr = lax.rev(kc, (0,))
            vcr = lax.rev(vc, (0,))
            kh, vh, _, _ = _kmerge(khi, vhi, kcr, vcr)
            kh, vh = _sort16(kh, vh)
            return _merge_sorted16(klo, vlo, kh, vh)

        klo, vlo, khi, vhi = lax.fori_loop(2, nv, p3_step,
                                           (klo, vlo, khi, vhi))

        gx_lo = plsc.load_gather(px, (vlo,))
        gy_lo = plsc.load_gather(py, (vlo,))
        gz_lo = plsc.load_gather(pz, (vlo,))
        gx_hi = plsc.load_gather(px, (vhi,))
        gy_hi = plsc.load_gather(py, (vhi,))
        gz_hi = plsc.load_gather(pz, (vhi,))
        obuf[0, rout, pl.ds(0, L)] = gx_lo - cxv
        obuf[0, rout, pl.ds(L, L)] = gx_hi - cxv
        obuf[1, rout, pl.ds(0, L)] = gy_lo - cyv
        obuf[1, rout, pl.ds(L, L)] = gy_hi - cyv
        obuf[2, rout, pl.ds(0, L)] = gz_lo - czv
        obuf[2, rout, pl.ds(L, L)] = gz_hi - czv

    def pair_body(h, _):
        ra = 2 * h
        rb = ra + 1
        cxa, cya, cza, cca, cxqa, cyqa, czqa = crow(ra)
        cxb2, cyb2, czb2, ccb2, cxqb, cyqb, czqb = crow(rb)

        def grp_body(g, carry):
            m1a, m2a, m1b, m2b, ta, tb, offa, offb = carry
            for u in range(UN):
                j = g * UN + u
                s = pl.ds(j * L, L)
                x = pxb[s]
                y = pyb[s]
                z = pzb[s]
                q = pp[s]
                dota = cxqa * x + cyqa * y + czqa * z
                da = (cca + q) - (dota + dota)
                dotb = cxqb * x + cyqb * y + czqb * z
                db = (ccb2 + q) - (dotb + dotb)
                m2a = jnp.minimum(m2a, jnp.maximum(m1a, da))
                m1a = jnp.minimum(m1a, da)
                m2b = jnp.minimum(m2b, jnp.maximum(m1b, db))
                m1b = jnp.minimum(m1b, db)
                idxv = lane + (j * L)
                mka = da <= ta
                plsc.store_compressed(cia.at[pl.ds(offa, L)], idxv, mask=mka)
                offa = offa + plsc.all_reduce_population_count(mka)[0]
                mkb = db <= tb
                plsc.store_compressed(cib.at[pl.ds(offb, L)], idxv, mask=mkb)
                offb = offb + plsc.all_reduce_population_count(mkb)[0]
            ta = _treemax(m2a)
            tb = _treemax(m2b)
            return (m1a, m2a, m1b, m2b, ta, tb, offa, offb)

        carry0 = (inf16, inf16, inf16, inf16, inf16, inf16,
                  jnp.int32(0), jnp.int32(0))
        _, m2a, _, m2b, _, _, offa, offb = lax.fori_loop(
            0, NV // UN, grp_body, carry0)

        finish(cxa, cya, cza, cca, cxqa, cyqa, czqa, m2a, offa, cda, cia, ra)
        finish(cxb2, cyb2, czb2, ccb2, cxqb, cyqb, czqb, m2b, offb, cdb, cib, rb)
        return 0

    lax.fori_loop(0, ROWS_PER_TILE // 2, pair_body, 0)

    pltpu.sync_copy(obuf.at[0], out_hbm.at[0, pl.ds(wid * ROWS_PER_TILE, ROWS_PER_TILE)])
    pltpu.sync_copy(obuf.at[1], out_hbm.at[1, pl.ds(wid * ROWS_PER_TILE, ROWS_PER_TILE)])
    pltpu.sync_copy(obuf.at[2], out_hbm.at[2, pl.ds(wid * ROWS_PER_TILE, ROWS_PER_TILE)])


def _knn_sc(xt, cent):
    mesh = plsc.VectorSubcoreMesh(core_axis_name="c", subcore_axis_name="s")
    f = pl.kernel(
        _knn_body,
        out_type=jax.ShapeDtypeStruct((3, B * G, K), jnp.float32),
        mesh=mesh,
        compiler_params=pltpu.CompilerParams(needs_layout_passes=False),
        scratch_types=[
            pltpu.VMEM((N,), jnp.float32),
            pltpu.VMEM((N,), jnp.float32),
            pltpu.VMEM((N,), jnp.float32),
            pltpu.VMEM((N,), jnp.float32),
            pltpu.VMEM((N,), jnp.float32),
            pltpu.VMEM((N,), jnp.float32),
            pltpu.VMEM((N,), jnp.float32),
            pltpu.VMEM((GCHUNK,), jnp.float32),
            pltpu.VMEM((GCHUNK,), jnp.float32),
            pltpu.VMEM((GCHUNK,), jnp.float32),
            pltpu.VMEM((N + L,), jnp.float32),
            pltpu.VMEM((N + L,), jnp.int32),
            pltpu.VMEM((N + L,), jnp.float32),
            pltpu.VMEM((N + L,), jnp.int32),
            pltpu.VMEM((3, ROWS_PER_TILE, K), jnp.float32),
            pltpu.SemaphoreType.DMA,
        ],
    )
    return f(xt, cent)


def kernel(pts):
    xt = jnp.transpose(pts, (2, 0, 1))
    cent = _fps(xt)
    center = jnp.transpose(cent, (1, 2, 0))
    nbr = _knn_sc(xt, cent)
    neighborhood = jnp.transpose(nbr.reshape(3, B, G, K), (1, 2, 3, 0))
    return neighborhood, center

# --- scband reference (transcript-rebuilt; emitter-appended) ---
"""Pipeline reference for scband-group-27118423506986 (READ-ONLY COPY).

The authoritative reference and input builder live on the scoring server;
editing this copy changes nothing except your own understanding.
"""

import jax, jax.numpy as jnp
import numpy as np

NUM_GROUP = 256
GROUP_SIZE = 32


def fps(xyz, n_samples):
    # Farthest point sampling, deterministic start at index 0.
    B, N, _ = xyz.shape

    def body(i, state):
        centroids, distance, farthest = state
        centroids = centroids.at[:, i].set(farthest)
        centroid = jnp.take_along_axis(xyz, farthest[:, None, None], axis=1)  # B,1,3
        dist = jnp.sum((xyz - centroid) ** 2, axis=-1)  # B,N
        distance = jnp.minimum(distance, dist)
        farthest = jnp.argmax(distance, axis=-1).astype(jnp.int32)
        return centroids, distance, farthest

    centroids0 = jnp.zeros((B, n_samples), dtype=jnp.int32)
    distance0 = jnp.full((B, N), 1e10, dtype=xyz.dtype)
    farthest0 = jnp.zeros((B,), dtype=jnp.int32)
    centroids, _, _ = jax.lax.fori_loop(0, n_samples, body, (centroids0, distance0, farthest0))
    center = jnp.take_along_axis(xyz, centroids[:, :, None], axis=1)  # B,G,3
    return center


def knn_point(k, xyz, new_xyz):
    # squared distances: B,G,N
    sq = (
        jnp.sum(new_xyz ** 2, axis=-1, keepdims=True)
        + jnp.sum(xyz ** 2, axis=-1)[:, None, :]
        - 2.0 * jnp.einsum('bgc,bnc->bgn', new_xyz, xyz)
    )
    _, idx = jax.lax.top_k(-sq, k)  # B,G,k smallest distances
    return idx


def setup_inputs(seed: int = 0) -> dict:
    key = jax.random.key(seed)
    pts = jax.random.normal(key, (8, 8192, 3), dtype=jnp.float32)
    return {"pts": pts}


def reference(pts):
    batch_size, num_points, _ = pts.shape
    xyz = pts[:, :, :3]
    center = fps(xyz, NUM_GROUP)  # B,G,3
    idx = knn_point(GROUP_SIZE, xyz, center)  # B,G,M
    idx_base = jnp.arange(batch_size, dtype=idx.dtype)[:, None, None] * num_points
    idx_flat = (idx + idx_base).reshape(-1)
    neighborhood = pts.reshape(batch_size * num_points, -1)[idx_flat, :]
    neighborhood = neighborhood.reshape(batch_size, NUM_GROUP, GROUP_SIZE, -1)
    neighborhood = jnp.concatenate(
        [neighborhood[..., :3] - center[:, :, None, :], neighborhood[..., 3:]], axis=-1
    )
    return neighborhood, center

if __name__ == "__main__":
    import jax
    _d = setup_inputs()
    print(jax.jit(kernel)(*tuple(_d.values())))

</pallas_src>

<mosaic_0001>
#map = affine_map<(d0, d1) -> (0, 0, 0)>
module attributes {stable_mosaic.version = 14 : i64} {
  func.func @_knn_body(%arg0: i32, %arg1: i32, %arg2: memref<3x8x8192xf32, #tpu.memory_space<hbm>>, %arg3: memref<3x8x256xf32, #tpu.memory_space<hbm>>, %arg4: memref<3x2048x32xf32, #tpu.memory_space<hbm>>, %arg5: memref<8192xf32, #tpu.memory_space<vmem>>, %arg6: memref<8192xf32, #tpu.memory_space<vmem>>, %arg7: memref<8192xf32, #tpu.memory_space<vmem>>, %arg8: memref<8192xf32, #tpu.memory_space<vmem>>, %arg9: memref<8192xf32, #tpu.memory_space<vmem>>, %arg10: memref<8192xf32, #tpu.memory_space<vmem>>, %arg11: memref<8192xf32, #tpu.memory_space<vmem>>, %arg12: memref<64xf32, #tpu.memory_space<vmem>>, %arg13: memref<64xf32, #tpu.memory_space<vmem>>, %arg14: memref<64xf32, #tpu.memory_space<vmem>>, %arg15: memref<8208xf32, #tpu.memory_space<vmem>>, %arg16: memref<8208xi32, #tpu.memory_space<vmem>>, %arg17: memref<8208xf32, #tpu.memory_space<vmem>>, %arg18: memref<8208xi32, #tpu.memory_space<vmem>>, %arg19: memref<3x64x32xf32, #tpu.memory_space<vmem>>, %arg20: memref<!tpu.dma_semaphore, #tpu.memory_space<semaphore_mem>>) attributes {dimension_semantics = [#tpu.dimension_semantics<core_parallel>, #tpu.dimension_semantics<subcore_parallel>], iteration_bounds = array<i64: 2, 16>, scalar_prefetch = 0 : i64, scratch_operands = 16 : i64, tpu.core_type = #tpu.core_type<sc_vector_subcore>, window_params = [{transform_indices = #map}, {transform_indices = #map}, {transform_indices = #map}]} {
    %mul3A = arith.constant 2 : i32
    %mul3A_0 = arith.muli %arg1, %mul3A : i32
    %add3A = arith.addi %mul3A_0, %arg0 : i32
    %jit3A = arith.constant 4 : i32
    %div3A = arith.divsi %add3A, %jit3A : i32
    %sign3A = arith.constant 0 : i32
    %sign3A_1 = arith.cmpi sgt, %add3A, %sign3A : i32
    %sign3A_2 = arith.extui %sign3A_1 : i1 to i32
    %sign3A_3 = arith.constant 0 : i32
    %sign3A_4 = arith.cmpi slt, %add3A, %sign3A_3 : i32
    %sign3A_5 = arith.extui %sign3A_4 : i1 to i32
    %sign3A_6 = arith.subi %sign3A_2, %sign3A_5 : i32
    %sign3A_7 = arith.constant 0 : i32
    %sign3A_8 = arith.cmpi sgt, %jit3A, %sign3A_7 : i32
    %sign3A_9 = arith.extui %sign3A_8 : i1 to i32
    %sign3A_10 = arith.constant 0 : i32
    %sign3A_11 = arith.cmpi slt, %jit3A, %sign3A_10 : i32
    %sign3A_12 = arith.extui %sign3A_11 : i1 to i32
    %sign3A_13 = arith.subi %sign3A_9, %sign3A_12 : i32
    %ne3A = arith.cmpi ne, %sign3A_6, %sign3A_13 : i32
    %rem3A = arith.remsi %add3A, %jit3A : i32
    %ne3A_14 = arith.constant 0 : i32
    %ne3A_15 = arith.cmpi ne, %rem3A, %ne3A_14 : i32
    %and3A = arith.andi %ne3A, %ne3A_15 : i1
    %sub3A = arith.constant 1 : i32
    %sub3A_16 = arith.subi %div3A, %sub3A : i32
    %select_n3A = arith.select %and3A, %sub3A_16, %div3A : i32
    %jit3A_17 = arith.constant 4 : i32
    %eq3A = arith.constant 0 : i32
    %eq3A_18 = arith.cmpi eq, %jit3A_17, %eq3A : i32
    %jit3A_19 = arith.constant 1 : i32
    %select_n3A_20 = arith.select %eq3A_18, %jit3A_19, %jit3A_17 : i32
    %rem3A_21 = arith.remsi %add3A, %select_n3A_20 : i32
    %ne3A_22 = arith.constant 0 : i32
    %ne3A_23 = arith.cmpi ne, %rem3A_21, %ne3A_22 : i32
    %lt3A = arith.constant 0 : i32
    %lt3A_24 = arith.cmpi slt, %rem3A_21, %lt3A : i32
    %lt3A_25 = arith.constant 0 : i32
    %lt3A_26 = arith.cmpi slt, %select_n3A_20, %lt3A_25 : i32
    %ne3A_27 = arith.xori %lt3A_24, %lt3A_26 : i1
    %and3A_28 = arith.andi %ne3A_27, %ne3A_23 : i1
    %add3A_29 = arith.addi %rem3A_21, %select_n3A_20 : i32
    %select_n3A_30 = arith.select %and3A_28, %add3A_29, %rem3A_21 : i32
    %mul3A_31 = arith.constant 64 : i32
    %mul3A_32 = arith.muli %select_n3A_30, %mul3A_31 : i32
    %run_scoped3A = arith.constant 0 : i32
    "tpu.region"() ({
      %run_scoped3A_64 = tpu.sem_alloc : memref<!tpu.dma_semaphore, #tpu.memory_space<semaphore_mem>>
      %dma_start3A = arith.constant 0 : i32
      %dma_start3A_65 = tpu.memref_slice %arg2[%run_scoped3A, %select_n3A, %dma_start3A] : memref<3x8x8192xf32, #tpu.memory_space<hbm>> -> memref<1x1x8192xf32, #tpu.memory_space<hbm>>
      %dma_start3A_66 = tpu.memref_squeeze %dma_start3A_65 : memref<1x1x8192xf32, #tpu.memory_space<hbm>> -> memref<8192xf32, #tpu.memory_space<hbm>>
      %dma_start3A_67 = arith.constant 0 : i32
      %dma_start3A_68 = tpu.memref_slice %arg2[%run_scoped3A, %select_n3A, %dma_start3A_67] : memref<3x8x8192xf32, #tpu.memory_space<hbm>> -> memref<1x1x8192xf32, #tpu.memory_space<hbm>>
      %dma_start3A_69 = tpu.memref_squeeze %dma_start3A_68 : memref<1x1x8192xf32, #tpu.memory_space<hbm>> -> memref<8192xf32, #tpu.memory_space<hbm>>
      tpu.enqueue_dma source(%dma_start3A_69 : memref<8192xf32, #tpu.memory_space<hbm>>) target(%arg5 : memref<8192xf32, #tpu.memory_space<vmem>>) target_semaphore(%run_scoped3A_64 : memref<!tpu.dma_semaphore, #tpu.memory_space<semaphore_mem>>)
      %dma_wait3A = arith.constant 0 : i32
      %dma_wait3A_70 = tpu.memref_slice %arg2[%run_scoped3A, %select_n3A, %dma_wait3A] : memref<3x8x8192xf32, #tpu.memory_space<hbm>> -> memref<1x1x8192xf32, #tpu.memory_space<hbm>>
      %dma_wait3A_71 = tpu.memref_squeeze %dma_wait3A_70 : memref<1x1x8192xf32, #tpu.memory_space<hbm>> -> memref<8192xf32, #tpu.memory_space<hbm>>
      %dma_wait3A_72 = arith.constant 0 : i32
      %dma_wait3A_73 = tpu.memref_slice %arg2[%run_scoped3A, %select_n3A, %dma_wait3A_72] : memref<3x8x8192xf32, #tpu.memory_space<hbm>> -> memref<1x1x8192xf32, #tpu.memory_space<hbm>>
      %dma_wait3A_74 = tpu.memref_squeeze %dma_wait3A_73 : memref<1x1x8192xf32, #tpu.memory_space<hbm>> -> memref<8192xf32, #tpu.memory_space<hbm>>
      tpu.wait_dma2 semaphore(%run_scoped3A_64 : memref<!tpu.dma_semaphore, #tpu.memory_space<semaphore_mem>>) src(%dma_wait3A_74 : memref<8192xf32, #tpu.memory_space<hbm>>) dst(%arg5 : memref<8192xf32, #tpu.memory_space<vmem>>)
      tpu.yield
    }) : () -> ()
    %run_scoped3A_33 = arith.constant 1 : i32
    "tpu.region"() ({
      %run_scoped3A_64 = tpu.sem_alloc : memref<!tpu.dma_semaphore, #tpu.memory_space<semaphore_mem>>
      %dma_start3A = arith.constant 0 : i32
      %dma_start3A_65 = tpu.memref_slice %arg2[%run_scoped3A_33, %select_n3A, %dma_start3A] : memref<3x8x8192xf32, #tpu.memory_space<hbm>> -> memref<1x1x8192xf32, #tpu.memory_space<hbm>>
      %dma_start3A_66 = tpu.memref_squeeze %dma_start3A_65 : memref<1x1x8192xf32, #tpu.memory_space<hbm>> -> memref<8192xf32, #tpu.memory_space<hbm>>
      %dma_start3A_67 = arith.constant 0 : i32
      %dma_start3A_68 = tpu.memref_slice %arg2[%run_scoped3A_33, %select_n3A, %dma_start3A_67] : memref<3x8x8192xf32, #tpu.memory_space<hbm>> -> memref<1x1x8192xf32, #tpu.memory_space<hbm>>
      %dma_start3A_69 = tpu.memref_squeeze %dma_start3A_68 : memref<1x1x8192xf32, #tpu.memory_space<hbm>> -> memref<8192xf32, #tpu.memory_space<hbm>>
      tpu.enqueue_dma source(%dma_start3A_69 : memref<8192xf32, #tpu.memory_space<hbm>>) target(%arg6 : memref<8192xf32, #tpu.memory_space<vmem>>) target_semaphore(%run_scoped3A_64 : memref<!tpu.dma_semaphore, #tpu.memory_space<semaphore_mem>>)
      %dma_wait3A = arith.constant 0 : i32
      %dma_wait3A_70 = tpu.memref_slice %arg2[%run_scoped3A_33, %select_n3A, %dma_wait3A] : memref<3x8x8192xf32, #tpu.memory_space<hbm>> -> memref<1x1x8192xf32, #tpu.memory_space<hbm>>
      %dma_wait3A_71 = tpu.memref_squeeze %dma_wait3A_70 : memref<1x1x8192xf32, #tpu.memory_space<hbm>> -> memref<8192xf32, #tpu.memory_space<hbm>>
      %dma_wait3A_72 = arith.constant 0 : i32
      %dma_wait3A_73 = tpu.memref_slice %arg2[%run_scoped3A_33, %select_n3A, %dma_wait3A_72] : memref<3x8x8192xf32, #tpu.memory_space<hbm>> -> memref<1x1x8192xf32, #tpu.memory_space<hbm>>
      %dma_wait3A_74 = tpu.memref_squeeze %dma_wait3A_73 : memref<1x1x8192xf32, #tpu.memory_space<hbm>> -> memref<8192xf32, #tpu.memory_space<hbm>>
      tpu.wait_dma2 semaphore(%run_scoped3A_64 : memref<!tpu.dma_semaphore, #tpu.memory_space<semaphore_mem>>) src(%dma_wait3A_74 : memref<8192xf32, #tpu.memory_space<hbm>>) dst(%arg6 : memref<8192xf32, #tpu.memory_space<vmem>>)
      tpu.yield
    }) : () -> ()
    %run_scoped3A_34 = arith.constant 2 : i32
    "tpu.region"() ({
      %run_scoped3A_64 = tpu.sem_alloc : memref<!tpu.dma_semaphore, #tpu.memory_space<semaphore_mem>>
      %dma_start3A = arith.constant 0 : i32
      %dma_start3A_65 = tpu.memref_slice %arg2[%run_scoped3A_34, %select_n3A, %dma_start3A] : memref<3x8x8192xf32, #tpu.memory_space<hbm>> -> memref<1x1x8192xf32, #tpu.memory_space<hbm>>
      %dma_start3A_66 = tpu.memref_squeeze %dma_start3A_65 : memref<1x1x8192xf32, #tpu.memory_space<hbm>> -> memref<8192xf32, #tpu.memory_space<hbm>>
      %dma_start3A_67 = arith.constant 0 : i32
      %dma_start3A_68 = tpu.memref_slice %arg2[%run_scoped3A_34, %select_n3A, %dma_start3A_67] : memref<3x8x8192xf32, #tpu.memory_space<hbm>> -> memref<1x1x8192xf32, #tpu.memory_space<hbm>>
      %dma_start3A_69 = tpu.memref_squeeze %dma_start3A_68 : memref<1x1x8192xf32, #tpu.memory_space<hbm>> -> memref<8192xf32, #tpu.memory_space<hbm>>
      tpu.enqueue_dma source(%dma_start3A_69 : memref<8192xf32, #tpu.memory_space<hbm>>) target(%arg7 : memref<8192xf32, #tpu.memory_space<vmem>>) target_semaphore(%run_scoped3A_64 : memref<!tpu.dma_semaphore, #tpu.memory_space<semaphore_mem>>)
      %dma_wait3A = arith.constant 0 : i32
      %dma_wait3A_70 = tpu.memref_slice %arg2[%run_scoped3A_34, %select_n3A, %dma_wait3A] : memref<3x8x8192xf32, #tpu.memory_space<hbm>> -> memref<1x1x8192xf32, #tpu.memory_space<hbm>>
      %dma_wait3A_71 = tpu.memref_squeeze %dma_wait3A_70 : memref<1x1x8192xf32, #tpu.memory_space<hbm>> -> memref<8192xf32, #tpu.memory_space<hbm>>
      %dma_wait3A_72 = arith.constant 0 : i32
      %dma_wait3A_73 = tpu.memref_slice %arg2[%run_scoped3A_34, %select_n3A, %dma_wait3A_72] : memref<3x8x8192xf32, #tpu.memory_space<hbm>> -> memref<1x1x8192xf32, #tpu.memory_space<hbm>>
      %dma_wait3A_74 = tpu.memref_squeeze %dma_wait3A_73 : memref<1x1x8192xf32, #tpu.memory_space<hbm>> -> memref<8192xf32, #tpu.memory_space<hbm>>
      tpu.wait_dma2 semaphore(%run_scoped3A_64 : memref<!tpu.dma_semaphore, #tpu.memory_space<semaphore_mem>>) src(%dma_wait3A_74 : memref<8192xf32, #tpu.memory_space<hbm>>) dst(%arg7 : memref<8192xf32, #tpu.memory_space<vmem>>)
      tpu.yield
    }) : () -> ()
    %run_scoped3A_35 = arith.constant 0 : i32
    "tpu.region"() ({
      %run_scoped3A_64 = tpu.sem_alloc : memref<!tpu.dma_semaphore, #tpu.memory_space<semaphore_mem>>
      %dma_start3A = tpu.memref_slice %arg3[%run_scoped3A_35, %select_n3A, %mul3A_32] : memref<3x8x256xf32, #tpu.memory_space<hbm>> -> memref<1x1x64xf32, #tpu.memory_space<hbm>>
      %dma_start3A_65 = tpu.memref_squeeze %dma_start3A : memref<1x1x64xf32, #tpu.memory_space<hbm>> -> memref<64xf32, #tpu.memory_space<hbm>>
      %dma_start3A_66 = tpu.memref_slice %arg3[%run_scoped3A_35, %select_n3A, %mul3A_32] : memref<3x8x256xf32, #tpu.memory_space<hbm>> -> memref<1x1x64xf32, #tpu.memory_space<hbm>>
      %dma_start3A_67 = tpu.memref_squeeze %dma_start3A_66 : memref<1x1x64xf32, #tpu.memory_space<hbm>> -> memref<64xf32, #tpu.memory_space<hbm>>
      tpu.enqueue_dma source(%dma_start3A_67 : memref<64xf32, #tpu.memory_space<hbm>>) target(%arg12 : memref<64xf32, #tpu.memory_space<vmem>>) target_semaphore(%run_scoped3A_64 : memref<!tpu.dma_semaphore, #tpu.memory_space<semaphore_mem>>)
      %dma_wait3A = tpu.memref_slice %arg3[%run_scoped3A_35, %select_n3A, %mul3A_32] : memref<3x8x256xf32, #tpu.memory_space<hbm>> -> memref<1x1x64xf32, #tpu.memory_space<hbm>>
      %dma_wait3A_68 = tpu.memref_squeeze %dma_wait3A : memref<1x1x64xf32, #tpu.memory_space<hbm>> -> memref<64xf32, #tpu.memory_space<hbm>>
      %dma_wait3A_69 = tpu.memref_slice %arg3[%run_scoped3A_35, %select_n3A, %mul3A_32] : memref<3x8x256xf32, #tpu.memory_space<hbm>> -> memref<1x1x64xf32, #tpu.memory_space<hbm>>
      %dma_wait3A_70 = tpu.memref_squeeze %dma_wait3A_69 : memref<1x1x64xf32, #tpu.memory_space<hbm>> -> memref<64xf32, #tpu.memory_space<hbm>>
      tpu.wait_dma2 semaphore(%run_scoped3A_64 : memref<!tpu.dma_semaphore, #tpu.memory_space<semaphore_mem>>) src(%dma_wait3A_70 : memref<64xf32, #tpu.memory_space<hbm>>) dst(%arg12 : memref<64xf32, #tpu.memory_space<vmem>>)
      tpu.yield
    }) : () -> ()
    %run_scoped3A_36 = arith.constant 1 : i32
    "tpu.region"() ({
      %run_scoped3A_64 = tpu.sem_alloc : memref<!tpu.dma_semaphore, #tpu.memory_space<semaphore_mem>>
      %dma_start3A = tpu.memref_slice %arg3[%run_scoped3A_36, %select_n3A, %mul3A_32] : memref<3x8x256xf32, #tpu.memory_space<hbm>> -> memref<1x1x64xf32, #tpu.memory_space<hbm>>
      %dma_start3A_65 = tpu.memref_squeeze %dma_start3A : memref<1x1x64xf32, #tpu.memory_space<hbm>> -> memref<64xf32, #tpu.memory_space<hbm>>
      %dma_start3A_66 = tpu.memref_slice %arg3[%run_scoped3A_36, %select_n3A, %mul3A_32] : memref<3x8x256xf32, #tpu.memory_space<hbm>> -> memref<1x1x64xf32, #tpu.memory_space<hbm>>
      %dma_start3A_67 = tpu.memref_squeeze %dma_start3A_66 : memref<1x1x64xf32, #tpu.memory_space<hbm>> -> memref<64xf32, #tpu.memory_space<hbm>>
      tpu.enqueue_dma source(%dma_start3A_67 : memref<64xf32, #tpu.memory_space<hbm>>) target(%arg13 : memref<64xf32, #tpu.memory_space<vmem>>) target_semaphore(%run_scoped3A_64 : memref<!tpu.dma_semaphore, #tpu.memory_space<semaphore_mem>>)
      %dma_wait3A = tpu.memref_slice %arg3[%run_scoped3A_36, %select_n3A, %mul3A_32] : memref<3x8x256xf32, #tpu.memory_space<hbm>> -> memref<1x1x64xf32, #tpu.memory_space<hbm>>
      %dma_wait3A_68 = tpu.memref_squeeze %dma_wait3A : memref<1x1x64xf32, #tpu.memory_space<hbm>> -> memref<64xf32, #tpu.memory_space<hbm>>
      %dma_wait3A_69 = tpu.memref_slice %arg3[%run_scoped3A_36, %select_n3A, %mul3A_32] : memref<3x8x256xf32, #tpu.memory_space<hbm>> -> memref<1x1x64xf32, #tpu.memory_space<hbm>>
      %dma_wait3A_70 = tpu.memref_squeeze %dma_wait3A_69 : memref<1x1x64xf32, #tpu.memory_space<hbm>> -> memref<64xf32, #tpu.memory_space<hbm>>
      tpu.wait_dma2 semaphore(%run_scoped3A_64 : memref<!tpu.dma_semaphore, #tpu.memory_space<semaphore_mem>>) src(%dma_wait3A_70 : memref<64xf32, #tpu.memory_space<hbm>>) dst(%arg13 : memref<64xf32, #tpu.memory_space<vmem>>)
      tpu.yield
    }) : () -> ()
    %run_scoped3A_37 = arith.constant 2 : i32
    "tpu.region"() ({
      %run_scoped3A_64 = tpu.sem_alloc : memref<!tpu.dma_semaphore, #tpu.memory_space<semaphore_mem>>
      %dma_start3A = tpu.memref_slice %arg3[%run_scoped3A_37, %select_n3A, %mul3A_32] : memref<3x8x256xf32, #tpu.memory_space<hbm>> -> memref<1x1x64xf32, #tpu.memory_space<hbm>>
      %dma_start3A_65 = tpu.memref_squeeze %dma_start3A : memref<1x1x64xf32, #tpu.memory_space<hbm>> -> memref<64xf32, #tpu.memory_space<hbm>>
      %dma_start3A_66 = tpu.memref_slice %arg3[%run_scoped3A_37, %select_n3A, %mul3A_32] : memref<3x8x256xf32, #tpu.memory_space<hbm>> -> memref<1x1x64xf32, #tpu.memory_space<hbm>>
      %dma_start3A_67 = tpu.memref_squeeze %dma_start3A_66 : memref<1x1x64xf32, #tpu.memory_space<hbm>> -> memref<64xf32, #tpu.memory_space<hbm>>
      tpu.enqueue_dma source(%dma_start3A_67 : memref<64xf32, #tpu.memory_space<hbm>>) target(%arg14 : memref<64xf32, #tpu.memory_space<vmem>>) target_semaphore(%run_scoped3A_64 : memref<!tpu.dma_semaphore, #tpu.memory_space<semaphore_mem>>)
      %dma_wait3A = tpu.memref_slice %arg3[%run_scoped3A_37, %select_n3A, %mul3A_32] : memref<3x8x256xf32, #tpu.memory_space<hbm>> -> memref<1x1x64xf32, #tpu.memory_space<hbm>>
      %dma_wait3A_68 = tpu.memref_squeeze %dma_wait3A : memref<1x1x64xf32, #tpu.memory_space<hbm>> -> memref<64xf32, #tpu.memory_space<hbm>>
      %dma_wait3A_69 = tpu.memref_slice %arg3[%run_scoped3A_37, %select_n3A, %mul3A_32] : memref<3x8x256xf32, #tpu.memory_space<hbm>> -> memref<1x1x64xf32, #tpu.memory_space<hbm>>
      %dma_wait3A_70 = tpu.memref_squeeze %dma_wait3A_69 : memref<1x1x64xf32, #tpu.memory_space<hbm>> -> memref<64xf32, #tpu.memory_space<hbm>>
      tpu.wait_dma2 semaphore(%run_scoped3A_64 : memref<!tpu.dma_semaphore, #tpu.memory_space<semaphore_mem>>) src(%dma_wait3A_70 : memref<64xf32, #tpu.memory_space<hbm>>) dst(%arg14 : memref<64xf32, #tpu.memory_space<vmem>>)
      tpu.yield
    }) : () -> ()
    %scan3A = arith.constant 0 : i32
    %scan3A_38 = arith.constant 0 : i32
    %scan3A_39 = arith.constant 512 : i32
    %scan3A_40 = arith.addi %scan3A_38, %scan3A_39 : i32
    %scan3A_41 = arith.constant 8 : i32
    %scan3A_42 = scf.for %scan3A_64 = %scan3A_38 to %scan3A_40 step %scan3A_41 iter_args(%scan3A_65 = %scan3A) -> (i32)  : i32 {
      %mul3A_66 = arith.constant 16 : i32
      %mul3A_67 = arith.muli %scan3A_64, %mul3A_66 : i32
      %get3A = arith.index_cast %mul3A_67 : i32 to index
      %get3A_68 = tpu.vector_load %arg5[%get3A] {strides = array<i32>} : memref<8192xf32, #tpu.memory_space<vmem>>, vector<16xf32>,
      %get3A_69 = arith.index_cast %mul3A_67 : i32 to index
      %get3A_70 = tpu.vector_load %arg6[%get3A_69] {strides = array<i32>} : memref<8192xf32, #tpu.memory_space<vmem>>, vector<16xf32>,
      %get3A_71 = arith.index_cast %mul3A_67 : i32 to index
      %get3A_72 = tpu.vector_load %arg7[%get3A_71] {strides = array<i32>} : memref<8192xf32, #tpu.memory_space<vmem>>, vector<16xf32>,
      %mul3A_73 = arith.mulf %get3A_68, %get3A_68 : vector<16xf32>
      %mul3A_74 = arith.mulf %get3A_70, %get3A_70 : vector<16xf32>
      %add3A_75 = arith.addf %mul3A_73, %mul3A_74 : vector<16xf32>
      %mul3A_76 = arith.mulf %get3A_72, %get3A_72 : vector<16xf32>
      %add3A_77 = arith.addf %add3A_75, %mul3A_76 : vector<16xf32>
      %swap3A = arith.index_cast %mul3A_67 : i32 to index
      %swap3A_78 = tpu.vector_load %arg11[%swap3A] {strides = array<i32>} : memref<8192xf32, #tpu.memory_space<vmem>>, vector<16xf32>,
      tpu.vector_store %arg11[%swap3A], %add3A_77 {strides = array<i32>} : memref<8192xf32, #tpu.memory_space<vmem>>, vector<16xf32>,
      %bitcast3A = vector.bitcast %get3A_68 : vector<16xf32> to vector<16xi32>
      %add3A_79 = arith.constant 32767 : i32
      %add3A_80 = vector.broadcast %add3A_79 : i32 to vector<16xi32>
      %add3A_81 = arith.addi %bitcast3A, %add3A_80 : vector<16xi32>
      %shift_right_logical3A = arith.constant 16 : i32
      %shift_right_logical3A_82 = vector.broadcast %shift_right_logical3A : i32 to vector<16xi32>
      %shift_right_logical3A_83 = arith.shrui %bitcast3A, %shift_right_logical3A_82 : vector<16xi32>
      %and3A_84 = arith.constant 1 : i32
      %and3A_85 = vector.broadcast %and3A_84 : i32 to vector<16xi32>
      %and3A_86 = arith.andi %shift_right_logical3A_83, %and3A_85 : vector<16xi32>
      %add3A_87 = arith.addi %add3A_81, %and3A_86 : vector<16xi32>
      %and3A_88 = arith.constant -65536 : i32
      %and3A_89 = vector.broadcast %and3A_88 : i32 to vector<16xi32>
      %and3A_90 = arith.andi %add3A_87, %and3A_89 : vector<16xi32>
      %bitcast3A_91 = vector.bitcast %and3A_90 : vector<16xi32> to vector<16xf32>
      %swap3A_92 = arith.index_cast %mul3A_67 : i32 to index
      %swap3A_93 = tpu.vector_load %arg8[%swap3A_92] {strides = array<i32>} : memref<8192xf32, #tpu.memory_space<vmem>>, vector<16xf32>,
      tpu.vector_store %arg8[%swap3A_92], %bitcast3A_91 {strides = array<i32>} : memref<8192xf32, #tpu.memory_space<vmem>>, vector<16xf32>,
      %bitcast3A_94 = vector.bitcast %get3A_70 : vector<16xf32> to vector<16xi32>
      %add3A_95 = arith.constant 32767 : i32
      %add3A_96 = vector.broadcast %add3A_95 : i32 to vector<16xi32>
      %add3A_97 = arith.addi %bitcast3A_94, %add3A_96 : vector<16xi32>
      %shift_right_logical3A_98 = arith.constant 16 : i32
      %shift_right_logical3A_99 = vector.broadcast %shift_right_logical3A_98 : i32 to vector<16xi32>
      %shift_right_logical3A_100 = arith.shrui %bitcast3A_94, %shift_right_logical3A_99 : vector<16xi32>
      %and3A_101 = arith.constant 1 : i32
      %and3A_102 = vector.broadcast %and3A_101 : i32 to vector<16xi32>
      %and3A_103 = arith.andi %shift_right_logical3A_100, %and3A_102 : vector<16xi32>
      %add3A_104 = arith.addi %add3A_97, %and3A_103 : vector<16xi32>
      %and3A_105 = arith.constant -65536 : i32
      %and3A_106 = vector.broadcast %and3A_105 : i32 to vector<16xi32>
      %and3A_107 = arith.andi %add3A_104, %and3A_106 : vector<16xi32>
      %bitcast3A_108 = vector.bitcast %and3A_107 : vector<16xi32> to vector<16xf32>
      %swap3A_109 = arith.index_cast %mul3A_67 : i32 to index
      %swap3A_110 = tpu.vector_load %arg9[%swap3A_109] {strides = array<i32>} : memref<8192xf32, #tpu.memory_space<vmem>>, vector<16xf32>,
      tpu.vector_store %arg9[%swap3A_109], %bitcast3A_108 {strides = array<i32>} : memref<8192xf32, #tpu.memory_space<vmem>>, vector<16xf32>,
      %bitcast3A_111 = vector.bitcast %get3A_72 : vector<16xf32> to vector<16xi32>
      %add3A_112 = arith.constant 32767 : i32
      %add3A_113 = vector.broadcast %add3A_112 : i32 to vector<16xi32>
      %add3A_114 = arith.addi %bitcast3A_111, %add3A_113 : vector<16xi32>
      %shift_right_logical3A_115 = arith.constant 16 : i32
      %shift_right_logical3A_116 = vector.broadcast %shift_right_logical3A_115 : i32 to vector<16xi32>
      %shift_right_logical3A_117 = arith.shrui %bitcast3A_111, %shift_right_logical3A_116 : vector<16xi32>
      %and3A_118 = arith.constant 1 : i32
      %and3A_119 = vector.broadcast %and3A_118 : i32 to vector<16xi32>
      %and3A_120 = arith.andi %shift_right_logical3A_117, %and3A_119 : vector<16xi32>
      %add3A_121 = arith.addi %add3A_114, %and3A_120 : vector<16xi32>
      %and3A_122 = arith.constant -65536 : i32
      %and3A_123 = vector.broadcast %and3A_122 : i32 to vector<16xi32>
      %and3A_124 = arith.andi %add3A_121, %and3A_123 : vector<16xi32>
      %bitcast3A_125 = vector.bitcast %and3A_124 : vector<16xi32> to vector<16xf32>
      %swap3A_126 = arith.index_cast %mul3A_67 : i32 to index
      %swap3A_127 = tpu.vector_load %arg10[%swap3A_126] {strides = array<i32>} : memref<8192xf32, #tpu.memory_space<vmem>>, vector<16xf32>,
      tpu.vector_store %arg10[%swap3A_126], %bitcast3A_125 {strides = array<i32>} : memref<8192xf32, #tpu.memory_space<vmem>>, vector<16xf32>,
      %scan3A_128 = arith.constant 0 : i32
      %scan3A_129 = arith.constant 1 : i32
      %scan3A_130 = arith.addi %scan3A_64, %scan3A_129 : i32
      %mul3A_131 = arith.constant 16 : i32
      %mul3A_132 = arith.muli %scan3A_130, %mul3A_131 : i32
      %get3A_133 = arith.index_cast %mul3A_132 : i32 to index
      %get3A_134 = tpu.vector_load %arg5[%get3A_133] {strides = array<i32>} : memref<8192xf32, #tpu.memory_space<vmem>>, vector<16xf32>,
      %get3A_135 = arith.index_cast %mul3A_132 : i32 to index
      %get3A_136 = tpu.vector_load %arg6[%get3A_135] {strides = array<i32>} : memref<8192xf32, #tpu.memory_space<vmem>>, vector<16xf32>,
      %get3A_137 = arith.index_cast %mul3A_132 : i32 to index
      %get3A_138 = tpu.vector_load %arg7[%get3A_137] {strides = array<i32>} : memref<8192xf32, #tpu.memory_space<vmem>>, vector<16xf32>,
      %mul3A_139 = arith.mulf %get3A_134, %get3A_134 : vector<16xf32>
      %mul3A_140 = arith.mulf %get3A_136, %get3A_136 : vector<16xf32>
      %add3A_141 = arith.addf %mul3A_139, %mul3A_140 : vector<16xf32>
      %mul3A_142 = arith.mulf %get3A_138, %get3A_138 : vector<16xf32>
      %add3A_143 = arith.addf %add3A_141, %mul3A_142 : vector<16xf32>
      %swap3A_144 = arith.index_cast %mul3A_132 : i32 to index
      %swap3A_145 = tpu.vector_load %arg11[%swap3A_144] {strides = array<i32>} : memref<8192xf32, #tpu.memory_space<vmem>>, vector<16xf32>,
      tpu.vector_store %arg11[%swap3A_144], %add3A_143 {strides = array<i32>} : memref<8192xf32, #tpu.memory_space<vmem>>, vector<16xf32>,
      %bitcast3A_146 = vector.bitcast %get3A_134 : vector<16xf32> to vector<16xi32>
      %add3A_147 = arith.constant 32767 : i32
      %add3A_148 = vector.broadcast %add3A_147 : i32 to vector<16xi32>
      %add3A_149 = arith.addi %bitcast3A_146, %add3A_148 : vector<16xi32>
      %shift_right_logical3A_150 = arith.constant 16 : i32
      %shift_right_logical3A_151 = vector.broadcast %shift_right_logical3A_150 : i32 to vector<16xi32>
      %shift_right_logical3A_152 = arith.shrui %bitcast3A_146, %shift_right_logical3A_151 : vector<16xi32>
      %and3A_153 = arith.constant 1 : i32
      %and3A_154 = vector.broadcast %and3A_153 : i32 to vector<16xi32>
      %and3A_155 = arith.andi %shift_right_logical3A_152, %and3A_154 : vector<16xi32>
      %add3A_156 = arith.addi %add3A_149, %and3A_155 : vector<16xi32>
      %and3A_157 = arith.constant -65536 : i32
      %and3A_158 = vector.broadcast %and3A_157 : i32 to vector<16xi32>
      %and3A_159 = arith.andi %add3A_156, %and3A_158 : vector<16xi32>
      %bitcast3A_160 = vector.bitcast %and3A_159 : vector<16xi32> to vector<16xf32>
      %swap3A_161 = arith.index_cast %mul3A_132 : i32 to index
      %swap3A_162 = tpu.vector_load %arg8[%swap3A_161] {strides = array<i32>} : memref<8192xf32, #tpu.memory_space<vmem>>, vector<16xf32>,
      tpu.vector_store %arg8[%swap3A_161], %bitcast3A_160 {strides = array<i32>} : memref<8192xf32, #tpu.memory_space<vmem>>, vector<16xf32>,
      %bitcast3A_163 = vector.bitcast %get3A_136 : vector<16xf32> to vector<16xi32>
      %add3A_164 = arith.constant 32767 : i32
      %add3A_165 = vector.broadcast %add3A_164 : i32 to vector<16xi32>
      %add3A_166 = arith.addi %bitcast3A_163, %add3A_165 : vector<16xi32>
      %shift_right_logical3A_167 = arith.constant 16 : i32
      %shift_right_logical3A_168 = vector.broadcast %shift_right_logical3A_167 : i32 to vector<16xi32>
      %shift_right_logical3A_169 = arith.shrui %bitcast3A_163, %shift_right_logical3A_168 : vector<16xi32>
      %and3A_170 = arith.constant 1 : i32
      %and3A_171 = vector.broadcast %and3A_170 : i32 to vector<16xi32>
      %and3A_172 = arith.andi %shift_right_logical3A_169, %and3A_171 : vector<16xi32>
      %add3A_173 = arith.addi %add3A_166, %and3A_172 : vector<16xi32>
      %and3A_174 = arith.constant -65536 : i32
      %and3A_175 = vector.broadcast %and3A_174 : i32 to vector<16xi32>
      %and3A_176 = arith.andi %add3A_173, %and3A_175 : vector<16xi32>
      %bitcast3A_177 = vector.bitcast %and3A_176 : vector<16xi32> to vector<16xf32>
      %swap3A_178 = arith.index_cast %mul3A_132 : i32 to index
      %swap3A_179 = tpu.vector_load %arg9[%swap3A_178] {strides = array<i32>} : memref<8192xf32, #tpu.memory_space<vmem>>, vector<16xf32>,
      tpu.vector_store %arg9[%swap3A_178], %bitcast3A_177 {strides = array<i32>} : memref<8192xf32, #tpu.memory_space<vmem>>, vector<16xf32>,
      %bitcast3A_180 = vector.bitcast %get3A_138 : vector<16xf32> to vector<16xi32>
      %add3A_181 = arith.constant 32767 : i32
      %add3A_182 = vector.broadcast %add3A_181 : i32 to vector<16xi32>
      %add3A_183 = arith.addi %bitcast3A_180, %add3A_182 : vector<16xi32>
      %shift_right_logical3A_184 = arith.constant 16 : i32
      %shift_right_logical3A_185 = vector.broadcast %shift_right_logical3A_184 : i32 to vector<16xi32>
      %shift_right_logical3A_186 = arith.shrui %bitcast3A_180, %shift_right_logical3A_185 : vector<16xi32>
      %and3A_187 = arith.constant 1 : i32
      %and3A_188 = vector.broadcast %and3A_187 : i32 to vector<16xi32>
      %and3A_189 = arith.andi %shift_right_logical3A_186, %and3A_188 : vector<16xi32>
      %add3A_190 = arith.addi %add3A_183, %and3A_189 : vector<16xi32>
      %and3A_191 = arith.constant -65536 : i32
      %and3A_192 = vector.broadcast %and3A_191 : i32 to vector<16xi32>
      %and3A_193 = arith.andi %add3A_190, %and3A_192 : vector<16xi32>
      %bitcast3A_194 = vector.bitcast %and3A_193 : vector<16xi32> to vector<16xf32>
      %swap3A_195 = arith.index_cast %mul3A_132 : i32 to index
      %swap3A_196 = tpu.vector_load %arg10[%swap3A_195] {strides = array<i32>} : memref<8192xf32, #tpu.memory_space<vmem>>, vector<16xf32>,
      tpu.vector_store %arg10[%swap3A_195], %bitcast3A_194 {strides = array<i32>} : memref<8192xf32, #tpu.memory_space<vmem>>, vector<16xf32>,
      %scan3A_197 = arith.constant 0 : i32
      %scan3A_198 = arith.constant 2 : i32
      %scan3A_199 = arith.addi %scan3A_64, %scan3A_198 : i32
      %mul3A_200 = arith.constant 16 : i32
      %mul3A_201 = arith.muli %scan3A_199, %mul3A_200 : i32
      %get3A_202 = arith.index_cast %mul3A_201 : i32 to index
      %get3A_203 = tpu.vector_load %arg5[%get3A_202] {strides = array<i32>} : memref<8192xf32, #tpu.memory_space<vmem>>, vector<16xf32>,
      %get3A_204 = arith.index_cast %mul3A_201 : i32 to index
      %get3A_205 = tpu.vector_load %arg6[%get3A_204] {strides = array<i32>} : memref<8192xf32, #tpu.memory_space<vmem>>, vector<16xf32>,
      %get3A_206 = arith.index_cast %mul3A_201 : i32 to index
      %get3A_207 = tpu.vector_load %arg7[%get3A_206] {strides = array<i32>} : memref<8192xf32, #tpu.memory_space<vmem>>, vector<16xf32>,
      %mul3A_208 = arith.mulf %get3A_203, %get3A_203 : vector<16xf32>
      %mul3A_209 = arith.mulf %get3A_205, %get3A_205 : vector<16xf32>
      %add3A_210 = arith.addf %mul3A_208, %mul3A_209 : vector<16xf32>
      %mul3A_211 = arith.mulf %get3A_207, %get3A_207 : vector<16xf32>
      %add3A_212 = arith.addf %add3A_210, %mul3A_211 : vector<16xf32>
      %swap3A_213 = arith.index_cast %mul3A_201 : i32 to index
      %swap3A_214 = tpu.vector_load %arg11[%swap3A_213] {strides = array<i32>} : memref<8192xf32, #tpu.memory_space<vmem>>, vector<16xf32>,
      tpu.vector_store %arg11[%swap3A_213], %add3A_212 {strides = array<i32>} : memref<8192xf32, #tpu.memory_space<vmem>>, vector<16xf32>,
      %bitcast3A_215 = vector.bitcast %get3A_203 : vector<16xf32> to vector<16xi32>
      %add3A_216 = arith.constant 32767 : i32
      %add3A_217 = vector.broadcast %add3A_216 : i32 to vector<16xi32>
      %add3A_218 = arith.addi %bitcast3A_215, %add3A_217 : vector<16xi32>
      %shift_right_logical3A_219 = arith.constant 16 : i32
      %shift_right_logical3A_220 = vector.broadcast %shift_right_logical3A_219 : i32 to vector<16xi32>
      %shift_right_logical3A_221 = arith.shrui %bitcast3A_215, %shift_right_logical3A_220 : vector<16xi32>
      %and3A_222 = arith.constant 1 : i32
      %and3A_223 = vector.broadcast %and3A_222 : i32 to vector<16xi32>
      %and3A_224 = arith.andi %shift_right_logical3A_221, %and3A_223 : vector<16xi32>
      %add3A_225 = arith.addi %add3A_218, %and3A_224 : vector<16xi32>
      %and3A_226 = arith.constant -65536 : i32
      %and3A_227 = vector.broadcast %and3A_226 : i32 to vector<16xi32>
      %and3A_228 = arith.andi %add3A_225, %and3A_227 : vector<16xi32>
      %bitcast3A_229 = vector.bitcast %and3A_228 : vector<16xi32> to vector<16xf32>
      %swap3A_230 = arith.index_cast %mul3A_201 : i32 to index
      %swap3A_231 = tpu.vector_load %arg8[%swap3A_230] {strides = array<i32>} : memref<8192xf32, #tpu.memory_space<vmem>>, vector<16xf32>,
      tpu.vector_store %arg8[%swap3A_230], %bitcast3A_229 {strides = array<i32>} : memref<8192xf32, #tpu.memory_space<vmem>>, vector<16xf32>,
      %bitcast3A_232 = vector.bitcast %get3A_205 : vector<16xf32> to vector<16xi32>
      %add3A_233 = arith.constant 32767 : i32
      %add3A_234 = vector.broadcast %add3A_233 : i32 to vector<16xi32>
      %add3A_235 = arith.addi %bitcast3A_232, %add3A_234 : vector<16xi32>
      %shift_right_logical3A_236 = arith.constant 16 : i32
      %shift_right_logical3A_237 = vector.broadcast %shift_right_logical3A_236 : i32 to vector<16xi32>
      %shift_right_logical3A_238 = arith.shrui %bitcast3A_232, %shift_right_logical3A_237 : vector<16xi32>
      %and3A_239 = arith.constant 1 : i32
      %and3A_240 = vector.broadcast %and3A_239 : i32 to vector<16xi32>
      %and3A_241 = arith.andi %shift_right_logical3A_238, %and3A_240 : vector<16xi32>
      %add3A_242 = arith.addi %add3A_235, %and3A_241 : vector<16xi32>
      %and3A_243 = arith.constant -65536 : i32
      %and3A_244 = vector.broadcast %and3A_243 : i32 to vector<16xi32>
      %and3A_245 = arith.andi %add3A_242, %and3A_244 : vector<16xi32>
      %bitcast3A_246 = vector.bitcast %and3A_245 : vector<16xi32> to vector<16xf32>
      %swap3A_247 = arith.index_cast %mul3A_201 : i32 to index
      %swap3A_248 = tpu.vector_load %arg9[%swap3A_247] {strides = array<i32>} : memref<8192xf32, #tpu.memory_space<vmem>>, vector<16xf32>,
      tpu.vector_store %arg9[%swap3A_247], %bitcast3A_246 {strides = array<i32>} : memref<8192xf32, #tpu.memory_space<vmem>>, vector<16xf32>,
      %bitcast3A_249 = vector.bitcast %get3A_207 : vector<16xf32> to vector<16xi32>
      %add3A_250 = arith.constant 32767 : i32
      %add3A_251 = vector.broadcast %add3A_250 : i32 to vector<16xi32>
      %add3A_252 = arith.addi %bitcast3A_249, %add3A_251 : vector<16xi32>
      %shift_right_logical3A_253 = arith.constant 16 : i32
      %shift_right_logical3A_254 = vector.broadcast %shift_right_logical3A_253 : i32 to vector<16xi32>
      %shift_right_logical3A_255 = arith.shrui %bitcast3A_249, %shift_right_logical3A_254 : vector<16xi32>
      %and3A_256 = arith.constant 1 : i32
      %and3A_257 = vector.broadcast %and3A_256 : i32 to vector<16xi32>
      %and3A_258 = arith.andi %shift_right_logical3A_255, %and3A_257 : vector<16xi32>
      %add3A_259 = arith.addi %add3A_252, %and3A_258 : vector<16xi32>
      %and3A_260 = arith.constant -65536 : i32
      %and3A_261 = vector.broadcast %and3A_260 : i32 to vector<16xi32>
      %and3A_262 = arith.andi %add3A_259, %and3A_261 : vector<16xi32>
      %bitcast3A_263 = vector.bitcast %and3A_262 : vector<16xi32> to vector<16xf32>
      %swap3A_264 = arith.index_cast %mul3A_201 : i32 to index
      %swap3A_265 = tpu.vector_load %arg10[%swap3A_264] {strides = array<i32>} : memref<8192xf32, #tpu.memory_space<vmem>>, vector<16xf32>,
      tpu.vector_store %arg10[%swap3A_264], %bitcast3A_263 {strides = array<i32>} : memref<8192xf32, #tpu.memory_space<vmem>>, vector<16xf32>,
      %scan3A_266 = arith.constant 0 : i32
      %scan3A_267 = arith.constant 3 : i32
      %scan3A_268 = arith.addi %scan3A_64, %scan3A_267 : i32
      %mul3A_269 = arith.constant 16 : i32
      %mul3A_270 = arith.muli %scan3A_268, %mul3A_269 : i32
      %get3A_271 = arith.index_cast %mul3A_270 : i32 to index
      %get3A_272 = tpu.vector_load %arg5[%get3A_271] {strides = array<i32>} : memref<8192xf32, #tpu.memory_space<vmem>>, vector<16xf32>,
      %get3A_273 = arith.index_cast %mul3A_270 : i32 to index
      %get3A_274 = tpu.vector_load %arg6[%get3A_273] {strides = array<i32>} : memref<8192xf32, #tpu.memory_space<vmem>>, vector<16xf32>,
      %get3A_275 = arith.index_cast %mul3A_270 : i32 to index
      %get3A_276 = tpu.vector_load %arg7[%get3A_275] {strides = array<i32>} : memref<8192xf32, #tpu.memory_space<vmem>>, vector<16xf32>,
      %mul3A_277 = arith.mulf %get3A_272, %get3A_272 : vector<16xf32>
      %mul3A_278 = arith.mulf %get3A_274, %get3A_274 : vector<16xf32>
      %add3A_279 = arith.addf %mul3A_277, %mul3A_278 : vector<16xf32>
      %mul3A_280 = arith.mulf %get3A_276, %get3A_276 : vector<16xf32>
      %add3A_281 = arith.addf %add3A_279, %mul3A_280 : vector<16xf32>
      %swap3A_282 = arith.index_cast %mul3A_270 : i32 to index
      %swap3A_283 = tpu.vector_load %arg11[%swap3A_282] {strides = array<i32>} : memref<8192xf32, #tpu.memory_space<vmem>>, vector<16xf32>,
      tpu.vector_store %arg11[%swap3A_282], %add3A_281 {strides = array<i32>} : memref<8192xf32, #tpu.memory_space<vmem>>, vector<16xf32>,
      %bitcast3A_284 = vector.bitcast %get3A_272 : vector<16xf32> to vector<16xi32>
      %add3A_285 = arith.constant 32767 : i32
      %add3A_286 = vector.broadcast %add3A_285 : i32 to vector<16xi32>
      %add3A_287 = arith.addi %bitcast3A_284, %add3A_286 : vector<16xi32>
      %shift_right_logical3A_288 = arith.constant 16 : i32
      %shift_right_logical3A_289 = vector.broadcast %shift_right_logical3A_288 : i32 to vector<16xi32>
      %shift_right_logical3A_290 = arith.shrui %bitcast3A_284, %shift_right_logical3A_289 : vector<16xi32>
      %and3A_291 = arith.constant 1 : i32
      %and3A_292 = vector.broadcast %and3A_291 : i32 to vector<16xi32>
      %and3A_293 = arith.andi %shift_right_logical3A_290, %and3A_292 : vector<16xi32>
      %add3A_294 = arith.addi %add3A_287, %and3A_293 : vector<16xi32>
      %and3A_295 = arith.constant -65536 : i32
      %and3A_296 = vector.broadcast %and3A_295 : i32 to vector<16xi32>
      %and3A_297 = arith.andi %add3A_294, %and3A_296 : vector<16xi32>
      %bitcast3A_298 = vector.bitcast %and3A_297 : vector<16xi32> to vector<16xf32>
      %swap3A_299 = arith.index_cast %mul3A_270 : i32 to index
      %swap3A_300 = tpu.vector_load %arg8[%swap3A_299] {strides = array<i32>} : memref<8192xf32, #tpu.memory_space<vmem>>, vector<16xf32>,
      tpu.vector_store %arg8[%swap3A_299], %bitcast3A_298 {strides = array<i32>} : memref<8192xf32, #tpu.memory_space<vmem>>, vector<16xf32>,
      %bitcast3A_301 = vector.bitcast %get3A_274 : vector<16xf32> to vector<16xi32>
      %add3A_302 = arith.constant 32767 : i32
      %add3A_303 = vector.broadcast %add3A_302 : i32 to vector<16xi32>
      %add3A_304 = arith.addi %bitcast3A_301, %add3A_303 : vector<16xi32>
      %shift_right_logical3A_305 = arith.constant 16 : i32
      %shift_right_logical3A_306 = vector.broadcast %shift_right_logical3A_305 : i32 to vector<16xi32>
      %shift_right_logical3A_307 = arith.shrui %bitcast3A_301, %shift_right_logical3A_306 : vector<16xi32>
      %and3A_308 = arith.constant 1 : i32
      %and3A_309 = vector.broadcast %and3A_308 : i32 to vector<16xi32>
      %and3A_310 = arith.andi %shift_right_logical3A_307, %and3A_309 : vector<16xi32>
      %add3A_311 = arith.addi %add3A_304, %and3A_310 : vector<16xi32>
      %and3A_312 = arith.constant -65536 : i32
      %and3A_313 = vector.broadcast %and3A_312 : i32 to vector<16xi32>
      %and3A_314 = arith.andi %add3A_311, %and3A_313 : vector<16xi32>
      %bitcast3A_315 = vector.bitcast %and3A_314 : vector<16xi32> to vector<16xf32>
      %swap3A_316 = arith.index_cast %mul3A_270 : i32 to index
      %swap3A_317 = tpu.vector_load %arg9[%swap3A_316] {strides = array<i32>} : memref<8192xf32, #tpu.memory_space<vmem>>, vector<16xf32>,
      tpu.vector_store %arg9[%swap3A_316], %bitcast3A_315 {strides = array<i32>} : memref<8192xf32, #tpu.memory_space<vmem>>, vector<16xf32>,
      %bitcast3A_318 = vector.bitcast %get3A_276 : vector<16xf32> to vector<16xi32>
      %add3A_319 = arith.constant 32767 : i32
      %add3A_320 = vector.broadcast %add3A_319 : i32 to vector<16xi32>
      %add3A_321 = arith.addi %bitcast3A_318, %add3A_320 : vector<16xi32>
      %shift_right_logical3A_322 = arith.constant 16 : i32
      %shift_right_logical3A_323 = vector.broadcast %shift_right_logical3A_322 : i32 to vector<16xi32>
      %shift_right_logical3A_324 = arith.shrui %bitcast3A_318, %shift_right_logical3A_323 : vector<16xi32>
      %and3A_325 = arith.constant 1 : i32
      %and3A_326 = vector.broadcast %and3A_325 : i32 to vector<16xi32>
      %and3A_327 = arith.andi %shift_right_logical3A_324, %and3A_326 : vector<16xi32>
      %add3A_328 = arith.addi %add3A_321, %and3A_327 : vector<16xi32>
      %and3A_329 = arith.constant -65536 : i32
      %and3A_330 = vector.broadcast %and3A_329 : i32 to vector<16xi32>
      %and3A_331 = arith.andi %add3A_328, %and3A_330 : vector<16xi32>
      %bitcast3A_332 = vector.bitcast %and3A_331 : vector<16xi32> to vector<16xf32>
      %swap3A_333 = arith.index_cast %mul3A_270 : i32 to index
      %swap3A_334 = tpu.vector_load %arg10[%swap3A_333] {strides = array<i32>} : memref<8192xf32, #tpu.memory_space<vmem>>, vector<16xf32>,
      tpu.vector_store %arg10[%swap3A_333], %bitcast3A_332 {strides = array<i32>} : memref<8192xf32, #tpu.memory_space<vmem>>, vector<16xf32>,
      %scan3A_335 = arith.constant 0 : i32
      %scan3A_336 = arith.constant 4 : i32
      %scan3A_337 = arith.addi %scan3A_64, %scan3A_336 : i32
      %mul3A_338 = arith.constant 16 : i32
      %mul3A_339 = arith.muli %scan3A_337, %mul3A_338 : i32
      %get3A_340 = arith.index_cast %mul3A_339 : i32 to index
      %get3A_341 = tpu.vector_load %arg5[%get3A_340] {strides = array<i32>} : memref<8192xf32, #tpu.memory_space<vmem>>, vector<16xf32>,
      %get3A_342 = arith.index_cast %mul3A_339 : i32 to index
      %get3A_343 = tpu.vector_load %arg6[%get3A_342] {strides = array<i32>} : memref<8192xf32, #tpu.memory_space<vmem>>, vector<16xf32>,
      %get3A_344 = arith.index_cast %mul3A_339 : i32 to index
      %get3A_345 = tpu.vector_load %arg7[%get3A_344] {strides = array<i32>} : memref<8192xf32, #tpu.memory_space<vmem>>, vector<16xf32>,
      %mul3A_346 = arith.mulf %get3A_341, %get3A_341 : vector<16xf32>
      %mul3A_347 = arith.mulf %get3A_343, %get3A_343 : vector<16xf32>
      %add3A_348 = arith.addf %mul3A_346, %mul3A_347 : vector<16xf32>
      %mul3A_349 = arith.mulf %get3A_345, %get3A_345 : vector<16xf32>
      %add3A_350 = arith.addf %add3A_348, %mul3A_349 : vector<16xf32>
      %swap3A_351 = arith.index_cast %mul3A_339 : i32 to index
      %swap3A_352 = tpu.vector_load %arg11[%swap3A_351] {strides = array<i32>} : memref<8192xf32, #tpu.memory_space<vmem>>, vector<16xf32>,
      tpu.vector_store %arg11[%swap3A_351], %add3A_350 {strides = array<i32>} : memref<8192xf32, #tpu.memory_space<vmem>>, vector<16xf32>,
      %bitcast3A_353 = vector.bitcast %get3A_341 : vector<16xf32> to vector<16xi32>
      %add3A_354 = arith.constant 32767 : i32
      %add3A_355 = vector.broadcast %add3A_354 : i32 to vector<16xi32>
      %add3A_356 = arith.addi %bitcast3A_353, %add3A_355 : vector<16xi32>
      %shift_right_logical3A_357 = arith.constant 16 : i32
      %shift_right_logical3A_358 = vector.broadcast %shift_right_logical3A_357 : i32 to vector<16xi32>
      %shift_right_logical3A_359 = arith.shrui %bitcast3A_353, %shift_right_logical3A_358 : vector<16xi32>
      %and3A_360 = arith.constant 1 : i32
      %and3A_361 = vector.broadcast %and3A_360 : i32 to vector<16xi32>
      %and3A_362 = arith.andi %shift_right_logical3A_359, %and3A_361 : vector<16xi32>
      %add3A_363 = arith.addi %add3A_356, %and3A_362 : vector<16xi32>
      %and3A_364 = arith.constant -65536 : i32
      %and3A_365 = vector.broadcast %and3A_364 : i32 to vector<16xi32>
      %and3A_366 = arith.andi %add3A_363, %and3A_365 : vector<16xi32>
      %bitcast3A_367 = vector.bitcast %and3A_366 : vector<16xi32> to vector<16xf32>
      %swap3A_368 = arith.index_cast %mul3A_339 : i32 to index
      %swap3A_369 = tpu.vector_load %arg8[%swap3A_368] {strides = array<i32>} : memref<8192xf32, #tpu.memory_space<vmem>>, vector<16xf32>,
      tpu.vector_store %arg8[%swap3A_368], %bitcast3A_367 {strides = array<i32>} : memref<8192xf32, #tpu.memory_space<vmem>>, vector<16xf32>,
      %bitcast3A_370 = vector.bitcast %get3A_343 : vector<16xf32> to vector<16xi32>
      %add3A_371 = arith.constant 32767 : i32
      %add3A_372 = vector.broadcast %add3A_371 : i32 to vector<16xi32>
      %add3A_373 = arith.addi %bitcast3A_370, %add3A_372 : vector<16xi32>
      %shift_right_logical3A_374 = arith.constant 16 : i32
      %shift_right_logical3A_375 = vector.broadcast %shift_right_logical3A_374 : i32 to vector<16xi32>
      %shift_right_logical3A_376 = arith.shrui %bitcast3A_370, %shift_right_logical3A_375 : vector<16xi32>
      %and3A_377 = arith.constant 1 : i32
      %and3A_378 = vector.broadcast %and3A_377 : i32 to vector<16xi32>
      %and3A_379 = arith.andi %shift_right_logical3A_376, %and3A_378 : vector<16xi32>
      %add3A_380 = arith.addi %add3A_373, %and3A_379 : vector<16xi32>
      %and3A_381 = arith.constant -65536 : i32
      %and3A_382 = vector.broadcast %and3A_381 : i32 to vector<16xi32>
      %and3A_383 = arith.andi %add3A_380, %and3A_382 : vector<16xi32>
      %bitcast3A_384 = vector.bitcast %and3A_383 : vector<16xi32> to vector<16xf32>
      %swap3A_385 = arith.index_cast %mul3A_339 : i32 to index
      %swap3A_386 = tpu.vector_load %arg9[%swap3A_385] {strides = array<i32>} : memref<8192xf32, #tpu.memory_space<vmem>>, vector<16xf32>,
      tpu.vector_store %arg9[%swap3A_385], %bitcast3A_384 {strides = array<i32>} : memref<8192xf32, #tpu.memory_space<vmem>>, vector<16xf32>,
      %bitcast3A_387 = vector.bitcast %get3A_345 : vector<16xf32> to vector<16xi32>
      %add3A_388 = arith.constant 32767 : i32
      %add3A_389 = vector.broadcast %add3A_388 : i32 to vector<16xi32>
      %add3A_390 = arith.addi %bitcast3A_387, %add3A_389 : vector<16xi32>
      %shift_right_logical3A_391 = arith.constant 16 : i32
      %shift_right_logical3A_392 = vector.broadcast %shift_right_logical3A_391 : i32 to vector<16xi32>
      %shift_right_logical3A_393 = arith.shrui %bitcast3A_387, %shift_right_logical3A_392 : vector<16xi32>
      %and3A_394 = arith.constant 1 : i32
      %and3A_395 = vector.broadcast %and3A_394 : i32 to vector<16xi32>
      %and3A_396 = arith.andi %shift_right_logical3A_393, %and3A_395 : vector<16xi32>
      %add3A_397 = arith.addi %add3A_390, %and3A_396 : vector<16xi32>
      %and3A_398 = arith.constant -65536 : i32
      %and3A_399 = vector.broadcast %and3A_398 : i32 to vector<16xi32>
      %and3A_400 = arith.andi %add3A_397, %and3A_399 : vector<16xi32>
      %bitcast3A_401 = vector.bitcast %and3A_400 : vector<16xi32> to vector<16xf32>
      %swap3A_402 = arith.index_cast %mul3A_339 : i32 to index
      %swap3A_403 = tpu.vector_load %arg10[%swap3A_402] {strides = array<i32>} : memref<8192xf32, #tpu.memory_space<vmem>>, vector<16xf32>,
      tpu.vector_store %arg10[%swap3A_402], %bitcast3A_401 {strides = array<i32>} : memref<8192xf32, #tpu.memory_space<vmem>>, vector<16xf32>,
      %scan3A_404 = arith.constant 0 : i32
      %scan3A_405 = arith.constant 5 : i32
      %scan3A_406 = arith.addi %scan3A_64, %scan3A_405 : i32
      %mul3A_407 = arith.constant 16 : i32
      %mul3A_408 = arith.muli %scan3A_406, %mul3A_407 : i32
      %get3A_409 = arith.index_cast %mul3A_408 : i32 to index
      %get3A_410 = tpu.vector_load %arg5[%get3A_409] {strides = array<i32>} : memref<8192xf32, #tpu.memory_space<vmem>>, vector<16xf32>,
      %get3A_411 = arith.index_cast %mul3A_408 : i32 to index
      %get3A_412 = tpu.vector_load %arg6[%get3A_411] {strides = array<i32>} : memref<8192xf32, #tpu.memory_space<vmem>>, vector<16xf32>,
      %get3A_413 = arith.index_cast %mul3A_408 : i32 to index
      %get3A_414 = tpu.vector_load %arg7[%get3A_413] {strides = array<i32>} : memref<8192xf32, #tpu.memory_space<vmem>>, vector<16xf32>,
      %mul3A_415 = arith.mulf %get3A_410, %get3A_410 : vector<16xf32>
      %mul3A_416 = arith.mulf %get3A_412, %get3A_412 : vector<16xf32>
      %add3A_417 = arith.addf %mul3A_415, %mul3A_416 : vector<16xf32>
      %mul3A_418 = arith.mulf %get3A_414, %get3A_414 : vector<16xf32>
      %add3A_419 = arith.addf %add3A_417, %mul3A_418 : vector<16xf32>
      %swap3A_420 = arith.index_cast %mul3A_408 : i32 to index
      %swap3A_421 = tpu.vector_load %arg11[%swap3A_420] {strides = array<i32>} : memref<8192xf32, #tpu.memory_space<vmem>>, vector<16xf32>,
      tpu.vector_store %arg11[%swap3A_420], %add3A_419 {strides = array<i32>} : memref<8192xf32, #tpu.memory_space<vmem>>, vector<16xf32>,
      %bitcast3A_422 = vector.bitcast %get3A_410 : vector<16xf32> to vector<16xi32>
      %add3A_423 = arith.constant 32767 : i32
      %add3A_424 = vector.broadcast %add3A_423 : i32 to vector<16xi32>
      %add3A_425 = arith.addi %bitcast3A_422, %add3A_424 : vector<16xi32>
      %shift_right_logical3A_426 = arith.constant 16 : i32
      %shift_right_logical3A_427 = vector.broadcast %shift_right_logical3A_426 : i32 to vector<16xi32>
      %shift_right_logical3A_428 = arith.shrui %bitcast3A_422, %shift_right_logical3A_427 : vector<16xi32>
      %and3A_429 = arith.constant 1 : i32
      %and3A_430 = vector.broadcast %and3A_429 : i32 to vector<16xi32>
      %and3A_431 = arith.andi %shift_right_logical3A_428, %and3A_430 : vector<16xi32>
      %add3A_432 = arith.addi %add3A_425, %and3A_431 : vector<16xi32>
      %and3A_433 = arith.constant -65536 : i32
      %and3A_434 = vector.broadcast %and3A_433 : i32 to vector<16xi32>
      %and3A_435 = arith.andi %add3A_432, %and3A_434 : vector<16xi32>
      %bitcast3A_436 = vector.bitcast %and3A_435 : vector<16xi32> to vector<16xf32>
      %swap3A_437 = arith.index_cast %mul3A_408 : i32 to index
      %swap3A_438 = tpu.vector_load %arg8[%swap3A_437] {strides = array<i32>} : memref<8192xf32, #tpu.memory_space<vmem>>, vector<16xf32>,
      tpu.vector_store %arg8[%swap3A_437], %bitcast3A_436 {strides = array<i32>} : memref<8192xf32, #tpu.memory_space<vmem>>, vector<16xf32>,
      %bitcast3A_439 = vector.bitcast %get3A_412 : vector<16xf32> to vector<16xi32>
      %add3A_440 = arith.constant 32767 : i32
      %add3A_441 = vector.broadcast %add3A_440 : i32 to vector<16xi32>
      %add3A_442 = arith.addi %bitcast3A_439, %add3A_441 : vector<16xi32>
      %shift_right_logical3A_443 = arith.constant 16 : i32
      %shift_right_logical3A_444 = vector.broadcast %shift_right_logical3A_443 : i32 to vector<16xi32>
      %shift_right_logical3A_445 = arith.shrui %bitcast3A_439, %shift_right_logical3A_444 : vector<16xi32>
      %and3A_446 = arith.constant 1 : i32
      %and3A_447 = vector.broadcast %and3A_446 : i32 to vector<16xi32>
      %and3A_448 = arith.andi %shift_right_logical3A_445, %and3A_447 : vector<16xi32>
      %add3A_449 = arith.addi %add3A_442, %and3A_448 : vector<16xi32>
      %and3A_450 = arith.constant -65536 : i32
      %and3A_451 = vector.broadcast %and3A_450 : i32 to vector<16xi32>
      %and3A_452 = arith.andi %add3A_449, %and3A_451 : vector<16xi32>
      %bitcast3A_453 = vector.bitcast %and3A_452 : vector<16xi32> to vector<16xf32>
      %swap3A_454 = arith.index_cast %mul3A_408 : i32 to index
      %swap3A_455 = tpu.vector_load %arg9[%swap3A_454] {strides = array<i32>} : memref<8192xf32, #tpu.memory_space<vmem>>, vector<16xf32>,
      tpu.vector_store %arg9[%swap3A_454], %bitcast3A_453 {strides = array<i32>} : memref<8192xf32, #tpu.memory_space<vmem>>, vector<16xf32>,
      %bitcast3A_456 = vector.bitcast %get3A_414 : vector<16xf32> to vector<16xi32>
      %add3A_457 = arith.constant 32767 : i32
      %add3A_458 = vector.broadcast %add3A_457 : i32 to vector<16xi32>
      %add3A_459 = arith.addi %bitcast3A_456, %add3A_458 : vector<16xi32>
      %shift_right_logical3A_460 = arith.constant 16 : i32
      %shift_right_logical3A_461 = vector.broadcast %shift_right_logical3A_460 : i32 to vector<16xi32>
      %shift_right_logical3A_462 = arith.shrui %bitcast3A_456, %shift_right_logical3A_461 : vector<16xi32>
      %and3A_463 = arith.constant 1 : i32
      %and3A_464 = vector.broadcast %and3A_463 : i32 to vector<16xi32>
      %and3A_465 = arith.andi %shift_right_logical3A_462, %and3A_464 : vector<16xi32>
      %add3A_466 = arith.addi %add3A_459, %and3A_465 : vector<16xi32>
      %and3A_467 = arith.constant -65536 : i32
      %and3A_468 = vector.broadcast %and3A_467 : i32 to vector<16xi32>
      %and3A_469 = arith.andi %add3A_466, %and3A_468 : vector<16xi32>
      %bitcast3A_470 = vector.bitcast %and3A_469 : vector<16xi32> to vector<16xf32>
      %swap3A_471 = arith.index_cast %mul3A_408 : i32 to index
      %swap3A_472 = tpu.vector_load %arg10[%swap3A_471] {strides = array<i32>} : memref<8192xf32, #tpu.memory_space<vmem>>, vector<16xf32>,
      tpu.vector_store %arg10[%swap3A_471], %bitcast3A_470 {strides = array<i32>} : memref<8192xf32, #tpu.memory_space<vmem>>, vector<16xf32>,
      %scan3A_473 = arith.constant 0 : i32
      %scan3A_474 = arith.constant 6 : i32
      %scan3A_475 = arith.addi %scan3A_64, %scan3A_474 : i32
      %mul3A_476 = arith.constant 16 : i32
      %mul3A_477 = arith.muli %scan3A_475, %mul3A_476 : i32
      %get3A_478 = arith.index_cast %mul3A_477 : i32 to index
      %get3A_479 = tpu.vector_load %arg5[%get3A_478] {strides = array<i32>} : memref<8192xf32, #tpu.memory_space<vmem>>, vector<16xf32>,
      %get3A_480 = arith.index_cast %mul3A_477 : i32 to index
      %get3A_481 = tpu.vector_load %arg6[%get3A_480] {strides = array<i32>} : memref<8192xf32, #tpu.memory_space<vmem>>, vector<16xf32>,
      %get3A_482 = arith.index_cast %mul3A_477 : i32 to index
      %get3A_483 = tpu.vector_load %arg7[%get3A_482] {strides = array<i32>} : memref<8192xf32, #tpu.memory_space<vmem>>, vector<16xf32>,
      %mul3A_484 = arith.mulf %get3A_479, %get3A_479 : vector<16xf32>
      %mul3A_485 = arith.mulf %get3A_481, %get3A_481 : vector<16xf32>
      %add3A_486 = arith.addf %mul3A_484, %mul3A_485 : vector<16xf32>
      %mul3A_487 = arith.mulf %get3A_483, %get3A_483 : vector<16xf32>
      %add3A_488 = arith.addf %add3A_486, %mul3A_487 : vector<16xf32>
      %swap3A_489 = arith.index_cast %mul3A_477 : i32 to index
      %swap3A_490 = tpu.vector_load %arg11[%swap3A_489] {strides = array<i32>} : memref<8192xf32, #tpu.memory_space<vmem>>, vector<16xf32>,
      tpu.vector_store %arg11[%swap3A_489], %add3A_488 {strides = array<i32>} : memref<8192xf32, #tpu.memory_space<vmem>>, vector<16xf32>,
      %bitcast3A_491 = vector.bitcast %get3A_479 : vector<16xf32> to vector<16xi32>
      %add3A_492 = arith.constant 32767 : i32
      %add3A_493 = vector.broadcast %add3A_492 : i32 to vector<16xi32>
      %add3A_494 = arith.addi %bitcast3A_491, %add3A_493 : vector<16xi32>
      %shift_right_logical3A_495 = arith.constant 16 : i32
      %shift_right_logical3A_496 = vector.broadcast %shift_right_logical3A_495 : i32 to vector<16xi32>
      %shift_right_logical3A_497 = arith.shrui %bitcast3A_491, %shift_right_logical3A_496 : vector<16xi32>
      %and3A_498 = arith.constant 1 : i32
      %and3A_499 = vector.broadcast %and3A_498 : i32 to vector<16xi32>
      %and3A_500 = arith.andi %shift_right_logical3A_497, %and3A_499 : vector<16xi32>
      %add3A_501 = arith.addi %add3A_494, %and3A_500 : vector<16xi32>
      %and3A_502 = arith.constant -65536 : i32
      %and3A_503 = vector.broadcast %and3A_502 : i32 to vector<16xi32>
      %and3A_504 = arith.andi %add3A_501, %and3A_503 : vector<16xi32>
      %bitcast3A_505 = vector.bitcast %and3A_504 : vector<16xi32> to vector<16xf32>
      %swap3A_506 = arith.index_cast %mul3A_477 : i32 to index
      %swap3A_507 = tpu.vector_load %arg8[%swap3A_506] {strides = array<i32>} : memref<8192xf32, #tpu.memory_space<vmem>>, vector<16xf32>,
      tpu.vector_store %arg8[%swap3A_506], %bitcast3A_505 {strides = array<i32>} : memref<8192xf32, #tpu.memory_space<vmem>>, vector<16xf32>,
      %bitcast3A_508 = vector.bitcast %get3A_481 : vector<16xf32> to vector<16xi32>
      %add3A_509 = arith.constant 32767 : i32
      %add3A_510 = vector.broadcast %add3A_509 : i32 to vector<16xi32>
      %add3A_511 = arith.addi %bitcast3A_508, %add3A_510 : vector<16xi32>
      %shift_right_logical3A_512 = arith.constant 16 : i32
      %shift_right_logical3A_513 = vector.broadcast %shift_right_logical3A_512 : i32 to vector<16xi32>
      %shift_right_logical3A_514 = arith.shrui %bitcast3A_508, %shift_right_logical3A_513 : vector<16xi32>
      %and3A_515 = arith.constant 1 : i32
      %and3A_516 = vector.broadcast %and3A_515 : i32 to vector<16xi32>
      %and3A_517 = arith.andi %shift_right_logical3A_514, %and3A_516 : vector<16xi32>
      %add3A_518 = arith.addi %add3A_511, %and3A_517 : vector<16xi32>
      %and3A_519 = arith.constant -65536 : i32
      %and3A_520 = vector.broadcast %and3A_519 : i32 to vector<16xi32>
      %and3A_521 = arith.andi %add3A_518, %and3A_520 : vector<16xi32>
      %bitcast3A_522 = vector.bitcast %and3A_521 : vector<16xi32> to vector<16xf32>
      %swap3A_523 = arith.index_cast %mul3A_477 : i32 to index
      %swap3A_524 = tpu.vector_load %arg9[%swap3A_523] {strides = array<i32>} : memref<8192xf32, #tpu.memory_space<vmem>>, vector<16xf32>,
      tpu.vector_store %arg9[%swap3A_523], %bitcast3A_522 {strides = array<i32>} : memref<8192xf32, #tpu.memory_space<vmem>>, vector<16xf32>,
      %bitcast3A_525 = vector.bitcast %get3A_483 : vector<16xf32> to vector<16xi32>
      %add3A_526 = arith.constant 32767 : i32
      %add3A_527 = vector.broadcast %add3A_526 : i32 to vector<16xi32>
      %add3A_528 = arith.addi %bitcast3A_525, %add3A_527 : vector<16xi32>
      %shift_right_logical3A_529 = arith.constant 16 : i32
      %shift_right_logical3A_530 = vector.broadcast %shift_right_logical3A_529 : i32 to vector<16xi32>
      %shift_right_logical3A_531 = arith.shrui %bitcast3A_525, %shift_right_logical3A_530 : vector<16xi32>
      %and3A_532 = arith.constant 1 : i32
      %and3A_533 = vector.broadcast %and3A_532 : i32 to vector<16xi32>
      %and3A_534 = arith.andi %shift_right_logical3A_531, %and3A_533 : vector<16xi32>
      %add3A_535 = arith.addi %add3A_528, %and3A_534 : vector<16xi32>
      %and3A_536 = arith.constant -65536 : i32
      %and3A_537 = vector.broadcast %and3A_536 : i32 to vector<16xi32>
      %and3A_538 = arith.andi %add3A_535, %and3A_537 : vector<16xi32>
      %bitcast3A_539 = vector.bitcast %and3A_538 : vector<16xi32> to vector<16xf32>
      %swap3A_540 = arith.index_cast %mul3A_477 : i32 to index
      %swap3A_541 = tpu.vector_load %arg10[%swap3A_540] {strides = array<i32>} : memref<8192xf32, #tpu.memory_space<vmem>>, vector<16xf32>,
      tpu.vector_store %arg10[%swap3A_540], %bitcast3A_539 {strides = array<i32>} : memref<8192xf32, #tpu.memory_space<vmem>>, vector<16xf32>,
      %scan3A_542 = arith.constant 0 : i32
      %scan3A_543 = arith.constant 7 : i32
      %scan3A_544 = arith.addi %scan3A_64, %scan3A_543 : i32
      %mul3A_545 = arith.constant 16 : i32
      %mul3A_546 = arith.muli %scan3A_544, %mul3A_545 : i32
      %get3A_547 = arith.index_cast %mul3A_546 : i32 to index
      %get3A_548 = tpu.vector_load %arg5[%get3A_547] {strides = array<i32>} : memref<8192xf32, #tpu.memory_space<vmem>>, vector<16xf32>,
      %get3A_549 = arith.index_cast %mul3A_546 : i32 to index
      %get3A_550 = tpu.vector_load %arg6[%get3A_549] {strides = array<i32>} : memref<8192xf32, #tpu.memory_space<vmem>>, vector<16xf32>,
      %get3A_551 = arith.index_cast %mul3A_546 : i32 to index
      %get3A_552 = tpu.vector_load %arg7[%get3A_551] {strides = array<i32>} : memref<8192xf32, #tpu.memory_space<vmem>>, vector<16xf32>,
      %mul3A_553 = arith.mulf %get3A_548, %get3A_548 : vector<16xf32>
      %mul3A_554 = arith.mulf %get3A_550, %get3A_550 : vector<16xf32>
      %add3A_555 = arith.addf %mul3A_553, %mul3A_554 : vector<16xf32>
      %mul3A_556 = arith.mulf %get3A_552, %get3A_552 : vector<16xf32>
      %add3A_557 = arith.addf %add3A_555, %mul3A_556 : vector<16xf32>
      %swap3A_558 = arith.index_cast %mul3A_546 : i32 to index
      %swap3A_559 = tpu.vector_load %arg11[%swap3A_558] {strides = array<i32>} : memref<8192xf32, #tpu.memory_space<vmem>>, vector<16xf32>,
      tpu.vector_store %arg11[%swap3A_558], %add3A_557 {strides = array<i32>} : memref<8192xf32, #tpu.memory_space<vmem>>, vector<16xf32>,
      %bitcast3A_560 = vector.bitcast %get3A_548 : vector<16xf32> to vector<16xi32>
      %add3A_561 = arith.constant 32767 : i32
      %add3A_562 = vector.broadcast %add3A_561 : i32 to vector<16xi32>
      %add3A_563 = arith.addi %bitcast3A_560, %add3A_562 : vector<16xi32>
      %shift_right_logical3A_564 = arith.constant 16 : i32
      %shift_right_logical3A_565 = vector.broadcast %shift_right_logical3A_564 : i32 to vector<16xi32>
      %shift_right_logical3A_566 = arith.shrui %bitcast3A_560, %shift_right_logical3A_565 : vector<16xi32>
      %and3A_567 = arith.constant 1 : i32
      %and3A_568 = vector.broadcast %and3A_567 : i32 to vector<16xi32>
      %and3A_569 = arith.andi %shift_right_logical3A_566, %and3A_568 : vector<16xi32>
      %add3A_570 = arith.addi %add3A_563, %and3A_569 : vector<16xi32>
      %and3A_571 = arith.constant -65536 : i32
      %and3A_572 = vector.broadcast %and3A_571 : i32 to vector<16xi32>
      %and3A_573 = arith.andi %add3A_570, %and3A_572 : vector<16xi32>
      %bitcast3A_574 = vector.bitcast %and3A_573 : vector<16xi32> to vector<16xf32>
      %swap3A_575 = arith.index_cast %mul3A_546 : i32 to index
      %swap3A_576 = tpu.vector_load %arg8[%swap3A_575] {strides = array<i32>} : memref<8192xf32, #tpu.memory_space<vmem>>, vector<16xf32>,
      tpu.vector_store %arg8[%swap3A_575], %bitcast3A_574 {strides = array<i32>} : memref<8192xf32, #tpu.memory_space<vmem>>, vector<16xf32>,
      %bitcast3A_577 = vector.bitcast %get3A_550 : vector<16xf32> to vector<16xi32>
      %add3A_578 = arith.constant 32767 : i32
      %add3A_579 = vector.broadcast %add3A_578 : i32 to vector<16xi32>
      %add3A_580 = arith.addi %bitcast3A_577, %add3A_579 : vector<16xi32>
      %shift_right_logical3A_581 = arith.constant 16 : i32
      %shift_right_logical3A_582 = vector.broadcast %shift_right_logical3A_581 : i32 to vector<16xi32>
      %shift_right_logical3A_583 = arith.shrui %bitcast3A_577, %shift_right_logical3A_582 : vector<16xi32>
      %and3A_584 = arith.constant 1 : i32
      %and3A_585 = vector.broadcast %and3A_584 : i32 to vector<16xi32>
      %and3A_586 = arith.andi %shift_right_logical3A_583, %and3A_585 : vector<16xi32>
      %add3A_587 = arith.addi %add3A_580, %and3A_586 : vector<16xi32>
      %and3A_588 = arith.constant -65536 : i32
      %and3A_589 = vector.broadcast %and3A_588 : i32 to vector<16xi32>
      %and3A_590 = arith.andi %add3A_587, %and3A_589 : vector<16xi32>
      %bitcast3A_591 = vector.bitcast %and3A_590 : vector<16xi32> to vector<16xf32>
      %swap3A_592 = arith.index_cast %mul3A_546 : i32 to index
      %swap3A_593 = tpu.vector_load %arg9[%swap3A_592] {strides = array<i32>} : memref<8192xf32, #tpu.memory_space<vmem>>, vector<16xf32>,
      tpu.vector_store %arg9[%swap3A_592], %bitcast3A_591 {strides = array<i32>} : memref<8192xf32, #tpu.memory_space<vmem>>, vector<16xf32>,
      %bitcast3A_594 = vector.bitcast %get3A_552 : vector<16xf32> to vector<16xi32>
      %add3A_595 = arith.constant 32767 : i32
      %add3A_596 = vector.broadcast %add3A_595 : i32 to vector<16xi32>
      %add3A_597 = arith.addi %bitcast3A_594, %add3A_596 : vector<16xi32>
      %shift_right_logical3A_598 = arith.constant 16 : i32
      %shift_right_logical3A_599 = vector.broadcast %shift_right_logical3A_598 : i32 to vector<16xi32>
      %shift_right_logical3A_600 = arith.shrui %bitcast3A_594, %shift_right_logical3A_599 : vector<16xi32>
      %and3A_601 = arith.constant 1 : i32
      %and3A_602 = vector.broadcast %and3A_601 : i32 to vector<16xi32>
      %and3A_603 = arith.andi %shift_right_logical3A_600, %and3A_602 : vector<16xi32>
      %add3A_604 = arith.addi %add3A_597, %and3A_603 : vector<16xi32>
      %and3A_605 = arith.constant -65536 : i32
      %and3A_606 = vector.broadcast %and3A_605 : i32 to vector<16xi32>
      %and3A_607 = arith.andi %add3A_604, %and3A_606 : vector<16xi32>
      %bitcast3A_608 = vector.bitcast %and3A_607 : vector<16xi32> to vector<16xf32>
      %swap3A_609 = arith.index_cast %mul3A_546 : i32 to index
      %swap3A_610 = tpu.vector_load %arg10[%swap3A_609] {strides = array<i32>} : memref<8192xf32, #tpu.memory_space<vmem>>, vector<16xf32>,
      tpu.vector_store %arg10[%swap3A_609], %bitcast3A_608 {strides = array<i32>} : memref<8192xf32, #tpu.memory_space<vmem>>, vector<16xf32>,
      %scan3A_611 = arith.constant 0 : i32
      scf.yield %scan3A_611 : i32
    }
    %scan3A_43 = arith.constant 512 : i32
    %iota3A = tpu.iota {dimensions = array<i32: 0>} : vector<16xi32>
    %broadcast_in_dim3A = arith.constant 0x7F800000 : f32
    %broadcast_in_dim3A_44 = vector.broadcast %broadcast_in_dim3A : f32 to vector<16xf32>
    %scan3A_45 = arith.constant 0 : i32
    %scan3A_46 = arith.constant 0 : i32
    %scan3A_47 = arith.constant 32 : i32
    %scan3A_48 = arith.addi %scan3A_46, %scan3A_47 : i32
    %scan3A_49 = arith.constant 1 : i32
    %scan3A_50 = scf.for %scan3A_64 = %scan3A_46 to %scan3A_48 step %scan3A_49 iter_args(%scan3A_65 = %scan3A_45) -> (i32)  : i32 {
      %mul3A_66 = arith.constant 2 : i32
      %mul3A_67 = arith.muli %mul3A_66, %scan3A_64 : i32
      %add3A_68 = arith.constant 1 : i32
      %add3A_69 = arith.addi %mul3A_67, %add3A_68 : i32
      %jit3A_70 = arith.constant 16 : i32
      %div3A_71 = arith.divsi %mul3A_67, %jit3A_70 : i32
      %sign3A_72 = arith.constant 0 : i32
      %sign3A_73 = arith.cmpi sgt, %mul3A_67, %sign3A_72 : i32
      %sign3A_74 = arith.extui %sign3A_73 : i1 to i32
      %sign3A_75 = arith.constant 0 : i32
      %sign3A_76 = arith.cmpi slt, %mul3A_67, %sign3A_75 : i32
      %sign3A_77 = arith.extui %sign3A_76 : i1 to i32
      %sign3A_78 = arith.subi %sign3A_74, %sign3A_77 : i32
      %sign3A_79 = arith.constant 0 : i32
      %sign3A_80 = arith.cmpi sgt, %jit3A_70, %sign3A_79 : i32
      %sign3A_81 = arith.extui %sign3A_80 : i1 to i32
      %sign3A_82 = arith.constant 0 : i32
      %sign3A_83 = arith.cmpi slt, %jit3A_70, %sign3A_82 : i32
      %sign3A_84 = arith.extui %sign3A_83 : i1 to i32
      %sign3A_85 = arith.subi %sign3A_81, %sign3A_84 : i32
      %ne3A_86 = arith.cmpi ne, %sign3A_78, %sign3A_85 : i32
      %rem3A_87 = arith.remsi %mul3A_67, %jit3A_70 : i32
      %ne3A_88 = arith.constant 0 : i32
      %ne3A_89 = arith.cmpi ne, %rem3A_87, %ne3A_88 : i32
      %and3A_90 = arith.andi %ne3A_86, %ne3A_89 : i1
      %sub3A_91 = arith.constant 1 : i32
      %sub3A_92 = arith.subi %div3A_71, %sub3A_91 : i32
      %select_n3A_93 = arith.select %and3A_90, %sub3A_92, %div3A_71 : i32
      %mul3A_94 = arith.constant 16 : i32
      %mul3A_95 = arith.muli %select_n3A_93, %mul3A_94 : i32
      %jit3A_96 = arith.constant 16 : i32
      %eq3A_97 = arith.constant 0 : i32
      %eq3A_98 = arith.cmpi eq, %jit3A_96, %eq3A_97 : i32
      %jit3A_99 = arith.constant 1 : i32
      %select_n3A_100 = arith.select %eq3A_98, %jit3A_99, %jit3A_96 : i32
      %rem3A_101 = arith.remsi %mul3A_67, %select_n3A_100 : i32
      %ne3A_102 = arith.constant 0 : i32
      %ne3A_103 = arith.cmpi ne, %rem3A_101, %ne3A_102 : i32
      %lt3A_104 = arith.constant 0 : i32
      %lt3A_105 = arith.cmpi slt, %rem3A_101, %lt3A_104 : i32
      %lt3A_106 = arith.constant 0 : i32
      %lt3A_107 = arith.cmpi slt, %select_n3A_100, %lt3A_106 : i32
      %ne3A_108 = arith.xori %lt3A_105, %lt3A_107 : i1
      %and3A_109 = arith.andi %ne3A_108, %ne3A_103 : i1
      %add3A_110 = arith.addi %rem3A_101, %select_n3A_100 : i32
      %select_n3A_111 = arith.select %and3A_109, %add3A_110, %rem3A_101 : i32
      %broadcast_in_dim3A_112 = vector.broadcast %select_n3A_111 : i32 to vector<16xi32>
      %get3A = arith.index_cast %mul3A_95 : i32 to index
      %get3A_113 = tpu.vector_load %arg12[%get3A] {strides = array<i32>} : memref<64xf32, #tpu.memory_space<vmem>>, vector<16xf32>,
      %broadcast_in_dim3A_114 = vector.shape_cast %broadcast_in_dim3A_112 : vector<16xi32> to vector<16x1xi32>
      %gather3A = vector.shape_cast %broadcast_in_dim3A_114 : vector<16x1xi32> to vector<16xi32>
      %gather3A_115 = tpu.dynamic_gather %get3A_113[%gather3A] in [0] : vector<16xf32>, vector<16xi32> -> vector<16xf32>
      %get3A_116 = arith.index_cast %mul3A_95 : i32 to index
      %get3A_117 = tpu.vector_load %arg13[%get3A_116] {strides = array<i32>} : memref<64xf32, #tpu.memory_space<vmem>>, vector<16xf32>,
      %broadcast_in_dim3A_118 = vector.shape_cast %broadcast_in_dim3A_112 : vector<16xi32> to vector<16x1xi32>
      %gather3A_119 = vector.shape_cast %broadcast_in_dim3A_118 : vector<16x1xi32> to vector<16xi32>
      %gather3A_120 = tpu.dynamic_gather %get3A_117[%gather3A_119] in [0] : vector<16xf32>, vector<16xi32> -> vector<16xf32>
      %get3A_121 = arith.index_cast %mul3A_95 : i32 to index
      %get3A_122 = tpu.vector_load %arg14[%get3A_121] {strides = array<i32>} : memref<64xf32, #tpu.memory_space<vmem>>, vector<16xf32>,
      %broadcast_in_dim3A_123 = vector.shape_cast %broadcast_in_dim3A_112 : vector<16xi32> to vector<16x1xi32>
      %gather3A_124 = vector.shape_cast %broadcast_in_dim3A_123 : vector<16x1xi32> to vector<16xi32>
      %gather3A_125 = tpu.dynamic_gather %get3A_122[%gather3A_124] in [0] : vector<16xf32>, vector<16xi32> -> vector<16xf32>
      %mul3A_126 = arith.mulf %gather3A_115, %gather3A_115 : vector<16xf32>
      %mul3A_127 = arith.mulf %gather3A_120, %gather3A_120 : vector<16xf32>
      %add3A_128 = arith.addf %mul3A_126, %mul3A_127 : vector<16xf32>
      %mul3A_129 = arith.mulf %gather3A_125, %gather3A_125 : vector<16xf32>
      %add3A_130 = arith.addf %add3A_128, %mul3A_129 : vector<16xf32>
      %bitcast3A = vector.bitcast %gather3A_115 : vector<16xf32> to vector<16xi32>
      %add3A_131 = arith.constant 32767 : i32
      %add3A_132 = vector.broadcast %add3A_131 : i32 to vector<16xi32>
      %add3A_133 = arith.addi %bitcast3A, %add3A_132 : vector<16xi32>
      %shift_right_logical3A = arith.constant 16 : i32
      %shift_right_logical3A_134 = vector.broadcast %shift_right_logical3A : i32 to vector<16xi32>
      %shift_right_logical3A_135 = arith.shrui %bitcast3A, %shift_right_logical3A_134 : vector<16xi32>
      %and3A_136 = arith.constant 1 : i32
      %and3A_137 = vector.broadcast %and3A_136 : i32 to vector<16xi32>
      %and3A_138 = arith.andi %shift_right_logical3A_135, %and3A_137 : vector<16xi32>
      %add3A_139 = arith.addi %add3A_133, %and3A_138 : vector<16xi32>
      %and3A_140 = arith.constant -65536 : i32
      %and3A_141 = vector.broadcast %and3A_140 : i32 to vector<16xi32>
      %and3A_142 = arith.andi %add3A_139, %and3A_141 : vector<16xi32>
      %bitcast3A_143 = vector.bitcast %and3A_142 : vector<16xi32> to vector<16xf32>
      %bitcast3A_144 = vector.bitcast %gather3A_120 : vector<16xf32> to vector<16xi32>
      %add3A_145 = arith.constant 32767 : i32
      %add3A_146 = vector.broadcast %add3A_145 : i32 to vector<16xi32>
      %add3A_147 = arith.addi %bitcast3A_144, %add3A_146 : vector<16xi32>
      %shift_right_logical3A_148 = arith.constant 16 : i32
      %shift_right_logical3A_149 = vector.broadcast %shift_right_logical3A_148 : i32 to vector<16xi32>
      %shift_right_logical3A_150 = arith.shrui %bitcast3A_144, %shift_right_logical3A_149 : vector<16xi32>
      %and3A_151 = arith.constant 1 : i32
      %and3A_152 = vector.broadcast %and3A_151 : i32 to vector<16xi32>
      %and3A_153 = arith.andi %shift_right_logical3A_150, %and3A_152 : vector<16xi32>
      %add3A_154 = arith.addi %add3A_147, %and3A_153 : vector<16xi32>
      %and3A_155 = arith.constant -65536 : i32
      %and3A_156 = vector.broadcast %and3A_155 : i32 to vector<16xi32>
      %and3A_157 = arith.andi %add3A_154, %and3A_156 : vector<16xi32>
      %bitcast3A_158 = vector.bitcast %and3A_157 : vector<16xi32> to vector<16xf32>
      %bitcast3A_159 = vector.bitcast %gather3A_125 : vector<16xf32> to vector<16xi32>
      %add3A_160 = arith.constant 32767 : i32
      %add3A_161 = vector.broadcast %add3A_160 : i32 to vector<16xi32>
      %add3A_162 = arith.addi %bitcast3A_159, %add3A_161 : vector<16xi32>
      %shift_right_logical3A_163 = arith.constant 16 : i32
      %shift_right_logical3A_164 = vector.broadcast %shift_right_logical3A_163 : i32 to vector<16xi32>
      %shift_right_logical3A_165 = arith.shrui %bitcast3A_159, %shift_right_logical3A_164 : vector<16xi32>
      %and3A_166 = arith.constant 1 : i32
      %and3A_167 = vector.broadcast %and3A_166 : i32 to vector<16xi32>
      %and3A_168 = arith.andi %shift_right_logical3A_165, %and3A_167 : vector<16xi32>
      %add3A_169 = arith.addi %add3A_162, %and3A_168 : vector<16xi32>
      %and3A_170 = arith.constant -65536 : i32
      %and3A_171 = vector.broadcast %and3A_170 : i32 to vector<16xi32>
      %and3A_172 = arith.andi %add3A_169, %and3A_171 : vector<16xi32>
      %bitcast3A_173 = vector.bitcast %and3A_172 : vector<16xi32> to vector<16xf32>
      %jit3A_174 = arith.constant 16 : i32
      %div3A_175 = arith.divsi %add3A_69, %jit3A_174 : i32
      %sign3A_176 = arith.constant 0 : i32
      %sign3A_177 = arith.cmpi sgt, %add3A_69, %sign3A_176 : i32
      %sign3A_178 = arith.extui %sign3A_177 : i1 to i32
      %sign3A_179 = arith.constant 0 : i32
      %sign3A_180 = arith.cmpi slt, %add3A_69, %sign3A_179 : i32
      %sign3A_181 = arith.extui %sign3A_180 : i1 to i32
      %sign3A_182 = arith.subi %sign3A_178, %sign3A_181 : i32
      %sign3A_183 = arith.constant 0 : i32
      %sign3A_184 = arith.cmpi sgt, %jit3A_174, %sign3A_183 : i32
      %sign3A_185 = arith.extui %sign3A_184 : i1 to i32
      %sign3A_186 = arith.constant 0 : i32
      %sign3A_187 = arith.cmpi slt, %jit3A_174, %sign3A_186 : i32
      %sign3A_188 = arith.extui %sign3A_187 : i1 to i32
      %sign3A_189 = arith.subi %sign3A_185, %sign3A_188 : i32
      %ne3A_190 = arith.cmpi ne, %sign3A_182, %sign3A_189 : i32
      %rem3A_191 = arith.remsi %add3A_69, %jit3A_174 : i32
      %ne3A_192 = arith.constant 0 : i32
      %ne3A_193 = arith.cmpi ne, %rem3A_191, %ne3A_192 : i32
      %and3A_194 = arith.andi %ne3A_190, %ne3A_193 : i1
      %sub3A_195 = arith.constant 1 : i32
      %sub3A_196 = arith.subi %div3A_175, %sub3A_195 : i32
      %select_n3A_197 = arith.select %and3A_194, %sub3A_196, %div3A_175 : i32
      %mul3A_198 = arith.constant 16 : i32
      %mul3A_199 = arith.muli %select_n3A_197, %mul3A_198 : i32
      %jit3A_200 = arith.constant 16 : i32
      %eq3A_201 = arith.constant 0 : i32
      %eq3A_202 = arith.cmpi eq, %jit3A_200, %eq3A_201 : i32
      %jit3A_203 = arith.constant 1 : i32
      %select_n3A_204 = arith.select %eq3A_202, %jit3A_203, %jit3A_200 : i32
      %rem3A_205 = arith.remsi %add3A_69, %select_n3A_204 : i32
      %ne3A_206 = arith.constant 0 : i32
      %ne3A_207 = arith.cmpi ne, %rem3A_205, %ne3A_206 : i32
      %lt3A_208 = arith.constant 0 : i32
      %lt3A_209 = arith.cmpi slt, %rem3A_205, %lt3A_208 : i32
      %lt3A_210 = arith.constant 0 : i32
      %lt3A_211 = arith.cmpi slt, %select_n3A_204, %lt3A_210 : i32
      %ne3A_212 = arith.xori %lt3A_209, %lt3A_211 : i1
      %and3A_213 = arith.andi %ne3A_212, %ne3A_207 : i1
      %add3A_214 = arith.addi %rem3A_205, %select_n3A_204 : i32
      %select_n3A_215 = arith.select %and3A_213, %add3A_214, %rem3A_205 : i32
      %broadcast_in_dim3A_216 = vector.broadcast %select_n3A_215 : i32 to vector<16xi32>
      %get3A_217 = arith.index_cast %mul3A_199 : i32 to index
      %get3A_218 = tpu.vector_load %arg12[%get3A_217] {strides = array<i32>} : memref<64xf32, #tpu.memory_space<vmem>>, vector<16xf32>,
      %broadcast_in_dim3A_219 = vector.shape_cast %broadcast_in_dim3A_216 : vector<16xi32> to vector<16x1xi32>
      %gather3A_220 = vector.shape_cast %broadcast_in_dim3A_219 : vector<16x1xi32> to vector<16xi32>
      %gather3A_221 = tpu.dynamic_gather %get3A_218[%gather3A_220] in [0] : vector<16xf32>, vector<16xi32> -> vector<16xf32>
      %get3A_222 = arith.index_cast %mul3A_199 : i32 to index
      %get3A_223 = tpu.vector_load %arg13[%get3A_222] {strides = array<i32>} : memref<64xf32, #tpu.memory_space<vmem>>, vector<16xf32>,
      %broadcast_in_dim3A_224 = vector.shape_cast %broadcast_in_dim3A_216 : vector<16xi32> to vector<16x1xi32>
      %gather3A_225 = vector.shape_cast %broadcast_in_dim3A_224 : vector<16x1xi32> to vector<16xi32>
      %gather3A_226 = tpu.dynamic_gather %get3A_223[%gather3A_225] in [0] : vector<16xf32>, vector<16xi32> -> vector<16xf32>
      %get3A_227 = arith.index_cast %mul3A_199 : i32 to index
      %get3A_228 = tpu.vector_load %arg14[%get3A_227] {strides = array<i32>} : memref<64xf32, #tpu.memory_space<vmem>>, vector<16xf32>,
      %broadcast_in_dim3A_229 = vector.shape_cast %broadcast_in_dim3A_216 : vector<16xi32> to vector<16x1xi32>
      %gather3A_230 = vector.shape_cast %broadcast_in_dim3A_229 : vector<16x1xi32> to vector<16xi32>
      %gather3A_231 = tpu.dynamic_gather %get3A_228[%gather3A_230] in [0] : vector<16xf32>, vector<16xi32> -> vector<16xf32>
      %mul3A_232 = arith.mulf %gather3A_221, %gather3A_221 : vector<16xf32>
      %mul3A_233 = arith.mulf %gather3A_226, %gather3A_226 : vector<16xf32>
      %add3A_234 = arith.addf %mul3A_232, %mul3A_233 : vector<16xf32>
      %mul3A_235 = arith.mulf %gather3A_231, %gather3A_231 : vector<16xf32>
      %add3A_236 = arith.addf %add3A_234, %mul3A_235 : vector<16xf32>
      %bitcast3A_237 = vector.bitcast %gather3A_221 : vector<16xf32> to vector<16xi32>
      %add3A_238 = arith.constant 32767 : i32
      %add3A_239 = vector.broadcast %add3A_238 : i32 to vector<16xi32>
      %add3A_240 = arith.addi %bitcast3A_237, %add3A_239 : vector<16xi32>
      %shift_right_logical3A_241 = arith.constant 16 : i32
      %shift_right_logical3A_242 = vector.broadcast %shift_right_logical3A_241 : i32 to vector<16xi32>
      %shift_right_logical3A_243 = arith.shrui %bitcast3A_237, %shift_right_logical3A_242 : vector<16xi32>
      %and3A_244 = arith.constant 1 : i32
      %and3A_245 = vector.broadcast %and3A_244 : i32 to vector<16xi32>
      %and3A_246 = arith.andi %shift_right_logical3A_243, %and3A_245 : vector<16xi32>
      %add3A_247 = arith.addi %add3A_240, %and3A_246 : vector<16xi32>
      %and3A_248 = arith.constant -65536 : i32
      %and3A_249 = vector.broadcast %and3A_248 : i32 to vector<16xi32>
      %and3A_250 = arith.andi %add3A_247, %and3A_249 : vector<16xi32>
      %bitcast3A_251 = vector.bitcast %and3A_250 : vector<16xi32> to vector<16xf32>
      %bitcast3A_252 = vector.bitcast %gather3A_226 : vector<16xf32> to vector<16xi32>
      %add3A_253 = arith.constant 32767 : i32
      %add3A_254 = vector.broadcast %add3A_253 : i32 to vector<16xi32>
      %add3A_255 = arith.addi %bitcast3A_252, %add3A_254 : vector<16xi32>
      %shift_right_logical3A_256 = arith.constant 16 : i32
      %shift_right_logical3A_257 = vector.broadcast %shift_right_logical3A_256 : i32 to vector<16xi32>
      %shift_right_logical3A_258 = arith.shrui %bitcast3A_252, %shift_right_logical3A_257 : vector<16xi32>
      %and3A_259 = arith.constant 1 : i32
      %and3A_260 = vector.broadcast %and3A_259 : i32 to vector<16xi32>
      %and3A_261 = arith.andi %shift_right_logical3A_258, %and3A_260 : vector<16xi32>
      %add3A_262 = arith.addi %add3A_255, %and3A_261 : vector<16xi32>
      %and3A_263 = arith.constant -65536 : i32
      %and3A_264 = vector.broadcast %and3A_263 : i32 to vector<16xi32>
      %and3A_265 = arith.andi %add3A_262, %and3A_264 : vector<16xi32>
      %bitcast3A_266 = vector.bitcast %and3A_265 : vector<16xi32> to vector<16xf32>
      %bitcast3A_267 = vector.bitcast %gather3A_231 : vector<16xf32> to vector<16xi32>
      %add3A_268 = arith.constant 32767 : i32
      %add3A_269 = vector.broadcast %add3A_268 : i32 to vector<16xi32>
      %add3A_270 = arith.addi %bitcast3A_267, %add3A_269 : vector<16xi32>
      %shift_right_logical3A_271 = arith.constant 16 : i32
      %shift_right_logical3A_272 = vector.broadcast %shift_right_logical3A_271 : i32 to vector<16xi32>
      %shift_right_logical3A_273 = arith.shrui %bitcast3A_267, %shift_right_logical3A_272 : vector<16xi32>
      %and3A_274 = arith.constant 1 : i32
      %and3A_275 = vector.broadcast %and3A_274 : i32 to vector<16xi32>
      %and3A_276 = arith.andi %shift_right_logical3A_273, %and3A_275 : vector<16xi32>
      %add3A_277 = arith.addi %add3A_270, %and3A_276 : vector<16xi32>
      %and3A_278 = arith.constant -65536 : i32
      %and3A_279 = vector.broadcast %and3A_278 : i32 to vector<16xi32>
      %and3A_280 = arith.andi %add3A_277, %and3A_279 : vector<16xi32>
      %bitcast3A_281 = vector.bitcast %and3A_280 : vector<16xi32> to vector<16xf32>
      %scan3A_282 = arith.constant 0 : i32
      %scan3A_283 = arith.constant 0 : i32
      %scan3A_284 = arith.constant 0 : i32
      %scan3A_285 = arith.constant 64 : i32
      %scan3A_286 = arith.addi %scan3A_284, %scan3A_285 : i32
      %scan3A_287 = arith.constant 1 : i32
      %scan3A_288:8 = scf.for %scan3A_668 = %scan3A_284 to %scan3A_286 step %scan3A_287 iter_args(%scan3A_669 = %broadcast_in_dim3A_44, %scan3A_670 = %broadcast_in_dim3A_44, %scan3A_671 = %broadcast_in_dim3A_44, %scan3A_672 = %broadcast_in_dim3A_44, %scan3A_673 = %broadcast_in_dim3A_44, %scan3A_674 = %broadcast_in_dim3A_44, %scan3A_675 = %scan3A_282, %scan3A_676 = %scan3A_283) -> (vector<16xf32>, vector<16xf32>, vector<16xf32>, vector<16xf32>, vector<16xf32>, vector<16xf32>, i32, i32)  : i32 {
        %mul3A_677 = arith.constant 8 : i32
        %mul3A_678 = arith.muli %scan3A_668, %mul3A_677 : i32
        %add3A_679 = arith.constant 0 : i32
        %add3A_680 = arith.addi %mul3A_678, %add3A_679 : i32
        %mul3A_681 = arith.constant 16 : i32
        %mul3A_682 = arith.muli %add3A_680, %mul3A_681 : i32
        %get3A_683 = arith.index_cast %mul3A_682 : i32 to index
        %get3A_684 = tpu.vector_load %arg8[%get3A_683] {strides = array<i32>} : memref<8192xf32, #tpu.memory_space<vmem>>, vector<16xf32>,
        %get3A_685 = arith.index_cast %mul3A_682 : i32 to index
        %get3A_686 = tpu.vector_load %arg9[%get3A_685] {strides = array<i32>} : memref<8192xf32, #tpu.memory_space<vmem>>, vector<16xf32>,
        %get3A_687 = arith.index_cast %mul3A_682 : i32 to index
        %get3A_688 = tpu.vector_load %arg10[%get3A_687] {strides = array<i32>} : memref<8192xf32, #tpu.memory_space<vmem>>, vector<16xf32>,
        %get3A_689 = arith.index_cast %mul3A_682 : i32 to index
        %get3A_690 = tpu.vector_load %arg11[%get3A_689] {strides = array<i32>} : memref<8192xf32, #tpu.memory_space<vmem>>, vector<16xf32>,
        %mul3A_691 = arith.mulf %bitcast3A_143, %get3A_684 : vector<16xf32>
        %mul3A_692 = arith.mulf %bitcast3A_158, %get3A_686 : vector<16xf32>
        %add3A_693 = arith.addf %mul3A_691, %mul3A_692 : vector<16xf32>
        %mul3A_694 = arith.mulf %bitcast3A_173, %get3A_688 : vector<16xf32>
        %add3A_695 = arith.addf %add3A_693, %mul3A_694 : vector<16xf32>
        %add3A_696 = arith.addf %add3A_130, %get3A_690 : vector<16xf32>
        %add3A_697 = arith.addf %add3A_695, %add3A_695 : vector<16xf32>
        %sub3A_698 = arith.subf %add3A_696, %add3A_697 : vector<16xf32>
        %mul3A_699 = arith.mulf %bitcast3A_251, %get3A_684 : vector<16xf32>
        %mul3A_700 = arith.mulf %bitcast3A_266, %get3A_686 : vector<16xf32>
        %add3A_701 = arith.addf %mul3A_699, %mul3A_700 : vector<16xf32>
        %mul3A_702 = arith.mulf %bitcast3A_281, %get3A_688 : vector<16xf32>
        %add3A_703 = arith.addf %add3A_701, %mul3A_702 : vector<16xf32>
        %add3A_704 = arith.addf %add3A_236, %get3A_690 : vector<16xf32>
        %add3A_705 = arith.addf %add3A_703, %add3A_703 : vector<16xf32>
        %sub3A_706 = arith.subf %add3A_704, %add3A_705 : vector<16xf32>
        %max3A_707 = arith.maximumf %scan3A_669, %sub3A_698 : vector<16xf32>
        %min3A = arith.minimumf %scan3A_670, %max3A_707 : vector<16xf32>
        %min3A_708 = arith.minimumf %scan3A_669, %sub3A_698 : vector<16xf32>
        %max3A_709 = arith.maximumf %scan3A_671, %sub3A_706 : vector<16xf32>
        %min3A_710 = arith.minimumf %scan3A_672, %max3A_709 : vector<16xf32>
        %min3A_711 = arith.minimumf %scan3A_671, %sub3A_706 : vector<16xf32>
        %mul3A_712 = arith.constant 16 : i32
        %mul3A_713 = arith.muli %add3A_680, %mul3A_712 : i32
        %add3A_714 = vector.broadcast %mul3A_713 : i32 to vector<16xi32>
        %add3A_715 = arith.addi %iota3A, %add3A_714 : vector<16xi32>
        %le3A = arith.cmpf ole, %sub3A_698, %scan3A_673 : vector<16xf32>
        %swap3A_716 = arith.index_cast %scan3A_675 : i32 to index
        %swap3A_717 = tpu.vector_load %arg16[%swap3A_716] masked %le3A {strides = array<i32>} : memref<8208xi32, #tpu.memory_space<vmem>>, vector<16xi32>, vector<16xi1>
        tpu.vector_store %arg16[%swap3A_716], %add3A_715 masked %le3A {strides = array<i32>} : memref<8208xi32, #tpu.memory_space<vmem>>, vector<16xi32>, vector<16xi1>
        %all_reduce_population_count3A = tpu.all_reduce %le3A {dim = 0 : i64, kind = #tpu.reduction_kind<sum>} : vector<16xi1> -> vector<16xi32>
        %slice3A = vector.extract_strided_slice %all_reduce_population_count3A {offsets = [0], sizes = [1], strides = [1]} : vector<16xi32> to vector<1xi32>
        %squeeze3A = vector.extract %slice3A[0] : i32 from vector<1xi32>
        %add3A_718 = arith.addi %scan3A_675, %squeeze3A : i32
        %le3A_719 = arith.cmpf ole, %sub3A_706, %scan3A_674 : vector<16xf32>
        %swap3A_720 = arith.index_cast %scan3A_676 : i32 to index
        %swap3A_721 = tpu.vector_load %arg18[%swap3A_720] masked %le3A_719 {strides = array<i32>} : memref<8208xi32, #tpu.memory_space<vmem>>, vector<16xi32>, vector<16xi1>
        tpu.vector_store %arg18[%swap3A_720], %add3A_715 masked %le3A_719 {strides = array<i32>} : memref<8208xi32, #tpu.memory_space<vmem>>, vector<16xi32>, vector<16xi1>
        %all_reduce_population_count3A_722 = tpu.all_reduce %le3A_719 {dim = 0 : i64, kind = #tpu.reduction_kind<sum>} : vector<16xi1> -> vector<16xi32>
        %slice3A_723 = vector.extract_strided_slice %all_reduce_population_count3A_722 {offsets = [0], sizes = [1], strides = [1]} : vector<16xi32> to vector<1xi32>
        %squeeze3A_724 = vector.extract %slice3A_723[0] : i32 from vector<1xi32>
        %add3A_725 = arith.addi %scan3A_676, %squeeze3A_724 : i32
        %mul3A_726 = arith.constant 8 : i32
        %mul3A_727 = arith.muli %scan3A_668, %mul3A_726 : i32
        %add3A_728 = arith.constant 1 : i32
        %add3A_729 = arith.addi %mul3A_727, %add3A_728 : i32
        %mul3A_730 = arith.constant 16 : i32
        %mul3A_731 = arith.muli %add3A_729, %mul3A_730 : i32
        %get3A_732 = arith.index_cast %mul3A_731 : i32 to index
        %get3A_733 = tpu.vector_load %arg8[%get3A_732] {strides = array<i32>} : memref<8192xf32, #tpu.memory_space<vmem>>, vector<16xf32>,
        %get3A_734 = arith.index_cast %mul3A_731 : i32 to index
        %get3A_735 = tpu.vector_load %arg9[%get3A_734] {strides = array<i32>} : memref<8192xf32, #tpu.memory_space<vmem>>, vector<16xf32>,
        %get3A_736 = arith.index_cast %mul3A_731 : i32 to index
        %get3A_737 = tpu.vector_load %arg10[%get3A_736] {strides = array<i32>} : memref<8192xf32, #tpu.memory_space<vmem>>, vector<16xf32>,
        %get3A_738 = arith.index_cast %mul3A_731 : i32 to index
        %get3A_739 = tpu.vector_load %arg11[%get3A_738] {strides = array<i32>} : memref<8192xf32, #tpu.memory_space<vmem>>, vector<16xf32>,
        %mul3A_740 = arith.mulf %bitcast3A_143, %get3A_733 : vector<16xf32>
        %mul3A_741 = arith.mulf %bitcast3A_158, %get3A_735 : vector<16xf32>
        %add3A_742 = arith.addf %mul3A_740, %mul3A_741 : vector<16xf32>
        %mul3A_743 = arith.mulf %bitcast3A_173, %get3A_737 : vector<16xf32>
        %add3A_744 = arith.addf %add3A_742, %mul3A_743 : vector<16xf32>
        %add3A_745 = arith.addf %add3A_130, %get3A_739 : vector<16xf32>
        %add3A_746 = arith.addf %add3A_744, %add3A_744 : vector<16xf32>
        %sub3A_747 = arith.subf %add3A_745, %add3A_746 : vector<16xf32>
        %mul3A_748 = arith.mulf %bitcast3A_251, %get3A_733 : vector<16xf32>
        %mul3A_749 = arith.mulf %bitcast3A_266, %get3A_735 : vector<16xf32>
        %add3A_750 = arith.addf %mul3A_748, %mul3A_749 : vector<16xf32>
        %mul3A_751 = arith.mulf %bitcast3A_281, %get3A_737 : vector<16xf32>
        %add3A_752 = arith.addf %add3A_750, %mul3A_751 : vector<16xf32>
        %add3A_753 = arith.addf %add3A_236, %get3A_739 : vector<16xf32>
        %add3A_754 = arith.addf %add3A_752, %add3A_752 : vector<16xf32>
        %sub3A_755 = arith.subf %add3A_753, %add3A_754 : vector<16xf32>
        %max3A_756 = arith.maximumf %min3A_708, %sub3A_747 : vector<16xf32>
        %min3A_757 = arith.minimumf %min3A, %max3A_756 : vector<16xf32>
        %min3A_758 = arith.minimumf %min3A_708, %sub3A_747 : vector<16xf32>
        %max3A_759 = arith.maximumf %min3A_711, %sub3A_755 : vector<16xf32>
        %min3A_760 = arith.minimumf %min3A_710, %max3A_759 : vector<16xf32>
        %min3A_761 = arith.minimumf %min3A_711, %sub3A_755 : vector<16xf32>
        %mul3A_762 = arith.constant 16 : i32
        %mul3A_763 = arith.muli %add3A_729, %mul3A_762 : i32
        %add3A_764 = vector.broadcast %mul3A_763 : i32 to vector<16xi32>
        %add3A_765 = arith.addi %iota3A, %add3A_764 : vector<16xi32>
        %le3A_766 = arith.cmpf ole, %sub3A_747, %scan3A_673 : vector<16xf32>
        %swap3A_767 = arith.index_cast %add3A_718 : i32 to index
        %swap3A_768 = tpu.vector_load %arg16[%swap3A_767] masked %le3A_766 {strides = array<i32>} : memref<8208xi32, #tpu.memory_space<vmem>>, vector<16xi32>, vector<16xi1>
        tpu.vector_store %arg16[%swap3A_767], %add3A_765 masked %le3A_766 {strides = array<i32>} : memref<8208xi32, #tpu.memory_space<vmem>>, vector<16xi32>, vector<16xi1>
        %all_reduce_population_count3A_769 = tpu.all_reduce %le3A_766 {dim = 0 : i64, kind = #tpu.reduction_kind<sum>} : vector<16xi1> -> vector<16xi32>
        %slice3A_770 = vector.extract_strided_slice %all_reduce_population_count3A_769 {offsets = [0], sizes = [1], strides = [1]} : vector<16xi32> to vector<1xi32>
        %squeeze3A_771 = vector.extract %slice3A_770[0] : i32 from vector<1xi32>
        %add3A_772 = arith.addi %add3A_718, %squeeze3A_771 : i32
        %le3A_773 = arith.cmpf ole, %sub3A_755, %scan3A_674 : vector<16xf32>
        %swap3A_774 = arith.index_cast %add3A_725 : i32 to index
        %swap3A_775 = tpu.vector_load %arg18[%swap3A_774] masked %le3A_773 {strides = array<i32>} : memref<8208xi32, #tpu.memory_space<vmem>>, vector<16xi32>, vector<16xi1>
        tpu.vector_store %arg18[%swap3A_774], %add3A_765 masked %le3A_773 {strides = array<i32>} : memref<8208xi32, #tpu.memory_space<vmem>>, vector<16xi32>, vector<16xi1>
        %all_reduce_population_count3A_776 = tpu.all_reduce %le3A_773 {dim = 0 : i64, kind = #tpu.reduction_kind<sum>} : vector<16xi1> -> vector<16xi32>
        %slice3A_777 = vector.extract_strided_slice %all_reduce_population_count3A_776 {offsets = [0], sizes = [1], strides = [1]} : vector<16xi32> to vector<1xi32>
        %squeeze3A_778 = vector.extract %slice3A_777[0] : i32 from vector<1xi32>
        %add3A_779 = arith.addi %add3A_725, %squeeze3A_778 : i32
        %mul3A_780 = arith.constant 8 : i32
        %mul3A_781 = arith.muli %scan3A_668, %mul3A_780 : i32
        %add3A_782 = arith.constant 2 : i32
        %add3A_783 = arith.addi %mul3A_781, %add3A_782 : i32
        %mul3A_784 = arith.constant 16 : i32
        %mul3A_785 = arith.muli %add3A_783, %mul3A_784 : i32
        %get3A_786 = arith.index_cast %mul3A_785 : i32 to index
        %get3A_787 = tpu.vector_load %arg8[%get3A_786] {strides = array<i32>} : memref<8192xf32, #tpu.memory_space<vmem>>, vector<16xf32>,
        %get3A_788 = arith.index_cast %mul3A_785 : i32 to index
        %get3A_789 = tpu.vector_load %arg9[%get3A_788] {strides = array<i32>} : memref<8192xf32, #tpu.memory_space<vmem>>, vector<16xf32>,
        %get3A_790 = arith.index_cast %mul3A_785 : i32 to index
        %get3A_791 = tpu.vector_load %arg10[%get3A_790] {strides = array<i32>} : memref<8192xf32, #tpu.memory_space<vmem>>, vector<16xf32>,
        %get3A_792 = arith.index_cast %mul3A_785 : i32 to index
        %get3A_793 = tpu.vector_load %arg11[%get3A_792] {strides = array<i32>} : memref<8192xf32, #tpu.memory_space<vmem>>, vector<16xf32>,
        %mul3A_794 = arith.mulf %bitcast3A_143, %get3A_787 : vector<16xf32>
        %mul3A_795 = arith.mulf %bitcast3A_158, %get3A_789 : vector<16xf32>
        %add3A_796 = arith.addf %mul3A_794, %mul3A_795 : vector<16xf32>
        %mul3A_797 = arith.mulf %bitcast3A_173, %get3A_791 : vector<16xf32>
        %add3A_798 = arith.addf %add3A_796, %mul3A_797 : vector<16xf32>
        %add3A_799 = arith.addf %add3A_130, %get3A_793 : vector<16xf32>
        %add3A_800 = arith.addf %add3A_798, %add3A_798 : vector<16xf32>
        %sub3A_801 = arith.subf %add3A_799, %add3A_800 : vector<16xf32>
        %mul3A_802 = arith.mulf %bitcast3A_251, %get3A_787 : vector<16xf32>
        %mul3A_803 = arith.mulf %bitcast3A_266, %get3A_789 : vector<16xf32>
        %add3A_804 = arith.addf %mul3A_802, %mul3A_803 : vector<16xf32>
        %mul3A_805 = arith.mulf %bitcast3A_281, %get3A_791 : vector<16xf32>
        %add3A_806 = arith.addf %add3A_804, %mul3A_805 : vector<16xf32>
        %add3A_807 = arith.addf %add3A_236, %get3A_793 : vector<16xf32>
        %add3A_808 = arith.addf %add3A_806, %add3A_806 : vector<16xf32>
        %sub3A_809 = arith.subf %add3A_807, %add3A_808 : vector<16xf32>
        %max3A_810 = arith.maximumf %min3A_758, %sub3A_801 : vector<16xf32>
        %min3A_811 = arith.minimumf %min3A_757, %max3A_810 : vector<16xf32>
        %min3A_812 = arith.minimumf %min3A_758, %sub3A_801 : vector<16xf32>
        %max3A_813 = arith.maximumf %min3A_761, %sub3A_809 : vector<16xf32>
        %min3A_814 = arith.minimumf %min3A_760, %max3A_813 : vector<16xf32>
        %min3A_815 = arith.minimumf %min3A_761, %sub3A_809 : vector<16xf32>
        %mul3A_816 = arith.constant 16 : i32
        %mul3A_817 = arith.muli %add3A_783, %mul3A_816 : i32
        %add3A_818 = vector.broadcast %mul3A_817 : i32 to vector<16xi32>
        %add3A_819 = arith.addi %iota3A, %add3A_818 : vector<16xi32>
        %le3A_820 = arith.cmpf ole, %sub3A_801, %scan3A_673 : vector<16xf32>
        %swap3A_821 = arith.index_cast %add3A_772 : i32 to index
        %swap3A_822 = tpu.vector_load %arg16[%swap3A_821] masked %le3A_820 {strides = array<i32>} : memref<8208xi32, #tpu.memory_space<vmem>>, vector<16xi32>, vector<16xi1>
        tpu.vector_store %arg16[%swap3A_821], %add3A_819 masked %le3A_820 {strides = array<i32>} : memref<8208xi32, #tpu.memory_space<vmem>>, vector<16xi32>, vector<16xi1>
        %all_reduce_population_count3A_823 = tpu.all_reduce %le3A_820 {dim = 0 : i64, kind = #tpu.reduction_kind<sum>} : vector<16xi1> -> vector<16xi32>
        %slice3A_824 = vector.extract_strided_slice %all_reduce_population_count3A_823 {offsets = [0], sizes = [1], strides = [1]} : vector<16xi32> to vector<1xi32>
        %squeeze3A_825 = vector.extract %slice3A_824[0] : i32 from vector<1xi32>
        %add3A_826 = arith.addi %add3A_772, %squeeze3A_825 : i32
        %le3A_827 = arith.cmpf ole, %sub3A_809, %scan3A_674 : vector<16xf32>
        %swap3A_828 = arith.index_cast %add3A_779 : i32 to index
        %swap3A_829 = tpu.vector_load %arg18[%swap3A_828] masked %le3A_827 {strides = array<i32>} : memref<8208xi32, #tpu.memory_space<vmem>>, vector<16xi32>, vector<16xi1>
        tpu.vector_store %arg18[%swap3A_828], %add3A_819 masked %le3A_827 {strides = array<i32>} : memref<8208xi32, #tpu.memory_space<vmem>>, vector<16xi32>, vector<16xi1>
        %all_reduce_population_count3A_830 = tpu.all_reduce %le3A_827 {dim = 0 : i64, kind = #tpu.reduction_kind<sum>} : vector<16xi1> -> vector<16xi32>
        %slice3A_831 = vector.extract_strided_slice %all_reduce_population_count3A_830 {offsets = [0], sizes = [1], strides = [1]} : vector<16xi32> to vector<1xi32>
        %squeeze3A_832 = vector.extract %slice3A_831[0] : i32 from vector<1xi32>
        %add3A_833 = arith.addi %add3A_779, %squeeze3A_832 : i32
        %mul3A_834 = arith.constant 8 : i32
        %mul3A_835 = arith.muli %scan3A_668, %mul3A_834 : i32
        %add3A_836 = arith.constant 3 : i32
        %add3A_837 = arith.addi %mul3A_835, %add3A_836 : i32
        %mul3A_838 = arith.constant 16 : i32
        %mul3A_839 = arith.muli %add3A_837, %mul3A_838 : i32
        %get3A_840 = arith.index_cast %mul3A_839 : i32 to index
        %get3A_841 = tpu.vector_load %arg8[%get3A_840] {strides = array<i32>} : memref<8192xf32, #tpu.memory_space<vmem>>, vector<16xf32>,
        %get3A_842 = arith.index_cast %mul3A_839 : i32 to index
        %get3A_843 = tpu.vector_load %arg9[%get3A_842] {strides = array<i32>} : memref<8192xf32, #tpu.memory_space<vmem>>, vector<16xf32>,
        %get3A_844 = arith.index_cast %mul3A_839 : i32 to index
        %get3A_845 = tpu.vector_load %arg10[%get3A_844] {strides = array<i32>} : memref<8192xf32, #tpu.memory_space<vmem>>, vector<16xf32>,
        %get3A_846 = arith.index_cast %mul3A_839 : i32 to index
        %get3A_847 = tpu.vector_load %arg11[%get3A_846] {strides = array<i32>} : memref<8192xf32, #tpu.memory_space<vmem>>, vector<16xf32>,
        %mul3A_848 = arith.mulf %bitcast3A_143, %get3A_841 : vector<16xf32>
        %mul3A_849 = arith.mulf %bitcast3A_158, %get3A_843 : vector<16xf32>
        %add3A_850 = arith.addf %mul3A_848, %mul3A_849 : vector<16xf32>
        %mul3A_851 = arith.mulf %bitcast3A_173, %get3A_845 : vector<16xf32>
        %add3A_852 = arith.addf %add3A_850, %mul3A_851 : vector<16xf32>
        %add3A_853 = arith.addf %add3A_130, %get3A_847 : vector<16xf32>
        %add3A_854 = arith.addf %add3A_852, %add3A_852 : vector<16xf32>
        %sub3A_855 = arith.subf %add3A_853, %add3A_854 : vector<16xf32>
        %mul3A_856 = arith.mulf %bitcast3A_251, %get3A_841 : vector<16xf32>
        %mul3A_857 = arith.mulf %bitcast3A_266, %get3A_843 : vector<16xf32>
        %add3A_858 = arith.addf %mul3A_856, %mul3A_857 : vector<16xf32>
        %mul3A_859 = arith.mulf %bitcast3A_281, %get3A_845 : vector<16xf32>
        %add3A_860 = arith.addf %add3A_858, %mul3A_859 : vector<16xf32>
        %add3A_861 = arith.addf %add3A_236, %get3A_847 : vector<16xf32>
        %add3A_862 = arith.addf %add3A_860, %add3A_860 : vector<16xf32>
        %sub3A_863 = arith.subf %add3A_861, %add3A_862 : vector<16xf32>
        %max3A_864 = arith.maximumf %min3A_812, %sub3A_855 : vector<16xf32>
        %min3A_865 = arith.minimumf %min3A_811, %max3A_864 : vector<16xf32>
        %min3A_866 = arith.minimumf %min3A_812, %sub3A_855 : vector<16xf32>
        %max3A_867 = arith.maximumf %min3A_815, %sub3A_863 : vector<16xf32>
        %min3A_868 = arith.minimumf %min3A_814, %max3A_867 : vector<16xf32>
        %min3A_869 = arith.minimumf %min3A_815, %sub3A_863 : vector<16xf32>
        %mul3A_870 = arith.constant 16 : i32
        %mul3A_871 = arith.muli %add3A_837, %mul3A_870 : i32
        %add3A_872 = vector.broadcast %mul3A_871 : i32 to vector<16xi32>
        %add3A_873 = arith.addi %iota3A, %add3A_872 : vector<16xi32>
        %le3A_874 = arith.cmpf ole, %sub3A_855, %scan3A_673 : vector<16xf32>
        %swap3A_875 = arith.index_cast %add3A_826 : i32 to index
        %swap3A_876 = tpu.vector_load %arg16[%swap3A_875] masked %le3A_874 {strides = array<i32>} : memref<8208xi32, #tpu.memory_space<vmem>>, vector<16xi32>, vector<16xi1>
        tpu.vector_store %arg16[%swap3A_875], %add3A_873 masked %le3A_874 {strides = array<i32>} : memref<8208xi32, #tpu.memory_space<vmem>>, vector<16xi32>, vector<16xi1>
        %all_reduce_population_count3A_877 = tpu.all_reduce %le3A_874 {dim = 0 : i64, kind = #tpu.reduction_kind<sum>} : vector<16xi1> -> vector<16xi32>
        %slice3A_878 = vector.extract_strided_slice %all_reduce_population_count3A_877 {offsets = [0], sizes = [1], strides = [1]} : vector<16xi32> to vector<1xi32>
        %squeeze3A_879 = vector.extract %slice3A_878[0] : i32 from vector<1xi32>
        %add3A_880 = arith.addi %add3A_826, %squeeze3A_879 : i32
        %le3A_881 = arith.cmpf ole, %sub3A_863, %scan3A_674 : vector<16xf32>
        %swap3A_882 = arith.index_cast %add3A_833 : i32 to index
        %swap3A_883 = tpu.vector_load %arg18[%swap3A_882] masked %le3A_881 {strides = array<i32>} : memref<8208xi32, #tpu.memory_space<vmem>>, vector<16xi32>, vector<16xi1>
        tpu.vector_store %arg18[%swap3A_882], %add3A_873 masked %le3A_881 {strides = array<i32>} : memref<8208xi32, #tpu.memory_space<vmem>>, vector<16xi32>, vector<16xi1>
        %all_reduce_population_count3A_884 = tpu.all_reduce %le3A_881 {dim = 0 : i64, kind = #tpu.reduction_kind<sum>} : vector<16xi1> -> vector<16xi32>
        %slice3A_885 = vector.extract_strided_slice %all_reduce_population_count3A_884 {offsets = [0], sizes = [1], strides = [1]} : vector<16xi32> to vector<1xi32>
        %squeeze3A_886 = vector.extract %slice3A_885[0] : i32 from vector<1xi32>
        %add3A_887 = arith.addi %add3A_833, %squeeze3A_886 : i32
        %mul3A_888 = arith.constant 8 : i32
        %mul3A_889 = arith.muli %scan3A_668, %mul3A_888 : i32
        %add3A_890 = arith.constant 4 : i32
        %add3A_891 = arith.addi %mul3A_889, %add3A_890 : i32
        %mul3A_892 = arith.constant 16 : i32
        %mul3A_893 = arith.muli %add3A_891, %mul3A_892 : i32
        %get3A_894 = arith.index_cast %mul3A_893 : i32 to index
        %get3A_895 = tpu.vector_load %arg8[%get3A_894] {strides = array<i32>} : memref<8192xf32, #tpu.memory_space<vmem>>, vector<16xf32>,
        %get3A_896 = arith.index_cast %mul3A_893 : i32 to index
        %get3A_897 = tpu.vector_load %arg9[%get3A_896] {strides = array<i32>} : memref<8192xf32, #tpu.memory_space<vmem>>, vector<16xf32>,
        %get3A_898 = arith.index_cast %mul3A_893 : i32 to index
        %get3A_899 = tpu.vector_load %arg10[%get3A_898] {strides = array<i32>} : memref<8192xf32, #tpu.memory_space<vmem>>, vector<16xf32>,
        %get3A_900 = arith.index_cast %mul3A_893 : i32 to index
        %get3A_901 = tpu.vector_load %arg11[%get3A_900] {strides = array<i32>} : memref<8192xf32, #tpu.memory_space<vmem>>, vector<16xf32>,
        %mul3A_902 = arith.mulf %bitcast3A_143, %get3A_895 : vector<16xf32>
        %mul3A_903 = arith.mulf %bitcast3A_158, %get3A_897 : vector<16xf32>
        %add3A_904 = arith.addf %mul3A_902, %mul3A_903 : vector<16xf32>
        %mul3A_905 = arith.mulf %bitcast3A_173, %get3A_899 : vector<16xf32>
        %add3A_906 = arith.addf %add3A_904, %mul3A_905 : vector<16xf32>
        %add3A_907 = arith.addf %add3A_130, %get3A_901 : vector<16xf32>
        %add3A_908 = arith.addf %add3A_906, %add3A_906 : vector<16xf32>
        %sub3A_909 = arith.subf %add3A_907, %add3A_908 : vector<16xf32>
        %mul3A_910 = arith.mulf %bitcast3A_251, %get3A_895 : vector<16xf32>
        %mul3A_911 = arith.mulf %bitcast3A_266, %get3A_897 : vector<16xf32>
        %add3A_912 = arith.addf %mul3A_910, %mul3A_911 : vector<16xf32>
        %mul3A_913 = arith.mulf %bitcast3A_281, %get3A_899 : vector<16xf32>
        %add3A_914 = arith.addf %add3A_912, %mul3A_913 : vector<16xf32>
        %add3A_915 = arith.addf %add3A_236, %get3A_901 : vector<16xf32>
        %add3A_916 = arith.addf %add3A_914, %add3A_914 : vector<16xf32>
        %sub3A_917 = arith.subf %add3A_915, %add3A_916 : vector<16xf32>
        %max3A_918 = arith.maximumf %min3A_866, %sub3A_909 : vector<16xf32>
        %min3A_919 = arith.minimumf %min3A_865, %max3A_918 : vector<16xf32>
        %min3A_920 = arith.minimumf %min3A_866, %sub3A_909 : vector<16xf32>
        %max3A_921 = arith.maximumf %min3A_869, %sub3A_917 : vector<16xf32>
        %min3A_922 = arith.minimumf %min3A_868, %max3A_921 : vector<16xf32>
        %min3A_923 = arith.minimumf %min3A_869, %sub3A_917 : vector<16xf32>
        %mul3A_924 = arith.constant 16 : i32
        %mul3A_925 = arith.muli %add3A_891, %mul3A_924 : i32
        %add3A_926 = vector.broadcast %mul3A_925 : i32 to vector<16xi32>
        %add3A_927 = arith.addi %iota3A, %add3A_926 : vector<16xi32>
        %le3A_928 = arith.cmpf ole, %sub3A_909, %scan3A_673 : vector<16xf32>
        %swap3A_929 = arith.index_cast %add3A_880 : i32 to index
        %swap3A_930 = tpu.vector_load %arg16[%swap3A_929] masked %le3A_928 {strides = array<i32>} : memref<8208xi32, #tpu.memory_space<vmem>>, vector<16xi32>, vector<16xi1>
        tpu.vector_store %arg16[%swap3A_929], %add3A_927 masked %le3A_928 {strides = array<i32>} : memref<8208xi32, #tpu.memory_space<vmem>>, vector<16xi32>, vector<16xi1>
        %all_reduce_population_count3A_931 = tpu.all_reduce %le3A_928 {dim = 0 : i64, kind = #tpu.reduction_kind<sum>} : vector<16xi1> -> vector<16xi32>
        %slice3A_932 = vector.extract_strided_slice %all_reduce_population_count3A_931 {offsets = [0], sizes = [1], strides = [1]} : vector<16xi32> to vector<1xi32>
        %squeeze3A_933 = vector.extract %slice3A_932[0] : i32 from vector<1xi32>
        %add3A_934 = arith.addi %add3A_880, %squeeze3A_933 : i32
        %le3A_935 = arith.cmpf ole, %sub3A_917, %scan3A_674 : vector<16xf32>
        %swap3A_936 = arith.index_cast %add3A_887 : i32 to index
        %swap3A_937 = tpu.vector_load %arg18[%swap3A_936] masked %le3A_935 {strides = array<i32>} : memref<8208xi32, #tpu.memory_space<vmem>>, vector<16xi32>, vector<16xi1>
        tpu.vector_store %arg18[%swap3A_936], %add3A_927 masked %le3A_935 {strides = array<i32>} : memref<8208xi32, #tpu.memory_space<vmem>>, vector<16xi32>, vector<16xi1>
        %all_reduce_population_count3A_938 = tpu.all_reduce %le3A_935 {dim = 0 : i64, kind = #tpu.reduction_kind<sum>} : vector<16xi1> -> vector<16xi32>
        %slice3A_939 = vector.extract_strided_slice %all_reduce_population_count3A_938 {offsets = [0], sizes = [1], strides = [1]} : vector<16xi32> to vector<1xi32>
        %squeeze3A_940 = vector.extract %slice3A_939[0] : i32 from vector<1xi32>
        %add3A_941 = arith.addi %add3A_887, %squeeze3A_940 : i32
        %mul3A_942 = arith.constant 8 : i32
        %mul3A_943 = arith.muli %scan3A_668, %mul3A_942 : i32
        %add3A_944 = arith.constant 5 : i32
        %add3A_945 = arith.addi %mul3A_943, %add3A_944 : i32
        %mul3A_946 = arith.constant 16 : i32
        %mul3A_947 = arith.muli %add3A_945, %mul3A_946 : i32
        %get3A_948 = arith.index_cast %mul3A_947 : i32 to index
        %get3A_949 = tpu.vector_load %arg8[%get3A_948] {strides = array<i32>} : memref<8192xf32, #tpu.memory_space<vmem>>, vector<16xf32>,
        %get3A_950 = arith.index_cast %mul3A_947 : i32 to index
        %get3A_951 = tpu.vector_load %arg9[%get3A_950] {strides = array<i32>} : memref<8192xf32, #tpu.memory_space<vmem>>, vector<16xf32>,
        %get3A_952 = arith.index_cast %mul3A_947 : i32 to index
        %get3A_953 = tpu.vector_load %arg10[%get3A_952] {strides = array<i32>} : memref<8192xf32, #tpu.memory_space<vmem>>, vector<16xf32>,
        %get3A_954 = arith.index_cast %mul3A_947 : i32 to index
        %get3A_955 = tpu.vector_load %arg11[%get3A_954] {strides = array<i32>} : memref<8192xf32, #tpu.memory_space<vmem>>, vector<16xf32>,
        %mul3A_956 = arith.mulf %bitcast3A_143, %get3A_949 : vector<16xf32>
        %mul3A_957 = arith.mulf %bitcast3A_158, %get3A_951 : vector<16xf32>
        %add3A_958 = arith.addf %mul3A_956, %mul3A_957 : vector<16xf32>
        %mul3A_959 = arith.mulf %bitcast3A_173, %get3A_953 : vector<16xf32>
        %add3A_960 = arith.addf %add3A_958, %mul3A_959 : vector<16xf32>
        %add3A_961 = arith.addf %add3A_130, %get3A_955 : vector<16xf32>
        %add3A_962 = arith.addf %add3A_960, %add3A_960 : vector<16xf32>
        %sub3A_963 = arith.subf %add3A_961, %add3A_962 : vector<16xf32>
        %mul3A_964 = arith.mulf %bitcast3A_251, %get3A_949 : vector<16xf32>
        %mul3A_965 = arith.mulf %bitcast3A_266, %get3A_951 : vector<16xf32>
        %add3A_966 = arith.addf %mul3A_964, %mul3A_965 : vector<16xf32>
        %mul3A_967 = arith.mulf %bitcast3A_281, %get3A_953 : vector<16xf32>
        %add3A_968 = arith.addf %add3A_966, %mul3A_967 : vector<16xf32>
        %add3A_969 = arith.addf %add3A_236, %get3A_955 : vector<16xf32>
        %add3A_970 = arith.addf %add3A_968, %add3A_968 : vector<16xf32>
        %sub3A_971 = arith.subf %add3A_969, %add3A_970 : vector<16xf32>
        %max3A_972 = arith.maximumf %min3A_920, %sub3A_963 : vector<16xf32>
        %min3A_973 = arith.minimumf %min3A_919, %max3A_972 : vector<16xf32>
        %min3A_974 = arith.minimumf %min3A_920, %sub3A_963 : vector<16xf32>
        %max3A_975 = arith.maximumf %min3A_923, %sub3A_971 : vector<16xf32>
        %min3A_976 = arith.minimumf %min3A_922, %max3A_975 : vector<16xf32>
        %min3A_977 = arith.minimumf %min3A_923, %sub3A_971 : vector<16xf32>
        %mul3A_978 = arith.constant 16 : i32
        %mul3A_979 = arith.muli %add3A_945, %mul3A_978 : i32
        %add3A_980 = vector.broadcast %mul3A_979 : i32 to vector<16xi32>
        %add3A_981 = arith.addi %iota3A, %add3A_980 : vector<16xi32>
        %le3A_982 = arith.cmpf ole, %sub3A_963, %scan3A_673 : vector<16xf32>
        %swap3A_983 = arith.index_cast %add3A_934 : i32 to index
        %swap3A_984 = tpu.vector_load %arg16[%swap3A_983] masked %le3A_982 {strides = array<i32>} : memref<8208xi32, #tpu.memory_space<vmem>>, vector<16xi32>, vector<16xi1>
        tpu.vector_store %arg16[%swap3A_983], %add3A_981 masked %le3A_982 {strides = array<i32>} : memref<8208xi32, #tpu.memory_space<vmem>>, vector<16xi32>, vector<16xi1>
        %all_reduce_population_count3A_985 = tpu.all_reduce %le3A_982 {dim = 0 : i64, kind = #tpu.reduction_kind<sum>} : vector<16xi1> -> vector<16xi32>
        %slice3A_986 = vector.extract_strided_slice %all_reduce_population_count3A_985 {offsets = [0], sizes = [1], strides = [1]} : vector<16xi32> to vector<1xi32>
        %squeeze3A_987 = vector.extract %slice3A_986[0] : i32 from vector<1xi32>
        %add3A_988 = arith.addi %add3A_934, %squeeze3A_987 : i32
        %le3A_989 = arith.cmpf ole, %sub3A_971, %scan3A_674 : vector<16xf32>
        %swap3A_990 = arith.index_cast %add3A_941 : i32 to index
        %swap3A_991 = tpu.vector_load %arg18[%swap3A_990] masked %le3A_989 {strides = array<i32>} : memref<8208xi32, #tpu.memory_space<vmem>>, vector<16xi32>, vector<16xi1>
        tpu.vector_store %arg18[%swap3A_990], %add3A_981 masked %le3A_989 {strides = array<i32>} : memref<8208xi32, #tpu.memory_space<vmem>>, vector<16xi32>, vector<16xi1>
        %all_reduce_population_count3A_992 = tpu.all_reduce %le3A_989 {dim = 0 : i64, kind = #tpu.reduction_kind<sum>} : vector<16xi1> -> vector<16xi32>
        %slice3A_993 = vector.extract_strided_slice %all_reduce_population_count3A_992 {offsets = [0], sizes = [1], strides = [1]} : vector<16xi32> to vector<1xi32>
        %squeeze3A_994 = vector.extract %slice3A_993[0] : i32 from vector<1xi32>
        %add3A_995 = arith.addi %add3A_941, %squeeze3A_994 : i32
        %mul3A_996 = arith.constant 8 : i32
        %mul3A_997 = arith.muli %scan3A_668, %mul3A_996 : i32
        %add3A_998 = arith.constant 6 : i32
        %add3A_999 = arith.addi %mul3A_997, %add3A_998 : i32
        %mul3A_1000 = arith.constant 16 : i32
        %mul3A_1001 = arith.muli %add3A_999, %mul3A_1000 : i32
        %get3A_1002 = arith.index_cast %mul3A_1001 : i32 to index
        %get3A_1003 = tpu.vector_load %arg8[%get3A_1002] {strides = array<i32>} : memref<8192xf32, #tpu.memory_space<vmem>>, vector<16xf32>,
        %get3A_1004 = arith.index_cast %mul3A_1001 : i32 to index
        %get3A_1005 = tpu.vector_load %arg9[%get3A_1004] {strides = array<i32>} : memref<8192xf32, #tpu.memory_space<vmem>>, vector<16xf32>,
        %get3A_1006 = arith.index_cast %mul3A_1001 : i32 to index
        %get3A_1007 = tpu.vector_load %arg10[%get3A_1006] {strides = array<i32>} : memref<8192xf32, #tpu.memory_space<vmem>>, vector<16xf32>,
        %get3A_1008 = arith.index_cast %mul3A_1001 : i32 to index
        %get3A_1009 = tpu.vector_load %arg11[%get3A_1008] {strides = array<i32>} : memref<8192xf32, #tpu.memory_space<vmem>>, vector<16xf32>,
        %mul3A_1010 = arith.mulf %bitcast3A_143, %get3A_1003 : vector<16xf32>
        %mul3A_1011 = arith.mulf %bitcast3A_158, %get3A_1005 : vector<16xf32>
        %add3A_1012 = arith.addf %mul3A_1010, %mul3A_1011 : vector<16xf32>
        %mul3A_1013 = arith.mulf %bitcast3A_173, %get3A_1007 : vector<16xf32>
        %add3A_1014 = arith.addf %add3A_1012, %mul3A_1013 : vector<16xf32>
        %add3A_1015 = arith.addf %add3A_130, %get3A_1009 : vector<16xf32>
        %add3A_1016 = arith.addf %add3A_1014, %add3A_1014 : vector<16xf32>
        %sub3A_1017 = arith.subf %add3A_1015, %add3A_1016 : vector<16xf32>
        %mul3A_1018 = arith.mulf %bitcast3A_251, %get3A_1003 : vector<16xf32>
        %mul3A_1019 = arith.mulf %bitcast3A_266, %get3A_1005 : vector<16xf32>
        %add3A_1020 = arith.addf %mul3A_1018, %mul3A_1019 : vector<16xf32>
        %mul3A_1021 = arith.mulf %bitcast3A_281, %get3A_1007 : vector<16xf32>
        %add3A_1022 = arith.addf %add3A_1020, %mul3A_1021 : vector<16xf32>
        %add3A_1023 = arith.addf %add3A_236, %get3A_1009 : vector<16xf32>
        %add3A_1024 = arith.addf %add3A_1022, %add3A_1022 : vector<16xf32>
        %sub3A_1025 = arith.subf %add3A_1023, %add3A_1024 : vector<16xf32>
        %max3A_1026 = arith.maximumf %min3A_974, %sub3A_1017 : vector<16xf32>
        %min3A_1027 = arith.minimumf %min3A_973, %max3A_1026 : vector<16xf32>
        %min3A_1028 = arith.minimumf %min3A_974, %sub3A_1017 : vector<16xf32>
        %max3A_1029 = arith.maximumf %min3A_977, %sub3A_1025 : vector<16xf32>
        %min3A_1030 = arith.minimumf %min3A_976, %max3A_1029 : vector<16xf32>
        %min3A_1031 = arith.minimumf %min3A_977, %sub3A_1025 : vector<16xf32>
        %mul3A_1032 = arith.constant 16 : i32
        %mul3A_1033 = arith.muli %add3A_999, %mul3A_1032 : i32
        %add3A_1034 = vector.broadcast %mul3A_1033 : i32 to vector<16xi32>
        %add3A_1035 = arith.addi %iota3A, %add3A_1034 : vector<16xi32>
        %le3A_1036 = arith.cmpf ole, %sub3A_1017, %scan3A_673 : vector<16xf32>
        %swap3A_1037 = arith.index_cast %add3A_988 : i32 to index
        %swap3A_1038 = tpu.vector_load %arg16[%swap3A_1037] masked %le3A_1036 {strides = array<i32>} : memref<8208xi32, #tpu.memory_space<vmem>>, vector<16xi32>, vector<16xi1>
        tpu.vector_store %arg16[%swap3A_1037], %add3A_1035 masked %le3A_1036 {strides = array<i32>} : memref<8208xi32, #tpu.memory_space<vmem>>, vector<16xi32>, vector<16xi1>
        %all_reduce_population_count3A_1039 = tpu.all_reduce %le3A_1036 {dim = 0 : i64, kind = #tpu.reduction_kind<sum>} : vector<16xi1> -> vector<16xi32>
        %slice3A_1040 = vector.extract_strided_slice %all_reduce_population_count3A_1039 {offsets = [0], sizes = [1], strides = [1]} : vector<16xi32> to vector<1xi32>
        %squeeze3A_1041 = vector.extract %slice3A_1040[0] : i32 from vector<1xi32>
        %add3A_1042 = arith.addi %add3A_988, %squeeze3A_1041 : i32
        %le3A_1043 = arith.cmpf ole, %sub3A_1025, %scan3A_674 : vector<16xf32>
        %swap3A_1044 = arith.index_cast %add3A_995 : i32 to index
        %swap3A_1045 = tpu.vector_load %arg18[%swap3A_1044] masked %le3A_1043 {strides = array<i32>} : memref<8208xi32, #tpu.memory_space<vmem>>, vector<16xi32>, vector<16xi1>
        tpu.vector_store %arg18[%swap3A_1044], %add3A_1035 masked %le3A_1043 {strides = array<i32>} : memref<8208xi32, #tpu.memory_space<vmem>>, vector<16xi32>, vector<16xi1>
        %all_reduce_population_count3A_1046 = tpu.all_reduce %le3A_1043 {dim = 0 : i64, kind = #tpu.reduction_kind<sum>} : vector<16xi1> -> vector<16xi32>
        %slice3A_1047 = vector.extract_strided_slice %all_reduce_population_count3A_1046 {offsets = [0], sizes = [1], strides = [1]} : vector<16xi32> to vector<1xi32>
        %squeeze3A_1048 = vector.extract %slice3A_1047[0] : i32 from vector<1xi32>
        %add3A_1049 = arith.addi %add3A_995, %squeeze3A_1048 : i32
        %mul3A_1050 = arith.constant 8 : i32
        %mul3A_1051 = arith.muli %scan3A_668, %mul3A_1050 : i32
        %add3A_1052 = arith.constant 7 : i32
        %add3A_1053 = arith.addi %mul3A_1051, %add3A_1052 : i32
        %mul3A_1054 = arith.constant 16 : i32
        %mul3A_1055 = arith.muli %add3A_1053, %mul3A_1054 : i32
        %get3A_1056 = arith.index_cast %mul3A_1055 : i32 to index
        %get3A_1057 = tpu.vector_load %arg8[%get3A_1056] {strides = array<i32>} : memref<8192xf32, #tpu.memory_space<vmem>>, vector<16xf32>,
        %get3A_1058 = arith.index_cast %mul3A_1055 : i32 to index
        %get3A_1059 = tpu.vector_load %arg9[%get3A_1058] {strides = array<i32>} : memref<8192xf32, #tpu.memory_space<vmem>>, vector<16xf32>,
        %get3A_1060 = arith.index_cast %mul3A_1055 : i32 to index
        %get3A_1061 = tpu.vector_load %arg10[%get3A_1060] {strides = array<i32>} : memref<8192xf32, #tpu.memory_space<vmem>>, vector<16xf32>,
        %get3A_1062 = arith.index_cast %mul3A_1055 : i32 to index
        %get3A_1063 = tpu.vector_load %arg11[%get3A_1062] {strides = array<i32>} : memref<8192xf32, #tpu.memory_space<vmem>>, vector<16xf32>,
        %mul3A_1064 = arith.mulf %bitcast3A_143, %get3A_1057 : vector<16xf32>
        %mul3A_1065 = arith.mulf %bitcast3A_158, %get3A_1059 : vector<16xf32>
        %add3A_1066 = arith.addf %mul3A_1064, %mul3A_1065 : vector<16xf32>
        %mul3A_1067 = arith.mulf %bitcast3A_173, %get3A_1061 : vector<16xf32>
        %add3A_1068 = arith.addf %add3A_1066, %mul3A_1067 : vector<16xf32>
        %add3A_1069 = arith.addf %add3A_130, %get3A_1063 : vector<16xf32>
        %add3A_1070 = arith.addf %add3A_1068, %add3A_1068 : vector<16xf32>
        %sub3A_1071 = arith.subf %add3A_1069, %add3A_1070 : vector<16xf32>
        %mul3A_1072 = arith.mulf %bitcast3A_251, %get3A_1057 : vector<16xf32>
        %mul3A_1073 = arith.mulf %bitcast3A_266, %get3A_1059 : vector<16xf32>
        %add3A_1074 = arith.addf %mul3A_1072, %mul3A_1073 : vector<16xf32>
        %mul3A_1075 = arith.mulf %bitcast3A_281, %get3A_1061 : vector<16xf32>
        %add3A_1076 = arith.addf %add3A_1074, %mul3A_1075 : vector<16xf32>
        %add3A_1077 = arith.addf %add3A_236, %get3A_1063 : vector<16xf32>
        %add3A_1078 = arith.addf %add3A_1076, %add3A_1076 : vector<16xf32>
        %sub3A_1079 = arith.subf %add3A_1077, %add3A_1078 : vector<16xf32>
        %max3A_1080 = arith.maximumf %min3A_1028, %sub3A_1071 : vector<16xf32>
        %min3A_1081 = arith.minimumf %min3A_1027, %max3A_1080 : vector<16xf32>
        %min3A_1082 = arith.minimumf %min3A_1028, %sub3A_1071 : vector<16xf32>
        %max3A_1083 = arith.maximumf %min3A_1031, %sub3A_1079 : vector<16xf32>
        %min3A_1084 = arith.minimumf %min3A_1030, %max3A_1083 : vector<16xf32>
        %min3A_1085 = arith.minimumf %min3A_1031, %sub3A_1079 : vector<16xf32>
        %mul3A_1086 = arith.constant 16 : i32
        %mul3A_1087 = arith.muli %add3A_1053, %mul3A_1086 : i32
        %add3A_1088 = vector.broadcast %mul3A_1087 : i32 to vector<16xi32>
        %add3A_1089 = arith.addi %iota3A, %add3A_1088 : vector<16xi32>
        %le3A_1090 = arith.cmpf ole, %sub3A_1071, %scan3A_673 : vector<16xf32>
        %swap3A_1091 = arith.index_cast %add3A_1042 : i32 to index
        %swap3A_1092 = tpu.vector_load %arg16[%swap3A_1091] masked %le3A_1090 {strides = array<i32>} : memref<8208xi32, #tpu.memory_space<vmem>>, vector<16xi32>, vector<16xi1>
        tpu.vector_store %arg16[%swap3A_1091], %add3A_1089 masked %le3A_1090 {strides = array<i32>} : memref<8208xi32, #tpu.memory_space<vmem>>, vector<16xi32>, vector<16xi1>
        %all_reduce_population_count3A_1093 = tpu.all_reduce %le3A_1090 {dim = 0 : i64, kind = #tpu.reduction_kind<sum>} : vector<16xi1> -> vector<16xi32>
        %slice3A_1094 = vector.extract_strided_slice %all_reduce_population_count3A_1093 {offsets = [0], sizes = [1], strides = [1]} : vector<16xi32> to vector<1xi32>
        %squeeze3A_1095 = vector.extract %slice3A_1094[0] : i32 from vector<1xi32>
        %add3A_1096 = arith.addi %add3A_1042, %squeeze3A_1095 : i32
        %le3A_1097 = arith.cmpf ole, %sub3A_1079, %scan3A_674 : vector<16xf32>
        %swap3A_1098 = arith.index_cast %add3A_1049 : i32 to index
        %swap3A_1099 = tpu.vector_load %arg18[%swap3A_1098] masked %le3A_1097 {strides = array<i32>} : memref<8208xi32, #tpu.memory_space<vmem>>, vector<16xi32>, vector<16xi1>
        tpu.vector_store %arg18[%swap3A_1098], %add3A_1089 masked %le3A_1097 {strides = array<i32>} : memref<8208xi32, #tpu.memory_space<vmem>>, vector<16xi32>, vector<16xi1>
        %all_reduce_population_count3A_1100 = tpu.all_reduce %le3A_1097 {dim = 0 : i64, kind = #tpu.reduction_kind<sum>} : vector<16xi1> -> vector<16xi32>
        %slice3A_1101 = vector.extract_strided_slice %all_reduce_population_count3A_1100 {offsets = [0], sizes = [1], strides = [1]} : vector<16xi32> to vector<1xi32>
        %squeeze3A_1102 = vector.extract %slice3A_1101[0] : i32 from vector<1xi32>
        %add3A_1103 = arith.addi %add3A_1049, %squeeze3A_1102 : i32
        %iota3A_1104 = tpu.iota {dimensions = array<i32: 0>} : vector<16xi32>
        %xor3A_1105 = arith.constant 8 : i32
        %xor3A_1106 = vector.broadcast %xor3A_1105 : i32 to vector<16xi32>
        %xor3A_1107 = arith.xori %iota3A_1104, %xor3A_1106 : vector<16xi32>
        %broadcast_in_dim3A_1108 = vector.shape_cast %xor3A_1107 : vector<16xi32> to vector<16x1xi32>
        %gather3A_1109 = vector.shape_cast %broadcast_in_dim3A_1108 : vector<16x1xi32> to vector<16xi32>
        %gather3A_1110 = tpu.dynamic_gather %min3A_1081[%gather3A_1109] in [0] : vector<16xf32>, vector<16xi32> -> vector<16xf32>
        %max3A_1111 = arith.maximumf %min3A_1081, %gather3A_1110 : vector<16xf32>
        %iota3A_1112 = tpu.iota {dimensions = array<i32: 0>} : vector<16xi32>
        %xor3A_1113 = arith.constant 4 : i32
        %xor3A_1114 = vector.broadcast %xor3A_1113 : i32 to vector<16xi32>
        %xor3A_1115 = arith.xori %iota3A_1112, %xor3A_1114 : vector<16xi32>
        %broadcast_in_dim3A_1116 = vector.shape_cast %xor3A_1115 : vector<16xi32> to vector<16x1xi32>
        %gather3A_1117 = vector.shape_cast %broadcast_in_dim3A_1116 : vector<16x1xi32> to vector<16xi32>
        %gather3A_1118 = tpu.dynamic_gather %max3A_1111[%gather3A_1117] in [0] : vector<16xf32>, vector<16xi32> -> vector<16xf32>
        %max3A_1119 = arith.maximumf %max3A_1111, %gather3A_1118 : vector<16xf32>
        %iota3A_1120 = tpu.iota {dimensions = array<i32: 0>} : vector<16xi32>
        %xor3A_1121 = arith.constant 2 : i32
        %xor3A_1122 = vector.broadcast %xor3A_1121 : i32 to vector<16xi32>
        %xor3A_1123 = arith.xori %iota3A_1120, %xor3A_1122 : vector<16xi32>
        %broadcast_in_dim3A_1124 = vector.shape_cast %xor3A_1123 : vector<16xi32> to vector<16x1xi32>
        %gather3A_1125 = vector.shape_cast %broadcast_in_dim3A_1124 : vector<16x1xi32> to vector<16xi32>
        %gather3A_1126 = tpu.dynamic_gather %max3A_1119[%gather3A_1125] in [0] : vector<16xf32>, vector<16xi32> -> vector<16xf32>
        %max3A_1127 = arith.maximumf %max3A_1119, %gather3A_1126 : vector<16xf32>
        %iota3A_1128 = tpu.iota {dimensions = array<i32: 0>} : vector<16xi32>
        %xor3A_1129 = arith.constant 1 : i32
        %xor3A_1130 = vector.broadcast %xor3A_1129 : i32 to vector<16xi32>
        %xor3A_1131 = arith.xori %iota3A_1128, %xor3A_1130 : vector<16xi32>
        %broadcast_in_dim3A_1132 = vector.shape_cast %xor3A_1131 : vector<16xi32> to vector<16x1xi32>
        %gather3A_1133 = vector.shape_cast %broadcast_in_dim3A_1132 : vector<16x1xi32> to vector<16xi32>
        %gather3A_1134 = tpu.dynamic_gather %max3A_1127[%gather3A_1133] in [0] : vector<16xf32>, vector<16xi32> -> vector<16xf32>
        %max3A_1135 = arith.maximumf %max3A_1127, %gather3A_1134 : vector<16xf32>
        %iota3A_1136 = tpu.iota {dimensions = array<i32: 0>} : vector<16xi32>
        %xor3A_1137 = arith.constant 8 : i32
        %xor3A_1138 = vector.broadcast %xor3A_1137 : i32 to vector<16xi32>
        %xor3A_1139 = arith.xori %iota3A_1136, %xor3A_1138 : vector<16xi32>
        %broadcast_in_dim3A_1140 = vector.shape_cast %xor3A_1139 : vector<16xi32> to vector<16x1xi32>
        %gather3A_1141 = vector.shape_cast %broadcast_in_dim3A_1140 : vector<16x1xi32> to vector<16xi32>
        %gather3A_1142 = tpu.dynamic_gather %min3A_1084[%gather3A_1141] in [0] : vector<16xf32>, vector<16xi32> -> vector<16xf32>
        %max3A_1143 = arith.maximumf %min3A_1084, %gather3A_1142 : vector<16xf32>
        %iota3A_1144 = tpu.iota {dimensions = array<i32: 0>} : vector<16xi32>
        %xor3A_1145 = arith.constant 4 : i32
        %xor3A_1146 = vector.broadcast %xor3A_1145 : i32 to vector<16xi32>
        %xor3A_1147 = arith.xori %iota3A_1144, %xor3A_1146 : vector<16xi32>
        %broadcast_in_dim3A_1148 = vector.shape_cast %xor3A_1147 : vector<16xi32> to vector<16x1xi32>
        %gather3A_1149 = vector.shape_cast %broadcast_in_dim3A_1148 : vector<16x1xi32> to vector<16xi32>
        %gather3A_1150 = tpu.dynamic_gather %max3A_1143[%gather3A_1149] in [0] : vector<16xf32>, vector<16xi32> -> vector<16xf32>
        %max3A_1151 = arith.maximumf %max3A_1143, %gather3A_1150 : vector<16xf32>
        %iota3A_1152 = tpu.iota {dimensions = array<i32: 0>} : vector<16xi32>
        %xor3A_1153 = arith.constant 2 : i32
        %xor3A_1154 = vector.broadcast %xor3A_1153 : i32 to vector<16xi32>
        %xor3A_1155 = arith.xori %iota3A_1152, %xor3A_1154 : vector<16xi32>
        %broadcast_in_dim3A_1156 = vector.shape_cast %xor3A_1155 : vector<16xi32> to vector<16x1xi32>
        %gather3A_1157 = vector.shape_cast %broadcast_in_dim3A_1156 : vector<16x1xi32> to vector<16xi32>
        %gather3A_1158 = tpu.dynamic_gather %max3A_1151[%gather3A_1157] in [0] : vector<16xf32>, vector<16xi32> -> vector<16xf32>
        %max3A_1159 = arith.maximumf %max3A_1151, %gather3A_1158 : vector<16xf32>
        %iota3A_1160 = tpu.iota {dimensions = array<i32: 0>} : vector<16xi32>
        %xor3A_1161 = arith.constant 1 : i32
        %xor3A_1162 = vector.broadcast %xor3A_1161 : i32 to vector<16xi32>
        %xor3A_1163 = arith.xori %iota3A_1160, %xor3A_1162 : vector<16xi32>
        %broadcast_in_dim3A_1164 = vector.shape_cast %xor3A_1163 : vector<16xi32> to vector<16x1xi32>
        %gather3A_1165 = vector.shape_cast %broadcast_in_dim3A_1164 : vector<16x1xi32> to vector<16xi32>
        %gather3A_1166 = tpu.dynamic_gather %max3A_1159[%gather3A_1165] in [0] : vector<16xf32>, vector<16xi32> -> vector<16xf32>
        %max3A_1167 = arith.maximumf %max3A_1159, %gather3A_1166 : vector<16xf32>
        scf.yield %min3A_1082, %min3A_1081, %min3A_1085, %min3A_1084, %max3A_1135, %max3A_1167, %add3A_1096, %add3A_1103 : vector<16xf32>, vector<16xf32>, vector<16xf32>, vector<16xf32>, vector<16xf32>, vector<16xf32>, i32, i32
      }
      %scan3A_289 = arith.constant 64 : i32
      %iota3A_290 = tpu.iota {dimensions = array<i32: 0>} : vector<16xi32>
      %xor3A = arith.constant 8 : i32
      %xor3A_291 = vector.broadcast %xor3A : i32 to vector<16xi32>
      %xor3A_292 = arith.xori %iota3A_290, %xor3A_291 : vector<16xi32>
      %broadcast_in_dim3A_293 = vector.shape_cast %xor3A_292 : vector<16xi32> to vector<16x1xi32>
      %gather3A_294 = vector.shape_cast %broadcast_in_dim3A_293 : vector<16x1xi32> to vector<16xi32>
      %gather3A_295 = tpu.dynamic_gather %scan3A_288#1[%gather3A_294] in [0] : vector<16xf32>, vector<16xi32> -> vector<16xf32>
      %max3A = arith.maximumf %scan3A_288#1, %gather3A_295 : vector<16xf32>
      %iota3A_296 = tpu.iota {dimensions = array<i32: 0>} : vector<16xi32>
      %xor3A_297 = arith.constant 4 : i32
      %xor3A_298 = vector.broadcast %xor3A_297 : i32 to vector<16xi32>
      %xor3A_299 = arith.xori %iota3A_296, %xor3A_298 : vector<16xi32>
      %broadcast_in_dim3A_300 = vector.shape_cast %xor3A_299 : vector<16xi32> to vector<16x1xi32>
      %gather3A_301 = vector.shape_cast %broadcast_in_dim3A_300 : vector<16x1xi32> to vector<16xi32>
      %gather3A_302 = tpu.dynamic_gather %max3A[%gather3A_301] in [0] : vector<16xf32>, vector<16xi32> -> vector<16xf32>
      %max3A_303 = arith.maximumf %max3A, %gather3A_302 : vector<16xf32>
      %iota3A_304 = tpu.iota {dimensions = array<i32: 0>} : vector<16xi32>
      %xor3A_305 = arith.constant 2 : i32
      %xor3A_306 = vector.broadcast %xor3A_305 : i32 to vector<16xi32>
      %xor3A_307 = arith.xori %iota3A_304, %xor3A_306 : vector<16xi32>
      %broadcast_in_dim3A_308 = vector.shape_cast %xor3A_307 : vector<16xi32> to vector<16x1xi32>
      %gather3A_309 = vector.shape_cast %broadcast_in_dim3A_308 : vector<16x1xi32> to vector<16xi32>
      %gather3A_310 = tpu.dynamic_gather %max3A_303[%gather3A_309] in [0] : vector<16xf32>, vector<16xi32> -> vector<16xf32>
      %max3A_311 = arith.maximumf %max3A_303, %gather3A_310 : vector<16xf32>
      %iota3A_312 = tpu.iota {dimensions = array<i32: 0>} : vector<16xi32>
      %xor3A_313 = arith.constant 1 : i32
      %xor3A_314 = vector.broadcast %xor3A_313 : i32 to vector<16xi32>
      %xor3A_315 = arith.xori %iota3A_312, %xor3A_314 : vector<16xi32>
      %broadcast_in_dim3A_316 = vector.shape_cast %xor3A_315 : vector<16xi32> to vector<16x1xi32>
      %gather3A_317 = vector.shape_cast %broadcast_in_dim3A_316 : vector<16x1xi32> to vector<16xi32>
      %gather3A_318 = tpu.dynamic_gather %max3A_311[%gather3A_317] in [0] : vector<16xf32>, vector<16xi32> -> vector<16xf32>
      %max3A_319 = arith.maximumf %max3A_311, %gather3A_318 : vector<16xf32>
      %add3A_320 = arith.constant 15 : i32
      %add3A_321 = arith.addi %scan3A_288#6, %add3A_320 : i32
      %jit3A_322 = arith.constant 16 : i32
      %div3A_323 = arith.divsi %add3A_321, %jit3A_322 : i32
      %sign3A_324 = arith.constant 0 : i32
      %sign3A_325 = arith.cmpi sgt, %add3A_321, %sign3A_324 : i32
      %sign3A_326 = arith.extui %sign3A_325 : i1 to i32
      %sign3A_327 = arith.constant 0 : i32
      %sign3A_328 = arith.cmpi slt, %add3A_321, %sign3A_327 : i32
      %sign3A_329 = arith.extui %sign3A_328 : i1 to i32
      %sign3A_330 = arith.subi %sign3A_326, %sign3A_329 : i32
      %sign3A_331 = arith.constant 0 : i32
      %sign3A_332 = arith.cmpi sgt, %jit3A_322, %sign3A_331 : i32
      %sign3A_333 = arith.extui %sign3A_332 : i1 to i32
      %sign3A_334 = arith.constant 0 : i32
      %sign3A_335 = arith.cmpi slt, %jit3A_322, %sign3A_334 : i32
      %sign3A_336 = arith.extui %sign3A_335 : i1 to i32
      %sign3A_337 = arith.subi %sign3A_333, %sign3A_336 : i32
      %ne3A_338 = arith.cmpi ne, %sign3A_330, %sign3A_337 : i32
      %rem3A_339 = arith.remsi %add3A_321, %jit3A_322 : i32
      %ne3A_340 = arith.constant 0 : i32
      %ne3A_341 = arith.cmpi ne, %rem3A_339, %ne3A_340 : i32
      %and3A_342 = arith.andi %ne3A_338, %ne3A_341 : i1
      %sub3A_343 = arith.constant 1 : i32
      %sub3A_344 = arith.subi %div3A_323, %sub3A_343 : i32
      %select_n3A_345 = arith.select %and3A_342, %sub3A_344, %div3A_323 : i32
      %while3A = arith.constant 0 : i32
      %while3A_346 = arith.constant 0 : i32
      %while3A_347 = arith.subi %select_n3A_345, %while3A : i32
      %while3A_348 = arith.addi %while3A, %while3A_347 : i32
      %while3A_349 = arith.constant 1 : i32
      %while3A_350 = arith.divsi %while3A_347, %while3A_349 : i32
      %while3A_351 = arith.muli %while3A_350, %while3A_349 : i32
      %while3A_352 = arith.addi %while3A, %while3A_351 : i32
      %while3A_353 = arith.constant 1 : i32
      %while3A_354 = scf.for %while3A_668 = %while3A to %while3A_352 step %while3A_353 iter_args(%while3A_669 = %while3A_346) -> (i32)  : i32 {
        %mul3A_670 = arith.constant 16 : i32
        %mul3A_671 = arith.muli %while3A_668, %mul3A_670 : i32
        %get3A_672 = arith.index_cast %mul3A_671 : i32 to index
        %get3A_673 = tpu.vector_load %arg16[%get3A_672] {strides = array<i32>} : memref<8208xi32, #tpu.memory_space<vmem>>, vector<16xi32>,
        %add3A_674 = vector.broadcast %mul3A_671 : i32 to vector<16xi32>
        %add3A_675 = arith.addi %iota3A, %add3A_674 : vector<16xi32>
        %lt3A_676 = vector.broadcast %scan3A_288#6 : i32 to vector<16xi32>
        %lt3A_677 = arith.cmpi slt, %add3A_675, %lt3A_676 : vector<16xi32>
        %jit3A_678 = arith.constant 0 : i32
        %broadcast_in_dim3A_679 = vector.broadcast %jit3A_678 : i32 to vector<16xi32>
        %select_n3A_680 = arith.select %lt3A_677, %get3A_673, %broadcast_in_dim3A_679 : vector<16xi1>, vector<16xi32>
        %gather3A_681 = tpu.vector_load_idx %arg8[%select_n3A_680] : memref<8192xf32, #tpu.memory_space<vmem>>[vector<16xi32>], vector<16xf32>,
        %gather3A_682 = tpu.vector_load_idx %arg9[%select_n3A_680] : memref<8192xf32, #tpu.memory_space<vmem>>[vector<16xi32>], vector<16xf32>,
        %gather3A_683 = tpu.vector_load_idx %arg10[%select_n3A_680] : memref<8192xf32, #tpu.memory_space<vmem>>[vector<16xi32>], vector<16xf32>,
        %gather3A_684 = tpu.vector_load_idx %arg11[%select_n3A_680] : memref<8192xf32, #tpu.memory_space<vmem>>[vector<16xi32>], vector<16xf32>,
        %mul3A_685 = arith.mulf %bitcast3A_143, %gather3A_681 : vector<16xf32>
        %mul3A_686 = arith.mulf %bitcast3A_158, %gather3A_682 : vector<16xf32>
        %add3A_687 = arith.addf %mul3A_685, %mul3A_686 : vector<16xf32>
        %mul3A_688 = arith.mulf %bitcast3A_173, %gather3A_683 : vector<16xf32>
        %add3A_689 = arith.addf %add3A_687, %mul3A_688 : vector<16xf32>
        %add3A_690 = arith.addf %add3A_130, %gather3A_684 : vector<16xf32>
        %add3A_691 = arith.addf %add3A_689, %add3A_689 : vector<16xf32>
        %sub3A_692 = arith.subf %add3A_690, %add3A_691 : vector<16xf32>
        %le3A = arith.cmpf ole, %sub3A_692, %max3A_319 : vector<16xf32>
        %and3A_693 = arith.andi %le3A, %lt3A_677 : vector<16xi1>
        %swap3A_694 = arith.index_cast %while3A_669 : i32 to index
        %swap3A_695 = tpu.vector_load %arg15[%swap3A_694] masked %and3A_693 {strides = array<i32>} : memref<8208xf32, #tpu.memory_space<vmem>>, vector<16xf32>, vector<16xi1>
        tpu.vector_store %arg15[%swap3A_694], %sub3A_692 masked %and3A_693 {strides = array<i32>} : memref<8208xf32, #tpu.memory_space<vmem>>, vector<16xf32>, vector<16xi1>
        %swap3A_696 = arith.index_cast %while3A_669 : i32 to index
        %swap3A_697 = tpu.vector_load %arg16[%swap3A_696] masked %and3A_693 {strides = array<i32>} : memref<8208xi32, #tpu.memory_space<vmem>>, vector<16xi32>, vector<16xi1>
        tpu.vector_store %arg16[%swap3A_696], %get3A_673 masked %and3A_693 {strides = array<i32>} : memref<8208xi32, #tpu.memory_space<vmem>>, vector<16xi32>, vector<16xi1>
        %all_reduce_population_count3A = tpu.all_reduce %and3A_693 {dim = 0 : i64, kind = #tpu.reduction_kind<sum>} : vector<16xi1> -> vector<16xi32>
        %slice3A = vector.extract_strided_slice %all_reduce_population_count3A {offsets = [0], sizes = [1], strides = [1]} : vector<16xi32> to vector<1xi32>
        %squeeze3A = vector.extract %slice3A[0] : i32 from vector<1xi32>
        %add3A_698 = arith.addi %while3A_669, %squeeze3A : i32
        scf.yield %add3A_698 : i32
      }
      %while3A_355 = arith.constant 1 : i32
      %while3A_356 = scf.for %while3A_668 = %while3A_352 to %while3A_348 step %while3A_355 iter_args(%while3A_669 = %while3A_354) -> (i32)  : i32 {
        %mul3A_670 = arith.constant 16 : i32
        %mul3A_671 = arith.muli %while3A_668, %mul3A_670 : i32
        %get3A_672 = arith.index_cast %mul3A_671 : i32 to index
        %get3A_673 = tpu.vector_load %arg16[%get3A_672] {strides = array<i32>} : memref<8208xi32, #tpu.memory_space<vmem>>, vector<16xi32>,
        %add3A_674 = vector.broadcast %mul3A_671 : i32 to vector<16xi32>
        %add3A_675 = arith.addi %iota3A, %add3A_674 : vector<16xi32>
        %lt3A_676 = vector.broadcast %scan3A_288#6 : i32 to vector<16xi32>
        %lt3A_677 = arith.cmpi slt, %add3A_675, %lt3A_676 : vector<16xi32>
        %jit3A_678 = arith.constant 0 : i32
        %broadcast_in_dim3A_679 = vector.broadcast %jit3A_678 : i32 to vector<16xi32>
        %select_n3A_680 = arith.select %lt3A_677, %get3A_673, %broadcast_in_dim3A_679 : vector<16xi1>, vector<16xi32>
        %gather3A_681 = tpu.vector_load_idx %arg8[%select_n3A_680] : memref<8192xf32, #tpu.memory_space<vmem>>[vector<16xi32>], vector<16xf32>,
        %gather3A_682 = tpu.vector_load_idx %arg9[%select_n3A_680] : memref<8192xf32, #tpu.memory_space<vmem>>[vector<16xi32>], vector<16xf32>,
        %gather3A_683 = tpu.vector_load_idx %arg10[%select_n3A_680] : memref<8192xf32, #tpu.memory_space<vmem>>[vector<16xi32>], vector<16xf32>,
        %gather3A_684 = tpu.vector_load_idx %arg11[%select_n3A_680] : memref<8192xf32, #tpu.memory_space<vmem>>[vector<16xi32>], vector<16xf32>,
        %mul3A_685 = arith.mulf %bitcast3A_143, %gather3A_681 : vector<16xf32>
        %mul3A_686 = arith.mulf %bitcast3A_158, %gather3A_682 : vector<16xf32>
        %add3A_687 = arith.addf %mul3A_685, %mul3A_686 : vector<16xf32>
        %mul3A_688 = arith.mulf %bitcast3A_173, %gather3A_683 : vector<16xf32>
        %add3A_689 = arith.addf %add3A_687, %mul3A_688 : vector<16xf32>
        %add3A_690 = arith.addf %add3A_130, %gather3A_684 : vector<16xf32>
        %add3A_691 = arith.addf %add3A_689, %add3A_689 : vector<16xf32>
        %sub3A_692 = arith.subf %add3A_690, %add3A_691 : vector<16xf32>
        %le3A = arith.cmpf ole, %sub3A_692, %max3A_319 : vector<16xf32>
        %and3A_693 = arith.andi %le3A, %lt3A_677 : vector<16xi1>
        %swap3A_694 = arith.index_cast %while3A_669 : i32 to index
        %swap3A_695 = tpu.vector_load %arg15[%swap3A_694] masked %and3A_693 {strides = array<i32>} : memref<8208xf32, #tpu.memory_space<vmem>>, vector<16xf32>, vector<16xi1>
        tpu.vector_store %arg15[%swap3A_694], %sub3A_692 masked %and3A_693 {strides = array<i32>} : memref<8208xf32, #tpu.memory_space<vmem>>, vector<16xf32>, vector<16xi1>
        %swap3A_696 = arith.index_cast %while3A_669 : i32 to index
        %swap3A_697 = tpu.vector_load %arg16[%swap3A_696] masked %and3A_693 {strides = array<i32>} : memref<8208xi32, #tpu.memory_space<vmem>>, vector<16xi32>, vector<16xi1>
        tpu.vector_store %arg16[%swap3A_696], %get3A_673 masked %and3A_693 {strides = array<i32>} : memref<8208xi32, #tpu.memory_space<vmem>>, vector<16xi32>, vector<16xi1>
        %all_reduce_population_count3A = tpu.all_reduce %and3A_693 {dim = 0 : i64, kind = #tpu.reduction_kind<sum>} : vector<16xi1> -> vector<16xi32>
        %slice3A = vector.extract_strided_slice %all_reduce_population_count3A {offsets = [0], sizes = [1], strides = [1]} : vector<16xi32> to vector<1xi32>
        %squeeze3A = vector.extract %slice3A[0] : i32 from vector<1xi32>
        %add3A_698 = arith.addi %while3A_669, %squeeze3A : i32
        scf.yield %add3A_698 : i32
      }
      %add3A_357 = arith.constant 15 : i32
      %add3A_358 = arith.addi %while3A_356, %add3A_357 : i32
      %jit3A_359 = arith.constant 16 : i32
      %div3A_360 = arith.divsi %add3A_358, %jit3A_359 : i32
      %sign3A_361 = arith.constant 0 : i32
      %sign3A_362 = arith.cmpi sgt, %add3A_358, %sign3A_361 : i32
      %sign3A_363 = arith.extui %sign3A_362 : i1 to i32
      %sign3A_364 = arith.constant 0 : i32
      %sign3A_365 = arith.cmpi slt, %add3A_358, %sign3A_364 : i32
      %sign3A_366 = arith.extui %sign3A_365 : i1 to i32
      %sign3A_367 = arith.subi %sign3A_363, %sign3A_366 : i32
      %sign3A_368 = arith.constant 0 : i32
      %sign3A_369 = arith.cmpi sgt, %jit3A_359, %sign3A_368 : i32
      %sign3A_370 = arith.extui %sign3A_369 : i1 to i32
      %sign3A_371 = arith.constant 0 : i32
      %sign3A_372 = arith.cmpi slt, %jit3A_359, %sign3A_371 : i32
      %sign3A_373 = arith.extui %sign3A_372 : i1 to i32
      %sign3A_374 = arith.subi %sign3A_370, %sign3A_373 : i32
      %ne3A_375 = arith.cmpi ne, %sign3A_367, %sign3A_374 : i32
      %rem3A_376 = arith.remsi %add3A_358, %jit3A_359 : i32
      %ne3A_377 = arith.constant 0 : i32
      %ne3A_378 = arith.cmpi ne, %rem3A_376, %ne3A_377 : i32
      %and3A_379 = arith.andi %ne3A_375, %ne3A_378 : i1
      %sub3A_380 = arith.constant 1 : i32
      %sub3A_381 = arith.subi %div3A_360, %sub3A_380 : i32
      %select_n3A_382 = arith.select %and3A_379, %sub3A_381, %div3A_360 : i32
      %get3A_383 = arith.constant 0 : index
      %get3A_384 = tpu.vector_load %arg15[%get3A_383] {strides = array<i32>} : memref<8208xf32, #tpu.memory_space<vmem>>, vector<16xf32>,
      %get3A_385 = arith.constant 0 : index
      %get3A_386 = tpu.vector_load %arg16[%get3A_385] {strides = array<i32>} : memref<8208xi32, #tpu.memory_space<vmem>>, vector<16xi32>,
      %masked_sort3A = arith.constant dense<true> : vector<16xi1>
      %masked_sort3A_387, %masked_sort3A_388, %masked_sort3A_389 = tpu.sort %get3A_384, %get3A_386 masked %masked_sort3A : (vector<16xf32>, vector<16xi32>, vector<16xi1>) -> (vector<16xi1>, vector<16xf32>, vector<16xi32>)
      %get3A_390 = arith.constant 16 : index
      %get3A_391 = tpu.vector_load %arg15[%get3A_390] {strides = array<i32>} : memref<8208xf32, #tpu.memory_space<vmem>>, vector<16xf32>,
      %get3A_392 = arith.constant 16 : index
      %get3A_393 = tpu.vector_load %arg16[%get3A_392] {strides = array<i32>} : memref<8208xi32, #tpu.memory_space<vmem>>, vector<16xi32>,
      %masked_sort3A_394 = arith.constant dense<true> : vector<16xi1>
      %masked_sort3A_395, %masked_sort3A_396, %masked_sort3A_397 = tpu.sort %get3A_391, %get3A_393 masked %masked_sort3A_394 : (vector<16xf32>, vector<16xi32>, vector<16xi1>) -> (vector<16xi1>, vector<16xf32>, vector<16xi32>)
      %rev3A = arith.constant 15 : i32
      %rev3A_398 = vector.broadcast %rev3A : i32 to vector<16xi32>
      %rev3A_399 = tpu.iota {dimensions = array<i32: 0>} : vector<16xi32>
      %rev3A_400 = arith.subi %rev3A_398, %rev3A_399 : vector<16xi32>
      %rev3A_401 = tpu.dynamic_gather %masked_sort3A_396[%rev3A_400] in [0] : vector<16xf32>, vector<16xi32> -> vector<16xf32>
      %rev3A_402 = arith.constant 15 : i32
      %rev3A_403 = vector.broadcast %rev3A_402 : i32 to vector<16xi32>
      %rev3A_404 = tpu.iota {dimensions = array<i32: 0>} : vector<16xi32>
      %rev3A_405 = arith.subi %rev3A_403, %rev3A_404 : vector<16xi32>
      %rev3A_406 = tpu.dynamic_gather %masked_sort3A_397[%rev3A_405] in [0] : vector<16xi32>, vector<16xi32> -> vector<16xi32>
      %lt3A_407 = arith.cmpf olt, %masked_sort3A_388, %rev3A_401 : vector<16xf32>
      %eq3A_408 = arith.cmpf oeq, %masked_sort3A_388, %rev3A_401 : vector<16xf32>
      %lt3A_409 = arith.cmpi slt, %masked_sort3A_389, %rev3A_406 : vector<16xi32>
      %and3A_410 = arith.andi %eq3A_408, %lt3A_409 : vector<16xi1>
      %or3A = arith.ori %lt3A_407, %and3A_410 : vector<16xi1>
      %select_n3A_411 = arith.select %or3A, %masked_sort3A_388, %rev3A_401 : vector<16xi1>, vector<16xf32>
      %select_n3A_412 = arith.select %or3A, %masked_sort3A_389, %rev3A_406 : vector<16xi1>, vector<16xi32>
      %select_n3A_413 = arith.select %or3A, %rev3A_401, %masked_sort3A_388 : vector<16xi1>, vector<16xf32>
      %select_n3A_414 = arith.select %or3A, %rev3A_406, %masked_sort3A_389 : vector<16xi1>, vector<16xi32>
      %masked_sort3A_415 = arith.constant dense<true> : vector<16xi1>
      %masked_sort3A_416, %masked_sort3A_417, %masked_sort3A_418 = tpu.sort %select_n3A_411, %select_n3A_412 masked %masked_sort3A_415 : (vector<16xf32>, vector<16xi32>, vector<16xi1>) -> (vector<16xi1>, vector<16xf32>, vector<16xi32>)
      %masked_sort3A_419 = arith.constant dense<true> : vector<16xi1>
      %masked_sort3A_420, %masked_sort3A_421, %masked_sort3A_422 = tpu.sort %select_n3A_413, %select_n3A_414 masked %masked_sort3A_419 : (vector<16xf32>, vector<16xi32>, vector<16xi1>) -> (vector<16xi1>, vector<16xf32>, vector<16xi32>)
      %while3A_423 = arith.constant 2 : i32
      %while3A_424 = arith.subi %select_n3A_382, %while3A_423 : i32
      %while3A_425 = arith.addi %while3A_423, %while3A_424 : i32
      %while3A_426 = arith.constant 1 : i32
      %while3A_427 = arith.divsi %while3A_424, %while3A_426 : i32
      %while3A_428 = arith.muli %while3A_427, %while3A_426 : i32
      %while3A_429 = arith.addi %while3A_423, %while3A_428 : i32
      %while3A_430 = arith.constant 1 : i32
      %while3A_431:4 = scf.for %while3A_668 = %while3A_423 to %while3A_429 step %while3A_430 iter_args(%while3A_669 = %masked_sort3A_417, %while3A_670 = %masked_sort3A_418, %while3A_671 = %masked_sort3A_421, %while3A_672 = %masked_sort3A_422) -> (vector<16xf32>, vector<16xi32>, vector<16xf32>, vector<16xi32>)  : i32 {
        %mul3A_673 = arith.constant 16 : i32
        %mul3A_674 = arith.muli %while3A_668, %mul3A_673 : i32
        %get3A_675 = arith.index_cast %mul3A_674 : i32 to index
        %get3A_676 = tpu.vector_load %arg15[%get3A_675] {strides = array<i32>} : memref<8208xf32, #tpu.memory_space<vmem>>, vector<16xf32>,
        %get3A_677 = arith.index_cast %mul3A_674 : i32 to index
        %get3A_678 = tpu.vector_load %arg16[%get3A_677] {strides = array<i32>} : memref<8208xi32, #tpu.memory_space<vmem>>, vector<16xi32>,
        %add3A_679 = vector.broadcast %mul3A_674 : i32 to vector<16xi32>
        %add3A_680 = arith.addi %iota3A, %add3A_679 : vector<16xi32>
        %lt3A_681 = vector.broadcast %while3A_356 : i32 to vector<16xi32>
        %lt3A_682 = arith.cmpi slt, %add3A_680, %lt3A_681 : vector<16xi32>
        %jit3A_683 = arith.constant 0x7F800000 : f32
        %broadcast_in_dim3A_684 = vector.broadcast %jit3A_683 : f32 to vector<16xf32>
        %select_n3A_685 = arith.select %lt3A_682, %get3A_676, %broadcast_in_dim3A_684 : vector<16xi1>, vector<16xf32>
        %jit3A_686 = arith.constant 1073741824 : i32
        %broadcast_in_dim3A_687 = vector.broadcast %jit3A_686 : i32 to vector<16xi32>
        %select_n3A_688 = arith.select %lt3A_682, %get3A_678, %broadcast_in_dim3A_687 : vector<16xi1>, vector<16xi32>
        %masked_sort3A_689 = arith.constant dense<true> : vector<16xi1>
        %masked_sort3A_690, %masked_sort3A_691, %masked_sort3A_692 = tpu.sort %select_n3A_685, %select_n3A_688 masked %masked_sort3A_689 : (vector<16xf32>, vector<16xi32>, vector<16xi1>) -> (vector<16xi1>, vector<16xf32>, vector<16xi32>)
        %rev3A_693 = arith.constant 15 : i32
        %rev3A_694 = vector.broadcast %rev3A_693 : i32 to vector<16xi32>
        %rev3A_695 = tpu.iota {dimensions = array<i32: 0>} : vector<16xi32>
        %rev3A_696 = arith.subi %rev3A_694, %rev3A_695 : vector<16xi32>
        %rev3A_697 = tpu.dynamic_gather %masked_sort3A_691[%rev3A_696] in [0] : vector<16xf32>, vector<16xi32> -> vector<16xf32>
        %rev3A_698 = arith.constant 15 : i32
        %rev3A_699 = vector.broadcast %rev3A_698 : i32 to vector<16xi32>
        %rev3A_700 = tpu.iota {dimensions = array<i32: 0>} : vector<16xi32>
        %rev3A_701 = arith.subi %rev3A_699, %rev3A_700 : vector<16xi32>
        %rev3A_702 = tpu.dynamic_gather %masked_sort3A_692[%rev3A_701] in [0] : vector<16xi32>, vector<16xi32> -> vector<16xi32>
        %lt3A_703 = arith.cmpf olt, %while3A_671, %rev3A_697 : vector<16xf32>
        %eq3A_704 = arith.cmpf oeq, %while3A_671, %rev3A_697 : vector<16xf32>
        %lt3A_705 = arith.cmpi slt, %while3A_672, %rev3A_702 : vector<16xi32>
        %and3A_706 = arith.andi %eq3A_704, %lt3A_705 : vector<16xi1>
        %or3A_707 = arith.ori %lt3A_703, %and3A_706 : vector<16xi1>
        %select_n3A_708 = arith.select %or3A_707, %while3A_671, %rev3A_697 : vector<16xi1>, vector<16xf32>
        %select_n3A_709 = arith.select %or3A_707, %while3A_672, %rev3A_702 : vector<16xi1>, vector<16xi32>
        %select_n3A_710 = arith.select %or3A_707, %rev3A_697, %while3A_671 : vector<16xi1>, vector<16xf32>
        %select_n3A_711 = arith.select %or3A_707, %rev3A_702, %while3A_672 : vector<16xi1>, vector<16xi32>
        %masked_sort3A_712 = arith.constant dense<true> : vector<16xi1>
        %masked_sort3A_713, %masked_sort3A_714, %masked_sort3A_715 = tpu.sort %select_n3A_708, %select_n3A_709 masked %masked_sort3A_712 : (vector<16xf32>, vector<16xi32>, vector<16xi1>) -> (vector<16xi1>, vector<16xf32>, vector<16xi32>)
        %rev3A_716 = arith.constant 15 : i32
        %rev3A_717 = vector.broadcast %rev3A_716 : i32 to vector<16xi32>
        %rev3A_718 = tpu.iota {dimensions = array<i32: 0>} : vector<16xi32>
        %rev3A_719 = arith.subi %rev3A_717, %rev3A_718 : vector<16xi32>
        %rev3A_720 = tpu.dynamic_gather %masked_sort3A_714[%rev3A_719] in [0] : vector<16xf32>, vector<16xi32> -> vector<16xf32>
        %rev3A_721 = arith.constant 15 : i32
        %rev3A_722 = vector.broadcast %rev3A_721 : i32 to vector<16xi32>
        %rev3A_723 = tpu.iota {dimensions = array<i32: 0>} : vector<16xi32>
        %rev3A_724 = arith.subi %rev3A_722, %rev3A_723 : vector<16xi32>
        %rev3A_725 = tpu.dynamic_gather %masked_sort3A_715[%rev3A_724] in [0] : vector<16xi32>, vector<16xi32> -> vector<16xi32>
        %lt3A_726 = arith.cmpf olt, %while3A_669, %rev3A_720 : vector<16xf32>
        %eq3A_727 = arith.cmpf oeq, %while3A_669, %rev3A_720 : vector<16xf32>
        %lt3A_728 = arith.cmpi slt, %while3A_670, %rev3A_725 : vector<16xi32>
        %and3A_729 = arith.andi %eq3A_727, %lt3A_728 : vector<16xi1>
        %or3A_730 = arith.ori %lt3A_726, %and3A_729 : vector<16xi1>
        %select_n3A_731 = arith.select %or3A_730, %while3A_669, %rev3A_720 : vector<16xi1>, vector<16xf32>
        %select_n3A_732 = arith.select %or3A_730, %while3A_670, %rev3A_725 : vector<16xi1>, vector<16xi32>
        %select_n3A_733 = arith.select %or3A_730, %rev3A_720, %while3A_669 : vector<16xi1>, vector<16xf32>
        %select_n3A_734 = arith.select %or3A_730, %rev3A_725, %while3A_670 : vector<16xi1>, vector<16xi32>
        %masked_sort3A_735 = arith.constant dense<true> : vector<16xi1>
        %masked_sort3A_736, %masked_sort3A_737, %masked_sort3A_738 = tpu.sort %select_n3A_731, %select_n3A_732 masked %masked_sort3A_735 : (vector<16xf32>, vector<16xi32>, vector<16xi1>) -> (vector<16xi1>, vector<16xf32>, vector<16xi32>)
        %masked_sort3A_739 = arith.constant dense<true> : vector<16xi1>
        %masked_sort3A_740, %masked_sort3A_741, %masked_sort3A_742 = tpu.sort %select_n3A_733, %select_n3A_734 masked %masked_sort3A_739 : (vector<16xf32>, vector<16xi32>, vector<16xi1>) -> (vector<16xi1>, vector<16xf32>, vector<16xi32>)
        scf.yield %masked_sort3A_737, %masked_sort3A_738, %masked_sort3A_741, %masked_sort3A_742 : vector<16xf32>, vector<16xi32>, vector<16xf32>, vector<16xi32>
      }
      %while3A_432 = arith.constant 1 : i32
      %while3A_433:4 = scf.for %while3A_668 = %while3A_429 to %while3A_425 step %while3A_432 iter_args(%while3A_669 = %while3A_431#0, %while3A_670 = %while3A_431#1, %while3A_671 = %while3A_431#2, %while3A_672 = %while3A_431#3) -> (vector<16xf32>, vector<16xi32>, vector<16xf32>, vector<16xi32>)  : i32 {
        %mul3A_673 = arith.constant 16 : i32
        %mul3A_674 = arith.muli %while3A_668, %mul3A_673 : i32
        %get3A_675 = arith.index_cast %mul3A_674 : i32 to index
        %get3A_676 = tpu.vector_load %arg15[%get3A_675] {strides = array<i32>} : memref<8208xf32, #tpu.memory_space<vmem>>, vector<16xf32>,
        %get3A_677 = arith.index_cast %mul3A_674 : i32 to index
        %get3A_678 = tpu.vector_load %arg16[%get3A_677] {strides = array<i32>} : memref<8208xi32, #tpu.memory_space<vmem>>, vector<16xi32>,
        %add3A_679 = vector.broadcast %mul3A_674 : i32 to vector<16xi32>
        %add3A_680 = arith.addi %iota3A, %add3A_679 : vector<16xi32>
        %lt3A_681 = vector.broadcast %while3A_356 : i32 to vector<16xi32>
        %lt3A_682 = arith.cmpi slt, %add3A_680, %lt3A_681 : vector<16xi32>
        %jit3A_683 = arith.constant 0x7F800000 : f32
        %broadcast_in_dim3A_684 = vector.broadcast %jit3A_683 : f32 to vector<16xf32>
        %select_n3A_685 = arith.select %lt3A_682, %get3A_676, %broadcast_in_dim3A_684 : vector<16xi1>, vector<16xf32>
        %jit3A_686 = arith.constant 1073741824 : i32
        %broadcast_in_dim3A_687 = vector.broadcast %jit3A_686 : i32 to vector<16xi32>
        %select_n3A_688 = arith.select %lt3A_682, %get3A_678, %broadcast_in_dim3A_687 : vector<16xi1>, vector<16xi32>
        %masked_sort3A_689 = arith.constant dense<true> : vector<16xi1>
        %masked_sort3A_690, %masked_sort3A_691, %masked_sort3A_692 = tpu.sort %select_n3A_685, %select_n3A_688 masked %masked_sort3A_689 : (vector<16xf32>, vector<16xi32>, vector<16xi1>) -> (vector<16xi1>, vector<16xf32>, vector<16xi32>)
        %rev3A_693 = arith.constant 15 : i32
        %rev3A_694 = vector.broadcast %rev3A_693 : i32 to vector<16xi32>
        %rev3A_695 = tpu.iota {dimensions = array<i32: 0>} : vector<16xi32>
        %rev3A_696 = arith.subi %rev3A_694, %rev3A_695 : vector<16xi32>
        %rev3A_697 = tpu.dynamic_gather %masked_sort3A_691[%rev3A_696] in [0] : vector<16xf32>, vector<16xi32> -> vector<16xf32>
        %rev3A_698 = arith.constant 15 : i32
        %rev3A_699 = vector.broadcast %rev3A_698 : i32 to vector<16xi32>
        %rev3A_700 = tpu.iota {dimensions = array<i32: 0>} : vector<16xi32>
        %rev3A_701 = arith.subi %rev3A_699, %rev3A_700 : vector<16xi32>
        %rev3A_702 = tpu.dynamic_gather %masked_sort3A_692[%rev3A_701] in [0] : vector<16xi32>, vector<16xi32> -> vector<16xi32>
        %lt3A_703 = arith.cmpf olt, %while3A_671, %rev3A_697 : vector<16xf32>
        %eq3A_704 = arith.cmpf oeq, %while3A_671, %rev3A_697 : vector<16xf32>
        %lt3A_705 = arith.cmpi slt, %while3A_672, %rev3A_702 : vector<16xi32>
        %and3A_706 = arith.andi %eq3A_704, %lt3A_705 : vector<16xi1>
        %or3A_707 = arith.ori %lt3A_703, %and3A_706 : vector<16xi1>
        %select_n3A_708 = arith.select %or3A_707, %while3A_671, %rev3A_697 : vector<16xi1>, vector<16xf32>
        %select_n3A_709 = arith.select %or3A_707, %while3A_672, %rev3A_702 : vector<16xi1>, vector<16xi32>
        %select_n3A_710 = arith.select %or3A_707, %rev3A_697, %while3A_671 : vector<16xi1>, vector<16xf32>
        %select_n3A_711 = arith.select %or3A_707, %rev3A_702, %while3A_672 : vector<16xi1>, vector<16xi32>
        %masked_sort3A_712 = arith.constant dense<true> : vector<16xi1>
        %masked_sort3A_713, %masked_sort3A_714, %masked_sort3A_715 = tpu.sort %select_n3A_708, %select_n3A_709 masked %masked_sort3A_712 : (vector<16xf32>, vector<16xi32>, vector<16xi1>) -> (vector<16xi1>, vector<16xf32>, vector<16xi32>)
        %rev3A_716 = arith.constant 15 : i32
        %rev3A_717 = vector.broadcast %rev3A_716 : i32 to vector<16xi32>
        %rev3A_718 = tpu.iota {dimensions = array<i32: 0>} : vector<16xi32>
        %rev3A_719 = arith.subi %rev3A_717, %rev3A_718 : vector<16xi32>
        %rev3A_720 = tpu.dynamic_gather %masked_sort3A_714[%rev3A_719] in [0] : vector<16xf32>, vector<16xi32> -> vector<16xf32>
        %rev3A_721 = arith.constant 15 : i32
        %rev3A_722 = vector.broadcast %rev3A_721 : i32 to vector<16xi32>
        %rev3A_723 = tpu.iota {dimensions = array<i32: 0>} : vector<16xi32>
        %rev3A_724 = arith.subi %rev3A_722, %rev3A_723 : vector<16xi32>
        %rev3A_725 = tpu.dynamic_gather %masked_sort3A_715[%rev3A_724] in [0] : vector<16xi32>, vector<16xi32> -> vector<16xi32>
        %lt3A_726 = arith.cmpf olt, %while3A_669, %rev3A_720 : vector<16xf32>
        %eq3A_727 = arith.cmpf oeq, %while3A_669, %rev3A_720 : vector<16xf32>
        %lt3A_728 = arith.cmpi slt, %while3A_670, %rev3A_725 : vector<16xi32>
        %and3A_729 = arith.andi %eq3A_727, %lt3A_728 : vector<16xi1>
        %or3A_730 = arith.ori %lt3A_726, %and3A_729 : vector<16xi1>
        %select_n3A_731 = arith.select %or3A_730, %while3A_669, %rev3A_720 : vector<16xi1>, vector<16xf32>
        %select_n3A_732 = arith.select %or3A_730, %while3A_670, %rev3A_725 : vector<16xi1>, vector<16xi32>
        %select_n3A_733 = arith.select %or3A_730, %rev3A_720, %while3A_669 : vector<16xi1>, vector<16xf32>
        %select_n3A_734 = arith.select %or3A_730, %rev3A_725, %while3A_670 : vector<16xi1>, vector<16xi32>
        %masked_sort3A_735 = arith.constant dense<true> : vector<16xi1>
        %masked_sort3A_736, %masked_sort3A_737, %masked_sort3A_738 = tpu.sort %select_n3A_731, %select_n3A_732 masked %masked_sort3A_735 : (vector<16xf32>, vector<16xi32>, vector<16xi1>) -> (vector<16xi1>, vector<16xf32>, vector<16xi32>)
        %masked_sort3A_739 = arith.constant dense<true> : vector<16xi1>
        %masked_sort3A_740, %masked_sort3A_741, %masked_sort3A_742 = tpu.sort %select_n3A_733, %select_n3A_734 masked %masked_sort3A_739 : (vector<16xf32>, vector<16xi32>, vector<16xi1>) -> (vector<16xi1>, vector<16xf32>, vector<16xi32>)
        scf.yield %masked_sort3A_737, %masked_sort3A_738, %masked_sort3A_741, %masked_sort3A_742 : vector<16xf32>, vector<16xi32>, vector<16xf32>, vector<16xi32>
      }
      %gather3A_434 = tpu.vector_load_idx %arg5[%while3A_433#1] : memref<8192xf32, #tpu.memory_space<vmem>>[vector<16xi32>], vector<16xf32>,
      %gather3A_435 = tpu.vector_load_idx %arg6[%while3A_433#1] : memref<8192xf32, #tpu.memory_space<vmem>>[vector<16xi32>], vector<16xf32>,
      %gather3A_436 = tpu.vector_load_idx %arg7[%while3A_433#1] : memref<8192xf32, #tpu.memory_space<vmem>>[vector<16xi32>], vector<16xf32>,
      %gather3A_437 = tpu.vector_load_idx %arg5[%while3A_433#3] : memref<8192xf32, #tpu.memory_space<vmem>>[vector<16xi32>], vector<16xf32>,
      %gather3A_438 = tpu.vector_load_idx %arg6[%while3A_433#3] : memref<8192xf32, #tpu.memory_space<vmem>>[vector<16xi32>], vector<16xf32>,
      %gather3A_439 = tpu.vector_load_idx %arg7[%while3A_433#3] : memref<8192xf32, #tpu.memory_space<vmem>>[vector<16xi32>], vector<16xf32>,
      %sub3A_440 = arith.subf %gather3A_434, %gather3A_115 : vector<16xf32>
      %swap3A = arith.constant 0 : i32
      %swap3A_441 = arith.index_cast %swap3A : i32 to index
      %swap3A_442 = arith.index_cast %mul3A_67 : i32 to index
      %swap3A_443 = arith.constant 0 : index
      %swap3A_444 = tpu.vector_load %arg19[%swap3A_441, %swap3A_442, %swap3A_443] {strides = array<i32>} : memref<3x64x32xf32, #tpu.memory_space<vmem>>, vector<16xf32>,
      tpu.vector_store %arg19[%swap3A_441, %swap3A_442, %swap3A_443], %sub3A_440 {strides = array<i32>} : memref<3x64x32xf32, #tpu.memory_space<vmem>>, vector<16xf32>,
      %sub3A_445 = arith.subf %gather3A_437, %gather3A_115 : vector<16xf32>
      %swap3A_446 = arith.constant 0 : i32
      %swap3A_447 = arith.index_cast %swap3A_446 : i32 to index
      %swap3A_448 = arith.index_cast %mul3A_67 : i32 to index
      %swap3A_449 = arith.constant 16 : index
      %swap3A_450 = tpu.vector_load %arg19[%swap3A_447, %swap3A_448, %swap3A_449] {strides = array<i32>} : memref<3x64x32xf32, #tpu.memory_space<vmem>>, vector<16xf32>,
      tpu.vector_store %arg19[%swap3A_447, %swap3A_448, %swap3A_449], %sub3A_445 {strides = array<i32>} : memref<3x64x32xf32, #tpu.memory_space<vmem>>, vector<16xf32>,
      %sub3A_451 = arith.subf %gather3A_435, %gather3A_120 : vector<16xf32>
      %swap3A_452 = arith.constant 1 : i32
      %swap3A_453 = arith.index_cast %swap3A_452 : i32 to index
      %swap3A_454 = arith.index_cast %mul3A_67 : i32 to index
      %swap3A_455 = arith.constant 0 : index
      %swap3A_456 = tpu.vector_load %arg19[%swap3A_453, %swap3A_454, %swap3A_455] {strides = array<i32>} : memref<3x64x32xf32, #tpu.memory_space<vmem>>, vector<16xf32>,
      tpu.vector_store %arg19[%swap3A_453, %swap3A_454, %swap3A_455], %sub3A_451 {strides = array<i32>} : memref<3x64x32xf32, #tpu.memory_space<vmem>>, vector<16xf32>,
      %sub3A_457 = arith.subf %gather3A_438, %gather3A_120 : vector<16xf32>
      %swap3A_458 = arith.constant 1 : i32
      %swap3A_459 = arith.index_cast %swap3A_458 : i32 to index
      %swap3A_460 = arith.index_cast %mul3A_67 : i32 to index
      %swap3A_461 = arith.constant 16 : index
      %swap3A_462 = tpu.vector_load %arg19[%swap3A_459, %swap3A_460, %swap3A_461] {strides = array<i32>} : memref<3x64x32xf32, #tpu.memory_space<vmem>>, vector<16xf32>,
      tpu.vector_store %arg19[%swap3A_459, %swap3A_460, %swap3A_461], %sub3A_457 {strides = array<i32>} : memref<3x64x32xf32, #tpu.memory_space<vmem>>, vector<16xf32>,
      %sub3A_463 = arith.subf %gather3A_436, %gather3A_125 : vector<16xf32>
      %swap3A_464 = arith.constant 2 : i32
      %swap3A_465 = arith.index_cast %swap3A_464 : i32 to index
      %swap3A_466 = arith.index_cast %mul3A_67 : i32 to index
      %swap3A_467 = arith.constant 0 : index
      %swap3A_468 = tpu.vector_load %arg19[%swap3A_465, %swap3A_466, %swap3A_467] {strides = array<i32>} : memref<3x64x32xf32, #tpu.memory_space<vmem>>, vector<16xf32>,
      tpu.vector_store %arg19[%swap3A_465, %swap3A_466, %swap3A_467], %sub3A_463 {strides = array<i32>} : memref<3x64x32xf32, #tpu.memory_space<vmem>>, vector<16xf32>,
      %sub3A_469 = arith.subf %gather3A_439, %gather3A_125 : vector<16xf32>
      %swap3A_470 = arith.constant 2 : i32
      %swap3A_471 = arith.index_cast %swap3A_470 : i32 to index
      %swap3A_472 = arith.index_cast %mul3A_67 : i32 to index
      %swap3A_473 = arith.constant 16 : index
      %swap3A_474 = tpu.vector_load %arg19[%swap3A_471, %swap3A_472, %swap3A_473] {strides = array<i32>} : memref<3x64x32xf32, #tpu.memory_space<vmem>>, vector<16xf32>,
      tpu.vector_store %arg19[%swap3A_471, %swap3A_472, %swap3A_473], %sub3A_469 {strides = array<i32>} : memref<3x64x32xf32, #tpu.memory_space<vmem>>, vector<16xf32>,
      %iota3A_475 = tpu.iota {dimensions = array<i32: 0>} : vector<16xi32>
      %xor3A_476 = arith.constant 8 : i32
      %xor3A_477 = vector.broadcast %xor3A_476 : i32 to vector<16xi32>
      %xor3A_478 = arith.xori %iota3A_475, %xor3A_477 : vector<16xi32>
      %broadcast_in_dim3A_479 = vector.shape_cast %xor3A_478 : vector<16xi32> to vector<16x1xi32>
      %gather3A_480 = vector.shape_cast %broadcast_in_dim3A_479 : vector<16x1xi32> to vector<16xi32>
      %gather3A_481 = tpu.dynamic_gather %scan3A_288#3[%gather3A_480] in [0] : vector<16xf32>, vector<16xi32> -> vector<16xf32>
      %max3A_482 = arith.maximumf %scan3A_288#3, %gather3A_481 : vector<16xf32>
      %iota3A_483 = tpu.iota {dimensions = array<i32: 0>} : vector<16xi32>
      %xor3A_484 = arith.constant 4 : i32
      %xor3A_485 = vector.broadcast %xor3A_484 : i32 to vector<16xi32>
      %xor3A_486 = arith.xori %iota3A_483, %xor3A_485 : vector<16xi32>
      %broadcast_in_dim3A_487 = vector.shape_cast %xor3A_486 : vector<16xi32> to vector<16x1xi32>
      %gather3A_488 = vector.shape_cast %broadcast_in_dim3A_487 : vector<16x1xi32> to vector<16xi32>
      %gather3A_489 = tpu.dynamic_gather %max3A_482[%gather3A_488] in [0] : vector<16xf32>, vector<16xi32> -> vector<16xf32>
      %max3A_490 = arith.maximumf %max3A_482, %gather3A_489 : vector<16xf32>
      %iota3A_491 = tpu.iota {dimensions = array<i32: 0>} : vector<16xi32>
      %xor3A_492 = arith.constant 2 : i32
      %xor3A_493 = vector.broadcast %xor3A_492 : i32 to vector<16xi32>
      %xor3A_494 = arith.xori %iota3A_491, %xor3A_493 : vector<16xi32>
      %broadcast_in_dim3A_495 = vector.shape_cast %xor3A_494 : vector<16xi32> to vector<16x1xi32>
      %gather3A_496 = vector.shape_cast %broadcast_in_dim3A_495 : vector<16x1xi32> to vector<16xi32>
      %gather3A_497 = tpu.dynamic_gather %max3A_490[%gather3A_496] in [0] : vector<16xf32>, vector<16xi32> -> vector<16xf32>
      %max3A_498 = arith.maximumf %max3A_490, %gather3A_497 : vector<16xf32>
      %iota3A_499 = tpu.iota {dimensions = array<i32: 0>} : vector<16xi32>
      %xor3A_500 = arith.constant 1 : i32
      %xor3A_501 = vector.broadcast %xor3A_500 : i32 to vector<16xi32>
      %xor3A_502 = arith.xori %iota3A_499, %xor3A_501 : vector<16xi32>
      %broadcast_in_dim3A_503 = vector.shape_cast %xor3A_502 : vector<16xi32> to vector<16x1xi32>
      %gather3A_504 = vector.shape_cast %broadcast_in_dim3A_503 : vector<16x1xi32> to vector<16xi32>
      %gather3A_505 = tpu.dynamic_gather %max3A_498[%gather3A_504] in [0] : vector<16xf32>, vector<16xi32> -> vector<16xf32>
      %max3A_506 = arith.maximumf %max3A_498, %gather3A_505 : vector<16xf32>
      %add3A_507 = arith.constant 15 : i32
      %add3A_508 = arith.addi %scan3A_288#7, %add3A_507 : i32
      %jit3A_509 = arith.constant 16 : i32
      %div3A_510 = arith.divsi %add3A_508, %jit3A_509 : i32
      %sign3A_511 = arith.constant 0 : i32
      %sign3A_512 = arith.cmpi sgt, %add3A_508, %sign3A_511 : i32
      %sign3A_513 = arith.extui %sign3A_512 : i1 to i32
      %sign3A_514 = arith.constant 0 : i32
      %sign3A_515 = arith.cmpi slt, %add3A_508, %sign3A_514 : i32
      %sign3A_516 = arith.extui %sign3A_515 : i1 to i32
      %sign3A_517 = arith.subi %sign3A_513, %sign3A_516 : i32
      %sign3A_518 = arith.constant 0 : i32
      %sign3A_519 = arith.cmpi sgt, %jit3A_509, %sign3A_518 : i32
      %sign3A_520 = arith.extui %sign3A_519 : i1 to i32
      %sign3A_521 = arith.constant 0 : i32
      %sign3A_522 = arith.cmpi slt, %jit3A_509, %sign3A_521 : i32
      %sign3A_523 = arith.extui %sign3A_522 : i1 to i32
      %sign3A_524 = arith.subi %sign3A_520, %sign3A_523 : i32
      %ne3A_525 = arith.cmpi ne, %sign3A_517, %sign3A_524 : i32
      %rem3A_526 = arith.remsi %add3A_508, %jit3A_509 : i32
      %ne3A_527 = arith.constant 0 : i32
      %ne3A_528 = arith.cmpi ne, %rem3A_526, %ne3A_527 : i32
      %and3A_529 = arith.andi %ne3A_525, %ne3A_528 : i1
      %sub3A_530 = arith.constant 1 : i32
      %sub3A_531 = arith.subi %div3A_510, %sub3A_530 : i32
      %select_n3A_532 = arith.select %and3A_529, %sub3A_531, %div3A_510 : i32
      %while3A_533 = arith.constant 0 : i32
      %while3A_534 = arith.constant 0 : i32
      %while3A_535 = arith.subi %select_n3A_532, %while3A_533 : i32
      %while3A_536 = arith.addi %while3A_533, %while3A_535 : i32
      %while3A_537 = arith.constant 1 : i32
      %while3A_538 = arith.divsi %while3A_535, %while3A_537 : i32
      %while3A_539 = arith.muli %while3A_538, %while3A_537 : i32
      %while3A_540 = arith.addi %while3A_533, %while3A_539 : i32
      %while3A_541 = arith.constant 1 : i32
      %while3A_542 = scf.for %while3A_668 = %while3A_533 to %while3A_540 step %while3A_541 iter_args(%while3A_669 = %while3A_534) -> (i32)  : i32 {
        %mul3A_670 = arith.constant 16 : i32
        %mul3A_671 = arith.muli %while3A_668, %mul3A_670 : i32
        %get3A_672 = arith.index_cast %mul3A_671 : i32 to index
        %get3A_673 = tpu.vector_load %arg18[%get3A_672] {strides = array<i32>} : memref<8208xi32, #tpu.memory_space<vmem>>, vector<16xi32>,
        %add3A_674 = vector.broadcast %mul3A_671 : i32 to vector<16xi32>
        %add3A_675 = arith.addi %iota3A, %add3A_674 : vector<16xi32>
        %lt3A_676 = vector.broadcast %scan3A_288#7 : i32 to vector<16xi32>
        %lt3A_677 = arith.cmpi slt, %add3A_675, %lt3A_676 : vector<16xi32>
        %jit3A_678 = arith.constant 0 : i32
        %broadcast_in_dim3A_679 = vector.broadcast %jit3A_678 : i32 to vector<16xi32>
        %select_n3A_680 = arith.select %lt3A_677, %get3A_673, %broadcast_in_dim3A_679 : vector<16xi1>, vector<16xi32>
        %gather3A_681 = tpu.vector_load_idx %arg8[%select_n3A_680] : memref<8192xf32, #tpu.memory_space<vmem>>[vector<16xi32>], vector<16xf32>,
        %gather3A_682 = tpu.vector_load_idx %arg9[%select_n3A_680] : memref<8192xf32, #tpu.memory_space<vmem>>[vector<16xi32>], vector<16xf32>,
        %gather3A_683 = tpu.vector_load_idx %arg10[%select_n3A_680] : memref<8192xf32, #tpu.memory_space<vmem>>[vector<16xi32>], vector<16xf32>,
        %gather3A_684 = tpu.vector_load_idx %arg11[%select_n3A_680] : memref<8192xf32, #tpu.memory_space<vmem>>[vector<16xi32>], vector<16xf32>,
        %mul3A_685 = arith.mulf %bitcast3A_251, %gather3A_681 : vector<16xf32>
        %mul3A_686 = arith.mulf %bitcast3A_266, %gather3A_682 : vector<16xf32>
        %add3A_687 = arith.addf %mul3A_685, %mul3A_686 : vector<16xf32>
        %mul3A_688 = arith.mulf %bitcast3A_281, %gather3A_683 : vector<16xf32>
        %add3A_689 = arith.addf %add3A_687, %mul3A_688 : vector<16xf32>
        %add3A_690 = arith.addf %add3A_236, %gather3A_684 : vector<16xf32>
        %add3A_691 = arith.addf %add3A_689, %add3A_689 : vector<16xf32>
        %sub3A_692 = arith.subf %add3A_690, %add3A_691 : vector<16xf32>
        %le3A = arith.cmpf ole, %sub3A_692, %max3A_506 : vector<16xf32>
        %and3A_693 = arith.andi %le3A, %lt3A_677 : vector<16xi1>
        %swap3A_694 = arith.index_cast %while3A_669 : i32 to index
        %swap3A_695 = tpu.vector_load %arg17[%swap3A_694] masked %and3A_693 {strides = array<i32>} : memref<8208xf32, #tpu.memory_space<vmem>>, vector<16xf32>, vector<16xi1>
        tpu.vector_store %arg17[%swap3A_694], %sub3A_692 masked %and3A_693 {strides = array<i32>} : memref<8208xf32, #tpu.memory_space<vmem>>, vector<16xf32>, vector<16xi1>
        %swap3A_696 = arith.index_cast %while3A_669 : i32 to index
        %swap3A_697 = tpu.vector_load %arg18[%swap3A_696] masked %and3A_693 {strides = array<i32>} : memref<8208xi32, #tpu.memory_space<vmem>>, vector<16xi32>, vector<16xi1>
        tpu.vector_store %arg18[%swap3A_696], %get3A_673 masked %and3A_693 {strides = array<i32>} : memref<8208xi32, #tpu.memory_space<vmem>>, vector<16xi32>, vector<16xi1>
        %all_reduce_population_count3A = tpu.all_reduce %and3A_693 {dim = 0 : i64, kind = #tpu.reduction_kind<sum>} : vector<16xi1> -> vector<16xi32>
        %slice3A = vector.extract_strided_slice %all_reduce_population_count3A {offsets = [0], sizes = [1], strides = [1]} : vector<16xi32> to vector<1xi32>
        %squeeze3A = vector.extract %slice3A[0] : i32 from vector<1xi32>
        %add3A_698 = arith.addi %while3A_669, %squeeze3A : i32
        scf.yield %add3A_698 : i32
      }
      %while3A_543 = arith.constant 1 : i32
      %while3A_544 = scf.for %while3A_668 = %while3A_540 to %while3A_536 step %while3A_543 iter_args(%while3A_669 = %while3A_542) -> (i32)  : i32 {
        %mul3A_670 = arith.constant 16 : i32
        %mul3A_671 = arith.muli %while3A_668, %mul3A_670 : i32
        %get3A_672 = arith.index_cast %mul3A_671 : i32 to index
        %get3A_673 = tpu.vector_load %arg18[%get3A_672] {strides = array<i32>} : memref<8208xi32, #tpu.memory_space<vmem>>, vector<16xi32>,
        %add3A_674 = vector.broadcast %mul3A_671 : i32 to vector<16xi32>
        %add3A_675 = arith.addi %iota3A, %add3A_674 : vector<16xi32>
        %lt3A_676 = vector.broadcast %scan3A_288#7 : i32 to vector<16xi32>
        %lt3A_677 = arith.cmpi slt, %add3A_675, %lt3A_676 : vector<16xi32>
        %jit3A_678 = arith.constant 0 : i32
        %broadcast_in_dim3A_679 = vector.broadcast %jit3A_678 : i32 to vector<16xi32>
        %select_n3A_680 = arith.select %lt3A_677, %get3A_673, %broadcast_in_dim3A_679 : vector<16xi1>, vector<16xi32>
        %gather3A_681 = tpu.vector_load_idx %arg8[%select_n3A_680] : memref<8192xf32, #tpu.memory_space<vmem>>[vector<16xi32>], vector<16xf32>,
        %gather3A_682 = tpu.vector_load_idx %arg9[%select_n3A_680] : memref<8192xf32, #tpu.memory_space<vmem>>[vector<16xi32>], vector<16xf32>,
        %gather3A_683 = tpu.vector_load_idx %arg10[%select_n3A_680] : memref<8192xf32, #tpu.memory_space<vmem>>[vector<16xi32>], vector<16xf32>,
        %gather3A_684 = tpu.vector_load_idx %arg11[%select_n3A_680] : memref<8192xf32, #tpu.memory_space<vmem>>[vector<16xi32>], vector<16xf32>,
        %mul3A_685 = arith.mulf %bitcast3A_251, %gather3A_681 : vector<16xf32>
        %mul3A_686 = arith.mulf %bitcast3A_266, %gather3A_682 : vector<16xf32>
        %add3A_687 = arith.addf %mul3A_685, %mul3A_686 : vector<16xf32>
        %mul3A_688 = arith.mulf %bitcast3A_281, %gather3A_683 : vector<16xf32>
        %add3A_689 = arith.addf %add3A_687, %mul3A_688 : vector<16xf32>
        %add3A_690 = arith.addf %add3A_236, %gather3A_684 : vector<16xf32>
        %add3A_691 = arith.addf %add3A_689, %add3A_689 : vector<16xf32>
        %sub3A_692 = arith.subf %add3A_690, %add3A_691 : vector<16xf32>
        %le3A = arith.cmpf ole, %sub3A_692, %max3A_506 : vector<16xf32>
        %and3A_693 = arith.andi %le3A, %lt3A_677 : vector<16xi1>
        %swap3A_694 = arith.index_cast %while3A_669 : i32 to index
        %swap3A_695 = tpu.vector_load %arg17[%swap3A_694] masked %and3A_693 {strides = array<i32>} : memref<8208xf32, #tpu.memory_space<vmem>>, vector<16xf32>, vector<16xi1>
        tpu.vector_store %arg17[%swap3A_694], %sub3A_692 masked %and3A_693 {strides = array<i32>} : memref<8208xf32, #tpu.memory_space<vmem>>, vector<16xf32>, vector<16xi1>
        %swap3A_696 = arith.index_cast %while3A_669 : i32 to index
        %swap3A_697 = tpu.vector_load %arg18[%swap3A_696] masked %and3A_693 {strides = array<i32>} : memref<8208xi32, #tpu.memory_space<vmem>>, vector<16xi32>, vector<16xi1>
        tpu.vector_store %arg18[%swap3A_696], %get3A_673 masked %and3A_693 {strides = array<i32>} : memref<8208xi32, #tpu.memory_space<vmem>>, vector<16xi32>, vector<16xi1>
        %all_reduce_population_count3A = tpu.all_reduce %and3A_693 {dim = 0 : i64, kind = #tpu.reduction_kind<sum>} : vector<16xi1> -> vector<16xi32>
        %slice3A = vector.extract_strided_slice %all_reduce_population_count3A {offsets = [0], sizes = [1], strides = [1]} : vector<16xi32> to vector<1xi32>
        %squeeze3A = vector.extract %slice3A[0] : i32 from vector<1xi32>
        %add3A_698 = arith.addi %while3A_669, %squeeze3A : i32
        scf.yield %add3A_698 : i32
      }
      %add3A_545 = arith.constant 15 : i32
      %add3A_546 = arith.addi %while3A_544, %add3A_545 : i32
      %jit3A_547 = arith.constant 16 : i32
      %div3A_548 = arith.divsi %add3A_546, %jit3A_547 : i32
      %sign3A_549 = arith.constant 0 : i32
      %sign3A_550 = arith.cmpi sgt, %add3A_546, %sign3A_549 : i32
      %sign3A_551 = arith.extui %sign3A_550 : i1 to i32
      %sign3A_552 = arith.constant 0 : i32
      %sign3A_553 = arith.cmpi slt, %add3A_546, %sign3A_552 : i32
      %sign3A_554 = arith.extui %sign3A_553 : i1 to i32
      %sign3A_555 = arith.subi %sign3A_551, %sign3A_554 : i32
      %sign3A_556 = arith.constant 0 : i32
      %sign3A_557 = arith.cmpi sgt, %jit3A_547, %sign3A_556 : i32
      %sign3A_558 = arith.extui %sign3A_557 : i1 to i32
      %sign3A_559 = arith.constant 0 : i32
      %sign3A_560 = arith.cmpi slt, %jit3A_547, %sign3A_559 : i32
      %sign3A_561 = arith.extui %sign3A_560 : i1 to i32
      %sign3A_562 = arith.subi %sign3A_558, %sign3A_561 : i32
      %ne3A_563 = arith.cmpi ne, %sign3A_555, %sign3A_562 : i32
      %rem3A_564 = arith.remsi %add3A_546, %jit3A_547 : i32
      %ne3A_565 = arith.constant 0 : i32
      %ne3A_566 = arith.cmpi ne, %rem3A_564, %ne3A_565 : i32
      %and3A_567 = arith.andi %ne3A_563, %ne3A_566 : i1
      %sub3A_568 = arith.constant 1 : i32
      %sub3A_569 = arith.subi %div3A_548, %sub3A_568 : i32
      %select_n3A_570 = arith.select %and3A_567, %sub3A_569, %div3A_548 : i32
      %get3A_571 = arith.constant 0 : index
      %get3A_572 = tpu.vector_load %arg17[%get3A_571] {strides = array<i32>} : memref<8208xf32, #tpu.memory_space<vmem>>, vector<16xf32>,
      %get3A_573 = arith.constant 0 : index
      %get3A_574 = tpu.vector_load %arg18[%get3A_573] {strides = array<i32>} : memref<8208xi32, #tpu.memory_space<vmem>>, vector<16xi32>,
      %masked_sort3A_575 = arith.constant dense<true> : vector<16xi1>
      %masked_sort3A_576, %masked_sort3A_577, %masked_sort3A_578 = tpu.sort %get3A_572, %get3A_574 masked %masked_sort3A_575 : (vector<16xf32>, vector<16xi32>, vector<16xi1>) -> (vector<16xi1>, vector<16xf32>, vector<16xi32>)
      %get3A_579 = arith.constant 16 : index
      %get3A_580 = tpu.vector_load %arg17[%get3A_579] {strides = array<i32>} : memref<8208xf32, #tpu.memory_space<vmem>>, vector<16xf32>,
      %get3A_581 = arith.constant 16 : index
      %get3A_582 = tpu.vector_load %arg18[%get3A_581] {strides = array<i32>} : memref<8208xi32, #tpu.memory_space<vmem>>, vector<16xi32>,
      %masked_sort3A_583 = arith.constant dense<true> : vector<16xi1>
      %masked_sort3A_584, %masked_sort3A_585, %masked_sort3A_586 = tpu.sort %get3A_580, %get3A_582 masked %masked_sort3A_583 : (vector<16xf32>, vector<16xi32>, vector<16xi1>) -> (vector<16xi1>, vector<16xf32>, vector<16xi32>)
      %rev3A_587 = arith.constant 15 : i32
      %rev3A_588 = vector.broadcast %rev3A_587 : i32 to vector<16xi32>
      %rev3A_589 = tpu.iota {dimensions = array<i32: 0>} : vector<16xi32>
      %rev3A_590 = arith.subi %rev3A_588, %rev3A_589 : vector<16xi32>
      %rev3A_591 = tpu.dynamic_gather %masked_sort3A_585[%rev3A_590] in [0] : vector<16xf32>, vector<16xi32> -> vector<16xf32>
      %rev3A_592 = arith.constant 15 : i32
      %rev3A_593 = vector.broadcast %rev3A_592 : i32 to vector<16xi32>
      %rev3A_594 = tpu.iota {dimensions = array<i32: 0>} : vector<16xi32>
      %rev3A_595 = arith.subi %rev3A_593, %rev3A_594 : vector<16xi32>
      %rev3A_596 = tpu.dynamic_gather %masked_sort3A_586[%rev3A_595] in [0] : vector<16xi32>, vector<16xi32> -> vector<16xi32>
      %lt3A_597 = arith.cmpf olt, %masked_sort3A_577, %rev3A_591 : vector<16xf32>
      %eq3A_598 = arith.cmpf oeq, %masked_sort3A_577, %rev3A_591 : vector<16xf32>
      %lt3A_599 = arith.cmpi slt, %masked_sort3A_578, %rev3A_596 : vector<16xi32>
      %and3A_600 = arith.andi %eq3A_598, %lt3A_599 : vector<16xi1>
      %or3A_601 = arith.ori %lt3A_597, %and3A_600 : vector<16xi1>
      %select_n3A_602 = arith.select %or3A_601, %masked_sort3A_577, %rev3A_591 : vector<16xi1>, vector<16xf32>
      %select_n3A_603 = arith.select %or3A_601, %masked_sort3A_578, %rev3A_596 : vector<16xi1>, vector<16xi32>
      %select_n3A_604 = arith.select %or3A_601, %rev3A_591, %masked_sort3A_577 : vector<16xi1>, vector<16xf32>
      %select_n3A_605 = arith.select %or3A_601, %rev3A_596, %masked_sort3A_578 : vector<16xi1>, vector<16xi32>
      %masked_sort3A_606 = arith.constant dense<true> : vector<16xi1>
      %masked_sort3A_607, %masked_sort3A_608, %masked_sort3A_609 = tpu.sort %select_n3A_602, %select_n3A_603 masked %masked_sort3A_606 : (vector<16xf32>, vector<16xi32>, vector<16xi1>) -> (vector<16xi1>, vector<16xf32>, vector<16xi32>)
      %masked_sort3A_610 = arith.constant dense<true> : vector<16xi1>
      %masked_sort3A_611, %masked_sort3A_612, %masked_sort3A_613 = tpu.sort %select_n3A_604, %select_n3A_605 masked %masked_sort3A_610 : (vector<16xf32>, vector<16xi32>, vector<16xi1>) -> (vector<16xi1>, vector<16xf32>, vector<16xi32>)
      %while3A_614 = arith.constant 2 : i32
      %while3A_615 = arith.subi %select_n3A_570, %while3A_614 : i32
      %while3A_616 = arith.addi %while3A_614, %while3A_615 : i32
      %while3A_617 = arith.constant 1 : i32
      %while3A_618 = arith.divsi %while3A_615, %while3A_617 : i32
      %while3A_619 = arith.muli %while3A_618, %while3A_617 : i32
      %while3A_620 = arith.addi %while3A_614, %while3A_619 : i32
      %while3A_621 = arith.constant 1 : i32
      %while3A_622:4 = scf.for %while3A_668 = %while3A_614 to %while3A_620 step %while3A_621 iter_args(%while3A_669 = %masked_sort3A_608, %while3A_670 = %masked_sort3A_609, %while3A_671 = %masked_sort3A_612, %while3A_672 = %masked_sort3A_613) -> (vector<16xf32>, vector<16xi32>, vector<16xf32>, vector<16xi32>)  : i32 {
        %mul3A_673 = arith.constant 16 : i32
        %mul3A_674 = arith.muli %while3A_668, %mul3A_673 : i32
        %get3A_675 = arith.index_cast %mul3A_674 : i32 to index
        %get3A_676 = tpu.vector_load %arg17[%get3A_675] {strides = array<i32>} : memref<8208xf32, #tpu.memory_space<vmem>>, vector<16xf32>,
        %get3A_677 = arith.index_cast %mul3A_674 : i32 to index
        %get3A_678 = tpu.vector_load %arg18[%get3A_677] {strides = array<i32>} : memref<8208xi32, #tpu.memory_space<vmem>>, vector<16xi32>,
        %add3A_679 = vector.broadcast %mul3A_674 : i32 to vector<16xi32>
        %add3A_680 = arith.addi %iota3A, %add3A_679 : vector<16xi32>
        %lt3A_681 = vector.broadcast %while3A_544 : i32 to vector<16xi32>
        %lt3A_682 = arith.cmpi slt, %add3A_680, %lt3A_681 : vector<16xi32>
        %jit3A_683 = arith.constant 0x7F800000 : f32
        %broadcast_in_dim3A_684 = vector.broadcast %jit3A_683 : f32 to vector<16xf32>
        %select_n3A_685 = arith.select %lt3A_682, %get3A_676, %broadcast_in_dim3A_684 : vector<16xi1>, vector<16xf32>
        %jit3A_686 = arith.constant 1073741824 : i32
        %broadcast_in_dim3A_687 = vector.broadcast %jit3A_686 : i32 to vector<16xi32>
        %select_n3A_688 = arith.select %lt3A_682, %get3A_678, %broadcast_in_dim3A_687 : vector<16xi1>, vector<16xi32>
        %masked_sort3A_689 = arith.constant dense<true> : vector<16xi1>
        %masked_sort3A_690, %masked_sort3A_691, %masked_sort3A_692 = tpu.sort %select_n3A_685, %select_n3A_688 masked %masked_sort3A_689 : (vector<16xf32>, vector<16xi32>, vector<16xi1>) -> (vector<16xi1>, vector<16xf32>, vector<16xi32>)
        %rev3A_693 = arith.constant 15 : i32
        %rev3A_694 = vector.broadcast %rev3A_693 : i32 to vector<16xi32>
        %rev3A_695 = tpu.iota {dimensions = array<i32: 0>} : vector<16xi32>
        %rev3A_696 = arith.subi %rev3A_694, %rev3A_695 : vector<16xi32>
        %rev3A_697 = tpu.dynamic_gather %masked_sort3A_691[%rev3A_696] in [0] : vector<16xf32>, vector<16xi32> -> vector<16xf32>
        %rev3A_698 = arith.constant 15 : i32
        %rev3A_699 = vector.broadcast %rev3A_698 : i32 to vector<16xi32>
        %rev3A_700 = tpu.iota {dimensions = array<i32: 0>} : vector<16xi32>
        %rev3A_701 = arith.subi %rev3A_699, %rev3A_700 : vector<16xi32>
        %rev3A_702 = tpu.dynamic_gather %masked_sort3A_692[%rev3A_701] in [0] : vector<16xi32>, vector<16xi32> -> vector<16xi32>
        %lt3A_703 = arith.cmpf olt, %while3A_671, %rev3A_697 : vector<16xf32>
        %eq3A_704 = arith.cmpf oeq, %while3A_671, %rev3A_697 : vector<16xf32>
        %lt3A_705 = arith.cmpi slt, %while3A_672, %rev3A_702 : vector<16xi32>
        %and3A_706 = arith.andi %eq3A_704, %lt3A_705 : vector<16xi1>
        %or3A_707 = arith.ori %lt3A_703, %and3A_706 : vector<16xi1>
        %select_n3A_708 = arith.select %or3A_707, %while3A_671, %rev3A_697 : vector<16xi1>, vector<16xf32>
        %select_n3A_709 = arith.select %or3A_707, %while3A_672, %rev3A_702 : vector<16xi1>, vector<16xi32>
        %select_n3A_710 = arith.select %or3A_707, %rev3A_697, %while3A_671 : vector<16xi1>, vector<16xf32>
        %select_n3A_711 = arith.select %or3A_707, %rev3A_702, %while3A_672 : vector<16xi1>, vector<16xi32>
        %masked_sort3A_712 = arith.constant dense<true> : vector<16xi1>
        %masked_sort3A_713, %masked_sort3A_714, %masked_sort3A_715 = tpu.sort %select_n3A_708, %select_n3A_709 masked %masked_sort3A_712 : (vector<16xf32>, vector<16xi32>, vector<16xi1>) -> (vector<16xi1>, vector<16xf32>, vector<16xi32>)
        %rev3A_716 = arith.constant 15 : i32
        %rev3A_717 = vector.broadcast %rev3A_716 : i32 to vector<16xi32>
        %rev3A_718 = tpu.iota {dimensions = array<i32: 0>} : vector<16xi32>
        %rev3A_719 = arith.subi %rev3A_717, %rev3A_718 : vector<16xi32>
        %rev3A_720 = tpu.dynamic_gather %masked_sort3A_714[%rev3A_719] in [0] : vector<16xf32>, vector<16xi32> -> vector<16xf32>
        %rev3A_721 = arith.constant 15 : i32
        %rev3A_722 = vector.broadcast %rev3A_721 : i32 to vector<16xi32>
        %rev3A_723 = tpu.iota {dimensions = array<i32: 0>} : vector<16xi32>
        %rev3A_724 = arith.subi %rev3A_722, %rev3A_723 : vector<16xi32>
        %rev3A_725 = tpu.dynamic_gather %masked_sort3A_715[%rev3A_724] in [0] : vector<16xi32>, vector<16xi32> -> vector<16xi32>
        %lt3A_726 = arith.cmpf olt, %while3A_669, %rev3A_720 : vector<16xf32>
        %eq3A_727 = arith.cmpf oeq, %while3A_669, %rev3A_720 : vector<16xf32>
        %lt3A_728 = arith.cmpi slt, %while3A_670, %rev3A_725 : vector<16xi32>
        %and3A_729 = arith.andi %eq3A_727, %lt3A_728 : vector<16xi1>
        %or3A_730 = arith.ori %lt3A_726, %and3A_729 : vector<16xi1>
        %select_n3A_731 = arith.select %or3A_730, %while3A_669, %rev3A_720 : vector<16xi1>, vector<16xf32>
        %select_n3A_732 = arith.select %or3A_730, %while3A_670, %rev3A_725 : vector<16xi1>, vector<16xi32>
        %select_n3A_733 = arith.select %or3A_730, %rev3A_720, %while3A_669 : vector<16xi1>, vector<16xf32>
        %select_n3A_734 = arith.select %or3A_730, %rev3A_725, %while3A_670 : vector<16xi1>, vector<16xi32>
        %masked_sort3A_735 = arith.constant dense<true> : vector<16xi1>
        %masked_sort3A_736, %masked_sort3A_737, %masked_sort3A_738 = tpu.sort %select_n3A_731, %select_n3A_732 masked %masked_sort3A_735 : (vector<16xf32>, vector<16xi32>, vector<16xi1>) -> (vector<16xi1>, vector<16xf32>, vector<16xi32>)
        %masked_sort3A_739 = arith.constant dense<true> : vector<16xi1>
        %masked_sort3A_740, %masked_sort3A_741, %masked_sort3A_742 = tpu.sort %select_n3A_733, %select_n3A_734 masked %masked_sort3A_739 : (vector<16xf32>, vector<16xi32>, vector<16xi1>) -> (vector<16xi1>, vector<16xf32>, vector<16xi32>)
        scf.yield %masked_sort3A_737, %masked_sort3A_738, %masked_sort3A_741, %masked_sort3A_742 : vector<16xf32>, vector<16xi32>, vector<16xf32>, vector<16xi32>
      }
      %while3A_623 = arith.constant 1 : i32
      %while3A_624:4 = scf.for %while3A_668 = %while3A_620 to %while3A_616 step %while3A_623 iter_args(%while3A_669 = %while3A_622#0, %while3A_670 = %while3A_622#1, %while3A_671 = %while3A_622#2, %while3A_672 = %while3A_622#3) -> (vector<16xf32>, vector<16xi32>, vector<16xf32>, vector<16xi32>)  : i32 {
        %mul3A_673 = arith.constant 16 : i32
        %mul3A_674 = arith.muli %while3A_668, %mul3A_673 : i32
        %get3A_675 = arith.index_cast %mul3A_674 : i32 to index
        %get3A_676 = tpu.vector_load %arg17[%get3A_675] {strides = array<i32>} : memref<8208xf32, #tpu.memory_space<vmem>>, vector<16xf32>,
        %get3A_677 = arith.index_cast %mul3A_674 : i32 to index
        %get3A_678 = tpu.vector_load %arg18[%get3A_677] {strides = array<i32>} : memref<8208xi32, #tpu.memory_space<vmem>>, vector<16xi32>,
        %add3A_679 = vector.broadcast %mul3A_674 : i32 to vector<16xi32>
        %add3A_680 = arith.addi %iota3A, %add3A_679 : vector<16xi32>
        %lt3A_681 = vector.broadcast %while3A_544 : i32 to vector<16xi32>
        %lt3A_682 = arith.cmpi slt, %add3A_680, %lt3A_681 : vector<16xi32>
        %jit3A_683 = arith.constant 0x7F800000 : f32
        %broadcast_in_dim3A_684 = vector.broadcast %jit3A_683 : f32 to vector<16xf32>
        %select_n3A_685 = arith.select %lt3A_682, %get3A_676, %broadcast_in_dim3A_684 : vector<16xi1>, vector<16xf32>
        %jit3A_686 = arith.constant 1073741824 : i32
        %broadcast_in_dim3A_687 = vector.broadcast %jit3A_686 : i32 to vector<16xi32>
        %select_n3A_688 = arith.select %lt3A_682, %get3A_678, %broadcast_in_dim3A_687 : vector<16xi1>, vector<16xi32>
        %masked_sort3A_689 = arith.constant dense<true> : vector<16xi1>
        %masked_sort3A_690, %masked_sort3A_691, %masked_sort3A_692 = tpu.sort %select_n3A_685, %select_n3A_688 masked %masked_sort3A_689 : (vector<16xf32>, vector<16xi32>, vector<16xi1>) -> (vector<16xi1>, vector<16xf32>, vector<16xi32>)
        %rev3A_693 = arith.constant 15 : i32
        %rev3A_694 = vector.broadcast %rev3A_693 : i32 to vector<16xi32>
        %rev3A_695 = tpu.iota {dimensions = array<i32: 0>} : vector<16xi32>
        %rev3A_696 = arith.subi %rev3A_694, %rev3A_695 : vector<16xi32>
        %rev3A_697 = tpu.dynamic_gather %masked_sort3A_691[%rev3A_696] in [0] : vector<16xf32>, vector<16xi32> -> vector<16xf32>
        %rev3A_698 = arith.constant 15 : i32
        %rev3A_699 = vector.broadcast %rev3A_698 : i32 to vector<16xi32>
        %rev3A_700 = tpu.iota {dimensions = array<i32: 0>} : vector<16xi32>
        %rev3A_701 = arith.subi %rev3A_699, %rev3A_700 : vector<16xi32>
        %rev3A_702 = tpu.dynamic_gather %masked_sort3A_692[%rev3A_701] in [0] : vector<16xi32>, vector<16xi32> -> vector<16xi32>
        %lt3A_703 = arith.cmpf olt, %while3A_671, %rev3A_697 : vector<16xf32>
        %eq3A_704 = arith.cmpf oeq, %while3A_671, %rev3A_697 : vector<16xf32>
        %lt3A_705 = arith.cmpi slt, %while3A_672, %rev3A_702 : vector<16xi32>
        %and3A_706 = arith.andi %eq3A_704, %lt3A_705 : vector<16xi1>
        %or3A_707 = arith.ori %lt3A_703, %and3A_706 : vector<16xi1>
        %select_n3A_708 = arith.select %or3A_707, %while3A_671, %rev3A_697 : vector<16xi1>, vector<16xf32>
        %select_n3A_709 = arith.select %or3A_707, %while3A_672, %rev3A_702 : vector<16xi1>, vector<16xi32>
        %select_n3A_710 = arith.select %or3A_707, %rev3A_697, %while3A_671 : vector<16xi1>, vector<16xf32>
        %select_n3A_711 = arith.select %or3A_707, %rev3A_702, %while3A_672 : vector<16xi1>, vector<16xi32>
        %masked_sort3A_712 = arith.constant dense<true> : vector<16xi1>
        %masked_sort3A_713, %masked_sort3A_714, %masked_sort3A_715 = tpu.sort %select_n3A_708, %select_n3A_709 masked %masked_sort3A_712 : (vector<16xf32>, vector<16xi32>, vector<16xi1>) -> (vector<16xi1>, vector<16xf32>, vector<16xi32>)
        %rev3A_716 = arith.constant 15 : i32
        %rev3A_717 = vector.broadcast %rev3A_716 : i32 to vector<16xi32>
        %rev3A_718 = tpu.iota {dimensions = array<i32: 0>} : vector<16xi32>
        %rev3A_719 = arith.subi %rev3A_717, %rev3A_718 : vector<16xi32>
        %rev3A_720 = tpu.dynamic_gather %masked_sort3A_714[%rev3A_719] in [0] : vector<16xf32>, vector<16xi32> -> vector<16xf32>
        %rev3A_721 = arith.constant 15 : i32
        %rev3A_722 = vector.broadcast %rev3A_721 : i32 to vector<16xi32>
        %rev3A_723 = tpu.iota {dimensions = array<i32: 0>} : vector<16xi32>
        %rev3A_724 = arith.subi %rev3A_722, %rev3A_723 : vector<16xi32>
        %rev3A_725 = tpu.dynamic_gather %masked_sort3A_715[%rev3A_724] in [0] : vector<16xi32>, vector<16xi32> -> vector<16xi32>
        %lt3A_726 = arith.cmpf olt, %while3A_669, %rev3A_720 : vector<16xf32>
        %eq3A_727 = arith.cmpf oeq, %while3A_669, %rev3A_720 : vector<16xf32>
        %lt3A_728 = arith.cmpi slt, %while3A_670, %rev3A_725 : vector<16xi32>
        %and3A_729 = arith.andi %eq3A_727, %lt3A_728 : vector<16xi1>
        %or3A_730 = arith.ori %lt3A_726, %and3A_729 : vector<16xi1>
        %select_n3A_731 = arith.select %or3A_730, %while3A_669, %rev3A_720 : vector<16xi1>, vector<16xf32>
        %select_n3A_732 = arith.select %or3A_730, %while3A_670, %rev3A_725 : vector<16xi1>, vector<16xi32>
        %select_n3A_733 = arith.select %or3A_730, %rev3A_720, %while3A_669 : vector<16xi1>, vector<16xf32>
        %select_n3A_734 = arith.select %or3A_730, %rev3A_725, %while3A_670 : vector<16xi1>, vector<16xi32>
        %masked_sort3A_735 = arith.constant dense<true> : vector<16xi1>
        %masked_sort3A_736, %masked_sort3A_737, %masked_sort3A_738 = tpu.sort %select_n3A_731, %select_n3A_732 masked %masked_sort3A_735 : (vector<16xf32>, vector<16xi32>, vector<16xi1>) -> (vector<16xi1>, vector<16xf32>, vector<16xi32>)
        %masked_sort3A_739 = arith.constant dense<true> : vector<16xi1>
        %masked_sort3A_740, %masked_sort3A_741, %masked_sort3A_742 = tpu.sort %select_n3A_733, %select_n3A_734 masked %masked_sort3A_739 : (vector<16xf32>, vector<16xi32>, vector<16xi1>) -> (vector<16xi1>, vector<16xf32>, vector<16xi32>)
        scf.yield %masked_sort3A_737, %masked_sort3A_738, %masked_sort3A_741, %masked_sort3A_742 : vector<16xf32>, vector<16xi32>, vector<16xf32>, vector<16xi32>
      }
      %gather3A_625 = tpu.vector_load_idx %arg5[%while3A_624#1] : memref<8192xf32, #tpu.memory_space<vmem>>[vector<16xi32>], vector<16xf32>,
      %gather3A_626 = tpu.vector_load_idx %arg6[%while3A_624#1] : memref<8192xf32, #tpu.memory_space<vmem>>[vector<16xi32>], vector<16xf32>,
      %gather3A_627 = tpu.vector_load_idx %arg7[%while3A_624#1] : memref<8192xf32, #tpu.memory_space<vmem>>[vector<16xi32>], vector<16xf32>,
      %gather3A_628 = tpu.vector_load_idx %arg5[%while3A_624#3] : memref<8192xf32, #tpu.memory_space<vmem>>[vector<16xi32>], vector<16xf32>,
      %gather3A_629 = tpu.vector_load_idx %arg6[%while3A_624#3] : memref<8192xf32, #tpu.memory_space<vmem>>[vector<16xi32>], vector<16xf32>,
      %gather3A_630 = tpu.vector_load_idx %arg7[%while3A_624#3] : memref<8192xf32, #tpu.memory_space<vmem>>[vector<16xi32>], vector<16xf32>,
      %sub3A_631 = arith.subf %gather3A_625, %gather3A_221 : vector<16xf32>
      %swap3A_632 = arith.constant 0 : i32
      %swap3A_633 = arith.index_cast %swap3A_632 : i32 to index
      %swap3A_634 = arith.index_cast %add3A_69 : i32 to index
      %swap3A_635 = arith.constant 0 : index
      %swap3A_636 = tpu.vector_load %arg19[%swap3A_633, %swap3A_634, %swap3A_635] {strides = array<i32>} : memref<3x64x32xf32, #tpu.memory_space<vmem>>, vector<16xf32>,
      tpu.vector_store %arg19[%swap3A_633, %swap3A_634, %swap3A_635], %sub3A_631 {strides = array<i32>} : memref<3x64x32xf32, #tpu.memory_space<vmem>>, vector<16xf32>,
      %sub3A_637 = arith.subf %gather3A_628, %gather3A_221 : vector<16xf32>
      %swap3A_638 = arith.constant 0 : i32
      %swap3A_639 = arith.index_cast %swap3A_638 : i32 to index
      %swap3A_640 = arith.index_cast %add3A_69 : i32 to index
      %swap3A_641 = arith.constant 16 : index
      %swap3A_642 = tpu.vector_load %arg19[%swap3A_639, %swap3A_640, %swap3A_641] {strides = array<i32>} : memref<3x64x32xf32, #tpu.memory_space<vmem>>, vector<16xf32>,
      tpu.vector_store %arg19[%swap3A_639, %swap3A_640, %swap3A_641], %sub3A_637 {strides = array<i32>} : memref<3x64x32xf32, #tpu.memory_space<vmem>>, vector<16xf32>,
      %sub3A_643 = arith.subf %gather3A_626, %gather3A_226 : vector<16xf32>
      %swap3A_644 = arith.constant 1 : i32
      %swap3A_645 = arith.index_cast %swap3A_644 : i32 to index
      %swap3A_646 = arith.index_cast %add3A_69 : i32 to index
      %swap3A_647 = arith.constant 0 : index
      %swap3A_648 = tpu.vector_load %arg19[%swap3A_645, %swap3A_646, %swap3A_647] {strides = array<i32>} : memref<3x64x32xf32, #tpu.memory_space<vmem>>, vector<16xf32>,
      tpu.vector_store %arg19[%swap3A_645, %swap3A_646, %swap3A_647], %sub3A_643 {strides = array<i32>} : memref<3x64x32xf32, #tpu.memory_space<vmem>>, vector<16xf32>,
      %sub3A_649 = arith.subf %gather3A_629, %gather3A_226 : vector<16xf32>
      %swap3A_650 = arith.constant 1 : i32
      %swap3A_651 = arith.index_cast %swap3A_650 : i32 to index
      %swap3A_652 = arith.index_cast %add3A_69 : i32 to index
      %swap3A_653 = arith.constant 16 : index
      %swap3A_654 = tpu.vector_load %arg19[%swap3A_651, %swap3A_652, %swap3A_653] {strides = array<i32>} : memref<3x64x32xf32, #tpu.memory_space<vmem>>, vector<16xf32>,
      tpu.vector_store %arg19[%swap3A_651, %swap3A_652, %swap3A_653], %sub3A_649 {strides = array<i32>} : memref<3x64x32xf32, #tpu.memory_space<vmem>>, vector<16xf32>,
      %sub3A_655 = arith.subf %gather3A_627, %gather3A_231 : vector<16xf32>
      %swap3A_656 = arith.constant 2 : i32
      %swap3A_657 = arith.index_cast %swap3A_656 : i32 to index
      %swap3A_658 = arith.index_cast %add3A_69 : i32 to index
      %swap3A_659 = arith.constant 0 : index
      %swap3A_660 = tpu.vector_load %arg19[%swap3A_657, %swap3A_658, %swap3A_659] {strides = array<i32>} : memref<3x64x32xf32, #tpu.memory_space<vmem>>, vector<16xf32>,
      tpu.vector_store %arg19[%swap3A_657, %swap3A_658, %swap3A_659], %sub3A_655 {strides = array<i32>} : memref<3x64x32xf32, #tpu.memory_space<vmem>>, vector<16xf32>,
      %sub3A_661 = arith.subf %gather3A_630, %gather3A_231 : vector<16xf32>
      %swap3A_662 = arith.constant 2 : i32
      %swap3A_663 = arith.index_cast %swap3A_662 : i32 to index
      %swap3A_664 = arith.index_cast %add3A_69 : i32 to index
      %swap3A_665 = arith.constant 16 : index
      %swap3A_666 = tpu.vector_load %arg19[%swap3A_663, %swap3A_664, %swap3A_665] {strides = array<i32>} : memref<3x64x32xf32, #tpu.memory_space<vmem>>, vector<16xf32>,
      tpu.vector_store %arg19[%swap3A_663, %swap3A_664, %swap3A_665], %sub3A_661 {strides = array<i32>} : memref<3x64x32xf32, #tpu.memory_space<vmem>>, vector<16xf32>,
      %scan3A_667 = arith.constant 0 : i32
      scf.yield %scan3A_667 : i32
    }
    %scan3A_51 = arith.constant 32 : i32
    %mul3A_52 = arith.constant 64 : i32
    %mul3A_53 = arith.muli %add3A, %mul3A_52 : i32
    %run_scoped3A_54 = arith.constant 0 : i32
    %run_scoped3A_55 = arith.constant 0 : i32
    "tpu.region"() ({
      %run_scoped3A_64 = tpu.sem_alloc : memref<!tpu.dma_semaphore, #tpu.memory_space<semaphore_mem>>
      %dma_start3A = arith.constant 0 : i32
      %dma_start3A_65 = arith.constant 0 : i32
      %dma_start3A_66 = tpu.memref_slice %arg19[%run_scoped3A_54, %dma_start3A, %dma_start3A_65] : memref<3x64x32xf32, #tpu.memory_space<vmem>> -> memref<1x64x32xf32, #tpu.memory_space<vmem>>
      %dma_start3A_67 = tpu.memref_squeeze %dma_start3A_66 : memref<1x64x32xf32, #tpu.memory_space<vmem>> -> memref<64x32xf32, #tpu.memory_space<vmem>>
      %dma_start3A_68 = arith.constant 0 : i32
      %dma_start3A_69 = tpu.memref_slice %arg4[%run_scoped3A_55, %mul3A_53, %dma_start3A_68] : memref<3x2048x32xf32, #tpu.memory_space<hbm>> -> memref<1x64x32xf32, #tpu.memory_space<hbm>>
      %dma_start3A_70 = tpu.memref_squeeze %dma_start3A_69 : memref<1x64x32xf32, #tpu.memory_space<hbm>> -> memref<64x32xf32, #tpu.memory_space<hbm>>
      %dma_start3A_71 = arith.constant 0 : i32
      %dma_start3A_72 = tpu.memref_slice %arg4[%run_scoped3A_55, %mul3A_53, %dma_start3A_71] : memref<3x2048x32xf32, #tpu.memory_space<hbm>> -> memref<1x64x32xf32, #tpu.memory_space<hbm>>
      %dma_start3A_73 = tpu.memref_squeeze %dma_start3A_72 : memref<1x64x32xf32, #tpu.memory_space<hbm>> -> memref<64x32xf32, #tpu.memory_space<hbm>>
      %dma_start3A_74 = arith.constant 0 : i32
      %dma_start3A_75 = arith.constant 0 : i32
      %dma_start3A_76 = tpu.memref_slice %arg19[%run_scoped3A_54, %dma_start3A_74, %dma_start3A_75] : memref<3x64x32xf32, #tpu.memory_space<vmem>> -> memref<1x64x32xf32, #tpu.memory_space<vmem>>
      %dma_start3A_77 = tpu.memref_squeeze %dma_start3A_76 : memref<1x64x32xf32, #tpu.memory_space<vmem>> -> memref<64x32xf32, #tpu.memory_space<vmem>>
      tpu.enqueue_dma source(%dma_start3A_77 : memref<64x32xf32, #tpu.memory_space<vmem>>) target(%dma_start3A_73 : memref<64x32xf32, #tpu.memory_space<hbm>>) target_semaphore(%run_scoped3A_64 : memref<!tpu.dma_semaphore, #tpu.memory_space<semaphore_mem>>)
      %dma_wait3A = arith.constant 0 : i32
      %dma_wait3A_78 = arith.constant 0 : i32
      %dma_wait3A_79 = tpu.memref_slice %arg19[%run_scoped3A_54, %dma_wait3A, %dma_wait3A_78] : memref<3x64x32xf32, #tpu.memory_space<vmem>> -> memref<1x64x32xf32, #tpu.memory_space<vmem>>
      %dma_wait3A_80 = tpu.memref_squeeze %dma_wait3A_79 : memref<1x64x32xf32, #tpu.memory_space<vmem>> -> memref<64x32xf32, #tpu.memory_space<vmem>>
      %dma_wait3A_81 = arith.constant 0 : i32
      %dma_wait3A_82 = tpu.memref_slice %arg4[%run_scoped3A_55, %mul3A_53, %dma_wait3A_81] : memref<3x2048x32xf32, #tpu.memory_space<hbm>> -> memref<1x64x32xf32, #tpu.memory_space<hbm>>
      %dma_wait3A_83 = tpu.memref_squeeze %dma_wait3A_82 : memref<1x64x32xf32, #tpu.memory_space<hbm>> -> memref<64x32xf32, #tpu.memory_space<hbm>>
      %dma_wait3A_84 = arith.constant 0 : i32
      %dma_wait3A_85 = tpu.memref_slice %arg4[%run_scoped3A_55, %mul3A_53, %dma_wait3A_84] : memref<3x2048x32xf32, #tpu.memory_space<hbm>> -> memref<1x64x32xf32, #tpu.memory_space<hbm>>
      %dma_wait3A_86 = tpu.memref_squeeze %dma_wait3A_85 : memref<1x64x32xf32, #tpu.memory_space<hbm>> -> memref<64x32xf32, #tpu.memory_space<hbm>>
      %dma_wait3A_87 = arith.constant 0 : i32
      %dma_wait3A_88 = arith.constant 0 : i32
      %dma_wait3A_89 = tpu.memref_slice %arg19[%run_scoped3A_54, %dma_wait3A_87, %dma_wait3A_88] : memref<3x64x32xf32, #tpu.memory_space<vmem>> -> memref<1x64x32xf32, #tpu.memory_space<vmem>>
      %dma_wait3A_90 = tpu.memref_squeeze %dma_wait3A_89 : memref<1x64x32xf32, #tpu.memory_space<vmem>> -> memref<64x32xf32, #tpu.memory_space<vmem>>
      tpu.wait_dma2 semaphore(%run_scoped3A_64 : memref<!tpu.dma_semaphore, #tpu.memory_space<semaphore_mem>>) src(%dma_wait3A_90 : memref<64x32xf32, #tpu.memory_space<vmem>>) dst(%dma_wait3A_86 : memref<64x32xf32, #tpu.memory_space<hbm>>)
      tpu.yield
    }) : () -> ()
    %mul3A_56 = arith.constant 64 : i32
    %mul3A_57 = arith.muli %add3A, %mul3A_56 : i32
    %run_scoped3A_58 = arith.constant 1 : i32
    %run_scoped3A_59 = arith.constant 1 : i32
    "tpu.region"() ({
      %run_scoped3A_64 = tpu.sem_alloc : memref<!tpu.dma_semaphore, #tpu.memory_space<semaphore_mem>>
      %dma_start3A = arith.constant 0 : i32
      %dma_start3A_65 = arith.constant 0 : i32
      %dma_start3A_66 = tpu.memref_slice %arg19[%run_scoped3A_58, %dma_start3A, %dma_start3A_65] : memref<3x64x32xf32, #tpu.memory_space<vmem>> -> memref<1x64x32xf32, #tpu.memory_space<vmem>>
      %dma_start3A_67 = tpu.memref_squeeze %dma_start3A_66 : memref<1x64x32xf32, #tpu.memory_space<vmem>> -> memref<64x32xf32, #tpu.memory_space<vmem>>
      %dma_start3A_68 = arith.constant 0 : i32
      %dma_start3A_69 = tpu.memref_slice %arg4[%run_scoped3A_59, %mul3A_57, %dma_start3A_68] : memref<3x2048x32xf32, #tpu.memory_space<hbm>> -> memref<1x64x32xf32, #tpu.memory_space<hbm>>
      %dma_start3A_70 = tpu.memref_squeeze %dma_start3A_69 : memref<1x64x32xf32, #tpu.memory_space<hbm>> -> memref<64x32xf32, #tpu.memory_space<hbm>>
      %dma_start3A_71 = arith.constant 0 : i32
      %dma_start3A_72 = tpu.memref_slice %arg4[%run_scoped3A_59, %mul3A_57, %dma_start3A_71] : memref<3x2048x32xf32, #tpu.memory_space<hbm>> -> memref<1x64x32xf32, #tpu.memory_space<hbm>>
      %dma_start3A_73 = tpu.memref_squeeze %dma_start3A_72 : memref<1x64x32xf32, #tpu.memory_space<hbm>> -> memref<64x32xf32, #tpu.memory_space<hbm>>
      %dma_start3A_74 = arith.constant 0 : i32
      %dma_start3A_75 = arith.constant 0 : i32
      %dma_start3A_76 = tpu.memref_slice %arg19[%run_scoped3A_58, %dma_start3A_74, %dma_start3A_75] : memref<3x64x32xf32, #tpu.memory_space<vmem>> -> memref<1x64x32xf32, #tpu.memory_space<vmem>>
      %dma_start3A_77 = tpu.memref_squeeze %dma_start3A_76 : memref<1x64x32xf32, #tpu.memory_space<vmem>> -> memref<64x32xf32, #tpu.memory_space<vmem>>
      tpu.enqueue_dma source(%dma_start3A_77 : memref<64x32xf32, #tpu.memory_space<vmem>>) target(%dma_start3A_73 : memref<64x32xf32, #tpu.memory_space<hbm>>) target_semaphore(%run_scoped3A_64 : memref<!tpu.dma_semaphore, #tpu.memory_space<semaphore_mem>>)
      %dma_wait3A = arith.constant 0 : i32
      %dma_wait3A_78 = arith.constant 0 : i32
      %dma_wait3A_79 = tpu.memref_slice %arg19[%run_scoped3A_58, %dma_wait3A, %dma_wait3A_78] : memref<3x64x32xf32, #tpu.memory_space<vmem>> -> memref<1x64x32xf32, #tpu.memory_space<vmem>>
      %dma_wait3A_80 = tpu.memref_squeeze %dma_wait3A_79 : memref<1x64x32xf32, #tpu.memory_space<vmem>> -> memref<64x32xf32, #tpu.memory_space<vmem>>
      %dma_wait3A_81 = arith.constant 0 : i32
      %dma_wait3A_82 = tpu.memref_slice %arg4[%run_scoped3A_59, %mul3A_57, %dma_wait3A_81] : memref<3x2048x32xf32, #tpu.memory_space<hbm>> -> memref<1x64x32xf32, #tpu.memory_space<hbm>>
      %dma_wait3A_83 = tpu.memref_squeeze %dma_wait3A_82 : memref<1x64x32xf32, #tpu.memory_space<hbm>> -> memref<64x32xf32, #tpu.memory_space<hbm>>
      %dma_wait3A_84 = arith.constant 0 : i32
      %dma_wait3A_85 = tpu.memref_slice %arg4[%run_scoped3A_59, %mul3A_57, %dma_wait3A_84] : memref<3x2048x32xf32, #tpu.memory_space<hbm>> -> memref<1x64x32xf32, #tpu.memory_space<hbm>>
      %dma_wait3A_86 = tpu.memref_squeeze %dma_wait3A_85 : memref<1x64x32xf32, #tpu.memory_space<hbm>> -> memref<64x32xf32, #tpu.memory_space<hbm>>
      %dma_wait3A_87 = arith.constant 0 : i32
      %dma_wait3A_88 = arith.constant 0 : i32
      %dma_wait3A_89 = tpu.memref_slice %arg19[%run_scoped3A_58, %dma_wait3A_87, %dma_wait3A_88] : memref<3x64x32xf32, #tpu.memory_space<vmem>> -> memref<1x64x32xf32, #tpu.memory_space<vmem>>
      %dma_wait3A_90 = tpu.memref_squeeze %dma_wait3A_89 : memref<1x64x32xf32, #tpu.memory_space<vmem>> -> memref<64x32xf32, #tpu.memory_space<vmem>>
      tpu.wait_dma2 semaphore(%run_scoped3A_64 : memref<!tpu.dma_semaphore, #tpu.memory_space<semaphore_mem>>) src(%dma_wait3A_90 : memref<64x32xf32, #tpu.memory_space<vmem>>) dst(%dma_wait3A_86 : memref<64x32xf32, #tpu.memory_space<hbm>>)
      tpu.yield
    }) : () -> ()
    %mul3A_60 = arith.constant 64 : i32
    %mul3A_61 = arith.muli %add3A, %mul3A_60 : i32
    %run_scoped3A_62 = arith.constant 2 : i32
    %run_scoped3A_63 = arith.constant 2 : i32
    "tpu.region"() ({
      %run_scoped3A_64 = tpu.sem_alloc : memref<!tpu.dma_semaphore, #tpu.memory_space<semaphore_mem>>
      %dma_start3A = arith.constant 0 : i32
      %dma_start3A_65 = arith.constant 0 : i32
      %dma_start3A_66 = tpu.memref_slice %arg19[%run_scoped3A_62, %dma_start3A, %dma_start3A_65] : memref<3x64x32xf32, #tpu.memory_space<vmem>> -> memref<1x64x32xf32, #tpu.memory_space<vmem>>
      %dma_start3A_67 = tpu.memref_squeeze %dma_start3A_66 : memref<1x64x32xf32, #tpu.memory_space<vmem>> -> memref<64x32xf32, #tpu.memory_space<vmem>>
      %dma_start3A_68 = arith.constant 0 : i32
      %dma_start3A_69 = tpu.memref_slice %arg4[%run_scoped3A_63, %mul3A_61, %dma_start3A_68] : memref<3x2048x32xf32, #tpu.memory_space<hbm>> -> memref<1x64x32xf32, #tpu.memory_space<hbm>>
      %dma_start3A_70 = tpu.memref_squeeze %dma_start3A_69 : memref<1x64x32xf32, #tpu.memory_space<hbm>> -> memref<64x32xf32, #tpu.memory_space<hbm>>
      %dma_start3A_71 = arith.constant 0 : i32
      %dma_start3A_72 = tpu.memref_slice %arg4[%run_scoped3A_63, %mul3A_61, %dma_start3A_71] : memref<3x2048x32xf32, #tpu.memory_space<hbm>> -> memref<1x64x32xf32, #tpu.memory_space<hbm>>
      %dma_start3A_73 = tpu.memref_squeeze %dma_start3A_72 : memref<1x64x32xf32, #tpu.memory_space<hbm>> -> memref<64x32xf32, #tpu.memory_space<hbm>>
      %dma_start3A_74 = arith.constant 0 : i32
      %dma_start3A_75 = arith.constant 0 : i32
      %dma_start3A_76 = tpu.memref_slice %arg19[%run_scoped3A_62, %dma_start3A_74, %dma_start3A_75] : memref<3x64x32xf32, #tpu.memory_space<vmem>> -> memref<1x64x32xf32, #tpu.memory_space<vmem>>
      %dma_start3A_77 = tpu.memref_squeeze %dma_start3A_76 : memref<1x64x32xf32, #tpu.memory_space<vmem>> -> memref<64x32xf32, #tpu.memory_space<vmem>>
      tpu.enqueue_dma source(%dma_start3A_77 : memref<64x32xf32, #tpu.memory_space<vmem>>) target(%dma_start3A_73 : memref<64x32xf32, #tpu.memory_space<hbm>>) target_semaphore(%run_scoped3A_64 : memref<!tpu.dma_semaphore, #tpu.memory_space<semaphore_mem>>)
      %dma_wait3A = arith.constant 0 : i32
      %dma_wait3A_78 = arith.constant 0 : i32
      %dma_wait3A_79 = tpu.memref_slice %arg19[%run_scoped3A_62, %dma_wait3A, %dma_wait3A_78] : memref<3x64x32xf32, #tpu.memory_space<vmem>> -> memref<1x64x32xf32, #tpu.memory_space<vmem>>
      %dma_wait3A_80 = tpu.memref_squeeze %dma_wait3A_79 : memref<1x64x32xf32, #tpu.memory_space<vmem>> -> memref<64x32xf32, #tpu.memory_space<vmem>>
      %dma_wait3A_81 = arith.constant 0 : i32
      %dma_wait3A_82 = tpu.memref_slice %arg4[%run_scoped3A_63, %mul3A_61, %dma_wait3A_81] : memref<3x2048x32xf32, #tpu.memory_space<hbm>> -> memref<1x64x32xf32, #tpu.memory_space<hbm>>
      %dma_wait3A_83 = tpu.memref_squeeze %dma_wait3A_82 : memref<1x64x32xf32, #tpu.memory_space<hbm>> -> memref<64x32xf32, #tpu.memory_space<hbm>>
      %dma_wait3A_84 = arith.constant 0 : i32
      %dma_wait3A_85 = tpu.memref_slice %arg4[%run_scoped3A_63, %mul3A_61, %dma_wait3A_84] : memref<3x2048x32xf32, #tpu.memory_space<hbm>> -> memref<1x64x32xf32, #tpu.memory_space<hbm>>
      %dma_wait3A_86 = tpu.memref_squeeze %dma_wait3A_85 : memref<1x64x32xf32, #tpu.memory_space<hbm>> -> memref<64x32xf32, #tpu.memory_space<hbm>>
      %dma_wait3A_87 = arith.constant 0 : i32
      %dma_wait3A_88 = arith.constant 0 : i32
      %dma_wait3A_89 = tpu.memref_slice %arg19[%run_scoped3A_62, %dma_wait3A_87, %dma_wait3A_88] : memref<3x64x32xf32, #tpu.memory_space<vmem>> -> memref<1x64x32xf32, #tpu.memory_space<vmem>>
      %dma_wait3A_90 = tpu.memref_squeeze %dma_wait3A_89 : memref<1x64x32xf32, #tpu.memory_space<vmem>> -> memref<64x32xf32, #tpu.memory_space<vmem>>
      tpu.wait_dma2 semaphore(%run_scoped3A_64 : memref<!tpu.dma_semaphore, #tpu.memory_space<semaphore_mem>>) src(%dma_wait3A_90 : memref<64x32xf32, #tpu.memory_space<vmem>>) dst(%dma_wait3A_86 : memref<64x32xf32, #tpu.memory_space<hbm>>)
      tpu.yield
    }) : () -> ()
    return
  }
}

module attributes {stable_mosaic.version = 14 : i64} {
  func.func @_fps_body(%arg0: memref<3x8x8192xf32, #tpu.memory_space<vmem>>, %arg1: memref<3x8x256xf32, #tpu.memory_space<vmem>>) attributes {dimension_semantics = [], scalar_prefetch = 0 : i64, scratch_operands = 0 : i64, tpu.core_type = #tpu.core_type<tc>} {
    %get3A = arith.constant 0 : index
    %get3A_0 = arith.constant 0 : index
    %get3A_1 = arith.constant 0 : index
    %get3A_2 = vector.load %arg0[%get3A, %get3A_0, %get3A_1] : memref<3x8x8192xf32, #tpu.memory_space<vmem>>, vector<1x8x8192xf32>
    %get3A_3 = vector.shape_cast %get3A_2 : vector<1x8x8192xf32> to vector<8x8192xf32>
    %get3A_4 = arith.constant 1 : index
    %get3A_5 = arith.constant 0 : index
    %get3A_6 = arith.constant 0 : index
    %get3A_7 = vector.load %arg0[%get3A_4, %get3A_5, %get3A_6] : memref<3x8x8192xf32, #tpu.memory_space<vmem>>, vector<1x8x8192xf32>
    %get3A_8 = vector.shape_cast %get3A_7 : vector<1x8x8192xf32> to vector<8x8192xf32>
    %get3A_9 = arith.constant 2 : index
    %get3A_10 = arith.constant 0 : index
    %get3A_11 = arith.constant 0 : index
    %get3A_12 = vector.load %arg0[%get3A_9, %get3A_10, %get3A_11] : memref<3x8x8192xf32, #tpu.memory_space<vmem>>, vector<1x8x8192xf32>
    %get3A_13 = vector.shape_cast %get3A_12 : vector<1x8x8192xf32> to vector<8x8192xf32>
    %iota3A = tpu.iota {dimensions = array<i32: 1>} : vector<8x8192xi32>
    %iota3A_14 = tpu.iota {dimensions = array<i32: 1>} : vector<8x256xi32>
    %broadcast_in_dim3A = arith.constant 0 : i32
    %broadcast_in_dim3A_15 = vector.broadcast %broadcast_in_dim3A : i32 to vector<8x1xi32>
    %broadcast_in_dim3A_16 = arith.constant 1.000000e+10 : f32
    %broadcast_in_dim3A_17 = vector.broadcast %broadcast_in_dim3A_16 : f32 to vector<8x8192xf32>
    %broadcast_in_dim3A_18 = arith.constant 0.000000e+00 : f32
    %broadcast_in_dim3A_19 = vector.broadcast %broadcast_in_dim3A_18 : f32 to vector<8x256xf32>
    %scan3A = arith.constant 0 : i32
    %scan3A_20 = arith.constant 256 : i32
    %scan3A_21 = arith.addi %scan3A, %scan3A_20 : i32
    %scan3A_22 = arith.constant 1 : i32
    %scan3A_23:5 = scf.for %scan3A_42 = %scan3A to %scan3A_21 step %scan3A_22 iter_args(%scan3A_43 = %broadcast_in_dim3A_17, %scan3A_44 = %broadcast_in_dim3A_15, %scan3A_45 = %broadcast_in_dim3A_19, %scan3A_46 = %broadcast_in_dim3A_19, %scan3A_47 = %broadcast_in_dim3A_19) -> (vector<8x8192xf32>, vector<8x1xi32>, vector<8x256xf32>, vector<8x256xf32>, vector<8x256xf32>)  : i32 {
      %eq3A = vector.broadcast %scan3A_44 : vector<8x1xi32> to vector<8x8192xi32>
      %eq3A_48 = arith.cmpi eq, %iota3A, %eq3A : vector<8x8192xi32>
      %jit3A = arith.constant 0.000000e+00 : f32
      %broadcast_in_dim3A_49 = vector.broadcast %jit3A : f32 to vector<8x8192xf32>
      %select_n3A = arith.select %eq3A_48, %get3A_3, %broadcast_in_dim3A_49 : vector<8x8192xi1>, vector<8x8192xf32>
      %reduce_sum3A = arith.constant dense<0.000000e+00> : vector<8xf32>
      %reduce_sum3A_50 = vector.multi_reduction <add>, %select_n3A, %reduce_sum3A [1] : vector<8x8192xf32> to vector<8xf32>
      %broadcast_in_dim3A_51 = vector.shape_cast %reduce_sum3A_50 : vector<8xf32> to vector<8x1xf32>
      %jit3A_52 = arith.constant 0.000000e+00 : f32
      %broadcast_in_dim3A_53 = vector.broadcast %jit3A_52 : f32 to vector<8x8192xf32>
      %select_n3A_54 = arith.select %eq3A_48, %get3A_8, %broadcast_in_dim3A_53 : vector<8x8192xi1>, vector<8x8192xf32>
      %reduce_sum3A_55 = arith.constant dense<0.000000e+00> : vector<8xf32>
      %reduce_sum3A_56 = vector.multi_reduction <add>, %select_n3A_54, %reduce_sum3A_55 [1] : vector<8x8192xf32> to vector<8xf32>
      %broadcast_in_dim3A_57 = vector.shape_cast %reduce_sum3A_56 : vector<8xf32> to vector<8x1xf32>
      %jit3A_58 = arith.constant 0.000000e+00 : f32
      %broadcast_in_dim3A_59 = vector.broadcast %jit3A_58 : f32 to vector<8x8192xf32>
      %select_n3A_60 = arith.select %eq3A_48, %get3A_13, %broadcast_in_dim3A_59 : vector<8x8192xi1>, vector<8x8192xf32>
      %reduce_sum3A_61 = arith.constant dense<0.000000e+00> : vector<8xf32>
      %reduce_sum3A_62 = vector.multi_reduction <add>, %select_n3A_60, %reduce_sum3A_61 [1] : vector<8x8192xf32> to vector<8xf32>
      %broadcast_in_dim3A_63 = vector.shape_cast %reduce_sum3A_62 : vector<8xf32> to vector<8x1xf32>
      %eq3A_64 = vector.broadcast %scan3A_42 : i32 to vector<8x256xi32>
      %eq3A_65 = arith.cmpi eq, %iota3A_14, %eq3A_64 : vector<8x256xi32>
      %broadcast_in_dim3A_66 = vector.shape_cast %broadcast_in_dim3A_51 : vector<8x1xf32> to vector<8x1xf32>
      %broadcast_in_dim3A_67 = vector.broadcast %broadcast_in_dim3A_66 : vector<8x1xf32> to vector<8x256xf32>
      %select_n3A_68 = arith.select %eq3A_65, %broadcast_in_dim3A_67, %scan3A_45 : vector<8x256xi1>, vector<8x256xf32>
      %broadcast_in_dim3A_69 = vector.shape_cast %broadcast_in_dim3A_57 : vector<8x1xf32> to vector<8x1xf32>
      %broadcast_in_dim3A_70 = vector.broadcast %broadcast_in_dim3A_69 : vector<8x1xf32> to vector<8x256xf32>
      %select_n3A_71 = arith.select %eq3A_65, %broadcast_in_dim3A_70, %scan3A_46 : vector<8x256xi1>, vector<8x256xf32>
      %broadcast_in_dim3A_72 = vector.shape_cast %broadcast_in_dim3A_63 : vector<8x1xf32> to vector<8x1xf32>
      %broadcast_in_dim3A_73 = vector.broadcast %broadcast_in_dim3A_72 : vector<8x1xf32> to vector<8x256xf32>
      %select_n3A_74 = arith.select %eq3A_65, %broadcast_in_dim3A_73, %scan3A_47 : vector<8x256xi1>, vector<8x256xf32>
      %sub3A = vector.broadcast %broadcast_in_dim3A_51 : vector<8x1xf32> to vector<8x8192xf32>
      %sub3A_75 = arith.subf %get3A_3, %sub3A : vector<8x8192xf32>
      %sub3A_76 = vector.broadcast %broadcast_in_dim3A_57 : vector<8x1xf32> to vector<8x8192xf32>
      %sub3A_77 = arith.subf %get3A_8, %sub3A_76 : vector<8x8192xf32>
      %sub3A_78 = vector.broadcast %broadcast_in_dim3A_63 : vector<8x1xf32> to vector<8x8192xf32>
      %sub3A_79 = arith.subf %get3A_13, %sub3A_78 : vector<8x8192xf32>
      %mul3A = arith.mulf %sub3A_75, %sub3A_75 : vector<8x8192xf32>
      %mul3A_80 = arith.mulf %sub3A_77, %sub3A_77 : vector<8x8192xf32>
      %add3A = arith.addf %mul3A, %mul3A_80 : vector<8x8192xf32>
      %mul3A_81 = arith.mulf %sub3A_79, %sub3A_79 : vector<8x8192xf32>
      %add3A_82 = arith.addf %add3A, %mul3A_81 : vector<8x8192xf32>
      %min3A = arith.minimumf %scan3A_43, %add3A_82 : vector<8x8192xf32>
      %reduce_max3A = arith.constant dense<0xFF800000> : vector<8xf32>
      %reduce_max3A_83 = vector.multi_reduction <maximumf>, %min3A, %reduce_max3A [1] : vector<8x8192xf32> to vector<8xf32>
      %broadcast_in_dim3A_84 = vector.shape_cast %reduce_max3A_83 : vector<8xf32> to vector<8x1xf32>
      %eq3A_85 = vector.broadcast %broadcast_in_dim3A_84 : vector<8x1xf32> to vector<8x8192xf32>
      %eq3A_86 = arith.cmpf oeq, %min3A, %eq3A_85 : vector<8x8192xf32>
      %jit3A_87 = arith.constant 8192 : i32
      %broadcast_in_dim3A_88 = vector.broadcast %jit3A_87 : i32 to vector<8x8192xi32>
      %select_n3A_89 = arith.select %eq3A_86, %iota3A, %broadcast_in_dim3A_88 : vector<8x8192xi1>, vector<8x8192xi32>
      %reduce_min3A = arith.constant dense<2147483647> : vector<8xi32>
      %reduce_min3A_90 = vector.multi_reduction <minsi>, %select_n3A_89, %reduce_min3A [1] : vector<8x8192xi32> to vector<8xi32>
      %broadcast_in_dim3A_91 = vector.shape_cast %reduce_min3A_90 : vector<8xi32> to vector<8x1xi32>
      scf.yield %min3A, %broadcast_in_dim3A_91, %select_n3A_68, %select_n3A_71, %select_n3A_74 : vector<8x8192xf32>, vector<8x1xi32>, vector<8x256xf32>, vector<8x256xf32>, vector<8x256xf32>
    }
    %scan3A_24 = arith.constant 256 : i32
    %swap3A = arith.constant 0 : index
    %swap3A_25 = arith.constant 0 : index
    %swap3A_26 = arith.constant 0 : index
    %swap3A_27 = vector.load %arg1[%swap3A, %swap3A_25, %swap3A_26] : memref<3x8x256xf32, #tpu.memory_space<vmem>>, vector<1x8x256xf32>
    %swap3A_28 = vector.shape_cast %swap3A_27 : vector<1x8x256xf32> to vector<8x256xf32>
    %swap3A_29 = vector.shape_cast %scan3A_23#2 : vector<8x256xf32> to vector<1x8x256xf32>
    tpu.vector_store %arg1[%swap3A, %swap3A_25, %swap3A_26], %swap3A_29 {strides = array<i32>} : memref<3x8x256xf32, #tpu.memory_space<vmem>>, vector<1x8x256xf32>,
    %swap3A_30 = arith.constant 1 : index
    %swap3A_31 = arith.constant 0 : index
    %swap3A_32 = arith.constant 0 : index
    %swap3A_33 = vector.load %arg1[%swap3A_30, %swap3A_31, %swap3A_32] : memref<3x8x256xf32, #tpu.memory_space<vmem>>, vector<1x8x256xf32>
    %swap3A_34 = vector.shape_cast %swap3A_33 : vector<1x8x256xf32> to vector<8x256xf32>
    %swap3A_35 = vector.shape_cast %scan3A_23#3 : vector<8x256xf32> to vector<1x8x256xf32>
    tpu.vector_store %arg1[%swap3A_30, %swap3A_31, %swap3A_32], %swap3A_35 {strides = array<i32>} : memref<3x8x256xf32, #tpu.memory_space<vmem>>, vector<1x8x256xf32>,
    %swap3A_36 = arith.constant 2 : index
    %swap3A_37 = arith.constant 0 : index
    %swap3A_38 = arith.constant 0 : index
    %swap3A_39 = vector.load %arg1[%swap3A_36, %swap3A_37, %swap3A_38] : memref<3x8x256xf32, #tpu.memory_space<vmem>>, vector<1x8x256xf32>
    %swap3A_40 = vector.shape_cast %swap3A_39 : vector<1x8x256xf32> to vector<8x256xf32>
    %swap3A_41 = vector.shape_cast %scan3A_23#4 : vector<8x256xf32> to vector<1x8x256xf32>
    tpu.vector_store %arg1[%swap3A_36, %swap3A_37, %swap3A_38], %swap3A_41 {strides = array<i32>} : memref<3x8x256xf32, #tpu.memory_space<vmem>>, vector<1x8x256xf32>,
    return
  }
}

</mosaic_0001>

<sc_bundles>
// kernel: kernel.4.cloned.1.call-start
scs
__scs_entry_jumppad:
0x0: {  	(pc) =	sbr.rel $0x88, $3  }
0x1: {  	(tag) =	ssettag $0x0;
	lr =	simm.s32 $0x1  }
0x2: {  	[smem:$0x3FA0] =	sst lr;
	_ =	strace $0xD0000000  }
0x3: {  	_ = 	snop  }
0x4: {  	_ = 	snop  }
0x5: {  	_ = 	snop  }
0x6: {  	_ = 	snop  }
0x7: {  	_ = 	snop  }
__scs_overlays_trampoline_lowered:
0x8: {  	[smem:$0x3FAF] =	sst s0  }
0x9: {  	[smem:$0x3FB0] =	sst s1  }
0xa: {  	[smem:$0x3FB1] =	sst s2  }
0xb: {  	[smem:$0x3FB2] =	sst s3  }
0xc: {  	[smem:$0x3FB3] =	sst s4  }
0xd: {  	[smem:$0x3FB4] =	sst s5  }
0xe: {  	[smem:$0x3FB5] =	sst s6  }
0xf: {  	[smem:$0x3FB6] =	sst s7  }
0x10: {  	[smem:$0x3FB7] =	sst s8  }
0x11: {  	[smem:$0x3FB8] =	sst s9;
	s0 =	simm.s32 @!p0 $0x0  }
0x12: {  	s1 =	sld [smem:$0x3F9E];
	s0 =	simm.s32 @p0 $0x1  }
0x13: {  	[smem:$0x3FB9] =	sst s0;
	s0 =	simm.s32 @!p1 $0x0  }
0x14: {  	s2 =	sld [smem:$0x3F9D];
	s0 =	simm.s32 @p1 $0x1  }
0x15: {  	[smem:$0x3FBA] =	sst s0;
	s0 =	simm.s32 @!p2 $0x0  }
0x16: {  	s3 =	sld [smem:$0x3FDB];
	s0 =	simm.s32 @p2 $0x1  }
0x17: {  	s4 =	simm.s32 $0x1BF5;
	[smem:$0x3FBC] =	sst s0  }
0x18: {  	s0 =	sld [smem:$0x3F9F];
	_ =	swait.ge [sflag:s4], $0x0  }
0x19: {  	s7 =	sld [smem:$0x3FA0]  }
0x1a: {  	s8 =	sadd.s32 $0xFFFFE003, lr  }
0x1b: {  	s9 =	sadd.s32 $0xFFFFFEF7, lr;
	s5 =	simm.s32 $0xFFFFFFFF;
	p2 =	slt.u32 s8, $0xFFFFF086  }
0x1c: {  	p1 =	slt.u32 s9, $0xF7A;
	s5 =	simm.s32 @!p2 $0x0  }
0x1d: {  	s5 =	simm.s32 @p1 $0x1;
	p0 =	seq.s32 s7, s2  }
0x1e: {  	s7 =	smul.u32 @!p0 $0xF7A, s2;
	p2 =	seq.s32 @!p0 s5, $0x0  }
0x1f: {  	s9 =	smul.u32 $0xF7A, s1;
	s8 =	simm.s32 @!p0 $0x1BF5;
	p2 =	por !p2, p0  }
0x20: {  	[sflag:s8] =	ssyncset.s32 @!p0 $0xFFFFF086;
	s6 =	sadd.s32 @!p0 s3, s7;
	s7 =	simm.s32 @!p0 $0x108  }
0x21: {  	s3 =	sadd.s32 s3, s9;
	s6 =	sadd.s32 @!p0 $0x88, s6;
	s7 =	simm.s32 @p2 $0x1082  }
0x22: {  	[simem:s7], [sflag:s8] =	dma.local @!p0 [hbm:s6], $0xF7A  }
0x23: {  	s9 =	sor.u32 $0xD0000000, s2;
	s6 =	simm.s32 $0x108;
	_ =	swait.ge @!p0 [sflag:s8], $0x0  }
0x24: {  	s3 =	sadd.s32 $0x88, s3;
	s6 =	simm.s32 @!p1 $0x1082;
	[sflag:s4] =	ssyncset.s32 $0xFFFFF086  }
0x25: {  	[simem:s6], [sflag:s4] =	dma.local [hbm:s3], $0xF7A  }
0x26: {  	[smem:$0x3FA0] =	sst s1;
	(tag) =	ssettag s2;
	_ =	strace s9  }
0x27: {  	s1 =	sld [smem:$0x3FB0]  }
0x28: {  	s2 =	sld [smem:$0x3FB1]  }
0x29: {  	s4 =	sld [smem:$0x3FB3]  }
0x2a: {  	p0 =	seq.s32 s5, $0x0;
	s5 =	sld [smem:$0x3FB4]  }
0x2b: {  	s6 =	sld [smem:$0x3FB5]  }
0x2c: {  	s7 =	sld [smem:$0x3FB6]  }
0x2d: {  	s3 =	simm.s32 $0x108;
	s8 =	sld [smem:$0x3FB7]  }
0x2e: {  	s3 =	simm.s32 @!p0 $0x1082;
	s9 =	sld [smem:$0x3FB8]  }
0x2f: {  	lr =	sadd.s32 s0, s3;
	s0 =	sld [smem:$0x3FAF]  }
0x30: {  	s3 =	sld [smem:$0x3FB2]  }
0x31: {  	[smem:$0x3FBB] =	sst s10  }
0x32: {  	s10 =	sld [smem:$0x3FB9];
	_ =	sdelay $0x3  }
0x33: {  	p0 =	seq.s32 s10, $0x1;
	s10 =	sld [smem:$0x3FBB];
	_ =	sdelay $0x3  }
0x34: {  	[smem:$0x3FBB] =	sst s10  }
0x35: {  	s10 =	sld [smem:$0x3FBA];
	_ =	sdelay $0x3  }
0x36: {  	p1 =	seq.s32 s10, $0x1;
	s10 =	sld [smem:$0x3FBB];
	_ =	sdelay $0x3  }
0x37: {  	[smem:$0x3FBB] =	sst s10  }
0x38: {  	s10 =	sld [smem:$0x3FBC]  }
0x39: {  	_ = 	snop;
	(pc) =	sbr.ind lr, $3  }
0x3a: {  	_ = 	snop  }
0x3b: {  	_ = 	snop  }
0x3c: {  	p2 =	seq.s32 s10, $0x1;
	s10 =	sld [smem:$0x3FBB]  }
0x3d: {  	_ =	shalt  }
0x3e: {  	_ =	shalt  }
0x3f: {  	_ =	shalt  }
0x40: {  	_ =	shalt  }
0x41: {  	_ =	shalt  }
0x42: {  	_ =	shalt  }
0x43: {  	_ =	shalt  }
0x44: {  	_ =	shalt  }
0x45: {  	_ =	shalt  }
0x46: {  	_ =	shalt  }
0x47: {  	_ =	shalt  }
0x48: {  	_ =	shalt  }
0x49: {  	_ =	shalt  }
0x4a: {  	_ =	shalt  }
0x4b: {  	_ =	shalt  }
0x4c: {  	_ =	shalt  }
0x4d: {  	_ =	shalt  }
0x4e: {  	_ =	shalt  }
0x4f: {  	_ =	shalt  }
0x50: {  	_ =	shalt  }
0x51: {  	_ =	shalt  }
0x52: {  	_ =	shalt  }
0x53: {  	_ =	shalt  }
0x54: {  	_ =	shalt  }
0x55: {  	_ =	shalt  }
0x56: {  	_ =	shalt  }
0x57: {  	_ =	shalt  }
0x58: {  	_ =	shalt  }
0x59: {  	_ =	shalt  }
0x5a: {  	_ =	shalt  }
0x5b: {  	_ =	shalt  }
0x5c: {  	_ =	shalt  }
0x5d: {  	_ =	shalt  }
0x5e: {  	_ =	shalt  }
0x5f: {  	_ =	shalt  }
0x60: {  	_ =	shalt  }
0x61: {  	_ =	shalt  }
0x62: {  	_ =	shalt  }
0x63: {  	_ =	shalt  }
0x64: {  	_ =	shalt  }
0x65: {  	_ =	shalt  }
0x66: {  	_ =	shalt  }
0x67: {  	_ =	shalt  }
0x68: {  	_ =	shalt  }
0x69: {  	_ =	shalt  }
0x6a: {  	_ =	shalt  }
0x6b: {  	_ =	shalt  }
0x6c: {  	_ =	shalt  }
0x6d: {  	_ =	shalt  }
0x6e: {  	_ =	shalt  }
0x6f: {  	_ =	shalt  }
0x70: {  	_ =	shalt  }
0x71: {  	_ =	shalt  }
0x72: {  	_ =	shalt  }
0x73: {  	_ =	shalt  }
0x74: {  	_ =	shalt  }
0x75: {  	_ =	shalt  }
0x76: {  	_ =	shalt  }
0x77: {  	_ =	shalt  }
0x78: {  	_ =	shalt  }
0x79: {  	_ =	shalt  }
0x7a: {  	_ =	shalt  }
0x7b: {  	_ =	shalt  }
0x7c: {  	_ =	shalt  }
0x7d: {  	_ =	shalt  }
0x7e: {  	_ =	shalt  }
0x7f: {  	_ =	shalt  }
0x80: {  	_ =	shalt  }
0x81: {  	_ =	shalt  }
0x82: {  	_ =	shalt  }
0x83: {  	_ =	shalt  }
0x84: {  	_ =	shalt  }
0x85: {  	_ =	shalt  }
0x86: {  	_ =	shalt  }
0x87: {  	_ =	shalt  }
.Lfunc_end0:
.L_simem_size_0:
called_computation_lowered:
.L_overlay_start_0:
0x88: {  	s2 =	sld [smem:$0x3FD9]  }
0x89: {  	s3 =	sld [smem:$0x3FFE];
	_ =	sdelay $0x1  }
0x8a: {  	s1 =	srdreg.scid  }
0x8b: {  	s0 =	sand.u32 $0x1, s1  }
0x8c: {  	s14 =	sshll.u32 s0, $0xA;
	s2 =	sadd.s32 s3, s2  }
0x8d: {  	s2 =	sadd.s32 s2, s14  }
0x8e: {  	[smem:$0x3FC7] =	sst s2  }
0x8f: {  	_ = 	snop  }
0x90: {  	s2 =	sld [smem:$0x3FD0];
	_ =	sdelay $0x2  }
0x91: {  	s4 =	simm.s32 $0xA;
	s5 =	simm.s32 $0x10;
	s15 =	sld [smem:$0x3FC9]  }
0x92: {  	[smem:s5], [sflag:s4] =	dma.local [hbm:s2], $0x1  }
0x93: {  	_ =	swait.eq [sflag:s4], $0x1  }
0x94: {  	[sflag:s4] =	ssyncset.done $0x0  }
0x95: {  	[sflag:s4] =	ssyncadd.s32 $0xFFFFFFFF  }
0x96: {  	s16 =	sld [smem:$0x11];
	(tm) =	ssettm $0x1  }
0x97: {  	s17 =	sld [smem:$0x3FFB];
	_ =	sdelay $0x3  }
0x98: {  	_ =	strace s17  }
0x99: {  	s4 =	sld [smem:$0x3FFC];
	_ =	sdelay $0x3  }
0x9a: {  	_ =	strace s4  }
0x9b: {  	s4 =	sld [smem:$0x3FFD];
	_ =	sdelay $0x3  }
0x9c: {  	_ =	strace s4  }
0x9d: {  	_ =	strace $0x8FFFFFFF  }
0x9e: {  	s18 =	sld [smem:$0x3FDB];
	_ =	sdelay $0x1  }
0x9f: {  	s19 =	simm.s32 $_scs_section_size  }
0xa0: {  	s6 =	simm.s32 $_size__tile_overlayer_lowered;
	s7 =	simm.s32 $_tile_overlayer_lowered  }
0xa1: {  	s22 =	simm.s32 $0x1BFF;
	s21 =	sshll.u32 s7, $0x1;
	s4 =	sadd.s32 s19, s18  }
0xa2: {  	s8 =	simm.s32 $0x0;
	s20 =	sshll.u32 s6, $0x1;
	s6 =	sadd.s32 s21, s4  }
0xa3: {  	[timem:s8], [sflag:s22] =	dma.local [hbm:s6], s20  }
0xa4: {  	_ =	swait.ge [sflag:s22], s20  }
0xa5: {  	s5 =	ssub.s32 $0x0, s20;
	[sflag:s22] =	ssyncset.done $0x0  }
0xa6: {  	[sflag:s22] =	ssyncadd.s32 s5;
	_ =	sdelay $0x1  }
0xa7: {  	s23 =	simm.s32 $0x1B8B  }
0xa8: {  	_ =	swait.ge [sflag:s23], $0x1  }
0xa9: {  	[sflag:s23] =	ssyncset.done $0x0  }
0xaa: {  	s25 =	simm.s32 $0x1B8E;
	s24 =	sld [smem:$0x3FFE];
	[sflag:s23] =	ssyncadd.s32 $0xFFFFFFFF  }
0xab: {  	s26 =	simm.s32 $execute0_lowered;
	[smem:$0x3FD2] =	sst s25  }
0xac: {  	s6 =	sshll.u32 s26, $0x1;
	_ =	strace $0x80000046;
	[dreg:$0x1] =	wrdreg $0xFFFFFFFF  }
0xad: {  	s28 =	simm.s32 $_size_execute0_lowered;
	s4 =	sadd.s32 s4, s6;
	[dreg:$0x0] =	wrdreg $0x0  }
0xae: {  	s6 =	sshll.u32 s28, $0x1;
	[dreg:$0x2] =	wrdreg s4  }
0xaf: {  	[dreg:$0x3] =	wrdreg s6  }
0xb0: {  	[dreg:$0x4] =	wrdreg $0xC0  }
0xb1: {  	_ =	task [dreg:s8], $0x5FFFF  }
0xb2: {  	[dreg:$0x1] =	wrdreg $0xFFFFFFFF  }
0xb3: {  	[dreg:$0x0] =	wrdreg $0x60  }
0xb4: {  	[dreg:$0x2] =	wrdreg s15  }
0xb5: {  	[dreg:$0x3] =	wrdreg s16  }
0xb6: {  	[dreg:$0x4] =	wrdreg s24  }
0xb7: {  	[dreg:$0x5] =	wrdreg $0x9  }
0xb8: {  	_ =	task.clear_ibuf [dreg:s8], $0x6FFFF;
	_ =	strace $0x90000046  }
0xb9: {  	s29 =	simm.s32 $0x9;
	_ =	strace $0x80000048  }
0xba: {  	_ =	swait.ge [sflag:s29], $0x1  }
0xbb: {  	[sflag:s29] =	ssyncadd.s32 $0xFFFFFFFF  }
0xbc: {  	_ =	strace $0x90000048  }
0xbd: {  	_ =	sfence  }
0xbe: {  	s30 =	sld [smem:$0x0];
	_ =	sdelay $0x2  }
0xbf: {  	s31 =	sshll.u32 s1, $0xD;
	s1 =	sshrl.u32 s1, $0x2  }
0xc0: {  	s3 =	sand.u32 $0x4000, s31;
	s1 =	sadd.s32 s1, s30  }
0xc1: {  	s0 =	sor.u32 s3, s0;
	s1 =	sshll.u32 s1, $0x11  }
0xc2: {  	s0 =	sor.u32 s1, s0  }
0xc3: {  	s0 =	sadd.s32 $0x8F2B, s0  }
0xc4: {  	[sflag:s0] =	ssyncadd.remote.s32 $0x1  }
0xc5: {  	_ =	sfence.sel $0xFFFF  }
0xc6: {  	[dreg:$0x0] =	wrdreg $0xFFFFFFFF;
	(pc) =	sbr.abs _section_cstart, $3  }
0xc7: {  	[dreg:$0x1] =	wrdreg $0xFFFFFFFF  }
0xc8: {  	_ =	task.clear_ibuf [dreg:s8], $0x2FFFF;
	_ =	strace $0x9FFFFFFF  }
0xc9: {  	(tm) =	ssettm $0x7FFFFFFF  }
tec
execute0_lowered:
.L_overlay_start_1:
0x0: {  	(tag) =	ssettag $0x1  }
0x1: {  	s0 =	rddreg [dreg:$0x0]  }
0x2: {  	s1 =	rddreg [dreg:$0x1]  }
0x3: {  	s4 =	rddreg [dreg:$0x2];
	s2 =	simm.s32 $0x0  }
0x4: {  	s3 =	srdreg.scid;
	s9 =	stileid.u32;
	s13 =	simm.s32 $0x80  }
0x5: {  	s14 =	simm.s32 $0x400;
	s15 =	simm.s32 $0x1;
	s16 =	simm.s32 $0x2000  }
0x6: {  	s29 =	simm.s32 $0x0;
	s30 =	simm.s32 $0x0;
	[smem:$0x7FF] =	sst s2  }
0x7: {  	v0 =	vimm.s32 $0xFEDCBA98;
	v1 =	vimm.s32 $0x76543210;
	s3 =	sand.u32 $0x1, s3;
	s5 =	sshll.u32 s9, $0xB;
	s7 =	sshll.u32 s9, $0xA  }
0x8: {  	v2 =	vimm.s32 $0xBA98FEDC;
	s9 =	sshll.u32 s9, $0x6;
	_ =	strace $0x80000047;
	s6 =	sshll.u32 s3, $0xA  }
0x9: {  	v3 =	vimm.s32 $0x32107654;
	v4 =	vimm.s32 $0xDCFE98BA;
	s8 =	sshll.u32 s3, $0x6;
	s7 =	sand.u32 $0x400, s7;
	s17 =	sand.u32 $0x380, s9  }
0xa: {  	v5 =	vimm.s32 $0x54761032;
	v6 =	vimm.s32 $0xEFCDAB89;
	v7 =	vimm.s32 $0x67452301;
	s18 =	ssub.s32 $0x2, s3;
	s5 =	sor.u32 s6, s5;
	s7 =	sor.u32 s8, s7  }
0xb: {  	v0 =	vunpack.c.l.s4.s8 v0;
	v1 =	vunpack.c.l.s4.s8 v1;
	v2 =	vunpack.c.l.s4.s8 v2;
	s19 =	sshrl.u32 s17, $0x3;
	s20 =	sshrl.u32 s18, $0x1;
	s6 =	sor.u32 s17, s7  }
0xc: {  	v3 =	vunpack.c.l.s4.s8 v3;
	v4 =	vunpack.c.l.s4.s8 v4;
	v5 =	vunpack.c.l.s4.s8 v5;
	s3 =	sadd.s32 s0, s19;
	s24 =	sadd.s32 s5, s4;
	s25 =	ssub.s32 s18, s20  }
0xd: {  	v6 =	vunpack.c.l.s4.s8 v6;
	v7 =	vunpack.c.l.s4.s8 v7;
	v0 =	vunpack.c.0.s8.s32 v0;
	s17 =	simm.s32 $0x4000;
	s21 =	sshrl.u32 s6, $0x3;
	s22 =	sadd.s32 $0x2000, s3  }
0xe: {  	v2 =	vunpack.c.0.s8.s32 v2;
	v3 =	vunpack.c.0.s8.s32 v3;
	v4 =	vunpack.c.0.s8.s32 v4;
	s23 =	sadd.s32 $0x4000, s3;
	s31 =	sadd.s32 $0x600, s24;
	s10 =	sadd.s32 $0x8600, s24  }
.Ltmp0:
0xf: {  	v5 =	vunpack.c.0.s8.s32 v5;
	v6 =	vunpack.c.0.s8.s32 v6;
	v7 =	vunpack.c.0.s8.s32 v7;
	s11 =	sadd.s32 $0x10600, s24;
	[dreg:$0x4] =	wrdreg s22;
	(pc) =	sbr.rel .LBB2_1-.Ltmp0, $4  }
0x10: {  	v1 =	vunpack.c.0.s8.s32 v1;
	s12 =	smax.u32 s25, $0x1;
	v2 =	vcombine.low v3, v2;
	[dreg:$0x5] =	wrdreg s23;
	s6 =	sadd.s32 s1, s21  }
0x11: {  	v3 =	vcombine.low v5, v4;
	v4 =	vand.u32 $0xF, v0;
	v5 =	vcombine.low v7, v6;
	s24 =	simm.s32 $0xC000;
	[dreg:$0x8] =	wrdreg s31;
	s26 =	sadd.s32 $0x100, s6  }
0x12: {  	v0 =	vlaneseq.u32;
	s21 =	simm.s32 $0x6000;
	v1 =	vcombine.low v4, v1;
	s28 =	sadd.s32 $0x200, s6;
	[dreg:$0x6] =	wrdreg s26  }
0x13: {  	s22 =	simm.s32 $0x8000;
	s23 =	simm.s32 $0xA000;
	v2 =	vand.u32 $0xF, v2;
	v3 =	vand.u32 $0xF, v3;
	v4 =	vand.u32 $0xF, v5;
	[dreg:$0x7] =	wrdreg s28  }
.LBB2_36:
0x14: {  	s0 =	rddreg [dreg:$0x8];
	s1 =	simm.s32 $0x16380  }
0x15: {  	[hbm4b:s0+s2] =	stream.linear.scatter [tilespmem:s1], [sflag:$0x1], $0x2000, $0x38;
	[tilespmem:$0x1C380] =	vst v63  }
0x16: {  	_ =	swait.ge [sflag:s15], $0x2000  }
0x17: {  	[sflag:s15] =	ssyncset.done $0x0  }
0x18: {  	s28 =	simm.s32 $0x18380;
	[sflag:s15] =	ssyncadd.s32 $0xFFFFE000  }
0x19: {  	[hbm4b:s10+s2] =	stream.linear.scatter [tilespmem:s28], [sflag:$0x1], $0x2000, $0x38;
	[tilespmem:$0x1C380] =	vst v63  }
0x1a: {  	s29 =	sadd.s32 $0x1, s29;
	_ =	swait.ge [sflag:s15], $0x2000  }
0x1b: {  	p0 =	sne.s32 s29, s12;
	[sflag:s15] =	ssyncset.done $0x0  }
.Ltmp1:
0x1c: {  	s31 =	simm.s32 $0x1A380;
	[sflag:s15] =	ssyncadd.s32 $0xFFFFE000;
	(pc) =	sbr.rel @!p0 .LBB2_37-.Ltmp1, $4  }
0x1d: {  	[hbm4b:s11+s2] =	stream.linear.scatter [tilespmem:s31], [sflag:$0x1], $0x2000, $0x38;
	[tilespmem:$0x1C380] =	vst v63  }
0x1e: {  	_ =	swait.ge [sflag:s15], $0x2000  }
0x1f: {  	[sflag:s15] =	ssyncset.done $0x0  }
0x20: {  	[sflag:s15] =	ssyncadd.s32 $0xFFFFE000  }
.LBB2_1:
0x21: {  	[tilespmem:s2], [sflag:$0x1] =	stream.strided.gather [hbm4b:s3+s13], $0x2000, s14, s13, $0x38;
	[tilespmem:$0x1C380] =	vst v63  }
0x22: {  	_ =	swait.ge [sflag:s15], $0x2000  }
0x23: {  	[sflag:s15] =	ssyncset.done $0x0  }
0x24: {  	s0 =	rddreg [dreg:$0x4];
	[sflag:s15] =	ssyncadd.s32 $0xFFFFE000  }
0x25: {  	[tilespmem:s16], [sflag:$0x1] =	stream.strided.gather [hbm4b:s0+s13], $0x2000, s14, s13, $0x38;
	[tilespmem:$0x1C380] =	vst v63  }
0x26: {  	_ =	swait.ge [sflag:s15], $0x2000  }
0x27: {  	[sflag:s15] =	ssyncset.done $0x0  }
0x28: {  	s18 =	rddreg [dreg:$0x5];
	[sflag:s15] =	ssyncadd.s32 $0xFFFFE000  }
0x29: {  	[tilespmem:s17], [sflag:$0x1] =	stream.strided.gather [hbm4b:s18+s13], $0x2000, s14, s13, $0x38;
	[tilespmem:$0x1C380] =	vst v63  }
0x2a: {  	_ =	swait.ge [sflag:s15], $0x2000  }
0x2b: {  	[sflag:s15] =	ssyncset.done $0x0  }
0x2c: {  	s19 =	simm.s32 $0xE000;
	[sflag:s15] =	ssyncadd.s32 $0xFFFFE000  }
0x2d: {  	[tilespmem:s19], [sflag:$0x1] =	stream.linear.gather [hbm4b:s6+s2], $0x40, $0x38;
	[tilespmem:$0x1C380] =	vst v63  }
0x2e: {  	_ =	swait.ge [sflag:s15], $0x40  }
0x2f: {  	[sflag:s15] =	ssyncset.done $0x0  }
0x30: {  	s1 =	simm.s32 $0xE080;
	s20 =	rddreg [dreg:$0x6];
	[sflag:s15] =	ssyncadd.s32 $0xFFFFFFC0  }
0x31: {  	[tilespmem:s1], [sflag:$0x1] =	stream.linear.gather [hbm4b:s20+s2], $0x40, $0x38;
	[tilespmem:$0x1C380] =	vst v63  }
0x32: {  	_ =	swait.ge [sflag:s15], $0x40  }
0x33: {  	[sflag:s15] =	ssyncset.done $0x0  }
0x34: {  	s26 =	simm.s32 $0xE100;
	s25 =	rddreg [dreg:$0x7];
	[sflag:s15] =	ssyncadd.s32 $0xFFFFFFC0  }
0x35: {  	[tilespmem:s26], [sflag:$0x1] =	stream.linear.gather [hbm4b:s25+s2], $0x40, $0x38;
	[tilespmem:$0x1C380] =	vst v63  }
0x36: {  	_ =	swait.ge [sflag:s15], $0x40  }
0x37: {  	[sflag:s15] =	ssyncset.done $0x0  }
0x38: {  	s18 =	simm.s32 $0x40;
	[sflag:s15] =	ssyncadd.s32 $0xFFFFFFC0  }
0x39: {  	s1 =	simm.s32 $0x2040;
	v5 =	vld [tilespmem:s18+$0xFFFFFFC0]  }
0x3a: {  	v6 =	vld [tilespmem:s1+$0xFFFFFFC0]  }
0x3b: {  	s20 =	simm.s32 $0x4040  }
0x3c: {  	v7 =	vld [tilespmem:s20+$0xFFFFFFC0];
	_ =	sdelay $0x2  }
0x3d: {  	v8 =	vmul.f32 v5, v5;
	v9 =	vmul.f32 v6, v6;
	_ =	sdelay $0x1  }
0x3e: {  	v10 =	vshrl.u32 v5, $0x10;
	v11 =	vmul.f32 v7, v7;
	v8 =	vadd.f32 v9, v8  }
0x3f: {  	v14 =	vshrl.u32 v6, $0x10;
	v15 =	vshrl.u32 v7, $0x10;
	v10 =	vand.u32 $0x1, v10  }
0x40: {  	v5 =	vadd.s32 v10, v5;
	v9 =	vand.u32 $0x1, v14;
	v8 =	vadd.f32 v11, v8  }
0x41: {  	s0 =	simm.s32 $0xC040;
	v16 =	vand.u32 $0x1, v15;
	v6 =	vadd.s32 v9, v6;
	v5 =	vadd.s32 $0x7FFF, v5  }
0x42: {  	s19 =	simm.s32 $0x6040;
	v7 =	vadd.s32 v16, v7;
	v6 =	vadd.s32 $0x7FFF, v6;
	v5 =	vand.u32 $0xFFFF0000, v5;
	[tilespmem:s0+$0xFFFFFFC0] =	vst v8  }
0x43: {  	s25 =	simm.s32 $0x8040;
	v7 =	vadd.s32 $0x7FFF, v7;
	[tilespmem:s19+$0xFFFFFFC0] =	vst v5;
	v5 =	vand.u32 $0xFFFF0000, v6  }
0x44: {  	s31 =	simm.s32 $0xA040;
	[tilespmem:s25+$0xFFFFFFC0] =	vst v5;
	v5 =	vand.u32 $0xFFFF0000, v7  }
0x45: {  	[tilespmem:s31+$0xFFFFFFC0] =	vst v5  }
0x46: {  	v5 =	vld [tilespmem:s18+$0xFFFFFFD0]  }
0x47: {  	v6 =	vld [tilespmem:s1+$0xFFFFFFD0];
	_ =	sdelay $0x1  }
0x48: {  	v7 =	vld [tilespmem:s20+$0xFFFFFFD0];
	_ =	sdelay $0x2  }
0x49: {  	v17 =	vmul.f32 v5, v5;
	v18 =	vmul.f32 v6, v6;
	_ =	sdelay $0x1  }
0x4a: {  	v19 =	vshrl.u32 v5, $0x10;
	v20 =	vmul.f32 v7, v7;
	v8 =	vadd.f32 v18, v17  }
0x4b: {  	v21 =	vshrl.u32 v6, $0x10;
	v23 =	vshrl.u32 v7, $0x10;
	v10 =	vand.u32 $0x1, v19  }
0x4c: {  	v22 =	vand.u32 $0x1, v21;
	v5 =	vadd.s32 v10, v5;
	v8 =	vadd.f32 v20, v8  }
0x4d: {  	v24 =	vand.u32 $0x1, v23;
	v6 =	vadd.s32 v22, v6;
	v5 =	vadd.s32 $0x7FFF, v5  }
0x4e: {  	v7 =	vadd.s32 v24, v7;
	v6 =	vadd.s32 $0x7FFF, v6;
	v5 =	vand.u32 $0xFFFF0000, v5;
	[tilespmem:s0+$0xFFFFFFD0] =	vst v8  }
0x4f: {  	v7 =	vadd.s32 $0x7FFF, v7;
	[tilespmem:s19+$0xFFFFFFD0] =	vst v5;
	v5 =	vand.u32 $0xFFFF0000, v6  }
0x50: {  	[tilespmem:s25+$0xFFFFFFD0] =	vst v5;
	v5 =	vand.u32 $0xFFFF0000, v7  }
0x51: {  	[tilespmem:s31+$0xFFFFFFD0] =	vst v5  }
0x52: {  	v5 =	vld [tilespmem:s18+$0xFFFFFFE0]  }
0x53: {  	v6 =	vld [tilespmem:s1+$0xFFFFFFE0];
	_ =	sdelay $0x1  }
0x54: {  	v7 =	vld [tilespmem:s20+$0xFFFFFFE0];
	_ =	sdelay $0x2  }
0x55: {  	v25 =	vmul.f32 v5, v5;
	v26 =	vmul.f32 v6, v6;
	_ =	sdelay $0x1  }
0x56: {  	v27 =	vshrl.u32 v5, $0x10;
	v28 =	vmul.f32 v7, v7;
	v8 =	vadd.f32 v26, v25  }
0x57: {  	v29 =	vshrl.u32 v6, $0x10;
	v31 =	vshrl.u32 v7, $0x10;
	v10 =	vand.u32 $0x1, v27  }
0x58: {  	v30 =	vand.u32 $0x1, v29;
	v5 =	vadd.s32 v10, v5;
	v8 =	vadd.f32 v28, v8  }
0x59: {  	v32 =	vand.u32 $0x1, v31;
	v6 =	vadd.s32 v30, v6;
	v5 =	vadd.s32 $0x7FFF, v5  }
0x5a: {  	v7 =	vadd.s32 v32, v7;
	v6 =	vadd.s32 $0x7FFF, v6;
	v5 =	vand.u32 $0xFFFF0000, v5;
	[tilespmem:s0+$0xFFFFFFE0] =	vst v8  }
0x5b: {  	[tilespmem:s19+$0xFFFFFFE0] =	vst v5;
	v5 =	vand.u32 $0xFFFF0000, v6;
	v6 =	vadd.s32 $0x7FFF, v7  }
0x5c: {  	[tilespmem:s25+$0xFFFFFFE0] =	vst v5;
	v5 =	vand.u32 $0xFFFF0000, v6  }
0x5d: {  	[tilespmem:s31+$0xFFFFFFE0] =	vst v5  }
0x5e: {  	v5 =	vld [tilespmem:s18+$0xFFFFFFF0]  }
0x5f: {  	v6 =	vld [tilespmem:s1+$0xFFFFFFF0];
	_ =	sdelay $0x1  }
0x60: {  	v7 =	vld [tilespmem:s20+$0xFFFFFFF0];
	_ =	sdelay $0x2  }
0x61: {  	v33 =	vmul.f32 v5, v5;
	v34 =	vmul.f32 v6, v6;
	_ =	sdelay $0x1  }
0x62: {  	v35 =	vshrl.u32 v5, $0x10;
	v36 =	vmul.f32 v7, v7;
	v8 =	vadd.f32 v34, v33  }
0x63: {  	v37 =	vshrl.u32 v6, $0x10;
	v39 =	vshrl.u32 v7, $0x10;
	v10 =	vand.u32 $0x1, v35  }
0x64: {  	v38 =	vand.u32 $0x1, v37;
	v5 =	vadd.s32 v10, v5;
	v8 =	vadd.f32 v36, v8  }
0x65: {  	v40 =	vand.u32 $0x1, v39;
	v6 =	vadd.s32 v38, v6;
	v5 =	vadd.s32 $0x7FFF, v5  }
0x66: {  	v7 =	vadd.s32 v40, v7;
	v6 =	vadd.s32 $0x7FFF, v6;
	v5 =	vand.u32 $0xFFFF0000, v5;
	[tilespmem:s0+$0xFFFFFFF0] =	vst v8  }
0x67: {  	[tilespmem:s19+$0xFFFFFFF0] =	vst v5;
	v5 =	vand.u32 $0xFFFF0000, v6;
	v6 =	vadd.s32 $0x7FFF, v7  }
0x68: {  	[tilespmem:s25+$0xFFFFFFF0] =	vst v5;
	v5 =	vand.u32 $0xFFFF0000, v6  }
0x69: {  	[tilespmem:s31+$0xFFFFFFF0] =	vst v5  }
0x6a: {  	v5 =	vld [tilespmem:s18+$0x0]  }
0x6b: {  	v6 =	vld [tilespmem:s1+$0x0];
	_ =	sdelay $0x1  }
0x6c: {  	v7 =	vld [tilespmem:s20+$0x0];
	_ =	sdelay $0x2  }
0x6d: {  	v41 =	vmul.f32 v5, v5;
	v42 =	vmul.f32 v6, v6;
	_ =	sdelay $0x1  }
0x6e: {  	v43 =	vshrl.u32 v5, $0x10;
	v44 =	vmul.f32 v7, v7;
	v8 =	vadd.f32 v42, v41  }
0x6f: {  	v45 =	vshrl.u32 v6, $0x10;
	v46 =	vshrl.u32 v7, $0x10;
	v10 =	vand.u32 $0x1, v43  }
0x70: {  	v5 =	vadd.s32 v10, v5;
	v10 =	vand.u32 $0x1, v45;
	v8 =	vadd.f32 v44, v8  }
0x71: {  	v47 =	vand.u32 $0x1, v46;
	v5 =	vadd.s32 $0x7FFF, v5;
	v6 =	vadd.s32 v10, v6  }
0x72: {  	v7 =	vadd.s32 v47, v7;
	v6 =	vadd.s32 $0x7FFF, v6;
	v5 =	vand.u32 $0xFFFF0000, v5;
	[tilespmem:s0+$0x0] =	vst v8  }
0x73: {  	v7 =	vadd.s32 $0x7FFF, v7;
	[tilespmem:s19+$0x0] =	vst v5;
	v5 =	vand.u32 $0xFFFF0000, v6  }
0x74: {  	[tilespmem:s25+$0x0] =	vst v5;
	v5 =	vand.u32 $0xFFFF0000, v7  }
0x75: {  	[tilespmem:s31+$0x0] =	vst v5  }
0x76: {  	v5 =	vld [tilespmem:s18+$0x10]  }
0x77: {  	v6 =	vld [tilespmem:s1+$0x10];
	_ =	sdelay $0x1  }
0x78: {  	v7 =	vld [tilespmem:s20+$0x10];
	_ =	sdelay $0x2  }
0x79: {  	v48 =	vmul.f32 v5, v5;
	v49 =	vmul.f32 v6, v6;
	_ =	sdelay $0x1  }
0x7a: {  	v50 =	vshrl.u32 v5, $0x10;
	v51 =	vmul.f32 v7, v7;
	v8 =	vadd.f32 v49, v48  }
0x7b: {  	v52 =	vshrl.u32 v6, $0x10;
	v54 =	vshrl.u32 v7, $0x10;
	v10 =	vand.u32 $0x1, v50  }
0x7c: {  	v53 =	vand.u32 $0x1, v52;
	v5 =	vadd.s32 v10, v5;
	v8 =	vadd.f32 v51, v8  }
0x7d: {  	v55 =	vand.u32 $0x1, v54;
	v6 =	vadd.s32 v53, v6;
	v5 =	vadd.s32 $0x7FFF, v5  }
0x7e: {  	v7 =	vadd.s32 v55, v7;
	v6 =	vadd.s32 $0x7FFF, v6;
	v5 =	vand.u32 $0xFFFF0000, v5;
	[tilespmem:s0+$0x10] =	vst v8  }
0x7f: {  	v7 =	vadd.s32 $0x7FFF, v7;
	[tilespmem:s19+$0x10] =	vst v5;
	v5 =	vand.u32 $0xFFFF0000, v6  }
0x80: {  	[tilespmem:s25+$0x10] =	vst v5;
	v5 =	vand.u32 $0xFFFF0000, v7  }
0x81: {  	[tilespmem:s31+$0x10] =	vst v5  }
0x82: {  	v5 =	vld [tilespmem:s18+$0x20]  }
0x83: {  	v6 =	vld [tilespmem:s1+$0x20];
	_ =	sdelay $0x1  }
0x84: {  	v7 =	vld [tilespmem:s20+$0x20];
	_ =	sdelay $0x2  }
0x85: {  	v56 =	vmul.f32 v5, v5;
	v57 =	vmul.f32 v6, v6;
	_ =	sdelay $0x1  }
0x86: {  	v58 =	vshrl.u32 v5, $0x10;
	v59 =	vmul.f32 v7, v7;
	v8 =	vadd.f32 v57, v56  }
0x87: {  	v60 =	vshrl.u32 v6, $0x10;
	v62 =	vshrl.u32 v7, $0x10;
	v10 =	vand.u32 $0x1, v58  }
0x88: {  	v61 =	vand.u32 $0x1, v60;
	v5 =	vadd.s32 v10, v5;
	v8 =	vadd.f32 v59, v8  }
0x89: {  	v63 =	vand.u32 $0x1, v62;
	v6 =	vadd.s32 v61, v6;
	v5 =	vadd.s32 $0x7FFF, v5  }
0x8a: {  	v7 =	vadd.s32 v63, v7;
	v6 =	vadd.s32 $0x7FFF, v6;
	v5 =	vand.u32 $0xFFFF0000, v5;
	[tilespmem:s0+$0x20] =	vst v8  }
0x8b: {  	v7 =	vadd.s32 $0x7FFF, v7;
	[tilespmem:s19+$0x20] =	vst v5;
	v5 =	vand.u32 $0xFFFF0000, v6  }
0x8c: {  	[tilespmem:s25+$0x20] =	vst v5;
	v5 =	vand.u32 $0xFFFF0000, v7  }
0x8d: {  	s28 =	simm.s32 $0x80C0;
	s4 =	simm.s32 $0xA0C0;
	s5 =	simm.s32 $0x40C0;
	[tilespmem:s31+$0x20] =	vst v5  }
0x8e: {  	s7 =	simm.s32 $0xC0C0;
	s8 =	simm.s32 $0x60C0;
	s26 =	simm.s32 $0x0;
	v5 =	vld [tilespmem:s18+$0x30]  }
.LBB2_2:
0x8f: {  	s26 =	sadd.s32 $0x8, s26;
	v6 =	vld [tilespmem:s1+$0x30];
	s18 =	sadd.s32 $0x80, s18;
	s1 =	sadd.s32 $0x80, s1  }
0x90: {  	p0 =	slt.u32 s26, $0x1F8;
	v7 =	vld [tilespmem:s20+$0x30];
	s20 =	smov.u32 s5;
	_ =	sdelay $0x2  }
0x91: {  	v8 =	vshrl.u32 v5, $0x10  }
0x92: {  	v9 =	vmul.f32 v5, v5;
	v10 =	vmul.f32 v6, v6;
	v8 =	vand.u32 $0x1, v8  }
0x93: {  	v5 =	vadd.s32 v8, v5;
	v8 =	vshrl.u32 v6, $0x10;
	v11 =	vshrl.u32 v7, $0x10  }
0x94: {  	v9 =	vadd.f32 v10, v9;
	v10 =	vmul.f32 v7, v7;
	v8 =	vand.u32 $0x1, v8  }
0x95: {  	v5 =	vadd.s32 $0x7FFF, v5;
	v6 =	vadd.s32 v8, v6;
	v8 =	vand.u32 $0x1, v11  }
0x96: {  	v9 =	vadd.f32 v10, v9;
	v6 =	vadd.s32 $0x7FFF, v6;
	v7 =	vadd.s32 v8, v7  }
0x97: {  	v7 =	vadd.s32 $0x7FFF, v7  }
0x98: {  	v5 =	vand.u32 $0xFFFF0000, v5;
	[tilespmem:s0+$0x30] =	vst v9;
	s0 =	smov.u32 s7  }
0x99: {  	[tilespmem:s19+$0x30] =	vst v5;
	v5 =	vand.u32 $0xFFFF0000, v6;
	s19 =	smov.u32 s8  }
0x9a: {  	[tilespmem:s25+$0x30] =	vst v5;
	v5 =	vand.u32 $0xFFFF0000, v7;
	s25 =	smov.u32 s28  }
0x9b: {  	[tilespmem:s31+$0x30] =	vst v5;
	s31 =	smov.u32 s4  }
0x9c: {  	v5 =	vld [tilespmem:s18+$0xFFFFFFC0]  }
0x9d: {  	v6 =	vld [tilespmem:s1+$0xFFFFFFC0]  }
0x9e: {  	v7 =	vld [tilespmem:s5+$0xFFFFFFC0];
	_ =	sdelay $0x2  }
0x9f: {  	v8 =	vmul.f32 v5, v5;
	v9 =	vshrl.u32 v5, $0x10  }
0xa0: {  	v10 =	vmul.f32 v6, v6;
	v9 =	vand.u32 $0x1, v9;
	v11 =	vshrl.u32 v6, $0x10  }
0xa1: {  	v12 =	vmul.f32 v7, v7;
	v5 =	vadd.s32 v9, v5;
	v9 =	vand.u32 $0x1, v11  }
0xa2: {  	v8 =	vadd.f32 v10, v8;
	v6 =	vadd.s32 v9, v6;
	v9 =	vshrl.u32 v7, $0x10  }
0xa3: {  	v6 =	vadd.s32 $0x7FFF, v6;
	v9 =	vand.u32 $0x1, v9  }
0xa4: {  	v8 =	vadd.f32 v12, v8;
	v7 =	vadd.s32 v9, v7  }
0xa5: {  	v5 =	vadd.s32 $0x7FFF, v5;
	v7 =	vadd.s32 $0x7FFF, v7  }
0xa6: {  	v5 =	vand.u32 $0xFFFF0000, v5;
	[tilespmem:s7+$0xFFFFFFC0] =	vst v8  }
0xa7: {  	[tilespmem:s8+$0xFFFFFFC0] =	vst v5;
	v5 =	vand.u32 $0xFFFF0000, v6  }
0xa8: {  	[tilespmem:s28+$0xFFFFFFC0] =	vst v5;
	v5 =	vand.u32 $0xFFFF0000, v7  }
0xa9: {  	[tilespmem:s4+$0xFFFFFFC0] =	vst v5  }
0xaa: {  	v5 =	vld [tilespmem:s18+$0xFFFFFFD0]  }
0xab: {  	v6 =	vld [tilespmem:s1+$0xFFFFFFD0];
	_ =	sdelay $0x1  }
0xac: {  	v7 =	vld [tilespmem:s5+$0xFFFFFFD0];
	_ =	sdelay $0x1  }
0xad: {  	v8 =	vmul.f32 v5, v5;
	v9 =	vshrl.u32 v5, $0x10  }
0xae: {  	v10 =	vmul.f32 v6, v6;
	v9 =	vand.u32 $0x1, v9;
	v11 =	vshrl.u32 v6, $0x10  }
0xaf: {  	v5 =	vadd.s32 v9, v5;
	v9 =	vand.u32 $0x1, v11  }
0xb0: {  	v8 =	vadd.f32 v10, v8;
	v10 =	vmul.f32 v7, v7;
	v11 =	vshrl.u32 v7, $0x10  }
0xb1: {  	v6 =	vadd.s32 v9, v6;
	v9 =	vand.u32 $0x1, v11  }
0xb2: {  	v8 =	vadd.f32 v10, v8;
	v7 =	vadd.s32 v9, v7  }
0xb3: {  	v5 =	vadd.s32 $0x7FFF, v5;
	v7 =	vadd.s32 $0x7FFF, v7  }
0xb4: {  	v5 =	vand.u32 $0xFFFF0000, v5;
	v6 =	vadd.s32 $0x7FFF, v6;
	[tilespmem:s7+$0xFFFFFFD0] =	vst v8  }
0xb5: {  	[tilespmem:s8+$0xFFFFFFD0] =	vst v5;
	v5 =	vand.u32 $0xFFFF0000, v6  }
0xb6: {  	[tilespmem:s28+$0xFFFFFFD0] =	vst v5;
	v5 =	vand.u32 $0xFFFF0000, v7  }
0xb7: {  	[tilespmem:s4+$0xFFFFFFD0] =	vst v5  }
0xb8: {  	v5 =	vld [tilespmem:s18+$0xFFFFFFE0]  }
0xb9: {  	v6 =	vld [tilespmem:s1+$0xFFFFFFE0];
	_ =	sdelay $0x1  }
0xba: {  	v7 =	vld [tilespmem:s5+$0xFFFFFFE0];
	_ =	sdelay $0x1  }
0xbb: {  	v8 =	vmul.f32 v5, v5;
	v9 =	vshrl.u32 v5, $0x10  }
0xbc: {  	v10 =	vmul.f32 v6, v6;
	v9 =	vand.u32 $0x1, v9;
	v11 =	vshrl.u32 v6, $0x10  }
0xbd: {  	v5 =	vadd.s32 v9, v5;
	v9 =	vand.u32 $0x1, v11  }
0xbe: {  	v8 =	vadd.f32 v10, v8;
	v10 =	vmul.f32 v7, v7;
	v5 =	vadd.s32 $0x7FFF, v5  }
0xbf: {  	v6 =	vadd.s32 v9, v6;
	v9 =	vshrl.u32 v7, $0x10  }
0xc0: {  	v6 =	vadd.s32 $0x7FFF, v6;
	v8 =	vadd.f32 v10, v8  }
0xc1: {  	v9 =	vand.u32 $0x1, v9  }
0xc2: {  	v5 =	vand.u32 $0xFFFF0000, v5;
	v7 =	vadd.s32 v9, v7;
	[tilespmem:s7+$0xFFFFFFE0] =	vst v8  }
0xc3: {  	[tilespmem:s8+$0xFFFFFFE0] =	vst v5;
	v5 =	vand.u32 $0xFFFF0000, v6;
	v6 =	vadd.s32 $0x7FFF, v7  }
0xc4: {  	[tilespmem:s28+$0xFFFFFFE0] =	vst v5;
	v5 =	vand.u32 $0xFFFF0000, v6  }
0xc5: {  	[tilespmem:s4+$0xFFFFFFE0] =	vst v5  }
0xc6: {  	v5 =	vld [tilespmem:s18+$0xFFFFFFF0]  }
0xc7: {  	v6 =	vld [tilespmem:s1+$0xFFFFFFF0];
	_ =	sdelay $0x1  }
0xc8: {  	v7 =	vld [tilespmem:s5+$0xFFFFFFF0];
	_ =	sdelay $0x1  }
0xc9: {  	v8 =	vmul.f32 v5, v5;
	v9 =	vshrl.u32 v5, $0x10  }
0xca: {  	v10 =	vmul.f32 v6, v6;
	v9 =	vand.u32 $0x1, v9;
	v11 =	vshrl.u32 v6, $0x10  }
0xcb: {  	v5 =	vadd.s32 v9, v5;
	v9 =	vand.u32 $0x1, v11  }
0xcc: {  	v8 =	vadd.f32 v10, v8;
	v10 =	vmul.f32 v7, v7;
	v6 =	vadd.s32 v9, v6  }
0xcd: {  	v5 =	vadd.s32 $0x7FFF, v5;
	v9 =	vshrl.u32 v7, $0x10;
	v6 =	vadd.s32 $0x7FFF, v6  }
0xce: {  	v9 =	vand.u32 $0x1, v9;
	v8 =	vadd.f32 v10, v8  }
0xcf: {  	v7 =	vadd.s32 v9, v7  }
0xd0: {  	v5 =	vand.u32 $0xFFFF0000, v5;
	[tilespmem:s7+$0xFFFFFFF0] =	vst v8  }
0xd1: {  	[tilespmem:s8+$0xFFFFFFF0] =	vst v5;
	v5 =	vand.u32 $0xFFFF0000, v6;
	v6 =	vadd.s32 $0x7FFF, v7  }
0xd2: {  	[tilespmem:s28+$0xFFFFFFF0] =	vst v5;
	v5 =	vand.u32 $0xFFFF0000, v6  }
0xd3: {  	[tilespmem:s4+$0xFFFFFFF0] =	vst v5  }
0xd4: {  	v5 =	vld [tilespmem:s18+$0x0]  }
0xd5: {  	v6 =	vld [tilespmem:s1+$0x0];
	_ =	sdelay $0x1  }
0xd6: {  	v7 =	vld [tilespmem:s5+$0x0];
	_ =	sdelay $0x1  }
0xd7: {  	v8 =	vshrl.u32 v5, $0x10  }
0xd8: {  	v9 =	vmul.f32 v5, v5;
	v10 =	vmul.f32 v6, v6;
	v8 =	vand.u32 $0x1, v8  }
0xd9: {  	v5 =	vadd.s32 v8, v5;
	v8 =	vshrl.u32 v6, $0x10  }
0xda: {  	v9 =	vadd.f32 v10, v9;
	v10 =	vmul.f32 v7, v7;
	v8 =	vand.u32 $0x1, v8  }
0xdb: {  	v5 =	vadd.s32 $0x7FFF, v5;
	v6 =	vadd.s32 v8, v6;
	v8 =	vshrl.u32 v7, $0x10  }
0xdc: {  	v9 =	vadd.f32 v10, v9;
	v6 =	vadd.s32 $0x7FFF, v6;
	v8 =	vand.u32 $0x1, v8  }
0xdd: {  	v7 =	vadd.s32 v8, v7  }
0xde: {  	v5 =	vand.u32 $0xFFFF0000, v5;
	[tilespmem:s7+$0x0] =	vst v9;
	v7 =	vadd.s32 $0x7FFF, v7  }
0xdf: {  	[tilespmem:s8+$0x0] =	vst v5;
	v5 =	vand.u32 $0xFFFF0000, v6  }
0xe0: {  	[tilespmem:s28+$0x0] =	vst v5;
	v5 =	vand.u32 $0xFFFF0000, v7  }
0xe1: {  	[tilespmem:s4+$0x0] =	vst v5  }
0xe2: {  	v5 =	vld [tilespmem:s18+$0x10]  }
0xe3: {  	v6 =	vld [tilespmem:s1+$0x10]  }
0xe4: {  	v7 =	vld [tilespmem:s5+$0x10];
	_ =	sdelay $0x2  }
0xe5: {  	v8 =	vmul.f32 v5, v5;
	v9 =	vshrl.u32 v5, $0x10  }
0xe6: {  	v10 =	vmul.f32 v6, v6;
	v9 =	vand.u32 $0x1, v9;
	v11 =	vshrl.u32 v6, $0x10  }
0xe7: {  	v5 =	vadd.s32 v9, v5;
	v9 =	vand.u32 $0x1, v11;
	v11 =	vshrl.u32 v7, $0x10  }
0xe8: {  	v8 =	vadd.f32 v10, v8;
	v10 =	vmul.f32 v7, v7;
	v6 =	vadd.s32 v9, v6  }
0xe9: {  	v9 =	vand.u32 $0x1, v11;
	v6 =	vadd.s32 $0x7FFF, v6  }
0xea: {  	v7 =	vadd.s32 v9, v7;
	v8 =	vadd.f32 v10, v8  }
0xeb: {  	v5 =	vadd.s32 $0x7FFF, v5;
	v7 =	vadd.s32 $0x7FFF, v7  }
0xec: {  	v5 =	vand.u32 $0xFFFF0000, v5;
	[tilespmem:s7+$0x10] =	vst v8  }
0xed: {  	[tilespmem:s8+$0x10] =	vst v5;
	v5 =	vand.u32 $0xFFFF0000, v6  }
0xee: {  	[tilespmem:s28+$0x10] =	vst v5;
	v5 =	vand.u32 $0xFFFF0000, v7  }
0xef: {  	[tilespmem:s4+$0x10] =	vst v5  }
0xf0: {  	v5 =	vld [tilespmem:s18+$0x20]  }
0xf1: {  	v6 =	vld [tilespmem:s1+$0x20]  }
0xf2: {  	v7 =	vld [tilespmem:s5+$0x20];
	_ =	sdelay $0x2  }
0xf3: {  	v8 =	vmul.f32 v5, v5;
	v9 =	vshrl.u32 v5, $0x10  }
0xf4: {  	v10 =	vmul.f32 v6, v6;
	v9 =	vand.u32 $0x1, v9;
	v11 =	vshrl.u32 v6, $0x10  }
0xf5: {  	v5 =	vadd.s32 v9, v5;
	v9 =	vand.u32 $0x1, v11;
	v11 =	vshrl.u32 v7, $0x10  }
0xf6: {  	v8 =	vadd.f32 v10, v8;
	v10 =	vmul.f32 v7, v7;
	v5 =	vadd.s32 $0x7FFF, v5  }
0xf7: {  	v6 =	vadd.s32 v9, v6;
	v9 =	vand.u32 $0x1, v11  }
0xf8: {  	v6 =	vadd.s32 $0x7FFF, v6;
	v7 =	vadd.s32 v9, v7;
	v8 =	vadd.f32 v10, v8  }
0xf9: {  	v7 =	vadd.s32 $0x7FFF, v7  }
.Ltmp2:
0xfa: {  	v5 =	vand.u32 $0xFFFF0000, v5;
	[tilespmem:s7+$0x20] =	vst v8;
	(pc) =	sbr.rel @p0 .LBB2_2-.Ltmp2, $4  }
0xfb: {  	[tilespmem:s8+$0x20] =	vst v5;
	v5 =	vand.u32 $0xFFFF0000, v6  }
0xfc: {  	[tilespmem:s28+$0x20] =	vst v5;
	v5 =	vand.u32 $0xFFFF0000, v7  }
0xfd: {  	s4 =	sadd.s32 $0x80, s4;
	s28 =	sadd.s32 $0x80, s28;
	[tilespmem:s31+$0x20] =	vst v5  }
0xfe: {  	s5 =	sadd.s32 $0x80, s5;
	s7 =	sadd.s32 $0x80, s7;
	s8 =	sadd.s32 $0x80, s8;
	v5 =	vld [tilespmem:s18+$0x30]  }
0xff: {  	v6 =	vld [tilespmem:s1+$0x30];
	_ =	sdelay $0x1  }
0x100: {  	v7 =	vld [tilespmem:s20+$0x30];
	_ =	sdelay $0x2  }
0x101: {  	v8 =	vmul.f32 v5, v5;
	v9 =	vmul.f32 v6, v6;
	_ =	sdelay $0x1  }
0x102: {  	v10 =	vshrl.u32 v5, $0x10;
	v61 =	vmul.f32 v7, v7;
	v8 =	vadd.f32 v9, v8  }
0x103: {  	v10 =	vand.u32 $0x1, v10;
	v62 =	vshrl.u32 v6, $0x10;
	v11 =	vshrl.u32 v7, $0x10  }
0x104: {  	v5 =	vadd.s32 v10, v5;
	v10 =	vand.u32 $0x1, v62;
	v8 =	vadd.f32 v61, v8  }
.Ltmp3:
0x105: {  	v63 =	vand.u32 $0x1, v11;
	v5 =	vadd.s32 $0x7FFF, v5;
	v6 =	vadd.s32 v10, v6;
	(pc) =	sbr.rel .LBB2_4-.Ltmp3, $4  }
0x106: {  	v7 =	vadd.s32 v63, v7;
	v6 =	vadd.s32 $0x7FFF, v6;
	v5 =	vand.u32 $0xFFFF0000, v5;
	[tilespmem:s0+$0x30] =	vst v8  }
0x107: {  	v7 =	vadd.s32 $0x7FFF, v7;
	[tilespmem:s19+$0x30] =	vst v5;
	v5 =	vand.u32 $0xFFFF0000, v6  }
0x108: {  	[tilespmem:s25+$0x30] =	vst v5;
	v5 =	vand.u32 $0xFFFF0000, v7  }
0x109: {  	[tilespmem:s31+$0x30] =	vst v5;
	s31 =	simm.s32 $0x0  }
.LBB2_30:
0x10a: {  	s4 =	simm.s32 $0x20;
	v14 =	vmov v9;
	v13 =	vmov v8  }
.LBB2_34:
0x10b: {  	v18, v19, _ =	vpop @p0 (xrf1)  }
0x10c: {  	s4 =	sadd.s32 @p0 $0x10, s4;
	v18 =	vperm.xlane @p0 v18, v15;
	v19 =	vperm.xlane @p0 v19, v15  }
0x10d: {  	s1 =	smov.u32 @p0 s4  }
0x10e: {  	v20 =	vor.u32 s1, v0;
	vm0 =	veq.f32 @p0 v14, v18;
	vm1 =	vlt.s32 @p0 v13, v19  }
0x10f: {  	vm2 =	vlt.s32 v20, v12;
	vm0 =	vmand @p0 vm0, vm1;
	vm1 =	vlt.f32 @p0 v14, v18  }
0x110: {  	v12 =	vnsel vm2, $0x7F800000, v16;
	v61 =	vnsel vm2, $0x40000000, v17;
	vm0 =	vmor @p0 vm1, vm0  }
0x111: {  	(xrf1) =	vsort.ascd.msk.f32 $0xffff, v12, v61;
	v12 =	vsel @p0 vm0, v18, v14;
	v16 =	vsel @p0 vm0, v19, v13  }
0x112: {  	(xrf1) =	vsort.ascd.msk.f32 @p0 $0xffff, v12, v16;
	_ =	sdelay $0xc  }
0x113: {  	v12, v16, _ =	vpop (xrf1)  }
0x114: {  	v12 =	vperm.xlane v12, v15;
	v16 =	vperm.xlane v16, v15;
	v17, v20, _ =	vpop @p0 (xrf1)  }
0x115: {  	v11 =	vpsel p0, v17, v11;
	v10 =	vpsel p0, v20, v10  }
0x116: {  	vm9 =	veq.f32 v11, v12;
	vm10 =	vlt.s32 v10, v16  }
0x117: {  	vm11 =	vlt.f32 v11, v12;
	vm1 =	vmand vm9, vm10  }
0x118: {  	v14 =	vsel @p0 vm0, v14, v18;
	v13 =	vsel @p0 vm0, v13, v19;
	vm12 =	vmor vm11, vm1  }
0x119: {  	(xrf1) =	vsort.ascd.msk.f32 @p0 $0xffff, v14, v13;
	v11 =	vsel vm12, v11, v12;
	v10 =	vsel vm12, v10, v16  }
0x11a: {  	(xrf1) =	vsort.ascd.msk.f32 $0xffff, v11, v10;
	_ =	sdelay $0xc  }
0x11b: {  	v10, v11, _ =	vpop @p0 (xrf1)  }
0x11c: {  	v63, v62, _ =	vpop (xrf1)  }
0x11d: {  	v12 =	vperm.xlane v63, v15;
	v13 =	vperm.xlane v62, v15  }
0x11e: {  	v9 =	vpsel p0, v10, v9;
	v8 =	vpsel p0, v11, v8  }
0x11f: {  	vm13 =	veq.f32 v9, v12;
	vm14 =	vlt.s32 v8, v13  }
0x120: {  	vm15 =	vlt.f32 v9, v12;
	vm0 =	vmand vm13, vm14  }
0x121: {  	vm0 =	vmor vm15, vm0  }
0x122: {  	v10 =	vsel vm0, v12, v9;
	v11 =	vsel vm0, v13, v8  }
0x123: {  	(xrf1) =	vsort.ascd.msk.f32 $0xffff, v10, v11  }
0x124: {  	v9 =	vsel vm0, v9, v12;
	v8 =	vsel vm0, v8, v13  }
0x125: {  	(xrf1) =	vsort.ascd.msk.f32 $0xffff, v9, v8;
	_ =	sdelay $0xb  }
0x126: {  	v8, v10, _ =	vpop (xrf1);
	_ =	sdelay $0x1  }
0x127: {  	v9, v8, _ =	vpop (xrf1)  }
.LBB2_35:
0x128: {  	_ =	sdelay $0x3  }
0x129: {  	v9 =	vld.idx.msk [tilespmem:v8+s2+$0x0], $0xffff  }
0x12a: {  	v11 =	vld.idx.msk [tilespmem:v10+s2+$0x0], $0xffff  }
0x12b: {  	v12 =	vld.idx.msk [tilespmem:v8+s16+$0x0], $0xffff  }
0x12c: {  	v13 =	vld.idx.msk [tilespmem:v10+s16+$0x0], $0xffff  }
0x12d: {  	v61 =	vld.idx.msk [tilespmem:v8+s17+$0x0], $0xffff  }
0x12e: {  	v62 =	vld.idx.msk [tilespmem:v10+s17+$0x0], $0xffff;
	s0 =	sshll.u32 s0, $0x7;
	v9 =	vsub.f32 v9, v6  }
0x12f: {  	s31 =	sadd.s32 $0x1, s31;
	s0 =	sand.u32 $0x3FFFFF80, s0;
	v6 =	vsub.f32 v11, v6  }
0x130: {  	p0 =	sne.s32 s31, $0x20;
	v63 =	vsub.f32 v12, v5;
	[tilespmem:s0+$0x16380] =	vst v9  }
.Ltmp4:
0x131: {  	v5 =	vsub.f32 v13, v5;
	[tilespmem:s0+$0x16390] =	vst v6;
	(pc) =	sbr.rel @!p0 .LBB2_36-.Ltmp4, $4  }
0x132: {  	[tilespmem:s0+$0x18380] =	vst v63;
	v6 =	vsub.f32 v61, v7  }
0x133: {  	[tilespmem:s0+$0x18390] =	vst v5;
	v5 =	vsub.f32 v62, v7  }
0x134: {  	[tilespmem:s0+$0x1A380] =	vst v6  }
0x135: {  	[tilespmem:s0+$0x1A390] =	vst v5  }
.LBB2_4:
0x136: {  	s0 =	sshll.u32 s31, $0x1  }
0x137: {  	s1 =	sand.u32 $0x30, s0  }
0x138: {  	v5 =	vld [tilespmem:s1+$0xE000]  }
0x139: {  	v7 =	vld [tilespmem:s1+$0xE080]  }
0x13a: {  	v8 =	vld [tilespmem:s1+$0xE100]  }
0x13b: {  	s0 =	sand.u32 $0xE, s0  }
0x13c: {  	v6 =	vmov s0  }
0x13d: {  	v14 =	vperm.xlane v5, v6  }
0x13e: {  	v13 =	vperm.xlane v7, v6  }
0x13f: {  	v12 =	vperm.xlane v8, v6;
	v6 =	vshrl.u32 v14, $0x10  }
0x140: {  	v9 =	vmul.f32 v14, v14;
	v10 =	vmul.f32 v13, v13;
	v6 =	vand.u32 $0x1, v6  }
0x141: {  	v6 =	vadd.s32 v6, v14  }
0x142: {  	s0 =	sshllo.u32 s31, $0x1;
	v18 =	vmul.f32 v12, v12;
	v11 =	vadd.f32 v10, v9;
	v6 =	vadd.s32 $0x7FFF, v6  }
0x143: {  	s4 =	simm.s32 $0x6040;
	s26 =	sand.u32 $0xF, s0;
	v9 =	vshrl.u32 v12, $0x10;
	v15 =	vand.u32 $0xFFFF0000, v6;
	v6 =	vshrl.u32 v13, $0x10  }
0x144: {  	v19 =	vld [tilespmem:s4+$0xFFFFFFC0];
	s1 =	simm.s32 $0x8040;
	v10 =	vmov s26;
	v9 =	vand.u32 $0x1, v9;
	v6 =	vand.u32 $0x1, v6  }
0x145: {  	v23 =	vld [tilespmem:s1+$0xFFFFFFC0];
	v9 =	vadd.s32 v9, v12;
	v16 =	vadd.s32 v6, v13;
	v6 =	vperm.xlane v5, v10  }
0x146: {  	v9 =	vadd.s32 $0x7FFF, v9;
	v5 =	vperm.xlane v7, v10;
	v16 =	vadd.s32 $0x7FFF, v16  }
0x147: {  	v17 =	vand.u32 $0xFFFF0000, v16;
	v16 =	vand.u32 $0xFFFF0000, v9;
	v9 =	vmul.f32 v6, v6  }
0x148: {  	v20 =	vmul.f32 v5, v5;
	v21 =	vshrl.u32 v6, $0x10;
	v22 =	vshrl.u32 v5, $0x10  }
0x149: {  	s5 =	simm.s32 $0xA040;
	v7 =	vperm.xlane v8, v10;
	v8 =	vand.u32 $0x1, v21;
	v10 =	vand.u32 $0x1, v22  }
0x14a: {  	v21 =	vld [tilespmem:s5+$0xFFFFFFC0];
	v22 =	vmul.f32 v15, v19;
	v24 =	vmul.f32 v17, v23;
	v20 =	vadd.f32 v20, v9  }
0x14b: {  	v8 =	vadd.s32 v8, v6;
	v9 =	vadd.s32 v10, v5;
	v10 =	vshrl.u32 v7, $0x10  }
0x14c: {  	v8 =	vadd.s32 $0x7FFF, v8;
	v9 =	vadd.s32 $0x7FFF, v9;
	v10 =	vand.u32 $0x1, v10  }
0x14d: {  	s7 =	simm.s32 $0xC040;
	v8 =	vand.u32 $0xFFFF0000, v8;
	v9 =	vand.u32 $0xFFFF0000, v9;
	v10 =	vadd.s32 v10, v7  }
0x14e: {  	v25 =	vld [tilespmem:s7+$0xFFFFFFC0];
	v10 =	vadd.s32 $0x7FFF, v10;
	v19 =	vmul.f32 v8, v19;
	v23 =	vmul.f32 v9, v23  }
0x14f: {  	v22 =	vadd.f32 v24, v22;
	v10 =	vand.u32 $0xFFFF0000, v10;
	v26 =	vmul.f32 v16, v21  }
0x150: {  	v24 =	vmul.f32 v7, v7;
	v21 =	vmul.f32 v10, v21;
	v19 =	vadd.f32 v23, v19  }
0x151: {  	v18 =	vadd.f32 v18, v11;
	v22 =	vadd.f32 v26, v22  }
0x152: {  	v11 =	vadd.f32 v24, v20;
	v19 =	vadd.f32 v21, v19  }
0x153: {  	v20 =	vadd.f32 v25, v18;
	v21 =	vadd.f32 v22, v22  }
0x154: {  	v22 =	vadd.f32 v25, v11;
	v23 =	vadd.f32 v19, v19  }
0x155: {  	v19 =	vsub.f32 v20, v21  }
0x156: {  	s8 =	simm.s32 $0x0;
	v20 =	vimm.f32 $+Inf;
	v22 =	vsub.f32 v22, v23  }
0x157: {  	v21 =	vor.u32 s8, v0;
	vm0 =	vle.f32 v19, v20  }
0x158: {  	v23 =	vmpcnt.ones.xlane vm0;
	vm1 =	vle.f32 v22, v20;
	[tilespmem:s30+$0x10200] =	vst.msk vm0, v21  }
0x159: {  	v24 =	vmpcnt.ones.xlane vm1;
	[tilespmem:s30+$0x14300] =	vst.msk vm1, v21  }
0x15a: {  	(v2sf) =	vpush v23, $0x0;
	v21 =	vld [tilespmem:s4+$0xFFFFFFD0]  }
0x15b: {  	v23 =	vld [tilespmem:s1+$0xFFFFFFD0];
	(v2sf) =	vpush v24, $0x0;
	_ =	sdelay $0x1  }
0x15c: {  	v24 =	vld [tilespmem:s5+$0xFFFFFFD0];
	_ =	sdelay $0x2  }
0x15d: {  	v25 =	vmul.f32 v15, v21;
	v26 =	vmul.f32 v17, v23  }
0x15e: {  	v27 =	vld [tilespmem:s7+$0xFFFFFFD0];
	v21 =	vmul.f32 v8, v21;
	v23 =	vmul.f32 v9, v23  }
0x15f: {  	v25 =	vadd.f32 v26, v25;
	v26 =	vmul.f32 v16, v24  }
0x160: {  	v21 =	vadd.f32 v23, v21;
	v23 =	vmul.f32 v10, v24  }
0x161: {  	v24 =	vadd.f32 v26, v25  }
0x162: {  	v21 =	vadd.f32 v23, v21  }
0x163: {  	v23 =	vadd.f32 v27, v18;
	v24 =	vadd.f32 v24, v24  }
0x164: {  	v25 =	vadd.f32 v27, v11;
	v26 =	vadd.f32 v21, v21  }
0x165: {  	v21 =	vsub.f32 v23, v24  }
0x166: {  	s18 =	simm.s32 $0x10;
	v24 =	vsub.f32 v25, v26;
	s28 =	spop (v2sf)  }
0x167: {  	v23 =	vor.u32 s18, v0;
	vm14 =	vle.f32 v21, v20;
	s19 =	spop (v2sf);
	s8 =	sadd.s32 $0x0, s28  }
0x168: {  	vm15 =	vle.f32 v24, v20;
	v25 =	vmpcnt.ones.xlane vm14;
	s9 =	sadd.s32 $0x0, s19;
	[tilespmem:s8+$0x10200] =	vst.msk vm14, v23  }
0x169: {  	[tilespmem:s9+$0x14300] =	vst.msk vm15, v23;
	v23 =	vmpcnt.ones.xlane vm15  }
0x16a: {  	(v2sf) =	vpush v25, $0x0;
	v26 =	vld [tilespmem:s4+$0xFFFFFFE0]  }
0x16b: {  	v25 =	vld [tilespmem:s1+$0xFFFFFFE0];
	(v2sf) =	vpush v23, $0x0;
	_ =	sdelay $0x1  }
0x16c: {  	v23 =	vld [tilespmem:s5+$0xFFFFFFE0];
	_ =	sdelay $0x2  }
0x16d: {  	v27 =	vmul.f32 v15, v26;
	v28 =	vmul.f32 v17, v25  }
0x16e: {  	v29 =	vld [tilespmem:s7+$0xFFFFFFE0];
	v26 =	vmul.f32 v8, v26;
	v25 =	vmul.f32 v9, v25  }
0x16f: {  	v27 =	vadd.f32 v28, v27;
	v28 =	vmul.f32 v16, v23  }
0x170: {  	v25 =	vadd.f32 v25, v26;
	v23 =	vmul.f32 v10, v23  }
0x171: {  	v26 =	vadd.f32 v28, v27  }
0x172: {  	v23 =	vadd.f32 v23, v25  }
0x173: {  	v25 =	vadd.f32 v29, v18;
	v26 =	vadd.f32 v26, v26  }
0x174: {  	v27 =	vadd.f32 v29, v11;
	v28 =	vadd.f32 v23, v23  }
0x175: {  	v23 =	vsub.f32 v25, v26  }
0x176: {  	s25 =	simm.s32 $0x20;
	v25 =	vsub.f32 v27, v28;
	s20 =	spop (v2sf)  }
0x177: {  	v26 =	vor.u32 s25, v0;
	s8 =	sadd.s32 s8, s20;
	vm4 =	vle.f32 v23, v20;
	s26 =	spop (v2sf)  }
0x178: {  	vm5 =	vle.f32 v25, v20;
	[tilespmem:s8+$0x10200] =	vst.msk vm4, v26;
	v27 =	vmpcnt.ones.xlane vm4;
	s18 =	sadd.s32 s9, s26  }
0x179: {  	[tilespmem:s18+$0x14300] =	vst.msk vm5, v26;
	v26 =	vmpcnt.ones.xlane vm5  }
0x17a: {  	(v2sf) =	vpush v27, $0x0;
	v28 =	vld [tilespmem:s1+$0xFFFFFFF0]  }
0x17b: {  	v27 =	vld [tilespmem:s4+$0xFFFFFFF0];
	(v2sf) =	vpush v26, $0x0;
	_ =	sdelay $0x1  }
0x17c: {  	v26 =	vld [tilespmem:s5+$0xFFFFFFF0];
	_ =	sdelay $0x2  }
0x17d: {  	v29 =	vmul.f32 v15, v27;
	v30 =	vmul.f32 v17, v28  }
0x17e: {  	v31 =	vld [tilespmem:s7+$0xFFFFFFF0];
	v27 =	vmul.f32 v8, v27;
	v28 =	vmul.f32 v9, v28  }
0x17f: {  	v29 =	vadd.f32 v30, v29;
	v30 =	vmul.f32 v16, v26  }
0x180: {  	v27 =	vadd.f32 v28, v27;
	v26 =	vmul.f32 v10, v26  }
0x181: {  	v28 =	vadd.f32 v30, v29  }
0x182: {  	v26 =	vadd.f32 v26, v27  }
0x183: {  	v27 =	vadd.f32 v31, v18;
	v28 =	vadd.f32 v28, v28  }
0x184: {  	v29 =	vadd.f32 v31, v11;
	v30 =	vadd.f32 v26, v26  }
0x185: {  	v26 =	vsub.f32 v27, v28  }
0x186: {  	s28 =	simm.s32 $0x30;
	v27 =	vsub.f32 v29, v30;
	s9 =	spop (v2sf)  }
0x187: {  	v28 =	vor.u32 s28, v0;
	s8 =	sadd.s32 s8, s9;
	vm6 =	vle.f32 v26, v20;
	s20 =	spop (v2sf)  }
0x188: {  	vm7 =	vle.f32 v27, v20;
	[tilespmem:s8+$0x10200] =	vst.msk vm6, v28;
	v29 =	vmpcnt.ones.xlane vm6;
	s18 =	sadd.s32 s18, s20  }
0x189: {  	[tilespmem:s18+$0x14300] =	vst.msk vm7, v28;
	v28 =	vmpcnt.ones.xlane vm7  }
0x18a: {  	(v2sf) =	vpush v29, $0x0;
	v30 =	vld [tilespmem:s4+$0x0]  }
0x18b: {  	v29 =	vld [tilespmem:s1+$0x0];
	(v2sf) =	vpush v28, $0x0;
	_ =	sdelay $0x1  }
0x18c: {  	v28 =	vld [tilespmem:s5+$0x0];
	_ =	sdelay $0x2  }
0x18d: {  	v31 =	vmul.f32 v15, v30;
	v32 =	vmul.f32 v17, v29  }
0x18e: {  	v33 =	vld [tilespmem:s7+$0x0];
	v30 =	vmul.f32 v8, v30;
	v29 =	vmul.f32 v9, v29  }
0x18f: {  	v48 =	vmul.f32 v16, v28;
	v31 =	vadd.f32 v32, v31  }
0x190: {  	v28 =	vmul.f32 v10, v28;
	v29 =	vadd.f32 v29, v30  }
0x191: {  	v30 =	vadd.f32 v48, v31  }
0x192: {  	v28 =	vadd.f32 v28, v29  }
0x193: {  	v29 =	vadd.f32 v33, v18;
	v30 =	vadd.f32 v30, v30  }
0x194: {  	v31 =	vadd.f32 v33, v11;
	v28 =	vadd.f32 v28, v28  }
0x195: {  	v29 =	vsub.f32 v29, v30  }
0x196: {  	s25 =	simm.s32 $0x40;
	v28 =	vsub.f32 v31, v28;
	s26 =	spop (v2sf)  }
0x197: {  	v30 =	vor.u32 s25, v0;
	s8 =	sadd.s32 s8, s26;
	vm8 =	vle.f32 v29, v20;
	s28 =	spop (v2sf)  }
0x198: {  	vm9 =	vle.f32 v28, v20;
	[tilespmem:s8+$0x10200] =	vst.msk vm8, v30;
	v31 =	vmpcnt.ones.xlane vm8;
	s18 =	sadd.s32 s18, s28  }
0x199: {  	[tilespmem:s18+$0x14300] =	vst.msk vm9, v30;
	v30 =	vmpcnt.ones.xlane vm9  }
0x19a: {  	(v2sf) =	vpush v31, $0x0;
	v49 =	vld [tilespmem:s4+$0x10]  }
0x19b: {  	v31 =	vld [tilespmem:s1+$0x10];
	(v2sf) =	vpush v30, $0x0;
	_ =	sdelay $0x1  }
0x19c: {  	v30 =	vld [tilespmem:s5+$0x10];
	_ =	sdelay $0x2  }
0x19d: {  	v50 =	vmul.f32 v15, v49;
	v34 =	vmul.f32 v17, v31  }
0x19e: {  	v35 =	vld [tilespmem:s7+$0x10];
	v32 =	vmul.f32 v8, v49;
	v31 =	vmul.f32 v9, v31  }
0x19f: {  	v51 =	vmul.f32 v16, v30;
	v33 =	vadd.f32 v34, v50  }
0x1a0: {  	v30 =	vmul.f32 v10, v30;
	v31 =	vadd.f32 v31, v32  }
0x1a1: {  	v52 =	vadd.f32 v51, v33  }
0x1a2: {  	v30 =	vadd.f32 v30, v31  }
0x1a3: {  	v31 =	vadd.f32 v35, v18;
	v32 =	vadd.f32 v52, v52  }
0x1a4: {  	v53 =	vadd.f32 v35, v11;
	v30 =	vadd.f32 v30, v30  }
0x1a5: {  	v31 =	vsub.f32 v31, v32  }
0x1a6: {  	s9 =	simm.s32 $0x50;
	v30 =	vsub.f32 v53, v30;
	s25 =	spop (v2sf)  }
0x1a7: {  	v54 =	vor.u32 s9, v0;
	s8 =	sadd.s32 s8, s25;
	vm10 =	vle.f32 v31, v20;
	s26 =	spop (v2sf)  }
0x1a8: {  	vm11 =	vle.f32 v30, v20;
	[tilespmem:s8+$0x10200] =	vst.msk vm10, v54;
	v55 =	vmpcnt.ones.xlane vm10;
	s18 =	sadd.s32 s18, s26  }
0x1a9: {  	v56 =	vmpcnt.ones.xlane vm11;
	[tilespmem:s18+$0x14300] =	vst.msk vm11, v54  }
0x1aa: {  	(v2sf) =	vpush v55, $0x0;
	v57 =	vld [tilespmem:s4+$0x20]  }
0x1ab: {  	v58 =	vld [tilespmem:s1+$0x20];
	(v2sf) =	vpush v56, $0x0;
	_ =	sdelay $0x1  }
0x1ac: {  	v59 =	vld [tilespmem:s5+$0x20];
	_ =	sdelay $0x2  }
0x1ad: {  	v60 =	vmul.f32 v15, v57;
	v36 =	vmul.f32 v17, v58  }
0x1ae: {  	v37 =	vld [tilespmem:s7+$0x20];
	v34 =	vmul.f32 v8, v57;
	v33 =	vmul.f32 v9, v58  }
0x1af: {  	v61 =	vmul.f32 v16, v59;
	v35 =	vadd.f32 v36, v60  }
0x1b0: {  	v32 =	vmul.f32 v10, v59;
	v33 =	vadd.f32 v33, v34  }
0x1b1: {  	v62 =	vadd.f32 v61, v35  }
0x1b2: {  	v32 =	vadd.f32 v32, v33  }
0x1b3: {  	v44 =	vmin.f32 v20, v22;
	v45 =	vadd.f32 v37, v18;
	v34 =	vadd.f32 v62, v62  }
0x1b4: {  	v22 =	vmax.f32 v20, v22;
	v37 =	vadd.f32 v37, v11;
	v32 =	vadd.f32 v32, v32  }
0x1b5: {  	v22 =	vmin.f32 v20, v22;
	v46 =	vsub.f32 v45, v34  }
0x1b6: {  	v38 =	vmax.f32 v44, v24;
	v24 =	vmin.f32 v44, v24;
	s28 =	simm.s32 $0x60;
	v32 =	vsub.f32 v37, v32;
	s9 =	spop (v2sf)  }
0x1b7: {  	v22 =	vmin.f32 v22, v38;
	v48 =	vor.u32 s28, v0;
	s8 =	sadd.s32 s8, s9;
	vm12 =	vle.f32 v46, v20;
	s20 =	spop (v2sf)  }
0x1b8: {  	v47 =	vmin.f32 v24, v25;
	v24 =	vmax.f32 v24, v25;
	vm13 =	vle.f32 v32, v20;
	s18 =	sadd.s32 s18, s20;
	[tilespmem:s8+$0x10200] =	vst.msk vm12, v48  }
0x1b9: {  	v63 =	vmax.f32 v20, v19;
	v22 =	vmin.f32 v22, v24;
	v24 =	vmpcnt.ones.xlane vm12;
	[tilespmem:s18+$0x14300] =	vst.msk vm13, v48  }
0x1ba: {  	v19 =	vmin.f32 v20, v19;
	v25 =	vmax.f32 v47, v27;
	v27 =	vmin.f32 v47, v27;
	v51 =	vld [tilespmem:s4+$0x30]  }
0x1bb: {  	v49 =	vmin.f32 v19, v21;
	v50 =	vmpcnt.ones.xlane vm13;
	(v2sf) =	vpush v24, $0x0;
	v24 =	vld [tilespmem:s1+$0x30]  }
0x1bc: {  	v22 =	vmin.f32 v22, v25;
	v39 =	vmin.f32 v49, v23;
	v52 =	vmax.f32 v27, v28  }
0x1bd: {  	v27 =	vmin.f32 v27, v28;
	v28 =	vmin.f32 v39, v26;
	v54 =	vld [tilespmem:s5+$0x30];
	(v2sf) =	vpush v50, $0x0  }
0x1be: {  	v19 =	vmax.f32 v19, v21;
	v23 =	vmax.f32 v49, v23;
	v53 =	vmin.f32 v28, v29  }
0x1bf: {  	v26 =	vmax.f32 v39, v26;
	v28 =	vmax.f32 v28, v29;
	v29 =	vmax.f32 v53, v31  }
0x1c0: {  	v21 =	vmin.f32 v53, v31;
	v31 =	vmul.f32 v15, v51;
	v56 =	vmul.f32 v17, v24  }
0x1c1: {  	v22 =	vmin.f32 v22, v52;
	v41 =	vld [tilespmem:s7+$0x30];
	v37 =	vmul.f32 v8, v51;
	v24 =	vmul.f32 v9, v24  }
0x1c2: {  	v55 =	vmax.f32 v27, v30;
	v35 =	vmin.f32 v20, v63;
	v57 =	vmul.f32 v16, v54  }
0x1c3: {  	v58 =	vmul.f32 v10, v54;
	v31 =	vadd.f32 v56, v31;
	v24 =	vadd.f32 v24, v37  }
0x1c4: {  	v27 =	vmin.f32 v27, v30;
	v22 =	vmin.f32 v22, v55;
	v19 =	vmin.f32 v35, v19  }
0x1c5: {  	v19 =	vmin.f32 v19, v23;
	v23 =	vadd.f32 v57, v31;
	v24 =	vadd.f32 v58, v24  }
0x1c6: {  	v19 =	vmin.f32 v19, v26;
	v25 =	vadd.f32 v41, v18;
	v26 =	vadd.f32 v41, v11  }
0x1c7: {  	s25 =	simm.s32 $0x70;
	v19 =	vmin.f32 v19, v28;
	v23 =	vadd.f32 v23, v23;
	v24 =	vadd.f32 v24, v24  }
0x1c8: {  	v28 =	vor.u32 s25, v0;
	v19 =	vmin.f32 v19, v29;
	v30 =	vmax.f32 v27, v32  }
0x1c9: {  	v40 =	vmax.f32 v21, v46;
	v23 =	vsub.f32 v25, v23;
	v24 =	vsub.f32 v26, v24  }
0x1ca: {  	v22 =	vmin.f32 v22, v30;
	v25 =	vmin.f32 v21, v46;
	v26 =	vmin.f32 v27, v32  }
0x1cb: {  	v19 =	vmin.f32 v19, v40;
	s26 =	spop (v2sf);
	v21 =	vmax.f32 v25, v23;
	v27 =	vmax.f32 v26, v24  }
0x1cc: {  	vm14 =	vle.f32 v23, v20;
	vm15 =	vle.f32 v24, v20;
	s4 =	sadd.s32 s8, s26;
	s28 =	spop (v2sf);
	v19 =	vmin.f32 v19, v21  }
0x1cd: {  	v21 =	vmin.f32 v22, v27;
	v29 =	vmpcnt.ones.xlane vm14;
	v60 =	vmpcnt.ones.xlane vm15;
	s5 =	sadd.s32 s18, s28;
	[tilespmem:s4+$0x10200] =	vst.msk vm14, v28  }
0x1ce: {  	v20 =	vperm.xlane v19, v1;
	v22 =	vperm.xlane v21, v1;
	s18 =	simm.s32 $0x60C0;
	[tilespmem:s5+$0x14300] =	vst.msk vm15, v28  }
0x1cf: {  	s19 =	simm.s32 $0x80C0;
	(v2sf) =	vpush v29, $0x0;
	v27 =	vld [tilespmem:s18+$0xFFFFFFC0]  }
0x1d0: {  	s20 =	simm.s32 $0xA0C0;
	v28 =	vmax.f32 v19, v20;
	v30 =	vld [tilespmem:s19+$0xFFFFFFC0];
	v59 =	vmax.f32 v21, v22;
	(v2sf) =	vpush v60, $0x0  }
0x1d1: {  	v61 =	vld [tilespmem:s20+$0xFFFFFFC0];
	v31 =	vperm.xlane v28, v2;
	v62 =	vperm.xlane v59, v2  }
0x1d2: {  	v20 =	vmin.f32 v25, v23  }
0x1d3: {  	v22 =	vmin.f32 v26, v24;
	v23 =	vmax.f32 v28, v31;
	v26 =	vmax.f32 v59, v62  }
0x1d4: {  	v25 =	vperm.xlane v23, v3;
	v31 =	vperm.xlane v26, v3  }
0x1d5: {  	v28 =	vmul.f32 v15, v27;
	v63 =	vmul.f32 v17, v30  }
0x1d6: {  	s25 =	simm.s32 $0xC0C0;
	v24 =	vmul.f32 v8, v27;
	v27 =	vmul.f32 v16, v61  }
0x1d7: {  	v29 =	vmul.f32 v9, v30;
	v30 =	vmul.f32 v10, v61;
	v23 =	vmax.f32 v23, v25;
	v25 =	vld [tilespmem:s25+$0xFFFFFFC0]  }
0x1d8: {  	s1 =	simm.s32 $0xF0;
	s26 =	simm.s32 $0x170;
	v26 =	vmax.f32 v26, v31;
	v31 =	vadd.f32 v63, v28;
	v28 =	vperm.xlane v23, v4  }
.LBB2_5:
0x1d9: {  	p0 =	sne.s32 s26, $0x1FF0;
	v29 =	vadd.f32 v29, v24;
	v32 =	vperm.xlane v26, v4;
	s28 =	smov.u32 s26;
	s26 =	sadd.s32 $0x80, s26  }
0x1da: {  	v27 =	vadd.f32 v27, v31;
	v24 =	vmax.f32 v23, v28  }
0x1db: {  	v28 =	vadd.f32 v30, v29;
	v23 =	vmax.f32 v26, v32  }
0x1dc: {  	v26 =	vadd.f32 v25, v18;
	v27 =	vadd.f32 v27, v27  }
0x1dd: {  	v25 =	vadd.f32 v25, v11;
	v28 =	vadd.f32 v28, v28  }
0x1de: {  	v26 =	vsub.f32 v26, v27;
	s7 =	spop (v2sf)  }
0x1df: {  	v29 =	vsub.f32 v25, v28;
	s4 =	sadd.s32 s4, s7;
	s7 =	spop (v2sf)  }
0x1e0: {  	s8 =	sadd.s32 $0xFFFFFF90, s1;
	v25 =	vmax.f32 v20, v26;
	vm0 =	vle.f32 v26, v24;
	s5 =	sadd.s32 s5, s7  }
0x1e1: {  	v27 =	vor.u32 s8, v0;
	v28 =	vmpcnt.ones.xlane vm0;
	vm1 =	vle.f32 v29, v23  }
0x1e2: {  	[tilespmem:s4+$0x10200] =	vst.msk vm0, v27;
	v30 =	vmpcnt.ones.xlane vm1  }
0x1e3: {  	[tilespmem:s5+$0x14300] =	vst.msk vm1, v27;
	(v2sf) =	vpush v28, $0x0  }
0x1e4: {  	v27 =	vld [tilespmem:s18+$0xFFFFFFD0];
	(v2sf) =	vpush v30, $0x0  }
0x1e5: {  	v28 =	vld [tilespmem:s19+$0xFFFFFFD0];
	_ =	sdelay $0x1  }
0x1e6: {  	v30 =	vld [tilespmem:s20+$0xFFFFFFD0];
	_ =	sdelay $0x2  }
0x1e7: {  	v31 =	vmul.f32 v15, v27;
	v32 =	vmul.f32 v17, v28  }
0x1e8: {  	v27 =	vmul.f32 v8, v27;
	v28 =	vmul.f32 v9, v28;
	v33 =	vld [tilespmem:s25+$0xFFFFFFD0]  }
0x1e9: {  	v31 =	vadd.f32 v32, v31;
	v32 =	vmul.f32 v16, v30  }
0x1ea: {  	v27 =	vadd.f32 v28, v27;
	v28 =	vmul.f32 v10, v30  }
0x1eb: {  	v30 =	vadd.f32 v32, v31  }
0x1ec: {  	v27 =	vadd.f32 v28, v27  }
0x1ed: {  	v28 =	vadd.f32 v33, v18;
	v30 =	vadd.f32 v30, v30  }
0x1ee: {  	v31 =	vadd.f32 v33, v11;
	v32 =	vadd.f32 v27, v27  }
0x1ef: {  	v27 =	vsub.f32 v28, v30;
	s7 =	spop (v2sf)  }
0x1f0: {  	s8 =	sadd.s32 $0xFFFFFFA0, s1;
	v30 =	vsub.f32 v31, v32;
	s9 =	spop (v2sf)  }
0x1f1: {  	v28 =	vor.u32 s8, v0;
	s4 =	sadd.s32 s4, s7;
	vm0 =	vle.f32 v27, v24  }
0x1f2: {  	s5 =	sadd.s32 s5, s9;
	[tilespmem:s4+$0x10200] =	vst.msk vm0, v28;
	v31 =	vmpcnt.ones.xlane vm0;
	vm0 =	vle.f32 v30, v23  }
0x1f3: {  	[tilespmem:s5+$0x14300] =	vst.msk vm0, v28;
	v28 =	vmpcnt.ones.xlane vm0  }
0x1f4: {  	v32 =	vld [tilespmem:s18+$0xFFFFFFE0];
	(v2sf) =	vpush v31, $0x0  }
0x1f5: {  	v31 =	vld [tilespmem:s19+$0xFFFFFFE0];
	(v2sf) =	vpush v28, $0x0;
	_ =	sdelay $0x1  }
0x1f6: {  	v28 =	vld [tilespmem:s20+$0xFFFFFFE0];
	_ =	sdelay $0x1  }
0x1f7: {  	v33 =	vmul.f32 v15, v32;
	v32 =	vmul.f32 v8, v32  }
0x1f8: {  	v34 =	vmul.f32 v17, v31;
	v31 =	vmul.f32 v9, v31  }
0x1f9: {  	v35 =	vld [tilespmem:s25+$0xFFFFFFE0]  }
0x1fa: {  	v33 =	vadd.f32 v34, v33;
	v34 =	vmul.f32 v16, v28;
	v31 =	vadd.f32 v31, v32  }
0x1fb: {  	v28 =	vmul.f32 v10, v28  }
0x1fc: {  	v32 =	vadd.f32 v34, v33  }
0x1fd: {  	v28 =	vadd.f32 v28, v31  }
0x1fe: {  	v31 =	vadd.f32 v35, v18;
	v32 =	vadd.f32 v32, v32  }
0x1ff: {  	v33 =	vadd.f32 v35, v11;
	v34 =	vadd.f32 v28, v28  }
0x200: {  	v28 =	vsub.f32 v31, v32  }
0x201: {  	s7 =	sadd.s32 $0xFFFFFFB0, s1;
	v31 =	vsub.f32 v33, v34;
	s8 =	spop (v2sf)  }
0x202: {  	v32 =	vor.u32 s7, v0;
	s4 =	sadd.s32 s4, s8;
	vm0 =	vle.f32 v28, v24;
	s7 =	spop (v2sf)  }
0x203: {  	s5 =	sadd.s32 s5, s7;
	[tilespmem:s4+$0x10200] =	vst.msk vm0, v32;
	v33 =	vmpcnt.ones.xlane vm0;
	vm0 =	vle.f32 v31, v23  }
0x204: {  	[tilespmem:s5+$0x14300] =	vst.msk vm0, v32;
	v32 =	vmpcnt.ones.xlane vm0  }
0x205: {  	v34 =	vld [tilespmem:s19+$0xFFFFFFF0];
	(v2sf) =	vpush v33, $0x0  }
0x206: {  	v33 =	vld [tilespmem:s18+$0xFFFFFFF0];
	(v2sf) =	vpush v32, $0x0;
	_ =	sdelay $0x1  }
0x207: {  	v32 =	vld [tilespmem:s20+$0xFFFFFFF0];
	_ =	sdelay $0x2  }
0x208: {  	v36 =	vmul.f32 v17, v34;
	v35 =	vmul.f32 v15, v33  }
0x209: {  	v34 =	vmul.f32 v9, v34;
	v33 =	vmul.f32 v8, v33;
	v37 =	vld [tilespmem:s25+$0xFFFFFFF0]  }
0x20a: {  	v35 =	vadd.f32 v36, v35;
	v36 =	vmul.f32 v16, v32  }
0x20b: {  	v33 =	vadd.f32 v34, v33;
	v32 =	vmul.f32 v10, v32  }
0x20c: {  	v34 =	vadd.f32 v36, v35  }
0x20d: {  	v32 =	vadd.f32 v32, v33  }
0x20e: {  	v33 =	vadd.f32 v37, v18;
	v34 =	vadd.f32 v34, v34  }
0x20f: {  	v35 =	vmin.f32 v22, v29;
	v36 =	vadd.f32 v37, v11;
	v32 =	vadd.f32 v32, v32  }
0x210: {  	v22 =	vmax.f32 v22, v29;
	v29 =	vmax.f32 v35, v30;
	v33 =	vsub.f32 v33, v34  }
0x211: {  	s7 =	sadd.s32 $0xFFFFFFC0, s1;
	v21 =	vmin.f32 v21, v22;
	v22 =	vmin.f32 v35, v30;
	v30 =	vsub.f32 v36, v32;
	s8 =	spop (v2sf)  }
0x212: {  	v32 =	vmin.f32 v22, v31;
	v34 =	vor.u32 s7, v0;
	s4 =	sadd.s32 s4, s8;
	vm0 =	vle.f32 v33, v24;
	s7 =	spop (v2sf)  }
0x213: {  	v29 =	vmin.f32 v21, v29;
	s7 =	sadd.s32 s5, s7;
	[tilespmem:s4+$0x10200] =	vst.msk vm0, v34;
	v35 =	vmpcnt.ones.xlane vm0;
	vm0 =	vle.f32 v30, v23  }
0x214: {  	v22 =	vmax.f32 v22, v31;
	v21 =	vmax.f32 v32, v30;
	[tilespmem:s7+$0x14300] =	vst.msk vm0, v34;
	v31 =	vmpcnt.ones.xlane vm0  }
0x215: {  	v22 =	vmin.f32 v29, v22;
	v29 =	vld [tilespmem:s18+$0x0];
	(v2sf) =	vpush v35, $0x0  }
0x216: {  	v34 =	vld [tilespmem:s19+$0x0];
	(v2sf) =	vpush v31, $0x0;
	_ =	sdelay $0x1  }
0x217: {  	v31 =	vld [tilespmem:s20+$0x0];
	_ =	sdelay $0x1  }
0x218: {  	v35 =	vmul.f32 v15, v29;
	v29 =	vmul.f32 v8, v29  }
0x219: {  	v36 =	vmul.f32 v17, v34;
	v34 =	vmul.f32 v9, v34  }
0x21a: {  	v37 =	vld [tilespmem:s25+$0x0]  }
0x21b: {  	v35 =	vadd.f32 v36, v35;
	v36 =	vmul.f32 v16, v31;
	v29 =	vadd.f32 v34, v29  }
0x21c: {  	v31 =	vmul.f32 v10, v31  }
0x21d: {  	v34 =	vadd.f32 v36, v35  }
0x21e: {  	v29 =	vadd.f32 v31, v29  }
0x21f: {  	v31 =	vadd.f32 v37, v18;
	v34 =	vadd.f32 v34, v34  }
0x220: {  	v35 =	vadd.f32 v37, v11;
	v29 =	vadd.f32 v29, v29  }
0x221: {  	v31 =	vsub.f32 v31, v34  }
0x222: {  	s8 =	sadd.s32 $0xFFFFFFD0, s1;
	v34 =	vsub.f32 v35, v29;
	s5 =	spop (v2sf)  }
0x223: {  	v30 =	vmin.f32 v32, v30;
	v32 =	vor.u32 s8, v0;
	s5 =	sadd.s32 s4, s5;
	vm0 =	vle.f32 v31, v24;
	s4 =	spop (v2sf)  }
0x224: {  	v29 =	vmax.f32 v30, v34;
	s4 =	sadd.s32 s7, s4;
	[tilespmem:s5+$0x10200] =	vst.msk vm0, v32;
	v35 =	vmpcnt.ones.xlane vm0;
	vm0 =	vle.f32 v34, v23  }
0x225: {  	[tilespmem:s4+$0x14300] =	vst.msk vm0, v32;
	v32 =	vmpcnt.ones.xlane vm0  }
0x226: {  	v36 =	vld [tilespmem:s18+$0x10];
	(v2sf) =	vpush v35, $0x0  }
0x227: {  	v35 =	vld [tilespmem:s19+$0x10];
	(v2sf) =	vpush v32, $0x0  }
0x228: {  	v32 =	vld [tilespmem:s20+$0x10]  }
0x229: {  	v37 =	vld [tilespmem:s25+$0x10];
	_ =	sdelay $0x1  }
0x22a: {  	v38 =	vmul.f32 v15, v36;
	v36 =	vmul.f32 v8, v36  }
0x22b: {  	v39 =	vmul.f32 v17, v35;
	v35 =	vmul.f32 v9, v35  }
0x22c: {  	v40 =	vmul.f32 v10, v32  }
0x22d: {  	v32 =	vmul.f32 v16, v32;
	v38 =	vadd.f32 v39, v38;
	v35 =	vadd.f32 v35, v36;
	_ =	sdelay $0x1  }
0x22e: {  	v32 =	vadd.f32 v32, v38;
	v35 =	vadd.f32 v40, v35  }
0x22f: {  	v20 =	vmin.f32 v20, v26;
	v26 =	vmin.f32 v30, v34;
	v30 =	vadd.f32 v37, v18  }
0x230: {  	v34 =	vmin.f32 v20, v27;
	v32 =	vadd.f32 v32, v32;
	v35 =	vadd.f32 v35, v35  }
0x231: {  	v36 =	vmax.f32 v34, v28;
	v28 =	vmin.f32 v34, v28;
	v34 =	vadd.f32 v37, v11  }
0x232: {  	v37 =	vmax.f32 v28, v33;
	v28 =	vmin.f32 v28, v33;
	v30 =	vsub.f32 v30, v32  }
0x233: {  	s7 =	sadd.s32 $0xFFFFFFE0, s1;
	v32 =	vmax.f32 v28, v31;
	v28 =	vmin.f32 v28, v31;
	v31 =	vsub.f32 v34, v35;
	s8 =	spop (v2sf)  }
0x234: {  	v34 =	vor.u32 s7, v0;
	s5 =	sadd.s32 s5, s8;
	v33 =	vmax.f32 v28, v30;
	vm0 =	vle.f32 v30, v24;
	s7 =	spop (v2sf)  }
0x235: {  	v35 =	vmax.f32 v26, v31;
	s7 =	sadd.s32 s4, s7;
	[tilespmem:s5+$0x10200] =	vst.msk vm0, v34;
	v38 =	vmpcnt.ones.xlane vm0;
	vm0 =	vle.f32 v31, v23  }
0x236: {  	v20 =	vmax.f32 v20, v27;
	[tilespmem:s7+$0x14300] =	vst.msk vm0, v34;
	v27 =	vmpcnt.ones.xlane vm0  }
0x237: {  	v34 =	vld [tilespmem:s18+$0x20];
	(v2sf) =	vpush v38, $0x0  }
0x238: {  	v38 =	vld [tilespmem:s19+$0x20];
	(v2sf) =	vpush v27, $0x0  }
0x239: {  	v27 =	vld [tilespmem:s20+$0x20]  }
0x23a: {  	v39 =	vld [tilespmem:s25+$0x20];
	_ =	sdelay $0x1  }
0x23b: {  	v40 =	vmul.f32 v15, v34;
	v34 =	vmul.f32 v8, v34  }
0x23c: {  	v41 =	vmul.f32 v17, v38;
	v38 =	vmul.f32 v9, v38  }
0x23d: {  	v42 =	vmul.f32 v10, v27  }
0x23e: {  	v27 =	vmul.f32 v16, v27;
	v40 =	vadd.f32 v41, v40;
	v34 =	vadd.f32 v38, v34;
	_ =	sdelay $0x1  }
0x23f: {  	v27 =	vadd.f32 v27, v40;
	v34 =	vadd.f32 v42, v34  }
0x240: {  	v38 =	vadd.f32 v39, v18;
	v39 =	vadd.f32 v39, v11  }
0x241: {  	v27 =	vadd.f32 v27, v27;
	v34 =	vadd.f32 v34, v34;
	_ =	sdelay $0x1  }
0x242: {  	v27 =	vsub.f32 v38, v27;
	v34 =	vsub.f32 v39, v34  }
0x243: {  	v28 =	vmin.f32 v28, v30;
	v26 =	vmin.f32 v26, v31;
	s8 =	sadd.s32 $0xFFFFFFF0, s1;
	s4 =	spop (v2sf)  }
0x244: {  	v30 =	vor.u32 s8, v0;
	s4 =	sadd.s32 s5, s4;
	vm0 =	vle.f32 v27, v24;
	vm1 =	vle.f32 v34, v23;
	s5 =	spop (v2sf)  }
0x245: {  	v31 =	vmax.f32 v26, v34;
	s5 =	sadd.s32 s7, s5;
	[tilespmem:s4+$0x10200] =	vst.msk vm0, v30;
	v38 =	vmpcnt.ones.xlane vm0;
	v39 =	vmpcnt.ones.xlane vm1  }
0x246: {  	v40 =	vmax.f32 v28, v27;
	[tilespmem:s5+$0x14300] =	vst.msk vm1, v30  }
0x247: {  	v30 =	vld [tilespmem:s18+$0x30];
	(v2sf) =	vpush v38, $0x0  }
0x248: {  	v38 =	vld [tilespmem:s19+$0x30];
	(v2sf) =	vpush v39, $0x0  }
0x249: {  	v39 =	vld [tilespmem:s20+$0x30]  }
0x24a: {  	v41 =	vld [tilespmem:s25+$0x30];
	_ =	sdelay $0x1  }
0x24b: {  	v42 =	vmul.f32 v15, v30;
	v30 =	vmul.f32 v8, v30  }
0x24c: {  	v19 =	vmin.f32 v19, v25;
	v25 =	vmul.f32 v17, v38;
	v38 =	vmul.f32 v9, v38  }
0x24d: {  	v19 =	vmin.f32 v19, v20;
	v20 =	vmul.f32 v10, v39  }
0x24e: {  	v39 =	vmul.f32 v16, v39;
	v25 =	vadd.f32 v25, v42;
	v30 =	vadd.f32 v38, v30  }
0x24f: {  	v21 =	vmin.f32 v22, v21;
	v19 =	vmin.f32 v19, v36  }
0x250: {  	v19 =	vmin.f32 v19, v37;
	v22 =	vadd.f32 v39, v25;
	v20 =	vadd.f32 v20, v30  }
0x251: {  	v21 =	vmin.f32 v21, v29;
	v29 =	vadd.f32 v41, v11;
	v25 =	vadd.f32 v41, v18  }
0x252: {  	v19 =	vmin.f32 v19, v32;
	v22 =	vadd.f32 v22, v22;
	v20 =	vadd.f32 v20, v20  }
0x253: {  	v19 =	vmin.f32 v19, v33;
	v21 =	vmin.f32 v21, v35;
	v30 =	vor.u32 s1, v0;
	s1 =	smov.u32 s28  }
0x254: {  	v21 =	vmin.f32 v21, v31;
	v22 =	vsub.f32 v25, v22;
	v25 =	vsub.f32 v29, v20  }
0x255: {  	v26 =	vmin.f32 v26, v34;
	v19 =	vmin.f32 v19, v40;
	v20 =	vmin.f32 v28, v27;
	s7 =	spop (v2sf)  }
0x256: {  	s4 =	sadd.s32 s4, s7;
	v27 =	vmax.f32 v20, v22;
	v28 =	vmax.f32 v26, v25;
	vm0 =	vle.f32 v22, v24;
	s7 =	spop (v2sf)  }
0x257: {  	s20 =	sadd.s32 $0x80, s20;
	s5 =	sadd.s32 s5, s7;
	v19 =	vmin.f32 v19, v27;
	[tilespmem:s4+$0x10200] =	vst.msk vm0, v30;
	v24 =	vmpcnt.ones.xlane vm0;
	vm0 =	vle.f32 v25, v23  }
0x258: {  	s19 =	sadd.s32 $0x80, s19;
	v21 =	vmin.f32 v21, v28;
	[tilespmem:s5+$0x14300] =	vst.msk vm0, v30;
	v23 =	vmpcnt.ones.xlane vm0;
	v27 =	vperm.xlane v19, v1  }
0x259: {  	s18 =	sadd.s32 $0x80, s18;
	v20 =	vmin.f32 v20, v22;
	v28 =	vperm.xlane v21, v1;
	(v2sf) =	vpush v24, $0x0  }
0x25a: {  	v22 =	vmin.f32 v26, v25;
	v24 =	vld [tilespmem:s18+$0xFFFFFFC0];
	v25 =	vmax.f32 v19, v27;
	(v2sf) =	vpush v23, $0x0  }
0x25b: {  	v27 =	vmax.f32 v21, v28;
	v26 =	vld [tilespmem:s19+$0xFFFFFFC0];
	v23 =	vperm.xlane v25, v2  }
0x25c: {  	v29 =	vperm.xlane v27, v2;
	v28 =	vld [tilespmem:s20+$0xFFFFFFC0]  }
0x25d: {  	v23 =	vmax.f32 v25, v23  }
.Ltmp5:
0x25e: {  	v30 =	vmax.f32 v27, v29;
	v25 =	vperm.xlane v23, v3;
	(pc) =	sbr.rel @p0 .LBB2_5-.Ltmp5, $4  }
0x25f: {  	s25 =	sadd.s32 $0x80, s25;
	v32 =	vperm.xlane v30, v3;
	v31 =	vmul.f32 v15, v24  }
0x260: {  	v24 =	vmul.f32 v8, v24;
	v33 =	vmul.f32 v17, v26;
	v23 =	vmax.f32 v23, v25  }
0x261: {  	v29 =	vmul.f32 v9, v26;
	v26 =	vmax.f32 v30, v32;
	v25 =	vld [tilespmem:s25+$0xFFFFFFC0];
	v27 =	vmul.f32 v16, v28  }
0x262: {  	v30 =	vmul.f32 v10, v28;
	v28 =	vperm.xlane v23, v4;
	v31 =	vadd.f32 v33, v31  }
0x263: {  	v24 =	vadd.f32 v29, v24  }
0x264: {  	v27 =	vadd.f32 v27, v31  }
0x265: {  	v24 =	vadd.f32 v30, v24  }
0x266: {  	v56 =	vadd.f32 v25, v18;
	v27 =	vadd.f32 v27, v27  }
0x267: {  	v57 =	vadd.f32 v25, v11;
	v58 =	vadd.f32 v24, v24  }
0x268: {  	v32 =	vperm.xlane v26, v4;
	v24 =	vsub.f32 v56, v27  }
0x269: {  	s8 =	sadd.s32 $0xFFFFFF90, s1;
	v25 =	vmax.f32 v23, v28;
	s7 =	spop (v2sf);
	v27 =	vsub.f32 v57, v58  }
0x26a: {  	v59 =	vor.u32 s8, v0;
	v23 =	vmax.f32 v26, v32;
	s4 =	sadd.s32 s4, s7;
	s9 =	spop (v2sf);
	vm0 =	vle.f32 v24, v25  }
0x26b: {  	s5 =	sadd.s32 s5, s9;
	v60 =	vmpcnt.ones.xlane vm0;
	vm1 =	vle.f32 v27, v23;
	[tilespmem:s4+$0x10200] =	vst.msk vm0, v59  }
0x26c: {  	v61 =	vmpcnt.ones.xlane vm1;
	[tilespmem:s5+$0x14300] =	vst.msk vm1, v59  }
0x26d: {  	(v2sf) =	vpush v60, $0x0;
	v26 =	vld [tilespmem:s18+$0xFFFFFFD0]  }
0x26e: {  	v62 =	vld [tilespmem:s19+$0xFFFFFFD0];
	(v2sf) =	vpush v61, $0x0;
	_ =	sdelay $0x1  }
0x26f: {  	v63 =	vld [tilespmem:s20+$0xFFFFFFD0];
	_ =	sdelay $0x2  }
0x270: {  	v36 =	vmul.f32 v15, v26;
	v37 =	vmul.f32 v17, v62  }
0x271: {  	v38 =	vld [tilespmem:s25+$0xFFFFFFD0];
	v26 =	vmul.f32 v8, v26;
	v28 =	vmul.f32 v9, v62  }
0x272: {  	v39 =	vmul.f32 v16, v63;
	v30 =	vadd.f32 v37, v36  }
0x273: {  	v40 =	vmul.f32 v10, v63;
	v26 =	vadd.f32 v28, v26  }
0x274: {  	v41 =	vadd.f32 v39, v30  }
0x275: {  	v26 =	vadd.f32 v40, v26  }
0x276: {  	v42 =	vadd.f32 v38, v18;
	v29 =	vadd.f32 v41, v41  }
0x277: {  	v43 =	vadd.f32 v38, v11;
	v44 =	vadd.f32 v26, v26  }
0x278: {  	v26 =	vsub.f32 v42, v29  }
0x279: {  	s28 =	sadd.s32 $0xFFFFFFA0, s1;
	v28 =	vsub.f32 v43, v44;
	s26 =	spop (v2sf)  }
0x27a: {  	v45 =	vor.u32 s28, v0;
	vm14 =	vle.f32 v26, v25;
	s9 =	spop (v2sf);
	s4 =	sadd.s32 s4, s26  }
0x27b: {  	vm15 =	vle.f32 v28, v23;
	v46 =	vmpcnt.ones.xlane vm14;
	s5 =	sadd.s32 s5, s9;
	[tilespmem:s4+$0x10200] =	vst.msk vm14, v45  }
0x27c: {  	v47 =	vmpcnt.ones.xlane vm15;
	[tilespmem:s5+$0x14300] =	vst.msk vm15, v45  }
0x27d: {  	(v2sf) =	vpush v46, $0x0;
	v48 =	vld [tilespmem:s18+$0xFFFFFFE0]  }
0x27e: {  	v49 =	vld [tilespmem:s19+$0xFFFFFFE0];
	(v2sf) =	vpush v47, $0x0;
	_ =	sdelay $0x1  }
0x27f: {  	v50 =	vld [tilespmem:s20+$0xFFFFFFE0];
	_ =	sdelay $0x2  }
0x280: {  	v51 =	vmul.f32 v15, v48;
	v33 =	vmul.f32 v17, v49  }
0x281: {  	v34 =	vld [tilespmem:s25+$0xFFFFFFE0];
	v31 =	vmul.f32 v8, v48;
	v30 =	vmul.f32 v9, v49  }
0x282: {  	v52 =	vmul.f32 v16, v50;
	v32 =	vadd.f32 v33, v51  }
0x283: {  	v29 =	vmul.f32 v10, v50;
	v30 =	vadd.f32 v30, v31  }
0x284: {  	v53 =	vadd.f32 v52, v32  }
0x285: {  	v29 =	vadd.f32 v29, v30  }
0x286: {  	v54 =	vadd.f32 v34, v18;
	v31 =	vadd.f32 v53, v53  }
0x287: {  	v55 =	vadd.f32 v34, v11;
	v56 =	vadd.f32 v29, v29  }
0x288: {  	v29 =	vsub.f32 v54, v31  }
0x289: {  	s26 =	sadd.s32 $0xFFFFFFB0, s1;
	v30 =	vsub.f32 v55, v56;
	s28 =	spop (v2sf)  }
0x28a: {  	v57 =	vor.u32 s26, v0;
	s4 =	sadd.s32 s4, s28;
	vm4 =	vle.f32 v29, v25;
	s9 =	spop (v2sf)  }
0x28b: {  	vm5 =	vle.f32 v30, v23;
	s5 =	sadd.s32 s5, s9;
	[tilespmem:s4+$0x10200] =	vst.msk vm4, v57;
	v58 =	vmpcnt.ones.xlane vm4  }
0x28c: {  	v59 =	vmpcnt.ones.xlane vm5;
	[tilespmem:s5+$0x14300] =	vst.msk vm5, v57  }
0x28d: {  	v60 =	vld [tilespmem:s19+$0xFFFFFFF0];
	(v2sf) =	vpush v58, $0x0  }
0x28e: {  	v61 =	vld [tilespmem:s18+$0xFFFFFFF0];
	(v2sf) =	vpush v59, $0x0;
	_ =	sdelay $0x1  }
0x28f: {  	v62 =	vld [tilespmem:s20+$0xFFFFFFF0];
	_ =	sdelay $0x2  }
0x290: {  	v63 =	vmul.f32 v15, v61;
	v35 =	vmul.f32 v17, v60  }
0x291: {  	v36 =	vld [tilespmem:s25+$0xFFFFFFF0];
	v32 =	vmul.f32 v8, v61;
	v33 =	vmul.f32 v9, v60  }
0x292: {  	v40 =	vmul.f32 v16, v62;
	v34 =	vadd.f32 v35, v63  }
0x293: {  	v31 =	vmul.f32 v10, v62;
	v32 =	vadd.f32 v33, v32  }
0x294: {  	v41 =	vadd.f32 v40, v34  }
0x295: {  	v31 =	vadd.f32 v31, v32  }
0x296: {  	v42 =	vadd.f32 v36, v18;
	v33 =	vadd.f32 v41, v41  }
0x297: {  	v43 =	vadd.f32 v36, v11;
	v44 =	vadd.f32 v31, v31  }
0x298: {  	v31 =	vsub.f32 v42, v33  }
0x299: {  	s26 =	sadd.s32 $0xFFFFFFC0, s1;
	v32 =	vsub.f32 v43, v44;
	s28 =	spop (v2sf)  }
0x29a: {  	v45 =	vor.u32 s26, v0;
	vm6 =	vle.f32 v31, v25;
	s4 =	sadd.s32 s4, s28;
	s9 =	spop (v2sf)  }
0x29b: {  	vm7 =	vle.f32 v32, v23;
	v46 =	vmpcnt.ones.xlane vm6;
	s5 =	sadd.s32 s5, s9;
	[tilespmem:s4+$0x10200] =	vst.msk vm6, v45  }
0x29c: {  	v47 =	vmpcnt.ones.xlane vm7;
	[tilespmem:s5+$0x14300] =	vst.msk vm7, v45  }
0x29d: {  	(v2sf) =	vpush v46, $0x0;
	v48 =	vld [tilespmem:s18+$0x0]  }
0x29e: {  	v49 =	vld [tilespmem:s19+$0x0];
	(v2sf) =	vpush v47, $0x0;
	_ =	sdelay $0x1  }
0x29f: {  	v50 =	vld [tilespmem:s20+$0x0];
	_ =	sdelay $0x2  }
0x2a0: {  	v51 =	vmul.f32 v15, v48;
	v37 =	vmul.f32 v17, v49  }
0x2a1: {  	v38 =	vld [tilespmem:s25+$0x0];
	v35 =	vmul.f32 v8, v48;
	v34 =	vmul.f32 v9, v49  }
0x2a2: {  	v52 =	vmul.f32 v16, v50;
	v36 =	vadd.f32 v37, v51  }
0x2a3: {  	v33 =	vmul.f32 v10, v50;
	v34 =	vadd.f32 v34, v35  }
0x2a4: {  	v53 =	vadd.f32 v52, v36  }
0x2a5: {  	v33 =	vadd.f32 v33, v34  }
0x2a6: {  	v54 =	vadd.f32 v38, v18;
	v35 =	vadd.f32 v53, v53  }
0x2a7: {  	v55 =	vadd.f32 v38, v11;
	v33 =	vadd.f32 v33, v33  }
0x2a8: {  	v34 =	vsub.f32 v54, v35  }
0x2a9: {  	s26 =	sadd.s32 $0xFFFFFFD0, s1;
	v33 =	vsub.f32 v55, v33;
	s28 =	spop (v2sf)  }
0x2aa: {  	v56 =	vor.u32 s26, v0;
	s4 =	sadd.s32 s4, s28;
	vm8 =	vle.f32 v34, v25;
	s9 =	spop (v2sf)  }
0x2ab: {  	vm9 =	vle.f32 v33, v23;
	s5 =	sadd.s32 s5, s9;
	[tilespmem:s4+$0x10200] =	vst.msk vm8, v56;
	v57 =	vmpcnt.ones.xlane vm8  }
0x2ac: {  	v58 =	vmpcnt.ones.xlane vm9;
	[tilespmem:s5+$0x14300] =	vst.msk vm9, v56  }
0x2ad: {  	v59 =	vld [tilespmem:s18+$0x10];
	(v2sf) =	vpush v57, $0x0  }
0x2ae: {  	v60 =	vld [tilespmem:s19+$0x10];
	(v2sf) =	vpush v58, $0x0;
	_ =	sdelay $0x1  }
0x2af: {  	v61 =	vld [tilespmem:s20+$0x10];
	_ =	sdelay $0x2  }
0x2b0: {  	v62 =	vmul.f32 v15, v59;
	v39 =	vmul.f32 v17, v60  }
0x2b1: {  	v40 =	vld [tilespmem:s25+$0x10];
	v37 =	vmul.f32 v8, v59;
	v36 =	vmul.f32 v9, v60  }
0x2b2: {  	v63 =	vmul.f32 v16, v61;
	v38 =	vadd.f32 v39, v62  }
0x2b3: {  	v35 =	vmul.f32 v10, v61;
	v36 =	vadd.f32 v36, v37  }
0x2b4: {  	v41 =	vadd.f32 v63, v38  }
0x2b5: {  	v35 =	vadd.f32 v35, v36  }
0x2b6: {  	v42 =	vadd.f32 v40, v18;
	v37 =	vadd.f32 v41, v41  }
0x2b7: {  	v43 =	vadd.f32 v40, v11;
	v35 =	vadd.f32 v35, v35  }
0x2b8: {  	v36 =	vsub.f32 v42, v37  }
0x2b9: {  	s26 =	sadd.s32 $0xFFFFFFE0, s1;
	v35 =	vsub.f32 v43, v35;
	s28 =	spop (v2sf)  }
0x2ba: {  	v44 =	vor.u32 s26, v0;
	vm10 =	vle.f32 v36, v25;
	s4 =	sadd.s32 s4, s28;
	s9 =	spop (v2sf)  }
0x2bb: {  	vm11 =	vle.f32 v35, v23;
	v45 =	vmpcnt.ones.xlane vm10;
	s7 =	sadd.s32 s5, s9;
	[tilespmem:s4+$0x10200] =	vst.msk vm10, v44  }
0x2bc: {  	v46 =	vmpcnt.ones.xlane vm11;
	[tilespmem:s7+$0x14300] =	vst.msk vm11, v44  }
0x2bd: {  	(v2sf) =	vpush v45, $0x0;
	v47 =	vld [tilespmem:s18+$0x20]  }
0x2be: {  	v48 =	vld [tilespmem:s19+$0x20];
	(v2sf) =	vpush v46, $0x0;
	_ =	sdelay $0x1  }
0x2bf: {  	v49 =	vld [tilespmem:s20+$0x20];
	_ =	sdelay $0x2  }
0x2c0: {  	v50 =	vmul.f32 v15, v47;
	v41 =	vmul.f32 v17, v48  }
0x2c1: {  	v42 =	vld [tilespmem:s25+$0x20];
	v39 =	vmul.f32 v8, v47;
	v38 =	vmul.f32 v9, v48  }
0x2c2: {  	v51 =	vmul.f32 v16, v49;
	v40 =	vadd.f32 v41, v50  }
0x2c3: {  	v37 =	vmul.f32 v10, v49;
	v38 =	vadd.f32 v38, v39  }
0x2c4: {  	v52 =	vadd.f32 v51, v40  }
0x2c5: {  	v37 =	vadd.f32 v37, v38  }
0x2c6: {  	v53 =	vadd.f32 v42, v18;
	v39 =	vadd.f32 v52, v52  }
0x2c7: {  	v54 =	vadd.f32 v42, v11;
	v37 =	vadd.f32 v37, v37  }
0x2c8: {  	v38 =	vsub.f32 v53, v39  }
0x2c9: {  	s26 =	sadd.s32 $0xFFFFFFF0, s1;
	v37 =	vsub.f32 v54, v37;
	s28 =	spop (v2sf)  }
0x2ca: {  	v55 =	vor.u32 s26, v0;
	s5 =	sadd.s32 s4, s28;
	vm12 =	vle.f32 v38, v25;
	s9 =	spop (v2sf)  }
0x2cb: {  	vm13 =	vle.f32 v37, v23;
	s4 =	sadd.s32 s7, s9;
	[tilespmem:s5+$0x10200] =	vst.msk vm12, v55  }
0x2cc: {  	[tilespmem:s4+$0x14300] =	vst.msk vm13, v55  }
0x2cd: {  	v39 =	vld [tilespmem:s18+$0x30]  }
0x2ce: {  	v56 =	vld [tilespmem:s19+$0x30];
	_ =	sdelay $0x1  }
0x2cf: {  	v57 =	vld [tilespmem:s20+$0x30];
	_ =	sdelay $0x2  }
0x2d0: {  	v58 =	vmul.f32 v15, v39;
	v43 =	vmul.f32 v17, v56  }
0x2d1: {  	v44 =	vld [tilespmem:s25+$0x30]  }
0x2d2: {  	v59 =	vmul.f32 v16, v57;
	v42 =	vadd.f32 v43, v58  }
0x2d3: {  	v45 =	vmin.f32 v22, v27;
	v22 =	vmax.f32 v22, v27  }
0x2d4: {  	v21 =	vmin.f32 v21, v22;
	v22 =	vadd.f32 v59, v42;
	_ =	sdelay $0x1  }
0x2d5: {  	v62 =	vadd.f32 v44, v18;
	v22 =	vadd.f32 v22, v22;
	_ =	sdelay $0x1  }
0x2d6: {  	v22 =	vsub.f32 v62, v22  }
0x2d7: {  	v63 =	vmpcnt.ones.xlane vm12  }
0x2d8: {  	v47 =	vmpcnt.ones.xlane vm13;
	vm14 =	vle.f32 v22, v25  }
0x2d9: {  	(v2sf) =	vpush v63, $0x0;
	v50 =	vmpcnt.ones.xlane vm14  }
0x2da: {  	v60 =	vmax.f32 v45, v28;
	v28 =	vmin.f32 v45, v28;
	(v2sf) =	vpush v47, $0x0  }
0x2db: {  	v45 =	vmul.f32 v8, v39;
	v46 =	vmul.f32 v9, v56;
	(v2sf) =	vpush v50, $0x0  }
0x2dc: {  	v21 =	vmin.f32 v21, v60;
	v61 =	vmax.f32 v28, v30;
	v28 =	vmin.f32 v28, v30  }
0x2dd: {  	v21 =	vmin.f32 v21, v61;
	v48 =	vmul.f32 v10, v57;
	v49 =	vadd.f32 v46, v45  }
0x2de: {  	v27 =	vmax.f32 v28, v32;
	v51 =	vmax.f32 v20, v24;
	v20 =	vmin.f32 v20, v24  }
0x2df: {  	v28 =	vmin.f32 v28, v32;
	v24 =	vmin.f32 v20, v26;
	v25 =	vadd.f32 v48, v49  }
0x2e0: {  	v20 =	vmax.f32 v20, v26;
	v19 =	vmin.f32 v19, v51;
	v52 =	vmax.f32 v28, v33  }
0x2e1: {  	v28 =	vmin.f32 v28, v33;
	v55 =	vadd.f32 v44, v11;
	v25 =	vadd.f32 v25, v25  }
0x2e2: {  	v21 =	vmin.f32 v21, v27;
	v19 =	vmin.f32 v19, v20;
	v60 =	vmax.f32 v28, v35  }
0x2e3: {  	v20 =	vmin.f32 v28, v35;
	v21 =	vmin.f32 v21, v52;
	v25 =	vsub.f32 v55, v25  }
0x2e4: {  	v53 =	vmin.f32 v24, v29;
	v24 =	vmax.f32 v24, v29;
	v21 =	vmin.f32 v21, v60  }
0x2e5: {  	v54 =	vmin.f32 v53, v31;
	v19 =	vmin.f32 v19, v24;
	vm15 =	vle.f32 v25, v23  }
0x2e6: {  	v56 =	vmax.f32 v53, v31;
	v57 =	vmin.f32 v54, v34;
	v23 =	vmpcnt.ones.xlane vm15  }
0x2e7: {  	v61 =	vmin.f32 v57, v36;
	v19 =	vmin.f32 v19, v56;
	v58 =	vmax.f32 v54, v34  }
0x2e8: {  	v19 =	vmin.f32 v19, v58;
	v59 =	vmax.f32 v57, v36;
	s25 =	spop (v2sf);
	(v2sf) =	vpush v23, $0x0  }
0x2e9: {  	v63 =	vmin.f32 v61, v38;
	v19 =	vmin.f32 v19, v59;
	v62 =	vmax.f32 v20, v37;
	s8 =	spop (v2sf)  }
0x2ea: {  	v20 =	vmin.f32 v20, v37;
	v21 =	vmin.f32 v21, v62;
	s9 =	sadd.s32 s5, s25;
	v23 =	vmax.f32 v61, v38;
	s26 =	spop (v2sf)  }
0x2eb: {  	v22 =	vmax.f32 v63, v22;
	v20 =	vmax.f32 v20, v25;
	v19 =	vmin.f32 v19, v23;
	s5 =	sadd.s32 s9, s26  }
0x2ec: {  	v20 =	vmin.f32 v21, v20;
	v19 =	vmin.f32 v19, v22;
	s28 =	sadd.s32 $0xF, s5  }
0x2ed: {  	v22 =	vperm.xlane v20, v1;
	v21 =	vperm.xlane v19, v1;
	s19 =	sand.u32 $0xF, s28  }
0x2ee: {  	s20 =	sshra.s32 s28, $0x1F;
	p0 =	slt.s32 s28, $0x1;
	p1 =	sne.s32 s19, $0x0  }
0x2ef: {  	v20 =	vmax.f32 v20, v22;
	v19 =	vmax.f32 v19, v21;
	s25 =	sshrl.u32 s20, $0x1C;
	p0 =	por !p0, !p1  }
0x2f0: {  	s18 =	simm.s32 $0x1;
	v22 =	vperm.xlane v20, v2;
	v21 =	vperm.xlane v19, v2;
	s7 =	sadd.s32 s25, s28;
	p0 =	por !p0, !p0  }
0x2f1: {  	s7 =	sshra.s32 s7, $0x4;
	s18 =	simm.s32 @!p0 $0x0  }
0x2f2: {  	v20 =	vmax.f32 v20, v22;
	v19 =	vmax.f32 v19, v21;
	s7 =	ssub.s32 s7, s18  }
0x2f3: {  	v22 =	vperm.xlane v20, v3;
	v21 =	vperm.xlane v19, v3;
	p0 =	slt.s32 s7, $0x1  }
.Ltmp6:
0x2f4: {  	_ = 	snop;
	(pc) =	sbr.rel @p0 .LBB2_7-.Ltmp6, $4  }
0x2f5: {  	v19 =	vmax.f32 v19, v21;
	v21 =	vmax.f32 v20, v22  }
0x2f6: {  	v20 =	vor.u32 s1, v0;
	v22 =	vperm.xlane v19, v4;
	v23 =	vperm.xlane v21, v4  }
0x2f7: {  	s26 =	sadd.s32 s4, s8;
	[tilespmem:s9+$0x10200] =	vst.msk vm14, v20;
	s28 =	spop (v2sf)  }
0x2f8: {  	[tilespmem:s26+$0x14300] =	vst.msk vm15, v20;
	v20 =	vmax.f32 v19, v22;
	v19 =	vmax.f32 v21, v23;
	s1 =	sadd.s32 s26, s28  }
0x2f9: {  	p1 =	sne.s32 s7, $0x1  }
.Ltmp7:
0x2fa: {  	_ = 	snop;
	(pc) =	sbr.rel @!p1 .LBB2_9-.Ltmp7, $3  }
0x2fb: {  	_ =	sdelay $0x1  }
0x2fc: {  	s8 =	simm.s32 $0x10200  }
0x2fd: {  	v22 =	vmov s5;
	s4 =	simm.s32 $0x0;
	s5 =	sadd.s32 $0xFFFFFFFF, s7;
	p0 =	por $0x0, $0x0;
	v21 =	vld [tilespmem:s8+$0x0]  }
0x2fe: {  	_ =	sdelay $0x1  }
0x2ff: {  	v23 =	vor.u32 s4, v0  }
0x300: {  	vm0 =	vlt.s32 v23, v22  }
0x301: {  	v23 =	vnsel vm0, $0x0, v21;
	_ =	sdelay $0x4  }
0x302: {  	v24 =	vld.idx.msk [tilespmem:v23+s21+$0x0], $0xffff  }
0x303: {  	v25 =	vld.idx.msk [tilespmem:v23+s22+$0x0], $0xffff;
	_ =	sdelay $0x1  }
0x304: {  	v26 =	vld.idx.msk [tilespmem:v23+s23+$0x0], $0xffff;
	_ =	sdelay $0x2  }
0x305: {  	v24 =	vmul.f32 v15, v24;
	v25 =	vmul.f32 v17, v25  }
0x306: {  	v23 =	vld.idx.msk [tilespmem:v23+s24+$0x0], $0xffff  }
0x307: {  	v63 =	vmul.f32 v16, v26;
	v24 =	vadd.f32 v25, v24;
	_ =	sdelay $0x1  }
0x308: {  	v24 =	vadd.f32 v63, v24;
	_ =	sdelay $0x1  }
0x309: {  	v23 =	vadd.f32 v23, v18;
	v24 =	vadd.f32 v24, v24;
	_ =	sdelay $0x1  }
0x30a: {  	v23 =	vsub.f32 v23, v24;
	_ =	sdelay $0x1  }
0x30b: {  	p1 =	sne.s32 s5, $0x1;
	vm1 =	vle.f32 v23, v20  }
.Ltmp8:
0x30c: {  	vm0 =	vmand vm0, vm1;
	(pc) =	sbr.rel @!p1 .LBB2_11-.Ltmp8, $4  }
0x30d: {  	[tilespmem:s4+$0xE180] =	vst.msk vm0, v23;
	v23 =	vmpcnt.ones.xlane vm0  }
0x30e: {  	s8 =	simm.s32 $0x10210;
	[tilespmem:s4+$0x10200] =	vst.msk vm0, v21  }
0x30f: {  	s18 =	sadd.s32 $0xFFFFFFFF, s5;
	v21 =	vld [tilespmem:s8+$0x0];
	(v2sf) =	vpush v23, $0x0  }
0x310: {  	p0 =	por $0x1, $0x1;
	s7 =	simm.s32 $0x0;
	s5 =	simm.s32 $0x0  }
.LBB2_12:
0x311: {  	p1 =	sne.s32 s18, $0x1;
	s7 =	sadd.s32 $0x10, s7  }
0x312: {  	v23 =	vor.u32 s7, v0  }
0x313: {  	vm0 =	vlt.s32 v23, v22  }
0x314: {  	v23 =	vnsel vm0, $0x0, v21;
	_ =	sdelay $0x4  }
0x315: {  	v24 =	vld.idx.msk [tilespmem:v23+s21+$0x0], $0xffff  }
0x316: {  	v25 =	vld.idx.msk [tilespmem:v23+s22+$0x0], $0xffff;
	_ =	sdelay $0x1  }
0x317: {  	v26 =	vld.idx.msk [tilespmem:v23+s23+$0x0], $0xffff;
	_ =	sdelay $0x1  }
0x318: {  	s9 =	spop (v2sf)  }
0x319: {  	s5 =	sadd.s32 s5, s9  }
0x31a: {  	v24 =	vmul.f32 v15, v24;
	v25 =	vmul.f32 v17, v25;
	v23 =	vld.idx.msk [tilespmem:v23+s24+$0x0], $0xffff;
	_ =	sdelay $0x1  }
0x31b: {  	v24 =	vadd.f32 v25, v24;
	v25 =	vmul.f32 v16, v26;
	_ =	sdelay $0x1  }
0x31c: {  	v24 =	vadd.f32 v25, v24;
	_ =	sdelay $0x1  }
0x31d: {  	v23 =	vadd.f32 v23, v18;
	v24 =	vadd.f32 v24, v24;
	_ =	sdelay $0x1  }
0x31e: {  	v23 =	vsub.f32 v23, v24;
	_ =	sdelay $0x1  }
0x31f: {  	vm1 =	vle.f32 v23, v20  }
.Ltmp9:
0x320: {  	vm0 =	vmand vm0, vm1;
	(pc) =	sbr.rel @p1 .LBB2_12-.Ltmp9, $4  }
0x321: {  	[tilespmem:s5+$0xE180] =	vst.msk vm0, v23;
	v23 =	vmpcnt.ones.xlane vm0  }
0x322: {  	s8 =	sadd.s32 $0x10, s8;
	[tilespmem:s5+$0x10200] =	vst.msk vm0, v21  }
0x323: {  	v21 =	vld [tilespmem:s8+$0x0];
	(v2sf) =	vpush v23, $0x0  }
0x324: {  	s18 =	sadd.s32 $0xFFFFFFFF, s18  }
.LBB2_13:
0x325: {  	s7 =	sadd.s32 @p0 $0x10, s7;
	s8 =	simm.s32 $0x0  }
0x326: {  	s8 =	smov.u32 @p0 s7  }
0x327: {  	v23 =	vor.u32 s8, v0  }
0x328: {  	vm0 =	vlt.s32 v23, v22  }
0x329: {  	v22 =	vnsel vm0, $0x0, v21;
	_ =	sdelay $0x4  }
0x32a: {  	v63 =	vld.idx.msk [tilespmem:v22+s21+$0x0], $0xffff  }
0x32b: {  	v24 =	vld.idx.msk [tilespmem:v22+s22+$0x0], $0xffff;
	_ =	sdelay $0x1  }
0x32c: {  	v25 =	vld.idx.msk [tilespmem:v22+s23+$0x0], $0xffff;
	_ =	sdelay $0x2  }
0x32d: {  	v15 =	vmul.f32 v15, v63;
	v17 =	vmul.f32 v17, v24  }
0x32e: {  	v22 =	vld.idx.msk [tilespmem:v22+s24+$0x0], $0xffff  }
0x32f: {  	v16 =	vmul.f32 v16, v25;
	v15 =	vadd.f32 v17, v15;
	_ =	sdelay $0x1  }
0x330: {  	v15 =	vadd.f32 v16, v15;
	_ =	sdelay $0x1  }
0x331: {  	v16 =	vadd.f32 v22, v18;
	v15 =	vadd.f32 v15, v15;
	_ =	sdelay $0x1  }
0x332: {  	v15 =	vsub.f32 v16, v15;
	_ =	sdelay $0x1  }
0x333: {  	vm1 =	vle.f32 v15, v20  }
0x334: {  	vm0 =	vmand vm0, vm1  }
0x335: {  	v16 =	vmpcnt.ones.xlane vm0;
	_ =	sdelay $0x1  }
0x336: {  	(v2sf) =	vpush v16, $0x0;
	_ =	sdelay $0xb  }
.Ltmp10:
0x337: {  	s7 =	spop @p0 (v2sf);
	(pc) =	sbr.rel .LBB2_14-.Ltmp10, $4  }
0x338: {  	s5 =	sadd.s32 @p0 s5, s7  }
0x339: {  	s4 =	smov.u32 @p0 s5  }
0x33a: {  	[tilespmem:s4+$0xE180] =	vst.msk vm0, v15;
	s28 =	spop (v2sf)  }
0x33b: {  	[tilespmem:s4+$0x10200] =	vst.msk vm0, v21;
	s4 =	sadd.s32 s4, s28  }
.LBB2_7:
0x33c: {  	s4 =	simm.s32 $0x0  }
.LBB2_14:
0x33d: {  	v15 =	vld [tilespmem:$0xE180]  }
0x33e: {  	v16 =	vld [tilespmem:$0x10200]  }
0x33f: {  	v17 =	vld [tilespmem:$0xE190]  }
0x340: {  	v18 =	vld [tilespmem:$0x10210];
	_ =	sdelay $0x3  }
0x341: {  	(xrf1) =	vsort.ascd.msk.f32 $0xffff, v15, v16  }
0x342: {  	(xrf1) =	vsort.ascd.msk.f32 $0xffff, v17, v18;
	_ =	sdelay $0xb  }
0x343: {  	v15 =	vmul.u32 $0xFFFFFFFF, v0  }
0x344: {  	v16, v17, _ =	vpop (xrf1)  }
0x345: {  	v15 =	vadd.s32 $0xF, v15;
	v18, v20, _ =	vpop (xrf1)  }
0x346: {  	v18 =	vperm.xlane v18, v15;
	v20 =	vperm.xlane v20, v15;
	_ =	sdelay $0x1  }
0x347: {  	vm0 =	veq.f32 v16, v18;
	vm1 =	vlt.s32 v17, v20  }
0x348: {  	vm2 =	vlt.f32 v16, v18;
	vm0 =	vmand vm0, vm1  }
0x349: {  	vm0 =	vmor vm2, vm0  }
0x34a: {  	v21 =	vsel vm0, v16, v18;
	v22 =	vsel vm0, v17, v20  }
0x34b: {  	v16 =	vsel vm0, v18, v16;
	v17 =	vsel vm0, v20, v17;
	(xrf1) =	vsort.ascd.msk.f32 $0xffff, v21, v22  }
0x34c: {  	(xrf1) =	vsort.ascd.msk.f32 $0xffff, v16, v17;
	_ =	sdelay $0x1  }
0x34d: {  	s5 =	sadd.s32 $0xF, s4  }
0x34e: {  	s7 =	sand.u32 $0xF, s5  }
0x34f: {  	s28 =	sshra.s32 s5, $0x1F;
	p1 =	slt.s32 s5, $0x1;
	p0 =	sne.s32 s7, $0x0  }
0x350: {  	s7 =	sshrl.u32 s28, $0x1C;
	p0 =	por !p1, !p0  }
0x351: {  	s5 =	sadd.s32 s7, s5;
	s7 =	simm.s32 $0x1;
	p0 =	por !p0, !p0  }
0x352: {  	s5 =	sshra.s32 s5, $0x4;
	s7 =	simm.s32 @!p0 $0x0  }
0x353: {  	s7 =	ssub.s32 s5, s7  }
0x354: {  	p1 =	slt.s32 s7, $0x3  }
.Ltmp11:
0x355: {  	_ = 	snop;
	(pc) =	sbr.rel @p1 .LBB2_21-.Ltmp11, $3  }
0x356: {  	_ =	sdelay $0x1  }
0x357: {  	v17, v16, _ =	vpop (xrf1)  }
0x358: {  	v20, v18, _ =	vpop (xrf1)  }
0x359: {  	s7 =	simm.s32 $0xFFFFFFFF  }
0x35a: {  	s7 =	simm.s32 @!p0 $0x0  }
0x35b: {  	s5 =	sadd.s32 s7, s5  }
0x35c: {  	s5 =	sadd.s32 $0xFFFFFFFE, s5  }
0x35d: {  	p1 =	sne.s32 s5, $0x1  }
.Ltmp12:
0x35e: {  	_ = 	snop;
	(pc) =	sbr.rel @!p1 .LBB2_16-.Ltmp12, $4  }
0x35f: {  	_ = 	snop  }
0x360: {  	s28 =	simm.s32 $0xE1A0  }
0x361: {  	s8 =	simm.s32 $0x10220;
	v24 =	vld [tilespmem:s28+$0x0]  }
0x362: {  	v21 =	vmov s4;
	s4 =	simm.s32 $0x20;
	v25 =	vld [tilespmem:s8+$0x0];
	p0 =	por $0x0, $0x0;
	s5 =	sadd.s32 $0xFFFFFFFF, s5  }
0x363: {  	_ =	sdelay $0x1  }
0x364: {  	v22 =	vor.u32 s4, v0  }
0x365: {  	vm0 =	vlt.s32 v22, v21  }
0x366: {  	v22 =	vnsel vm0, $0x7F800000, v24;
	v23 =	vnsel vm0, $0x40000000, v25  }
0x367: {  	(xrf1) =	vsort.ascd.msk.f32 $0xffff, v22, v23;
	_ =	sdelay $0xd  }
0x368: {  	v22, v23, _ =	vpop (xrf1)  }
0x369: {  	v22 =	vperm.xlane v22, v15;
	v23 =	vperm.xlane v23, v15;
	_ =	sdelay $0x1  }
0x36a: {  	vm15 =	veq.f32 v20, v22;
	vm1 =	vlt.s32 v18, v23  }
0x36b: {  	vm2 =	vlt.f32 v20, v22;
	vm0 =	vmand vm15, vm1  }
0x36c: {  	vm0 =	vmor vm2, vm0  }
0x36d: {  	v22 =	vsel vm0, v20, v22;
	v23 =	vsel vm0, v18, v23  }
0x36e: {  	(xrf1) =	vsort.ascd.msk.f32 $0xffff, v22, v23;
	_ =	sdelay $0x7  }
0x36f: {  	p1 =	sne.s32 s5, $0x1  }
.Ltmp13:
0x370: {  	_ = 	snop;
	(pc) =	sbr.rel @!p1 .LBB2_18-.Ltmp13, $4  }
0x371: {  	_ = 	snop  }
0x372: {  	s7 =	simm.s32 $0xE1B0  }
0x373: {  	s8 =	simm.s32 $0x10230;
	v24 =	vld [tilespmem:s7+$0x0]  }
0x374: {  	s18 =	sadd.s32 $0xFFFFFFFF, s5;
	p0 =	por $0x1, $0x1;
	s5 =	simm.s32 $0x20;
	v25 =	vld [tilespmem:s8+$0x0];
	v23 =	vmov v17;
	v22 =	vmov v16  }
.LBB2_19:
0x375: {  	p1 =	sne.s32 s18, $0x1;
	s5 =	sadd.s32 $0x10, s5;
	v26, v27, _ =	vpop (xrf1)  }
0x376: {  	v28 =	vor.u32 s5, v0;
	v26 =	vperm.xlane v26, v15;
	v27 =	vperm.xlane v27, v15  }
0x377: {  	vm0 =	vlt.s32 v28, v21  }
0x378: {  	v24 =	vnsel vm0, $0x7F800000, v24;
	vm1 =	veq.f32 v23, v26;
	vm2 =	vlt.s32 v22, v27  }
0x379: {  	v25 =	vnsel vm0, $0x40000000, v25;
	vm0 =	vlt.f32 v23, v26;
	vm1 =	vmand vm1, vm2  }
0x37a: {  	(xrf1) =	vsort.ascd.msk.f32 $0xffff, v24, v25;
	vm0 =	vmor vm0, vm1  }
0x37b: {  	v24 =	vsel vm0, v23, v26;
	v23 =	vsel vm0, v26, v23;
	v25 =	vsel vm0, v27, v22  }
0x37c: {  	v22 =	vsel vm0, v22, v27;
	(xrf1) =	vsort.ascd.msk.f32 $0xffff, v23, v25  }
0x37d: {  	(xrf1) =	vsort.ascd.msk.f32 $0xffff, v24, v22;
	_ =	sdelay $0xa  }
0x37e: {  	v22, v23, _ =	vpop (xrf1)  }
0x37f: {  	v24 =	vperm.xlane v22, v15;
	v25 =	vperm.xlane v23, v15  }
0x380: {  	v26, v27, _ =	vpop (xrf1)  }
0x381: {  	vm0 =	veq.f32 v26, v24;
	vm1 =	vlt.s32 v27, v25;
	v23, v22, _ =	vpop (xrf1)  }
0x382: {  	vm2 =	vlt.f32 v26, v24;
	vm0 =	vmand vm0, vm1  }
0x383: {  	vm0 =	vmor vm2, vm0  }
0x384: {  	v24 =	vsel vm0, v26, v24;
	v25 =	vsel vm0, v27, v25  }
0x385: {  	(xrf1) =	vsort.ascd.msk.f32 $0xffff, v24, v25;
	_ =	sdelay $0x8  }
.Ltmp14:
0x386: {  	(pc) =	sbr.rel @p1 .LBB2_19-.Ltmp14, $4  }
0x387: {  	_ = 	snop  }
0x388: {  	s7 =	sadd.s32 $0x10, s7  }
0x389: {  	s8 =	sadd.s32 $0x10, s8;
	v24 =	vld [tilespmem:s7+$0x0]  }
0x38a: {  	s18 =	sadd.s32 $0xFFFFFFFF, s18;
	v25 =	vld [tilespmem:s8+$0x0]  }
.LBB2_20:
0x38b: {  	v26, v27, _ =	vpop @p0 (xrf1)  }
0x38c: {  	s5 =	sadd.s32 @p0 $0x10, s5;
	v26 =	vperm.xlane @p0 v26, v15;
	v27 =	vperm.xlane @p0 v27, v15  }
0x38d: {  	s4 =	smov.u32 @p0 s5  }
0x38e: {  	v28 =	vor.u32 s4, v0;
	vm0 =	veq.f32 @p0 v23, v26;
	vm1 =	vlt.s32 @p0 v22, v27  }
0x38f: {  	vm2 =	vlt.s32 v28, v21;
	vm0 =	vmand @p0 vm0, vm1;
	vm1 =	vlt.f32 @p0 v23, v26  }
0x390: {  	v21 =	vnsel vm2, $0x7F800000, v24;
	v61 =	vnsel vm2, $0x40000000, v25;
	vm0 =	vmor @p0 vm1, vm0  }
0x391: {  	(xrf1) =	vsort.ascd.msk.f32 $0xffff, v21, v61;
	v21 =	vsel @p0 vm0, v26, v23;
	v24 =	vsel @p0 vm0, v27, v22  }
0x392: {  	(xrf1) =	vsort.ascd.msk.f32 @p0 $0xffff, v21, v24;
	_ =	sdelay $0xc  }
0x393: {  	v21, v24, _ =	vpop (xrf1)  }
0x394: {  	v21 =	vperm.xlane v21, v15;
	v24 =	vperm.xlane v24, v15;
	v25, v28, _ =	vpop @p0 (xrf1)  }
0x395: {  	v20 =	vpsel p0, v25, v20;
	v18 =	vpsel p0, v28, v18  }
0x396: {  	vm9 =	veq.f32 v20, v21;
	vm10 =	vlt.s32 v18, v24  }
0x397: {  	vm11 =	vlt.f32 v20, v21;
	vm1 =	vmand vm9, vm10  }
0x398: {  	v23 =	vsel @p0 vm0, v23, v26;
	v22 =	vsel @p0 vm0, v22, v27;
	vm12 =	vmor vm11, vm1  }
0x399: {  	(xrf1) =	vsort.ascd.msk.f32 @p0 $0xffff, v23, v22;
	v20 =	vsel vm12, v20, v21;
	v18 =	vsel vm12, v18, v24  }
0x39a: {  	(xrf1) =	vsort.ascd.msk.f32 $0xffff, v20, v18;
	_ =	sdelay $0xc  }
0x39b: {  	v18, v20, _ =	vpop @p0 (xrf1)  }
0x39c: {  	v63, v62, _ =	vpop (xrf1)  }
0x39d: {  	v21 =	vperm.xlane v63, v15;
	v22 =	vperm.xlane v62, v15  }
0x39e: {  	v17 =	vpsel p0, v18, v17;
	v16 =	vpsel p0, v20, v16  }
0x39f: {  	vm13 =	veq.f32 v17, v21;
	vm14 =	vlt.s32 v16, v22  }
0x3a0: {  	vm15 =	vlt.f32 v17, v21;
	vm0 =	vmand vm13, vm14  }
0x3a1: {  	vm0 =	vmor vm15, vm0  }
0x3a2: {  	v18 =	vsel vm0, v21, v17;
	v20 =	vsel vm0, v22, v16  }
0x3a3: {  	(xrf1) =	vsort.ascd.msk.f32 $0xffff, v18, v20  }
0x3a4: {  	v17 =	vsel vm0, v17, v21;
	v16 =	vsel vm0, v16, v22  }
0x3a5: {  	(xrf1) =	vsort.ascd.msk.f32 $0xffff, v17, v16;
	_ =	sdelay $0xb  }
0x3a6: {  	v16, v18, _ =	vpop (xrf1);
	_ =	sdelay $0x1  }
0x3a7: {  	v17, v16, _ =	vpop (xrf1)  }
.LBB2_21:
0x3a8: {  	_ =	sdelay $0x2  }
0x3a9: {  	s4 =	simm.s32 $0x0  }
0x3aa: {  	s7 =	sadd.s32 $0xF, s1;
	v17 =	vld.idx.msk [tilespmem:v16+s4+$0x0], $0xffff  }
0x3ab: {  	s5 =	sshll.u32 s31, $0x8;
	v20 =	vld.idx.msk [tilespmem:v18+s4+$0x0], $0xffff;
	s26 =	sand.u32 $0xF, s7  }
0x3ac: {  	v21 =	vld.idx.msk [tilespmem:v16+s16+$0x0], $0xffff;
	s28 =	sshra.s32 s7, $0x1F;
	p1 =	slt.s32 s7, $0x1;
	p0 =	sne.s32 s26, $0x0  }
0x3ad: {  	v22 =	vld.idx.msk [tilespmem:v18+s16+$0x0], $0xffff;
	s8 =	sand.u32 $0x3FFFFF00, s5;
	s5 =	sshrl.u32 s28, $0x1C;
	p0 =	por !p1, !p0  }
0x3ae: {  	v16 =	vld.idx.msk [tilespmem:v16+s17+$0x0], $0xffff;
	s5 =	sadd.s32 s5, s7;
	s7 =	simm.s32 $0x1;
	p0 =	por !p0, !p0  }
0x3af: {  	v18 =	vld.idx.msk [tilespmem:v18+s17+$0x0], $0xffff;
	s5 =	sshra.s32 s5, $0x4;
	s7 =	simm.s32 @!p0 $0x0;
	v17 =	vsub.f32 v17, v14  }
0x3b0: {  	v14 =	vsub.f32 v20, v14;
	s5 =	ssub.s32 s5, s7  }
0x3b1: {  	p0 =	slt.s32 s5, $0x1;
	[tilespmem:s8+$0x16380] =	vst v17;
	v17 =	vsub.f32 v21, v13  }
.Ltmp15:
0x3b2: {  	[tilespmem:s8+$0x16390] =	vst v14;
	v13 =	vsub.f32 v22, v13;
	(pc) =	sbr.rel @p0 .LBB2_28-.Ltmp15, $4  }
0x3b3: {  	v14 =	vsub.f32 v16, v12;
	[tilespmem:s8+$0x18380] =	vst v17  }
0x3b4: {  	v12 =	vsub.f32 v18, v12;
	[tilespmem:s8+$0x18390] =	vst v13  }
0x3b5: {  	[tilespmem:s8+$0x1A380] =	vst v14  }
0x3b6: {  	[tilespmem:s8+$0x1A390] =	vst v12  }
0x3b7: {  	p1 =	sne.s32 s5, $0x1  }
.Ltmp16:
0x3b8: {  	_ = 	snop;
	(pc) =	sbr.rel @!p1 .LBB2_23-.Ltmp16, $3  }
0x3b9: {  	_ =	sdelay $0x1  }
0x3ba: {  	s4 =	simm.s32 $0x14300  }
0x3bb: {  	v13 =	vmov s1;
	s1 =	simm.s32 $0x0;
	p0 =	por $0x0, $0x0;
	v12 =	vld [tilespmem:s4+$0x0];
	s4 =	sadd.s32 $0xFFFFFFFF, s5  }
0x3bc: {  	_ =	sdelay $0x1  }
0x3bd: {  	v14 =	vor.u32 s1, v0  }
0x3be: {  	vm0 =	vlt.s32 v14, v13  }
0x3bf: {  	v14 =	vnsel vm0, $0x0, v12;
	_ =	sdelay $0x4  }
0x3c0: {  	v16 =	vld.idx.msk [tilespmem:v14+s21+$0x0], $0xffff  }
0x3c1: {  	v17 =	vld.idx.msk [tilespmem:v14+s22+$0x0], $0xffff;
	_ =	sdelay $0x1  }
0x3c2: {  	v18 =	vld.idx.msk [tilespmem:v14+s23+$0x0], $0xffff;
	_ =	sdelay $0x2  }
0x3c3: {  	v16 =	vmul.f32 v8, v16;
	v17 =	vmul.f32 v9, v17  }
0x3c4: {  	v14 =	vld.idx.msk [tilespmem:v14+s24+$0x0], $0xffff  }
0x3c5: {  	v16 =	vadd.f32 v17, v16;
	v17 =	vmul.f32 v10, v18;
	_ =	sdelay $0x1  }
0x3c6: {  	v16 =	vadd.f32 v17, v16;
	_ =	sdelay $0x1  }
0x3c7: {  	v14 =	vadd.f32 v14, v11;
	v16 =	vadd.f32 v16, v16;
	_ =	sdelay $0x1  }
0x3c8: {  	v14 =	vsub.f32 v14, v16;
	_ =	sdelay $0x1  }
0x3c9: {  	p1 =	sne.s32 s4, $0x1;
	vm1 =	vle.f32 v14, v19  }
.Ltmp17:
0x3ca: {  	vm0 =	vmand vm0, vm1;
	(pc) =	sbr.rel @!p1 .LBB2_25-.Ltmp17, $4  }
0x3cb: {  	[tilespmem:s1+$0x12280] =	vst.msk vm0, v14;
	v14 =	vmpcnt.ones.xlane vm0  }
0x3cc: {  	s7 =	simm.s32 $0x14310;
	[tilespmem:s1+$0x14300] =	vst.msk vm0, v12  }
0x3cd: {  	s8 =	sadd.s32 $0xFFFFFFFF, s4;
	v12 =	vld [tilespmem:s7+$0x0];
	(v2sf) =	vpush v14, $0x0  }
0x3ce: {  	p0 =	por $0x1, $0x1;
	s5 =	simm.s32 $0x0;
	s4 =	simm.s32 $0x0  }
.LBB2_26:
0x3cf: {  	p1 =	sne.s32 s8, $0x1;
	s5 =	sadd.s32 $0x10, s5  }
0x3d0: {  	v14 =	vor.u32 s5, v0  }
0x3d1: {  	vm0 =	vlt.s32 v14, v13  }
0x3d2: {  	v14 =	vnsel vm0, $0x0, v12;
	_ =	sdelay $0x4  }
0x3d3: {  	v16 =	vld.idx.msk [tilespmem:v14+s21+$0x0], $0xffff  }
0x3d4: {  	v17 =	vld.idx.msk [tilespmem:v14+s22+$0x0], $0xffff;
	_ =	sdelay $0x1  }
0x3d5: {  	v18 =	vld.idx.msk [tilespmem:v14+s23+$0x0], $0xffff;
	_ =	sdelay $0x1  }
0x3d6: {  	s9 =	spop (v2sf)  }
0x3d7: {  	s4 =	sadd.s32 s4, s9  }
0x3d8: {  	v16 =	vmul.f32 v8, v16;
	v17 =	vmul.f32 v9, v17;
	v14 =	vld.idx.msk [tilespmem:v14+s24+$0x0], $0xffff;
	_ =	sdelay $0x1  }
0x3d9: {  	v16 =	vadd.f32 v17, v16;
	v17 =	vmul.f32 v10, v18;
	_ =	sdelay $0x1  }
0x3da: {  	v16 =	vadd.f32 v17, v16;
	_ =	sdelay $0x1  }
0x3db: {  	v14 =	vadd.f32 v14, v11;
	v16 =	vadd.f32 v16, v16;
	_ =	sdelay $0x1  }
0x3dc: {  	v14 =	vsub.f32 v14, v16;
	_ =	sdelay $0x1  }
0x3dd: {  	vm1 =	vle.f32 v14, v19  }
.Ltmp18:
0x3de: {  	vm0 =	vmand vm0, vm1;
	(pc) =	sbr.rel @p1 .LBB2_26-.Ltmp18, $4  }
0x3df: {  	[tilespmem:s4+$0x12280] =	vst.msk vm0, v14;
	v14 =	vmpcnt.ones.xlane vm0  }
0x3e0: {  	s7 =	sadd.s32 $0x10, s7;
	[tilespmem:s4+$0x14300] =	vst.msk vm0, v12  }
0x3e1: {  	v12 =	vld [tilespmem:s7+$0x0];
	(v2sf) =	vpush v14, $0x0  }
0x3e2: {  	s8 =	sadd.s32 $0xFFFFFFFF, s8  }
.LBB2_27:
0x3e3: {  	s5 =	sadd.s32 @p0 $0x10, s5;
	s7 =	simm.s32 $0x0  }
0x3e4: {  	s7 =	smov.u32 @p0 s5  }
0x3e5: {  	v14 =	vor.u32 s7, v0  }
0x3e6: {  	vm0 =	vlt.s32 v14, v13  }
0x3e7: {  	v13 =	vnsel vm0, $0x0, v12;
	_ =	sdelay $0x4  }
0x3e8: {  	v14 =	vld.idx.msk [tilespmem:v13+s21+$0x0], $0xffff  }
0x3e9: {  	v16 =	vld.idx.msk [tilespmem:v13+s22+$0x0], $0xffff;
	_ =	sdelay $0x1  }
0x3ea: {  	v17 =	vld.idx.msk [tilespmem:v13+s23+$0x0], $0xffff;
	_ =	sdelay $0x2  }
0x3eb: {  	v8 =	vmul.f32 v8, v14;
	v9 =	vmul.f32 v9, v16  }
0x3ec: {  	v13 =	vld.idx.msk [tilespmem:v13+s24+$0x0], $0xffff  }
0x3ed: {  	v61 =	vmul.f32 v10, v17;
	v8 =	vadd.f32 v9, v8;
	_ =	sdelay $0x1  }
0x3ee: {  	v8 =	vadd.f32 v61, v8;
	_ =	sdelay $0x1  }
0x3ef: {  	v62 =	vadd.f32 v13, v11;
	v8 =	vadd.f32 v8, v8;
	_ =	sdelay $0x1  }
0x3f0: {  	v8 =	vsub.f32 v62, v8;
	_ =	sdelay $0x1  }
0x3f1: {  	vm1 =	vle.f32 v8, v19  }
0x3f2: {  	vm0 =	vmand vm0, vm1  }
0x3f3: {  	v63 =	vmpcnt.ones.xlane vm0;
	_ =	sdelay $0x1  }
0x3f4: {  	(v2sf) =	vpush v63, $0x0;
	_ =	sdelay $0xb  }
0x3f5: {  	s5 =	spop @p0 (v2sf)  }
0x3f6: {  	s4 =	sadd.s32 @p0 s4, s5  }
0x3f7: {  	s1 =	smov.u32 @p0 s4  }
0x3f8: {  	[tilespmem:s1+$0x12280] =	vst.msk vm0, v8;
	s28 =	spop (v2sf)  }
0x3f9: {  	[tilespmem:s1+$0x14300] =	vst.msk vm0, v12;
	s4 =	sadd.s32 s1, s28  }
.LBB2_28:
0x3fa: {  	v8 =	vld [tilespmem:$0x12280]  }
0x3fb: {  	v9 =	vld [tilespmem:$0x14300]  }
0x3fc: {  	v10 =	vld [tilespmem:$0x12290]  }
0x3fd: {  	v11 =	vld [tilespmem:$0x14310];
	_ =	sdelay $0x3  }
0x3fe: {  	(xrf1) =	vsort.ascd.msk.f32 $0xffff, v8, v9  }
0x3ff: {  	(xrf1) =	vsort.ascd.msk.f32 $0xffff, v10, v11;
	_ =	sdelay $0xc  }
0x400: {  	v8, v9, _ =	vpop (xrf1)  }
0x401: {  	v10, v11, _ =	vpop (xrf1)  }
0x402: {  	v10 =	vperm.xlane v10, v15;
	v11 =	vperm.xlane v11, v15;
	_ =	sdelay $0x1  }
0x403: {  	vm0 =	veq.f32 v8, v10;
	vm1 =	vlt.s32 v9, v11  }
0x404: {  	vm2 =	vlt.f32 v8, v10;
	vm0 =	vmand vm0, vm1  }
0x405: {  	vm0 =	vmor vm2, vm0  }
0x406: {  	v12 =	vsel vm0, v8, v10;
	v13 =	vsel vm0, v9, v11  }
0x407: {  	v8 =	vsel vm0, v10, v8;
	v9 =	vsel vm0, v11, v9;
	(xrf1) =	vsort.ascd.msk.f32 $0xffff, v12, v13  }
0x408: {  	(xrf1) =	vsort.ascd.msk.f32 $0xffff, v8, v9;
	_ =	sdelay $0x1  }
0x409: {  	s1 =	sadd.s32 $0xF, s4  }
0x40a: {  	s5 =	sand.u32 $0xF, s1  }
0x40b: {  	s28 =	sshra.s32 s1, $0x1F;
	p1 =	slt.s32 s1, $0x1;
	p0 =	sne.s32 s5, $0x0  }
0x40c: {  	s5 =	sshrl.u32 s28, $0x1C;
	p0 =	por !p1, !p0  }
0x40d: {  	s1 =	sadd.s32 s5, s1;
	s5 =	simm.s32 $0x1;
	p0 =	por !p0, !p0  }
0x40e: {  	s1 =	sshra.s32 s1, $0x4;
	s5 =	simm.s32 @!p0 $0x0  }
0x40f: {  	s5 =	ssub.s32 s1, s5  }
0x410: {  	p1 =	slt.s32 s5, $0x3  }
.Ltmp19:
0x411: {  	_ = 	snop;
	(pc) =	sbr.rel @p1 .LBB2_35-.Ltmp19, $3  }
0x412: {  	_ =	sdelay $0x1  }
0x413: {  	v9, v8, _ =	vpop (xrf1)  }
0x414: {  	v11, v10, _ =	vpop (xrf1)  }
0x415: {  	s5 =	simm.s32 $0xFFFFFFFF  }
0x416: {  	s5 =	simm.s32 @!p0 $0x0  }
0x417: {  	s1 =	sadd.s32 s5, s1  }
0x418: {  	s5 =	sadd.s32 $0xFFFFFFFE, s1  }
0x419: {  	p1 =	sne.s32 s5, $0x1  }
.Ltmp20:
0x41a: {  	_ = 	snop;
	(pc) =	sbr.rel @!p1 .LBB2_30-.Ltmp20, $4  }
0x41b: {  	_ = 	snop  }
0x41c: {  	s28 =	simm.s32 $0x122A0  }
0x41d: {  	s7 =	simm.s32 $0x14320;
	v16 =	vld [tilespmem:s28+$0x0]  }
0x41e: {  	v12 =	vmov s4;
	v17 =	vld [tilespmem:s7+$0x0];
	p0 =	por $0x0, $0x0;
	s1 =	simm.s32 $0x20;
	s4 =	sadd.s32 $0xFFFFFFFF, s5  }
0x41f: {  	_ =	sdelay $0x1  }
0x420: {  	v13 =	vor.u32 s1, v0  }
0x421: {  	vm0 =	vlt.s32 v13, v12  }
0x422: {  	v13 =	vnsel vm0, $0x7F800000, v16;
	v14 =	vnsel vm0, $0x40000000, v17  }
0x423: {  	(xrf1) =	vsort.ascd.msk.f32 $0xffff, v13, v14;
	_ =	sdelay $0xd  }
0x424: {  	v13, v14, _ =	vpop (xrf1)  }
0x425: {  	v13 =	vperm.xlane v13, v15;
	v14 =	vperm.xlane v14, v15;
	_ =	sdelay $0x1  }
0x426: {  	vm15 =	veq.f32 v11, v13;
	vm1 =	vlt.s32 v10, v14  }
0x427: {  	vm2 =	vlt.f32 v11, v13;
	vm0 =	vmand vm15, vm1  }
0x428: {  	vm0 =	vmor vm2, vm0  }
0x429: {  	v13 =	vsel vm0, v11, v13;
	v14 =	vsel vm0, v10, v14  }
0x42a: {  	(xrf1) =	vsort.ascd.msk.f32 $0xffff, v13, v14;
	_ =	sdelay $0x7  }
0x42b: {  	p1 =	sne.s32 s4, $0x1  }
.Ltmp21:
0x42c: {  	_ = 	snop;
	(pc) =	sbr.rel @!p1 .LBB2_32-.Ltmp21, $4  }
0x42d: {  	_ = 	snop  }
0x42e: {  	s5 =	simm.s32 $0x122B0  }
0x42f: {  	s7 =	simm.s32 $0x14330;
	v16 =	vld [tilespmem:s5+$0x0]  }
0x430: {  	s8 =	sadd.s32 $0xFFFFFFFF, s4;
	p0 =	por $0x1, $0x1;
	s4 =	simm.s32 $0x20;
	v17 =	vld [tilespmem:s7+$0x0];
	v14 =	vmov v9;
	v13 =	vmov v8  }
.LBB2_33:
0x431: {  	p1 =	sne.s32 s8, $0x1;
	s4 =	sadd.s32 $0x10, s4;
	v18, v19, _ =	vpop (xrf1)  }
0x432: {  	v20 =	vor.u32 s4, v0;
	v18 =	vperm.xlane v18, v15;
	v19 =	vperm.xlane v19, v15  }
0x433: {  	vm0 =	vlt.s32 v20, v12  }
0x434: {  	v16 =	vnsel vm0, $0x7F800000, v16;
	vm1 =	veq.f32 v14, v18;
	vm2 =	vlt.s32 v13, v19  }
0x435: {  	v17 =	vnsel vm0, $0x40000000, v17;
	vm0 =	vlt.f32 v14, v18;
	vm1 =	vmand vm1, vm2  }
0x436: {  	(xrf1) =	vsort.ascd.msk.f32 $0xffff, v16, v17;
	vm0 =	vmor vm0, vm1  }
0x437: {  	v16 =	vsel vm0, v14, v18;
	v14 =	vsel vm0, v18, v14;
	v17 =	vsel vm0, v19, v13  }
0x438: {  	v13 =	vsel vm0, v13, v19;
	(xrf1) =	vsort.ascd.msk.f32 $0xffff, v14, v17  }
0x439: {  	(xrf1) =	vsort.ascd.msk.f32 $0xffff, v16, v13;
	_ =	sdelay $0xa  }
0x43a: {  	v13, v14, _ =	vpop (xrf1)  }
0x43b: {  	v16 =	vperm.xlane v13, v15;
	v17 =	vperm.xlane v14, v15  }
0x43c: {  	v18, v19, _ =	vpop (xrf1)  }
0x43d: {  	vm0 =	veq.f32 v18, v16;
	vm1 =	vlt.s32 v19, v17;
	v14, v13, _ =	vpop (xrf1)  }
0x43e: {  	vm2 =	vlt.f32 v18, v16;
	vm0 =	vmand vm0, vm1  }
0x43f: {  	vm0 =	vmor vm2, vm0  }
0x440: {  	v16 =	vsel vm0, v18, v16;
	v17 =	vsel vm0, v19, v17  }
0x441: {  	(xrf1) =	vsort.ascd.msk.f32 $0xffff, v16, v17;
	_ =	sdelay $0x8  }
.Ltmp22:
0x442: {  	(pc) =	sbr.rel @p1 .LBB2_33-.Ltmp22, $4  }
0x443: {  	_ = 	snop  }
0x444: {  	s5 =	sadd.s32 $0x10, s5  }
0x445: {  	s7 =	sadd.s32 $0x10, s7;
	v16 =	vld [tilespmem:s5+$0x0]  }
0x446: {  	s8 =	sadd.s32 $0xFFFFFFFF, s8;
	v17 =	vld [tilespmem:s7+$0x0]  }
.Ltmp23:
0x447: {  	_ = 	snop;
	(pc) =	sbr.rel .LBB2_34-.Ltmp23, $1  }
0x448: {  	_ =	sdelay $0x3  }
.LBB2_9:
.Ltmp24:
0x449: {  	(pc) =	sbr.rel .LBB2_13-.Ltmp24, $2  }
0x44a: {  	_ =	sdelay $0x2  }
0x44b: {  	s7 =	simm.s32 $0x0;
	s5 =	simm.s32 $0x0  }
.LBB2_23:
.Ltmp25:
0x44c: {  	(pc) =	sbr.rel .LBB2_27-.Ltmp25, $2  }
0x44d: {  	_ =	sdelay $0x2  }
0x44e: {  	s5 =	simm.s32 $0x0;
	s4 =	simm.s32 $0x0  }
.LBB2_11:
.Ltmp26:
0x44f: {  	(pc) =	sbr.rel .LBB2_13-.Ltmp26, $2  }
0x450: {  	_ =	sdelay $0x2  }
0x451: {  	s7 =	simm.s32 $0x0;
	s5 =	simm.s32 $0x0  }
.LBB2_25:
.Ltmp27:
0x452: {  	(pc) =	sbr.rel .LBB2_27-.Ltmp27, $2  }
0x453: {  	_ =	sdelay $0x2  }
0x454: {  	s5 =	simm.s32 $0x0;
	s4 =	simm.s32 $0x0  }
.LBB2_16:
.Ltmp28:
0x455: {  	(pc) =	sbr.rel .LBB2_20-.Ltmp28, $2  }
0x456: {  	_ =	sdelay $0x2  }
0x457: {  	s5 =	simm.s32 $0x20;
	v23 =	vmov v17;
	v22 =	vmov v16  }
.LBB2_18:
.Ltmp29:
0x458: {  	(pc) =	sbr.rel .LBB2_20-.Ltmp29, $2  }
0x459: {  	_ =	sdelay $0x2  }
0x45a: {  	s5 =	simm.s32 $0x20;
	v23 =	vmov v17;
	v22 =	vmov v16  }
.LBB2_32:
.Ltmp30:
0x45b: {  	(pc) =	sbr.rel .LBB2_34-.Ltmp30, $2  }
0x45c: {  	_ =	sdelay $0x2  }
0x45d: {  	s4 =	simm.s32 $0x20;
	v14 =	vmov v9;
	v13 =	vmov v8  }
.LBB2_37:
0x45e: {  	_ =	sfence.sel $0x180000  }
0x45f: {  	[bflag:$0x0] =	sbarrier.arrive $0xFFFF  }
0x460: {  	_ =	strace $0x90000047  }
0x461: {  	s0 =	stileid.u32;
	[bflag:$0x2] =	sbarrier.arrive $0xFFFF  }
0x462: {  	p0 =	sne.s32 s0, $0x0;
	s0 =	rddreg [dreg:$0x3]  }
0x463: {  	s0 =	sadd.s32 @!p0 $0x100000, s0  }
0x464: {  	[sflag:s0] =	ssyncadd.tile.s32 @!p0 $0x1;
	_ =	shalt  }
.Lfunc_end2:
_tile_overlayer_lowered:
.L_overlay_start_2:
0x465: {  	(tag) =	ssettag $0x2  }
0x466: {  	s0 =	rddreg [dreg:$0x0];
	s2 =	stileid.u32  }
0x467: {  	s1 =	rddreg [dreg:$0x1];
	p0 =	sne.s32 s2, $0x0  }
0x468: {  	s3 =	rddreg [dreg:$0x2];
	[bflag:$0x3] =	sbarrier.arrive $0xFFFF;
	s2 =	simm.s32 @!p0 $0x1C01  }
0x469: {  	[timem:s3], [sflag:s2] =	dma.local @!p0 [hbm:s0], s1  }
0x46a: {  	s0 =	simm.s32 @!p0 $0x1  }
0x46b: {  	_ =	swait.ge @!p0 [sflag:s0], s1  }
0x46c: {  	s1 =	ssub.s32 @!p0 $0x0, s1;
	[sflag:s0] =	ssyncset.done @!p0 $0x0  }
0x46d: {  	[sflag:s0] =	ssyncadd.s32 @!p0 s1  }
0x46e: {  	[bflag:$0x3] =	sbarrier.arrive $0xFFFF  }
0x46f: {  	_ =	shalt  }

</sc_bundles>
